<compile_context>
chip_gen: v7x
topology: tpu7x:2x2x1
jax: 0.10.2.dev20260603
libtpu: 0.0.44.dev20260713+nightly
codegen_flags: <defaults>
</compile_context>

<pallas_src>
import functools

import jax
import jax.numpy as jnp
from jax import lax
from jax.experimental import pallas as pl
from jax.experimental.pallas import tpu as pltpu
from jax.experimental.pallas import tpu_sc as plsc

NC = 2
NS = 16
CH = 128
SCH = 400
PAD_O = 16

_MESH = dict(core_axis_name="c", subcore_axis_name="s",
             num_cores=NC, num_subcores=NS)
_NO_TC_TILING = pltpu.CompilerParams(use_tc_tiling_on_sc=False)


def _largest_divisor_leq(n, cap):
    for d in range(cap, 0, -1):
        if n % d == 0:
            return d
    return 1


def _load_idx(hbm, row0, bufs, sem, count):
    handles = [pltpu.async_copy(hbm.at[row0 + j], bufs[j], sem)
               for j in range(count)]
    for h in handles:
        h.wait()


def _rsqrt_newton(dv):
    yv = 1.0 / dv
    for _ in range(26):
        yv = yv * (1.5 - 0.5 * dv * yv * yv)
    return yv


def _gather_scatter(src_hbm, dst_hbm, tab_hbm, acc, sidx, didx, rows,
                    isem, gsem, ssem, row0, count):
    _load_idx(src_hbm, row0, sidx, isem, count)
    gh = [pltpu.async_copy(tab_hbm.at[sidx[j]], rows.at[j], gsem)
          for j in range(count)]
    _load_idx(dst_hbm, row0, didx, isem, count)
    for h in gh:
        h.wait()
    sh = [pltpu.async_copy(rows.at[j], acc.at[didx[j]], ssem, add=True)
          for j in range(count)]
    for h in sh:
        h.wait()


def _make_sc_layer1(n, n_chunks, f):
    nw = NC * NS
    nb = 4
    per_s = n_chunks // NS
    rem_s = n_chunks - per_s * NS
    groups_d = per_s // nb
    tail_d = per_s - groups_d * nb
    rb = -(-((n + NS - 1) // NS) // SCH) * SCH
    r_last = n - rb * (NS - 1)
    assert r_last > 0 and r_last % SCH == 0 and rb % SCH == 0
    per_w = n_chunks // nw
    rem_w = n_chunks - per_w * nw
    groups = per_w // nb
    tail_w = per_w - groups * nb
    rps = n // NS

    nbx = nb
    scratch = (
        [pltpu.VMEM((CH,), jnp.int32) for _ in range(nbx)]
        + [pltpu.VMEM((CH,), jnp.int32) for _ in range(nbx)]
        + [
            pltpu.VMEM((nb, CH, f), jnp.float32),
            pltpu.VMEM((CH,), jnp.float32),
            pltpu.VMEM((SCH + 16,), jnp.float32),
            pltpu.VMEM((SCH + 16,), jnp.float32),
            pltpu.VMEM((SCH,), jnp.float32),
            pltpu.VMEM((SCH, f), jnp.float32),
            pltpu.VMEM((SCH, f), jnp.float32),
            pltpu.SemaphoreType.DMA,
            pltpu.SemaphoreType.DMA,
            pltpu.SemaphoreType.DMA,
            pltpu.VMEM_SHARED((n, f), jnp.float32),
            pltpu.VMEM_SHARED((n,), jnp.float32),
        ]
    )

    def body(src_hbm, dst_hbm, x_hbm, ones_hbm, zf_hbm, z1_hbm,
             acc_out, y1_out, dis_out, inv_out, *scr):
        sidx = scr[:nbx]
        didx = scr[nbx:2 * nbx]
        (rows, onesv, degb, disb, invb, xs, y1s,
         isem, gsem, ssem, acc, accd) = scr[2 * nbx:]
        c = lax.axis_index("c")
        s = lax.axis_index("s")
        wid = c * NS + s

        pltpu.sync_copy(ones_hbm, onesv)
        pltpu.sync_copy(zf_hbm.at[pl.ds(s * rps, rps)],
                        acc.at[pl.ds(s * rps, rps)])

        @pl.when(s < NS - 1)
        def _():
            pltpu.sync_copy(z1_hbm.at[pl.ds(s * rb, rb)],
                            accd.at[pl.ds(s * rb, rb)])

        @pl.when(s == NS - 1)
        def _():
            pltpu.sync_copy(z1_hbm.at[pl.ds((NS - 1) * rb, r_last)],
                            accd.at[pl.ds((NS - 1) * rb, r_last)])

        plsc.subcore_barrier()

        def deg_chunks(row0, count):
            _load_idx(dst_hbm, row0, didx, isem, count)
            sh = [pltpu.async_copy(onesv, accd.at[didx[j]], ssem, add=True)
                  for j in range(count)]
            for h in sh:
                h.wait()

        @pl.loop(0, groups_d)
        def _(t):
            deg_chunks(s * per_s + t * nb, nb)

        if tail_d:
            deg_chunks(s * per_s + groups_d * nb, tail_d)

        if rem_s:
            @pl.when(s < rem_s)
            def _():
                deg_chunks(NS * per_s + s, 1)

        plsc.subcore_barrier()

        def stage_b(off):
            pltpu.sync_copy(accd.at[pl.ds(off, SCH)], degb.at[pl.ds(0, SCH)])
            pltpu.sync_copy(x_hbm.at[pl.ds(off, SCH)], xs)
            disb[pl.ds(SCH, 16)] = jnp.ones((16,), jnp.float32)

            @pl.loop(0, SCH // 16)
            def _(g):
                dv = degb[pl.ds(g * 16, 16)] + 1.0
                disb[pl.ds(g * 16, 16)] = _rsqrt_newton(dv)
                invb[pl.ds(g * 16, 16)] = 1.0 / dv

            @pl.loop(0, SCH)
            def _(r):
                dvec = disb[pl.ds(r, 16)][jnp.zeros((16,), jnp.int32)]
                y1s[r] = xs[r] * dvec

            pltpu.sync_copy(y1s, y1_out.at[pl.ds(off, SCH)])
            pltpu.sync_copy(disb.at[pl.ds(0, SCH)], dis_out.at[pl.ds(off, SCH)])
            pltpu.sync_copy(invb.at[pl.ds(0, SCH)], inv_out.at[pl.ds(off, SCH)])

        @pl.when(s < NS - 1)
        def _():
            @pl.loop(0, rb // SCH)
            def _(u):
                stage_b(s * rb + u * SCH)

        @pl.when(s == NS - 1)
        def _():
            @pl.loop(0, r_last // SCH)
            def _(u):
                stage_b((NS - 1) * rb + u * SCH)

        plsc.subcore_barrier()

        @pl.loop(0, groups)
        def _(t):
            _gather_scatter(src_hbm, dst_hbm, y1_out, acc, sidx, didx, rows,
                            isem, gsem, ssem, wid * per_w + t * nb, nb)

        if tail_w:
            _gather_scatter(src_hbm, dst_hbm, y1_out, acc, sidx, didx, rows,
                            isem, gsem, ssem, wid * per_w + groups * nb,
                            tail_w)

        if rem_w:
            @pl.when(wid < rem_w)
            def _():
                _gather_scatter(src_hbm, dst_hbm, y1_out, acc, sidx, didx,
                                rows, isem, gsem, ssem, nw * per_w + wid, 1)

        plsc.subcore_barrier()
        pltpu.sync_copy(acc.at[pl.ds(s * rps, rps)],
                        acc_out.at[c].at[pl.ds(s * rps, rps)])

    return pl.kernel(
        body,
        out_type=(jax.ShapeDtypeStruct((NC, n, f), jnp.float32),
                  jax.ShapeDtypeStruct((n, f), jnp.float32),
                  jax.ShapeDtypeStruct((n,), jnp.float32),
                  jax.ShapeDtypeStruct((n,), jnp.float32)),
        mesh=plsc.VectorSubcoreMesh(**_MESH),
        scratch_types=scratch,
        compiler_params=_NO_TC_TILING,
    )


def _make_sc_propagate(n, n_chunks, d):
    nw = NC * NS
    per_w = n_chunks // nw
    rem_w = n_chunks - per_w * nw
    nb = _largest_divisor_leq(per_w, 12)
    groups = per_w // nb
    rps = n // NS

    scratch = (
        [pltpu.VMEM((CH,), jnp.int32) for _ in range(nb)]
        + [pltpu.VMEM((CH,), jnp.int32) for _ in range(nb)]
        + [
            pltpu.VMEM((nb, CH, d), jnp.float32),
            pltpu.SemaphoreType.DMA,
            pltpu.SemaphoreType.DMA,
            pltpu.SemaphoreType.DMA,
            pltpu.VMEM_SHARED((n, d), jnp.float32),
        ]
    )

    def body(src_hbm, dst_hbm, tab_hbm, zero_hbm, out_hbm, *scr):
        sidx = scr[:nb]
        didx = scr[nb:2 * nb]
        rows, isem, gsem, ssem, acc = scr[2 * nb:]
        c = lax.axis_index("c")
        s = lax.axis_index("s")
        wid = c * NS + s

        pltpu.sync_copy(zero_hbm.at[pl.ds(s * rps, rps)],
                        acc.at[pl.ds(s * rps, rps)])
        plsc.subcore_barrier()

        @pl.loop(0, groups)
        def _(t):
            _gather_scatter(src_hbm, dst_hbm, tab_hbm, acc, sidx, didx, rows,
                            isem, gsem, ssem, wid * per_w + t * nb, nb)

        if rem_w:
            @pl.when(wid < rem_w)
            def _():
                _gather_scatter(src_hbm, dst_hbm, tab_hbm, acc, sidx, didx,
                                rows, isem, gsem, ssem, nw * per_w + wid, 1)

        plsc.subcore_barrier()
        pltpu.sync_copy(acc.at[pl.ds(s * rps, rps)],
                        out_hbm.at[c].at[pl.ds(s * rps, rps)])

    return pl.kernel(
        body,
        out_type=jax.ShapeDtypeStruct((NC, n, d), jnp.float32),
        mesh=plsc.VectorSubcoreMesh(**_MESH),
        scratch_types=scratch,
        compiler_params=_NO_TC_TILING,
    )


def _tc_mid(acc1, x, dis, inv, w1, b1, w2, b2):
    n, f = x.shape
    o_dim = w2.shape[1]
    br = 2000
    grid = (n // br,)
    dp = max(o_dim, PAD_O)

    def body(acc_ref, x_ref, dis_ref, inv_ref, w1_ref, b1_ref, w2_ref, b2_ref,
             y2_ref, z2_ref):
        p = dis_ref[...] * (acc_ref[0] + acc_ref[1]) + inv_ref[...] * x_ref[...]
        h = jnp.dot(p, w1_ref[...], preferred_element_type=jnp.float32)
        h = jnp.maximum(h + b1_ref[...], 0.0)
        q = jnp.dot(h, w2_ref[...], preferred_element_type=jnp.float32)
        y2 = dis_ref[...] * q
        if dp > o_dim:
            y2 = jnp.concatenate(
                [y2, jnp.zeros((y2.shape[0], dp - o_dim), jnp.float32)],
                axis=1)
        y2_ref[...] = y2
        z2_ref[...] = inv_ref[...] * q + b2_ref[...]

    return pl.pallas_call(
        body,
        grid=grid,
        in_specs=[
            pl.BlockSpec((NC, br, f), lambda i: (0, i, 0)),
            pl.BlockSpec((br, f), lambda i: (i, 0)),
            pl.BlockSpec((br, 1), lambda i: (i, 0)),
            pl.BlockSpec((br, 1), lambda i: (i, 0)),
            pl.BlockSpec(w1.shape, lambda i: (0, 0)),
            pl.BlockSpec(b1.shape, lambda i: (0, 0)),
            pl.BlockSpec(w2.shape, lambda i: (0, 0)),
            pl.BlockSpec(b2.shape, lambda i: (0, 0)),
        ],
        out_specs=[
            pl.BlockSpec((br, dp), lambda i: (i, 0)),
            pl.BlockSpec((br, o_dim), lambda i: (i, 0)),
        ],
        out_shape=[
            jax.ShapeDtypeStruct((n, dp), jnp.float32),
            jax.ShapeDtypeStruct((n, o_dim), jnp.float32),
        ],
    )(acc1, x, dis, inv, w1, b1, w2, b2)


def _tc_final(acc2, z2, dis):
    n, o_dim = z2.shape
    br = 2000
    grid = (n // br,)
    dp = acc2.shape[-1]

    def body(acc_ref, z2_ref, dis_ref, out_ref):
        a = (acc_ref[0] + acc_ref[1])[:, :o_dim]
        out_ref[...] = dis_ref[...] * a + z2_ref[...]

    return pl.pallas_call(
        body,
        grid=grid,
        in_specs=[
            pl.BlockSpec((NC, br, dp), lambda i: (0, i, 0)),
            pl.BlockSpec((br, o_dim), lambda i: (i, 0)),
            pl.BlockSpec((br, 1), lambda i: (i, 0)),
        ],
        out_specs=pl.BlockSpec((br, o_dim), lambda i: (i, 0)),
        out_shape=jax.ShapeDtypeStruct((n, o_dim), jnp.float32),
    )(acc2, z2, dis)


def kernel(x, edge_index, W1, b1, W2, b2):
    n, f = x.shape
    e = edge_index.shape[1]
    assert e % CH == 0 and n % NS == 0
    n_chunks = e // CH

    ei = edge_index.astype(jnp.int32)
    src2d = ei[0].reshape(n_chunks, CH)
    dst2d = ei[1].reshape(n_chunks, CH)

    ones_ch = jnp.ones((CH,), jnp.float32)
    zeros_f = jnp.zeros((n, f), jnp.float32)
    zeros_1 = jnp.zeros((n,), jnp.float32)

    acc1, _, dis, inv = _make_sc_layer1(n, n_chunks, f)(
        src2d, dst2d, x, ones_ch, zeros_f, zeros_1)
    dis2d = dis.reshape(n, 1)
    inv2d = inv.reshape(n, 1)

    y2, z2 = _tc_mid(acc1, x, dis2d, inv2d, W1, b1.reshape(1, -1),
                     W2, b2.reshape(1, -1))

    dp = y2.shape[1]
    zeros_o = jnp.zeros((n, dp), jnp.float32)
    acc2 = _make_sc_propagate(n, n_chunks, dp)(src2d, dst2d, y2, zeros_o)

    return _tc_final(acc2, z2, dis2d)

# --- scband reference (transcript-rebuilt; emitter-appended) ---
"""Pipeline reference for scband-bongard-gnn-44478681318197 (READ-ONLY COPY).

The authoritative reference and input builder live on the scoring server;
editing this copy changes nothing except your own understanding.
"""

import jax, jax.numpy as jnp
import numpy as np

N_NODES = 100000
N_EDGES = 3200000

def setup_inputs(seed: int = 0) -> dict:
    key = jax.random.key(seed)
    k1, k2, k3, k4, k5, k6 = jax.random.split(key, 6)
    x = jax.random.normal(k1, (N_NODES, 16), dtype=jnp.float32)
    edge_index = jax.random.randint(k2, (2, N_EDGES), 0, N_NODES, dtype=jnp.int64)
    # Glorot-style init for GCN weights
    W1 = jax.random.normal(k3, (16, 32), dtype=jnp.float32) * (1.0 / np.sqrt(16))
    b1 = jnp.zeros((32,), dtype=jnp.float32)
    W2 = jax.random.normal(k4, (32, 2), dtype=jnp.float32) * (1.0 / np.sqrt(32))
    b2 = jnp.zeros((2,), dtype=jnp.float32)
    return {"x": x, "edge_index": edge_index, "W1": W1, "b1": b1, "W2": W2, "b2": b2}

def _gcn_conv(x, edge_index, W, b, num_nodes):
    # GCNConv: x' = D^{-1/2} (A + I) D^{-1/2} X W + b
    src = edge_index[0]
    dst = edge_index[1]
    loop = jnp.arange(num_nodes, dtype=src.dtype)
    src = jnp.concatenate([src, loop])
    dst = jnp.concatenate([dst, loop])
    deg = jax.ops.segment_sum(jnp.ones_like(dst, dtype=x.dtype), dst, num_segments=num_nodes)
    deg_inv_sqrt = jnp.where(deg > 0, 1.0 / jnp.sqrt(deg), 0.0)
    norm = deg_inv_sqrt[src] * deg_inv_sqrt[dst]
    h = x @ W
    msg = h[src] * norm[:, None]
    out = jax.ops.segment_sum(msg, dst, num_segments=num_nodes)
    return out + b

def reference(x, edge_index, W1, b1, W2, b2):
    num_nodes = x.shape[0]
    h = _gcn_conv(x, edge_index, W1, b1, num_nodes)
    h = jax.nn.relu(h)
    out = _gcn_conv(h, edge_index, W2, b2, num_nodes)
    return out

if __name__ == "__main__":
    import jax
    _d = setup_inputs()
    print(jax.jit(kernel)(*tuple(_d.values())))

</pallas_src>

<mosaic_0001>
#map = affine_map<(d0, d1) -> (0, 0)>
#map1 = affine_map<(d0, d1) -> (0, 0, 0)>
module attributes {stable_mosaic.version = 14 : i64} {
  func.func @body(%arg0: i32, %arg1: i32, %arg2: memref<25000x128xi32, #tpu.memory_space<hbm>>, %arg3: memref<25000x128xi32, #tpu.memory_space<hbm>>, %arg4: memref<100000x16xf32, #tpu.memory_space<hbm>>, %arg5: memref<100000x16xf32, #tpu.memory_space<hbm>>, %arg6: memref<2x100000x16xf32, #tpu.memory_space<hbm>>, %arg7: memref<128xi32, #tpu.memory_space<vmem>>, %arg8: memref<128xi32, #tpu.memory_space<vmem>>, %arg9: memref<128xi32, #tpu.memory_space<vmem>>, %arg10: memref<128xi32, #tpu.memory_space<vmem>>, %arg11: memref<128xi32, #tpu.memory_space<vmem>>, %arg12: memref<128xi32, #tpu.memory_space<vmem>>, %arg13: memref<128xi32, #tpu.memory_space<vmem>>, %arg14: memref<128xi32, #tpu.memory_space<vmem>>, %arg15: memref<128xi32, #tpu.memory_space<vmem>>, %arg16: memref<128xi32, #tpu.memory_space<vmem>>, %arg17: memref<128xi32, #tpu.memory_space<vmem>>, %arg18: memref<128xi32, #tpu.memory_space<vmem>>, %arg19: memref<128xi32, #tpu.memory_space<vmem>>, %arg20: memref<128xi32, #tpu.memory_space<vmem>>, %arg21: memref<128xi32, #tpu.memory_space<vmem>>, %arg22: memref<128xi32, #tpu.memory_space<vmem>>, %arg23: memref<128xi32, #tpu.memory_space<vmem>>, %arg24: memref<128xi32, #tpu.memory_space<vmem>>, %arg25: memref<128xi32, #tpu.memory_space<vmem>>, %arg26: memref<128xi32, #tpu.memory_space<vmem>>, %arg27: memref<128xi32, #tpu.memory_space<vmem>>, %arg28: memref<128xi32, #tpu.memory_space<vmem>>, %arg29: memref<11x128x16xf32, #tpu.memory_space<vmem>>, %arg30: memref<!tpu.dma_semaphore, #tpu.memory_space<semaphore_mem>>, %arg31: memref<!tpu.dma_semaphore, #tpu.memory_space<semaphore_mem>>, %arg32: memref<!tpu.dma_semaphore, #tpu.memory_space<semaphore_mem>>, %arg33: memref<100000x16xf32, #tpu.memory_space<vmem_shared>>) attributes {dimension_semantics = [#tpu.dimension_semantics<core_parallel>, #tpu.dimension_semantics<subcore_parallel>], iteration_bounds = array<i64: 2, 16>, scalar_prefetch = 0 : i64, scratch_operands = 27 : i64, tpu.core_type = #tpu.core_type<sc_vector_subcore>, window_params = [{transform_indices = #map}, {transform_indices = #map}, {transform_indices = #map}, {transform_indices = #map}, {transform_indices = #map1}]} {
    %mul3A = arith.constant 16 : i32
    %mul3A_0 = arith.muli %arg0, %mul3A : i32
    %add3A = arith.addi %mul3A_0, %arg1 : i32
    %mul3A_1 = arith.constant 6250 : i32
    %mul3A_2 = arith.muli %arg1, %mul3A_1 : i32
    %mul3A_3 = arith.constant 6250 : i32
    %mul3A_4 = arith.muli %arg1, %mul3A_3 : i32
    "tpu.region"() ({
      %run_scoped3A = tpu.sem_alloc : memref<!tpu.dma_semaphore, #tpu.memory_space<semaphore_mem>>
      %dma_start3A = arith.constant 0 : i32
      %dma_start3A_16 = tpu.memref_slice %arg33[%mul3A_4, %dma_start3A] : memref<100000x16xf32, #tpu.memory_space<vmem_shared>> -> memref<6250x16xf32, #tpu.memory_space<vmem_shared>>
      %dma_start3A_17 = arith.constant 0 : i32
      %dma_start3A_18 = tpu.memref_slice %arg5[%mul3A_2, %dma_start3A_17] : memref<100000x16xf32, #tpu.memory_space<hbm>> -> memref<6250x16xf32, #tpu.memory_space<hbm>>
      tpu.enqueue_dma source(%dma_start3A_18 : memref<6250x16xf32, #tpu.memory_space<hbm>>) target(%dma_start3A_16 : memref<6250x16xf32, #tpu.memory_space<vmem_shared>>) target_semaphore(%run_scoped3A : memref<!tpu.dma_semaphore, #tpu.memory_space<semaphore_mem>>)
      %dma_wait3A = arith.constant 0 : i32
      %dma_wait3A_19 = tpu.memref_slice %arg33[%mul3A_4, %dma_wait3A] : memref<100000x16xf32, #tpu.memory_space<vmem_shared>> -> memref<6250x16xf32, #tpu.memory_space<vmem_shared>>
      %dma_wait3A_20 = arith.constant 0 : i32
      %dma_wait3A_21 = tpu.memref_slice %arg5[%mul3A_2, %dma_wait3A_20] : memref<100000x16xf32, #tpu.memory_space<hbm>> -> memref<6250x16xf32, #tpu.memory_space<hbm>>
      tpu.wait_dma2 semaphore(%run_scoped3A : memref<!tpu.dma_semaphore, #tpu.memory_space<semaphore_mem>>) src(%dma_wait3A_21 : memref<6250x16xf32, #tpu.memory_space<hbm>>) dst(%dma_wait3A_19 : memref<6250x16xf32, #tpu.memory_space<vmem_shared>>)
      tpu.yield
    }) : () -> ()
    %barrier3A = arith.constant 0 : index
    tpu.barrier barrier_id(%barrier3A)
    %scan3A = arith.constant 0 : i32
    %scan3A_5 = arith.constant 71 : i32
    %scan3A_6 = arith.addi %scan3A, %scan3A_5 : i32
    %scan3A_7 = arith.constant 1 : i32
    scf.for %scan3A_16 = %scan3A to %scan3A_6 step %scan3A_7  : i32 {
      %mul3A_17 = arith.constant 1 : i32
      %mul3A_18 = arith.muli %scan3A_16, %mul3A_17 : i32
      %add3A_19 = arith.constant 0 : i32
      %add3A_20 = arith.addi %add3A_19, %mul3A_18 : i32
      %mul3A_21 = arith.constant 781 : i32
      %mul3A_22 = arith.muli %add3A, %mul3A_21 : i32
      %mul3A_23 = arith.constant 11 : i32
      %mul3A_24 = arith.muli %add3A_20, %mul3A_23 : i32
      %add3A_25 = arith.addi %mul3A_22, %mul3A_24 : i32
      %add3A_26 = arith.constant 0 : i32
      %add3A_27 = arith.addi %add3A_25, %add3A_26 : i32
      %dma_start3A = arith.constant 0 : i32
      %dma_start3A_28 = tpu.memref_slice %arg2[%add3A_27, %dma_start3A] : memref<25000x128xi32, #tpu.memory_space<hbm>> -> memref<1x128xi32, #tpu.memory_space<hbm>>
      %dma_start3A_29 = tpu.memref_squeeze %dma_start3A_28 : memref<1x128xi32, #tpu.memory_space<hbm>> -> memref<128xi32, #tpu.memory_space<hbm>>
      %dma_start3A_30 = arith.constant 0 : i32
      %dma_start3A_31 = tpu.memref_slice %arg2[%add3A_27, %dma_start3A_30] : memref<25000x128xi32, #tpu.memory_space<hbm>> -> memref<1x128xi32, #tpu.memory_space<hbm>>
      %dma_start3A_32 = tpu.memref_squeeze %dma_start3A_31 : memref<1x128xi32, #tpu.memory_space<hbm>> -> memref<128xi32, #tpu.memory_space<hbm>>
      tpu.enqueue_dma source(%dma_start3A_32 : memref<128xi32, #tpu.memory_space<hbm>>) target(%arg7 : memref<128xi32, #tpu.memory_space<vmem>>) target_semaphore(%arg30 : memref<!tpu.dma_semaphore, #tpu.memory_space<semaphore_mem>>)
      %add3A_33 = arith.constant 1 : i32
      %add3A_34 = arith.addi %add3A_25, %add3A_33 : i32
      %dma_start3A_35 = arith.constant 0 : i32
      %dma_start3A_36 = tpu.memref_slice %arg2[%add3A_34, %dma_start3A_35] : memref<25000x128xi32, #tpu.memory_space<hbm>> -> memref<1x128xi32, #tpu.memory_space<hbm>>
      %dma_start3A_37 = tpu.memref_squeeze %dma_start3A_36 : memref<1x128xi32, #tpu.memory_space<hbm>> -> memref<128xi32, #tpu.memory_space<hbm>>
      %dma_start3A_38 = arith.constant 0 : i32
      %dma_start3A_39 = tpu.memref_slice %arg2[%add3A_34, %dma_start3A_38] : memref<25000x128xi32, #tpu.memory_space<hbm>> -> memref<1x128xi32, #tpu.memory_space<hbm>>
      %dma_start3A_40 = tpu.memref_squeeze %dma_start3A_39 : memref<1x128xi32, #tpu.memory_space<hbm>> -> memref<128xi32, #tpu.memory_space<hbm>>
      tpu.enqueue_dma source(%dma_start3A_40 : memref<128xi32, #tpu.memory_space<hbm>>) target(%arg8 : memref<128xi32, #tpu.memory_space<vmem>>) target_semaphore(%arg30 : memref<!tpu.dma_semaphore, #tpu.memory_space<semaphore_mem>>)
      %add3A_41 = arith.constant 2 : i32
      %add3A_42 = arith.addi %add3A_25, %add3A_41 : i32
      %dma_start3A_43 = arith.constant 0 : i32
      %dma_start3A_44 = tpu.memref_slice %arg2[%add3A_42, %dma_start3A_43] : memref<25000x128xi32, #tpu.memory_space<hbm>> -> memref<1x128xi32, #tpu.memory_space<hbm>>
      %dma_start3A_45 = tpu.memref_squeeze %dma_start3A_44 : memref<1x128xi32, #tpu.memory_space<hbm>> -> memref<128xi32, #tpu.memory_space<hbm>>
      %dma_start3A_46 = arith.constant 0 : i32
      %dma_start3A_47 = tpu.memref_slice %arg2[%add3A_42, %dma_start3A_46] : memref<25000x128xi32, #tpu.memory_space<hbm>> -> memref<1x128xi32, #tpu.memory_space<hbm>>
      %dma_start3A_48 = tpu.memref_squeeze %dma_start3A_47 : memref<1x128xi32, #tpu.memory_space<hbm>> -> memref<128xi32, #tpu.memory_space<hbm>>
      tpu.enqueue_dma source(%dma_start3A_48 : memref<128xi32, #tpu.memory_space<hbm>>) target(%arg9 : memref<128xi32, #tpu.memory_space<vmem>>) target_semaphore(%arg30 : memref<!tpu.dma_semaphore, #tpu.memory_space<semaphore_mem>>)
      %add3A_49 = arith.constant 3 : i32
      %add3A_50 = arith.addi %add3A_25, %add3A_49 : i32
      %dma_start3A_51 = arith.constant 0 : i32
      %dma_start3A_52 = tpu.memref_slice %arg2[%add3A_50, %dma_start3A_51] : memref<25000x128xi32, #tpu.memory_space<hbm>> -> memref<1x128xi32, #tpu.memory_space<hbm>>
      %dma_start3A_53 = tpu.memref_squeeze %dma_start3A_52 : memref<1x128xi32, #tpu.memory_space<hbm>> -> memref<128xi32, #tpu.memory_space<hbm>>
      %dma_start3A_54 = arith.constant 0 : i32
      %dma_start3A_55 = tpu.memref_slice %arg2[%add3A_50, %dma_start3A_54] : memref<25000x128xi32, #tpu.memory_space<hbm>> -> memref<1x128xi32, #tpu.memory_space<hbm>>
      %dma_start3A_56 = tpu.memref_squeeze %dma_start3A_55 : memref<1x128xi32, #tpu.memory_space<hbm>> -> memref<128xi32, #tpu.memory_space<hbm>>
      tpu.enqueue_dma source(%dma_start3A_56 : memref<128xi32, #tpu.memory_space<hbm>>) target(%arg10 : memref<128xi32, #tpu.memory_space<vmem>>) target_semaphore(%arg30 : memref<!tpu.dma_semaphore, #tpu.memory_space<semaphore_mem>>)
      %add3A_57 = arith.constant 4 : i32
      %add3A_58 = arith.addi %add3A_25, %add3A_57 : i32
      %dma_start3A_59 = arith.constant 0 : i32
      %dma_start3A_60 = tpu.memref_slice %arg2[%add3A_58, %dma_start3A_59] : memref<25000x128xi32, #tpu.memory_space<hbm>> -> memref<1x128xi32, #tpu.memory_space<hbm>>
      %dma_start3A_61 = tpu.memref_squeeze %dma_start3A_60 : memref<1x128xi32, #tpu.memory_space<hbm>> -> memref<128xi32, #tpu.memory_space<hbm>>
      %dma_start3A_62 = arith.constant 0 : i32
      %dma_start3A_63 = tpu.memref_slice %arg2[%add3A_58, %dma_start3A_62] : memref<25000x128xi32, #tpu.memory_space<hbm>> -> memref<1x128xi32, #tpu.memory_space<hbm>>
      %dma_start3A_64 = tpu.memref_squeeze %dma_start3A_63 : memref<1x128xi32, #tpu.memory_space<hbm>> -> memref<128xi32, #tpu.memory_space<hbm>>
      tpu.enqueue_dma source(%dma_start3A_64 : memref<128xi32, #tpu.memory_space<hbm>>) target(%arg11 : memref<128xi32, #tpu.memory_space<vmem>>) target_semaphore(%arg30 : memref<!tpu.dma_semaphore, #tpu.memory_space<semaphore_mem>>)
      %add3A_65 = arith.constant 5 : i32
      %add3A_66 = arith.addi %add3A_25, %add3A_65 : i32
      %dma_start3A_67 = arith.constant 0 : i32
      %dma_start3A_68 = tpu.memref_slice %arg2[%add3A_66, %dma_start3A_67] : memref<25000x128xi32, #tpu.memory_space<hbm>> -> memref<1x128xi32, #tpu.memory_space<hbm>>
      %dma_start3A_69 = tpu.memref_squeeze %dma_start3A_68 : memref<1x128xi32, #tpu.memory_space<hbm>> -> memref<128xi32, #tpu.memory_space<hbm>>
      %dma_start3A_70 = arith.constant 0 : i32
      %dma_start3A_71 = tpu.memref_slice %arg2[%add3A_66, %dma_start3A_70] : memref<25000x128xi32, #tpu.memory_space<hbm>> -> memref<1x128xi32, #tpu.memory_space<hbm>>
      %dma_start3A_72 = tpu.memref_squeeze %dma_start3A_71 : memref<1x128xi32, #tpu.memory_space<hbm>> -> memref<128xi32, #tpu.memory_space<hbm>>
      tpu.enqueue_dma source(%dma_start3A_72 : memref<128xi32, #tpu.memory_space<hbm>>) target(%arg12 : memref<128xi32, #tpu.memory_space<vmem>>) target_semaphore(%arg30 : memref<!tpu.dma_semaphore, #tpu.memory_space<semaphore_mem>>)
      %add3A_73 = arith.constant 6 : i32
      %add3A_74 = arith.addi %add3A_25, %add3A_73 : i32
      %dma_start3A_75 = arith.constant 0 : i32
      %dma_start3A_76 = tpu.memref_slice %arg2[%add3A_74, %dma_start3A_75] : memref<25000x128xi32, #tpu.memory_space<hbm>> -> memref<1x128xi32, #tpu.memory_space<hbm>>
      %dma_start3A_77 = tpu.memref_squeeze %dma_start3A_76 : memref<1x128xi32, #tpu.memory_space<hbm>> -> memref<128xi32, #tpu.memory_space<hbm>>
      %dma_start3A_78 = arith.constant 0 : i32
      %dma_start3A_79 = tpu.memref_slice %arg2[%add3A_74, %dma_start3A_78] : memref<25000x128xi32, #tpu.memory_space<hbm>> -> memref<1x128xi32, #tpu.memory_space<hbm>>
      %dma_start3A_80 = tpu.memref_squeeze %dma_start3A_79 : memref<1x128xi32, #tpu.memory_space<hbm>> -> memref<128xi32, #tpu.memory_space<hbm>>
      tpu.enqueue_dma source(%dma_start3A_80 : memref<128xi32, #tpu.memory_space<hbm>>) target(%arg13 : memref<128xi32, #tpu.memory_space<vmem>>) target_semaphore(%arg30 : memref<!tpu.dma_semaphore, #tpu.memory_space<semaphore_mem>>)
      %add3A_81 = arith.constant 7 : i32
      %add3A_82 = arith.addi %add3A_25, %add3A_81 : i32
      %dma_start3A_83 = arith.constant 0 : i32
      %dma_start3A_84 = tpu.memref_slice %arg2[%add3A_82, %dma_start3A_83] : memref<25000x128xi32, #tpu.memory_space<hbm>> -> memref<1x128xi32, #tpu.memory_space<hbm>>
      %dma_start3A_85 = tpu.memref_squeeze %dma_start3A_84 : memref<1x128xi32, #tpu.memory_space<hbm>> -> memref<128xi32, #tpu.memory_space<hbm>>
      %dma_start3A_86 = arith.constant 0 : i32
      %dma_start3A_87 = tpu.memref_slice %arg2[%add3A_82, %dma_start3A_86] : memref<25000x128xi32, #tpu.memory_space<hbm>> -> memref<1x128xi32, #tpu.memory_space<hbm>>
      %dma_start3A_88 = tpu.memref_squeeze %dma_start3A_87 : memref<1x128xi32, #tpu.memory_space<hbm>> -> memref<128xi32, #tpu.memory_space<hbm>>
      tpu.enqueue_dma source(%dma_start3A_88 : memref<128xi32, #tpu.memory_space<hbm>>) target(%arg14 : memref<128xi32, #tpu.memory_space<vmem>>) target_semaphore(%arg30 : memref<!tpu.dma_semaphore, #tpu.memory_space<semaphore_mem>>)
      %add3A_89 = arith.constant 8 : i32
      %add3A_90 = arith.addi %add3A_25, %add3A_89 : i32
      %dma_start3A_91 = arith.constant 0 : i32
      %dma_start3A_92 = tpu.memref_slice %arg2[%add3A_90, %dma_start3A_91] : memref<25000x128xi32, #tpu.memory_space<hbm>> -> memref<1x128xi32, #tpu.memory_space<hbm>>
      %dma_start3A_93 = tpu.memref_squeeze %dma_start3A_92 : memref<1x128xi32, #tpu.memory_space<hbm>> -> memref<128xi32, #tpu.memory_space<hbm>>
      %dma_start3A_94 = arith.constant 0 : i32
      %dma_start3A_95 = tpu.memref_slice %arg2[%add3A_90, %dma_start3A_94] : memref<25000x128xi32, #tpu.memory_space<hbm>> -> memref<1x128xi32, #tpu.memory_space<hbm>>
      %dma_start3A_96 = tpu.memref_squeeze %dma_start3A_95 : memref<1x128xi32, #tpu.memory_space<hbm>> -> memref<128xi32, #tpu.memory_space<hbm>>
      tpu.enqueue_dma source(%dma_start3A_96 : memref<128xi32, #tpu.memory_space<hbm>>) target(%arg15 : memref<128xi32, #tpu.memory_space<vmem>>) target_semaphore(%arg30 : memref<!tpu.dma_semaphore, #tpu.memory_space<semaphore_mem>>)
      %add3A_97 = arith.constant 9 : i32
      %add3A_98 = arith.addi %add3A_25, %add3A_97 : i32
      %dma_start3A_99 = arith.constant 0 : i32
      %dma_start3A_100 = tpu.memref_slice %arg2[%add3A_98, %dma_start3A_99] : memref<25000x128xi32, #tpu.memory_space<hbm>> -> memref<1x128xi32, #tpu.memory_space<hbm>>
      %dma_start3A_101 = tpu.memref_squeeze %dma_start3A_100 : memref<1x128xi32, #tpu.memory_space<hbm>> -> memref<128xi32, #tpu.memory_space<hbm>>
      %dma_start3A_102 = arith.constant 0 : i32
      %dma_start3A_103 = tpu.memref_slice %arg2[%add3A_98, %dma_start3A_102] : memref<25000x128xi32, #tpu.memory_space<hbm>> -> memref<1x128xi32, #tpu.memory_space<hbm>>
      %dma_start3A_104 = tpu.memref_squeeze %dma_start3A_103 : memref<1x128xi32, #tpu.memory_space<hbm>> -> memref<128xi32, #tpu.memory_space<hbm>>
      tpu.enqueue_dma source(%dma_start3A_104 : memref<128xi32, #tpu.memory_space<hbm>>) target(%arg16 : memref<128xi32, #tpu.memory_space<vmem>>) target_semaphore(%arg30 : memref<!tpu.dma_semaphore, #tpu.memory_space<semaphore_mem>>)
      %add3A_105 = arith.constant 10 : i32
      %add3A_106 = arith.addi %add3A_25, %add3A_105 : i32
      %dma_start3A_107 = arith.constant 0 : i32
      %dma_start3A_108 = tpu.memref_slice %arg2[%add3A_106, %dma_start3A_107] : memref<25000x128xi32, #tpu.memory_space<hbm>> -> memref<1x128xi32, #tpu.memory_space<hbm>>
      %dma_start3A_109 = tpu.memref_squeeze %dma_start3A_108 : memref<1x128xi32, #tpu.memory_space<hbm>> -> memref<128xi32, #tpu.memory_space<hbm>>
      %dma_start3A_110 = arith.constant 0 : i32
      %dma_start3A_111 = tpu.memref_slice %arg2[%add3A_106, %dma_start3A_110] : memref<25000x128xi32, #tpu.memory_space<hbm>> -> memref<1x128xi32, #tpu.memory_space<hbm>>
      %dma_start3A_112 = tpu.memref_squeeze %dma_start3A_111 : memref<1x128xi32, #tpu.memory_space<hbm>> -> memref<128xi32, #tpu.memory_space<hbm>>
      tpu.enqueue_dma source(%dma_start3A_112 : memref<128xi32, #tpu.memory_space<hbm>>) target(%arg17 : memref<128xi32, #tpu.memory_space<vmem>>) target_semaphore(%arg30 : memref<!tpu.dma_semaphore, #tpu.memory_space<semaphore_mem>>)
      %dma_wait3A = arith.constant 0 : i32
      %dma_wait3A_113 = tpu.memref_slice %arg2[%add3A_27, %dma_wait3A] : memref<25000x128xi32, #tpu.memory_space<hbm>> -> memref<1x128xi32, #tpu.memory_space<hbm>>
      %dma_wait3A_114 = tpu.memref_squeeze %dma_wait3A_113 : memref<1x128xi32, #tpu.memory_space<hbm>> -> memref<128xi32, #tpu.memory_space<hbm>>
      %dma_wait3A_115 = arith.constant 0 : i32
      %dma_wait3A_116 = tpu.memref_slice %arg2[%add3A_27, %dma_wait3A_115] : memref<25000x128xi32, #tpu.memory_space<hbm>> -> memref<1x128xi32, #tpu.memory_space<hbm>>
      %dma_wait3A_117 = tpu.memref_squeeze %dma_wait3A_116 : memref<1x128xi32, #tpu.memory_space<hbm>> -> memref<128xi32, #tpu.memory_space<hbm>>
      tpu.wait_dma2 semaphore(%arg30 : memref<!tpu.dma_semaphore, #tpu.memory_space<semaphore_mem>>) src(%dma_wait3A_117 : memref<128xi32, #tpu.memory_space<hbm>>) dst(%arg7 : memref<128xi32, #tpu.memory_space<vmem>>)
      %dma_wait3A_118 = arith.constant 0 : i32
      %dma_wait3A_119 = tpu.memref_slice %arg2[%add3A_34, %dma_wait3A_118] : memref<25000x128xi32, #tpu.memory_space<hbm>> -> memref<1x128xi32, #tpu.memory_space<hbm>>
      %dma_wait3A_120 = tpu.memref_squeeze %dma_wait3A_119 : memref<1x128xi32, #tpu.memory_space<hbm>> -> memref<128xi32, #tpu.memory_space<hbm>>
      %dma_wait3A_121 = arith.constant 0 : i32
      %dma_wait3A_122 = tpu.memref_slice %arg2[%add3A_34, %dma_wait3A_121] : memref<25000x128xi32, #tpu.memory_space<hbm>> -> memref<1x128xi32, #tpu.memory_space<hbm>>
      %dma_wait3A_123 = tpu.memref_squeeze %dma_wait3A_122 : memref<1x128xi32, #tpu.memory_space<hbm>> -> memref<128xi32, #tpu.memory_space<hbm>>
      tpu.wait_dma2 semaphore(%arg30 : memref<!tpu.dma_semaphore, #tpu.memory_space<semaphore_mem>>) src(%dma_wait3A_123 : memref<128xi32, #tpu.memory_space<hbm>>) dst(%arg8 : memref<128xi32, #tpu.memory_space<vmem>>)
      %dma_wait3A_124 = arith.constant 0 : i32
      %dma_wait3A_125 = tpu.memref_slice %arg2[%add3A_42, %dma_wait3A_124] : memref<25000x128xi32, #tpu.memory_space<hbm>> -> memref<1x128xi32, #tpu.memory_space<hbm>>
      %dma_wait3A_126 = tpu.memref_squeeze %dma_wait3A_125 : memref<1x128xi32, #tpu.memory_space<hbm>> -> memref<128xi32, #tpu.memory_space<hbm>>
      %dma_wait3A_127 = arith.constant 0 : i32
      %dma_wait3A_128 = tpu.memref_slice %arg2[%add3A_42, %dma_wait3A_127] : memref<25000x128xi32, #tpu.memory_space<hbm>> -> memref<1x128xi32, #tpu.memory_space<hbm>>
      %dma_wait3A_129 = tpu.memref_squeeze %dma_wait3A_128 : memref<1x128xi32, #tpu.memory_space<hbm>> -> memref<128xi32, #tpu.memory_space<hbm>>
      tpu.wait_dma2 semaphore(%arg30 : memref<!tpu.dma_semaphore, #tpu.memory_space<semaphore_mem>>) src(%dma_wait3A_129 : memref<128xi32, #tpu.memory_space<hbm>>) dst(%arg9 : memref<128xi32, #tpu.memory_space<vmem>>)
      %dma_wait3A_130 = arith.constant 0 : i32
      %dma_wait3A_131 = tpu.memref_slice %arg2[%add3A_50, %dma_wait3A_130] : memref<25000x128xi32, #tpu.memory_space<hbm>> -> memref<1x128xi32, #tpu.memory_space<hbm>>
      %dma_wait3A_132 = tpu.memref_squeeze %dma_wait3A_131 : memref<1x128xi32, #tpu.memory_space<hbm>> -> memref<128xi32, #tpu.memory_space<hbm>>
      %dma_wait3A_133 = arith.constant 0 : i32
      %dma_wait3A_134 = tpu.memref_slice %arg2[%add3A_50, %dma_wait3A_133] : memref<25000x128xi32, #tpu.memory_space<hbm>> -> memref<1x128xi32, #tpu.memory_space<hbm>>
      %dma_wait3A_135 = tpu.memref_squeeze %dma_wait3A_134 : memref<1x128xi32, #tpu.memory_space<hbm>> -> memref<128xi32, #tpu.memory_space<hbm>>
      tpu.wait_dma2 semaphore(%arg30 : memref<!tpu.dma_semaphore, #tpu.memory_space<semaphore_mem>>) src(%dma_wait3A_135 : memref<128xi32, #tpu.memory_space<hbm>>) dst(%arg10 : memref<128xi32, #tpu.memory_space<vmem>>)
      %dma_wait3A_136 = arith.constant 0 : i32
      %dma_wait3A_137 = tpu.memref_slice %arg2[%add3A_58, %dma_wait3A_136] : memref<25000x128xi32, #tpu.memory_space<hbm>> -> memref<1x128xi32, #tpu.memory_space<hbm>>
      %dma_wait3A_138 = tpu.memref_squeeze %dma_wait3A_137 : memref<1x128xi32, #tpu.memory_space<hbm>> -> memref<128xi32, #tpu.memory_space<hbm>>
      %dma_wait3A_139 = arith.constant 0 : i32
      %dma_wait3A_140 = tpu.memref_slice %arg2[%add3A_58, %dma_wait3A_139] : memref<25000x128xi32, #tpu.memory_space<hbm>> -> memref<1x128xi32, #tpu.memory_space<hbm>>
      %dma_wait3A_141 = tpu.memref_squeeze %dma_wait3A_140 : memref<1x128xi32, #tpu.memory_space<hbm>> -> memref<128xi32, #tpu.memory_space<hbm>>
      tpu.wait_dma2 semaphore(%arg30 : memref<!tpu.dma_semaphore, #tpu.memory_space<semaphore_mem>>) src(%dma_wait3A_141 : memref<128xi32, #tpu.memory_space<hbm>>) dst(%arg11 : memref<128xi32, #tpu.memory_space<vmem>>)
      %dma_wait3A_142 = arith.constant 0 : i32
      %dma_wait3A_143 = tpu.memref_slice %arg2[%add3A_66, %dma_wait3A_142] : memref<25000x128xi32, #tpu.memory_space<hbm>> -> memref<1x128xi32, #tpu.memory_space<hbm>>
      %dma_wait3A_144 = tpu.memref_squeeze %dma_wait3A_143 : memref<1x128xi32, #tpu.memory_space<hbm>> -> memref<128xi32, #tpu.memory_space<hbm>>
      %dma_wait3A_145 = arith.constant 0 : i32
      %dma_wait3A_146 = tpu.memref_slice %arg2[%add3A_66, %dma_wait3A_145] : memref<25000x128xi32, #tpu.memory_space<hbm>> -> memref<1x128xi32, #tpu.memory_space<hbm>>
      %dma_wait3A_147 = tpu.memref_squeeze %dma_wait3A_146 : memref<1x128xi32, #tpu.memory_space<hbm>> -> memref<128xi32, #tpu.memory_space<hbm>>
      tpu.wait_dma2 semaphore(%arg30 : memref<!tpu.dma_semaphore, #tpu.memory_space<semaphore_mem>>) src(%dma_wait3A_147 : memref<128xi32, #tpu.memory_space<hbm>>) dst(%arg12 : memref<128xi32, #tpu.memory_space<vmem>>)
      %dma_wait3A_148 = arith.constant 0 : i32
      %dma_wait3A_149 = tpu.memref_slice %arg2[%add3A_74, %dma_wait3A_148] : memref<25000x128xi32, #tpu.memory_space<hbm>> -> memref<1x128xi32, #tpu.memory_space<hbm>>
      %dma_wait3A_150 = tpu.memref_squeeze %dma_wait3A_149 : memref<1x128xi32, #tpu.memory_space<hbm>> -> memref<128xi32, #tpu.memory_space<hbm>>
      %dma_wait3A_151 = arith.constant 0 : i32
      %dma_wait3A_152 = tpu.memref_slice %arg2[%add3A_74, %dma_wait3A_151] : memref<25000x128xi32, #tpu.memory_space<hbm>> -> memref<1x128xi32, #tpu.memory_space<hbm>>
      %dma_wait3A_153 = tpu.memref_squeeze %dma_wait3A_152 : memref<1x128xi32, #tpu.memory_space<hbm>> -> memref<128xi32, #tpu.memory_space<hbm>>
      tpu.wait_dma2 semaphore(%arg30 : memref<!tpu.dma_semaphore, #tpu.memory_space<semaphore_mem>>) src(%dma_wait3A_153 : memref<128xi32, #tpu.memory_space<hbm>>) dst(%arg13 : memref<128xi32, #tpu.memory_space<vmem>>)
      %dma_wait3A_154 = arith.constant 0 : i32
      %dma_wait3A_155 = tpu.memref_slice %arg2[%add3A_82, %dma_wait3A_154] : memref<25000x128xi32, #tpu.memory_space<hbm>> -> memref<1x128xi32, #tpu.memory_space<hbm>>
      %dma_wait3A_156 = tpu.memref_squeeze %dma_wait3A_155 : memref<1x128xi32, #tpu.memory_space<hbm>> -> memref<128xi32, #tpu.memory_space<hbm>>
      %dma_wait3A_157 = arith.constant 0 : i32
      %dma_wait3A_158 = tpu.memref_slice %arg2[%add3A_82, %dma_wait3A_157] : memref<25000x128xi32, #tpu.memory_space<hbm>> -> memref<1x128xi32, #tpu.memory_space<hbm>>
      %dma_wait3A_159 = tpu.memref_squeeze %dma_wait3A_158 : memref<1x128xi32, #tpu.memory_space<hbm>> -> memref<128xi32, #tpu.memory_space<hbm>>
      tpu.wait_dma2 semaphore(%arg30 : memref<!tpu.dma_semaphore, #tpu.memory_space<semaphore_mem>>) src(%dma_wait3A_159 : memref<128xi32, #tpu.memory_space<hbm>>) dst(%arg14 : memref<128xi32, #tpu.memory_space<vmem>>)
      %dma_wait3A_160 = arith.constant 0 : i32
      %dma_wait3A_161 = tpu.memref_slice %arg2[%add3A_90, %dma_wait3A_160] : memref<25000x128xi32, #tpu.memory_space<hbm>> -> memref<1x128xi32, #tpu.memory_space<hbm>>
      %dma_wait3A_162 = tpu.memref_squeeze %dma_wait3A_161 : memref<1x128xi32, #tpu.memory_space<hbm>> -> memref<128xi32, #tpu.memory_space<hbm>>
      %dma_wait3A_163 = arith.constant 0 : i32
      %dma_wait3A_164 = tpu.memref_slice %arg2[%add3A_90, %dma_wait3A_163] : memref<25000x128xi32, #tpu.memory_space<hbm>> -> memref<1x128xi32, #tpu.memory_space<hbm>>
      %dma_wait3A_165 = tpu.memref_squeeze %dma_wait3A_164 : memref<1x128xi32, #tpu.memory_space<hbm>> -> memref<128xi32, #tpu.memory_space<hbm>>
      tpu.wait_dma2 semaphore(%arg30 : memref<!tpu.dma_semaphore, #tpu.memory_space<semaphore_mem>>) src(%dma_wait3A_165 : memref<128xi32, #tpu.memory_space<hbm>>) dst(%arg15 : memref<128xi32, #tpu.memory_space<vmem>>)
      %dma_wait3A_166 = arith.constant 0 : i32
      %dma_wait3A_167 = tpu.memref_slice %arg2[%add3A_98, %dma_wait3A_166] : memref<25000x128xi32, #tpu.memory_space<hbm>> -> memref<1x128xi32, #tpu.memory_space<hbm>>
      %dma_wait3A_168 = tpu.memref_squeeze %dma_wait3A_167 : memref<1x128xi32, #tpu.memory_space<hbm>> -> memref<128xi32, #tpu.memory_space<hbm>>
      %dma_wait3A_169 = arith.constant 0 : i32
      %dma_wait3A_170 = tpu.memref_slice %arg2[%add3A_98, %dma_wait3A_169] : memref<25000x128xi32, #tpu.memory_space<hbm>> -> memref<1x128xi32, #tpu.memory_space<hbm>>
      %dma_wait3A_171 = tpu.memref_squeeze %dma_wait3A_170 : memref<1x128xi32, #tpu.memory_space<hbm>> -> memref<128xi32, #tpu.memory_space<hbm>>
      tpu.wait_dma2 semaphore(%arg30 : memref<!tpu.dma_semaphore, #tpu.memory_space<semaphore_mem>>) src(%dma_wait3A_171 : memref<128xi32, #tpu.memory_space<hbm>>) dst(%arg16 : memref<128xi32, #tpu.memory_space<vmem>>)
      %dma_wait3A_172 = arith.constant 0 : i32
      %dma_wait3A_173 = tpu.memref_slice %arg2[%add3A_106, %dma_wait3A_172] : memref<25000x128xi32, #tpu.memory_space<hbm>> -> memref<1x128xi32, #tpu.memory_space<hbm>>
      %dma_wait3A_174 = tpu.memref_squeeze %dma_wait3A_173 : memref<1x128xi32, #tpu.memory_space<hbm>> -> memref<128xi32, #tpu.memory_space<hbm>>
      %dma_wait3A_175 = arith.constant 0 : i32
      %dma_wait3A_176 = tpu.memref_slice %arg2[%add3A_106, %dma_wait3A_175] : memref<25000x128xi32, #tpu.memory_space<hbm>> -> memref<1x128xi32, #tpu.memory_space<hbm>>
      %dma_wait3A_177 = tpu.memref_squeeze %dma_wait3A_176 : memref<1x128xi32, #tpu.memory_space<hbm>> -> memref<128xi32, #tpu.memory_space<hbm>>
      tpu.wait_dma2 semaphore(%arg30 : memref<!tpu.dma_semaphore, #tpu.memory_space<semaphore_mem>>) src(%dma_wait3A_177 : memref<128xi32, #tpu.memory_space<hbm>>) dst(%arg17 : memref<128xi32, #tpu.memory_space<vmem>>)
      %dma_start3A_178 = arith.constant 0 : i32
      %dma_start3A_179 = arith.constant 0 : i32
      %dma_start3A_180 = arith.constant 0 : i32
      %dma_start3A_181 = tpu.memref_slice %arg29[%dma_start3A_178, %dma_start3A_179, %dma_start3A_180] : memref<11x128x16xf32, #tpu.memory_space<vmem>> -> memref<1x128x16xf32, #tpu.memory_space<vmem>>
      %dma_start3A_182 = tpu.memref_squeeze %dma_start3A_181 : memref<1x128x16xf32, #tpu.memory_space<vmem>> -> memref<128x16xf32, #tpu.memory_space<vmem>>
      %dma_start3A_183 = arith.constant 0 : i32
      %dma_start3A_184 = arith.constant 0 : i32
      %dma_start3A_185 = tpu.memref_slice %arg4[%dma_start3A_183, %dma_start3A_184] : memref<100000x16xf32, #tpu.memory_space<hbm>> -> memref<100000x16xf32, #tpu.memory_space<hbm>>
      tpu.enqueue_indirect_dma source(%dma_start3A_185 : memref<100000x16xf32, #tpu.memory_space<hbm>>) target(%dma_start3A_182 : memref<128x16xf32, #tpu.memory_space<vmem>>) offsets(%arg7 : memref<128xi32, #tpu.memory_space<vmem>>) semaphore(%arg31 : memref<!tpu.dma_semaphore, #tpu.memory_space<semaphore_mem>>)
      %dma_start3A_186 = arith.constant 1 : i32
      %dma_start3A_187 = arith.constant 0 : i32
      %dma_start3A_188 = arith.constant 0 : i32
      %dma_start3A_189 = tpu.memref_slice %arg29[%dma_start3A_186, %dma_start3A_187, %dma_start3A_188] : memref<11x128x16xf32, #tpu.memory_space<vmem>> -> memref<1x128x16xf32, #tpu.memory_space<vmem>>
      %dma_start3A_190 = tpu.memref_squeeze %dma_start3A_189 : memref<1x128x16xf32, #tpu.memory_space<vmem>> -> memref<128x16xf32, #tpu.memory_space<vmem>>
      %dma_start3A_191 = arith.constant 0 : i32
      %dma_start3A_192 = arith.constant 0 : i32
      %dma_start3A_193 = tpu.memref_slice %arg4[%dma_start3A_191, %dma_start3A_192] : memref<100000x16xf32, #tpu.memory_space<hbm>> -> memref<100000x16xf32, #tpu.memory_space<hbm>>
      tpu.enqueue_indirect_dma source(%dma_start3A_193 : memref<100000x16xf32, #tpu.memory_space<hbm>>) target(%dma_start3A_190 : memref<128x16xf32, #tpu.memory_space<vmem>>) offsets(%arg8 : memref<128xi32, #tpu.memory_space<vmem>>) semaphore(%arg31 : memref<!tpu.dma_semaphore, #tpu.memory_space<semaphore_mem>>)
      %dma_start3A_194 = arith.constant 2 : i32
      %dma_start3A_195 = arith.constant 0 : i32
      %dma_start3A_196 = arith.constant 0 : i32
      %dma_start3A_197 = tpu.memref_slice %arg29[%dma_start3A_194, %dma_start3A_195, %dma_start3A_196] : memref<11x128x16xf32, #tpu.memory_space<vmem>> -> memref<1x128x16xf32, #tpu.memory_space<vmem>>
      %dma_start3A_198 = tpu.memref_squeeze %dma_start3A_197 : memref<1x128x16xf32, #tpu.memory_space<vmem>> -> memref<128x16xf32, #tpu.memory_space<vmem>>
      %dma_start3A_199 = arith.constant 0 : i32
      %dma_start3A_200 = arith.constant 0 : i32
      %dma_start3A_201 = tpu.memref_slice %arg4[%dma_start3A_199, %dma_start3A_200] : memref<100000x16xf32, #tpu.memory_space<hbm>> -> memref<100000x16xf32, #tpu.memory_space<hbm>>
      tpu.enqueue_indirect_dma source(%dma_start3A_201 : memref<100000x16xf32, #tpu.memory_space<hbm>>) target(%dma_start3A_198 : memref<128x16xf32, #tpu.memory_space<vmem>>) offsets(%arg9 : memref<128xi32, #tpu.memory_space<vmem>>) semaphore(%arg31 : memref<!tpu.dma_semaphore, #tpu.memory_space<semaphore_mem>>)
      %dma_start3A_202 = arith.constant 3 : i32
      %dma_start3A_203 = arith.constant 0 : i32
      %dma_start3A_204 = arith.constant 0 : i32
      %dma_start3A_205 = tpu.memref_slice %arg29[%dma_start3A_202, %dma_start3A_203, %dma_start3A_204] : memref<11x128x16xf32, #tpu.memory_space<vmem>> -> memref<1x128x16xf32, #tpu.memory_space<vmem>>
      %dma_start3A_206 = tpu.memref_squeeze %dma_start3A_205 : memref<1x128x16xf32, #tpu.memory_space<vmem>> -> memref<128x16xf32, #tpu.memory_space<vmem>>
      %dma_start3A_207 = arith.constant 0 : i32
      %dma_start3A_208 = arith.constant 0 : i32
      %dma_start3A_209 = tpu.memref_slice %arg4[%dma_start3A_207, %dma_start3A_208] : memref<100000x16xf32, #tpu.memory_space<hbm>> -> memref<100000x16xf32, #tpu.memory_space<hbm>>
      tpu.enqueue_indirect_dma source(%dma_start3A_209 : memref<100000x16xf32, #tpu.memory_space<hbm>>) target(%dma_start3A_206 : memref<128x16xf32, #tpu.memory_space<vmem>>) offsets(%arg10 : memref<128xi32, #tpu.memory_space<vmem>>) semaphore(%arg31 : memref<!tpu.dma_semaphore, #tpu.memory_space<semaphore_mem>>)
      %dma_start3A_210 = arith.constant 4 : i32
      %dma_start3A_211 = arith.constant 0 : i32
      %dma_start3A_212 = arith.constant 0 : i32
      %dma_start3A_213 = tpu.memref_slice %arg29[%dma_start3A_210, %dma_start3A_211, %dma_start3A_212] : memref<11x128x16xf32, #tpu.memory_space<vmem>> -> memref<1x128x16xf32, #tpu.memory_space<vmem>>
      %dma_start3A_214 = tpu.memref_squeeze %dma_start3A_213 : memref<1x128x16xf32, #tpu.memory_space<vmem>> -> memref<128x16xf32, #tpu.memory_space<vmem>>
      %dma_start3A_215 = arith.constant 0 : i32
      %dma_start3A_216 = arith.constant 0 : i32
      %dma_start3A_217 = tpu.memref_slice %arg4[%dma_start3A_215, %dma_start3A_216] : memref<100000x16xf32, #tpu.memory_space<hbm>> -> memref<100000x16xf32, #tpu.memory_space<hbm>>
      tpu.enqueue_indirect_dma source(%dma_start3A_217 : memref<100000x16xf32, #tpu.memory_space<hbm>>) target(%dma_start3A_214 : memref<128x16xf32, #tpu.memory_space<vmem>>) offsets(%arg11 : memref<128xi32, #tpu.memory_space<vmem>>) semaphore(%arg31 : memref<!tpu.dma_semaphore, #tpu.memory_space<semaphore_mem>>)
      %dma_start3A_218 = arith.constant 5 : i32
      %dma_start3A_219 = arith.constant 0 : i32
      %dma_start3A_220 = arith.constant 0 : i32
      %dma_start3A_221 = tpu.memref_slice %arg29[%dma_start3A_218, %dma_start3A_219, %dma_start3A_220] : memref<11x128x16xf32, #tpu.memory_space<vmem>> -> memref<1x128x16xf32, #tpu.memory_space<vmem>>
      %dma_start3A_222 = tpu.memref_squeeze %dma_start3A_221 : memref<1x128x16xf32, #tpu.memory_space<vmem>> -> memref<128x16xf32, #tpu.memory_space<vmem>>
      %dma_start3A_223 = arith.constant 0 : i32
      %dma_start3A_224 = arith.constant 0 : i32
      %dma_start3A_225 = tpu.memref_slice %arg4[%dma_start3A_223, %dma_start3A_224] : memref<100000x16xf32, #tpu.memory_space<hbm>> -> memref<100000x16xf32, #tpu.memory_space<hbm>>
      tpu.enqueue_indirect_dma source(%dma_start3A_225 : memref<100000x16xf32, #tpu.memory_space<hbm>>) target(%dma_start3A_222 : memref<128x16xf32, #tpu.memory_space<vmem>>) offsets(%arg12 : memref<128xi32, #tpu.memory_space<vmem>>) semaphore(%arg31 : memref<!tpu.dma_semaphore, #tpu.memory_space<semaphore_mem>>)
      %dma_start3A_226 = arith.constant 6 : i32
      %dma_start3A_227 = arith.constant 0 : i32
      %dma_start3A_228 = arith.constant 0 : i32
      %dma_start3A_229 = tpu.memref_slice %arg29[%dma_start3A_226, %dma_start3A_227, %dma_start3A_228] : memref<11x128x16xf32, #tpu.memory_space<vmem>> -> memref<1x128x16xf32, #tpu.memory_space<vmem>>
      %dma_start3A_230 = tpu.memref_squeeze %dma_start3A_229 : memref<1x128x16xf32, #tpu.memory_space<vmem>> -> memref<128x16xf32, #tpu.memory_space<vmem>>
      %dma_start3A_231 = arith.constant 0 : i32
      %dma_start3A_232 = arith.constant 0 : i32
      %dma_start3A_233 = tpu.memref_slice %arg4[%dma_start3A_231, %dma_start3A_232] : memref<100000x16xf32, #tpu.memory_space<hbm>> -> memref<100000x16xf32, #tpu.memory_space<hbm>>
      tpu.enqueue_indirect_dma source(%dma_start3A_233 : memref<100000x16xf32, #tpu.memory_space<hbm>>) target(%dma_start3A_230 : memref<128x16xf32, #tpu.memory_space<vmem>>) offsets(%arg13 : memref<128xi32, #tpu.memory_space<vmem>>) semaphore(%arg31 : memref<!tpu.dma_semaphore, #tpu.memory_space<semaphore_mem>>)
      %dma_start3A_234 = arith.constant 7 : i32
      %dma_start3A_235 = arith.constant 0 : i32
      %dma_start3A_236 = arith.constant 0 : i32
      %dma_start3A_237 = tpu.memref_slice %arg29[%dma_start3A_234, %dma_start3A_235, %dma_start3A_236] : memref<11x128x16xf32, #tpu.memory_space<vmem>> -> memref<1x128x16xf32, #tpu.memory_space<vmem>>
      %dma_start3A_238 = tpu.memref_squeeze %dma_start3A_237 : memref<1x128x16xf32, #tpu.memory_space<vmem>> -> memref<128x16xf32, #tpu.memory_space<vmem>>
      %dma_start3A_239 = arith.constant 0 : i32
      %dma_start3A_240 = arith.constant 0 : i32
      %dma_start3A_241 = tpu.memref_slice %arg4[%dma_start3A_239, %dma_start3A_240] : memref<100000x16xf32, #tpu.memory_space<hbm>> -> memref<100000x16xf32, #tpu.memory_space<hbm>>
      tpu.enqueue_indirect_dma source(%dma_start3A_241 : memref<100000x16xf32, #tpu.memory_space<hbm>>) target(%dma_start3A_238 : memref<128x16xf32, #tpu.memory_space<vmem>>) offsets(%arg14 : memref<128xi32, #tpu.memory_space<vmem>>) semaphore(%arg31 : memref<!tpu.dma_semaphore, #tpu.memory_space<semaphore_mem>>)
      %dma_start3A_242 = arith.constant 8 : i32
      %dma_start3A_243 = arith.constant 0 : i32
      %dma_start3A_244 = arith.constant 0 : i32
      %dma_start3A_245 = tpu.memref_slice %arg29[%dma_start3A_242, %dma_start3A_243, %dma_start3A_244] : memref<11x128x16xf32, #tpu.memory_space<vmem>> -> memref<1x128x16xf32, #tpu.memory_space<vmem>>
      %dma_start3A_246 = tpu.memref_squeeze %dma_start3A_245 : memref<1x128x16xf32, #tpu.memory_space<vmem>> -> memref<128x16xf32, #tpu.memory_space<vmem>>
      %dma_start3A_247 = arith.constant 0 : i32
      %dma_start3A_248 = arith.constant 0 : i32
      %dma_start3A_249 = tpu.memref_slice %arg4[%dma_start3A_247, %dma_start3A_248] : memref<100000x16xf32, #tpu.memory_space<hbm>> -> memref<100000x16xf32, #tpu.memory_space<hbm>>
      tpu.enqueue_indirect_dma source(%dma_start3A_249 : memref<100000x16xf32, #tpu.memory_space<hbm>>) target(%dma_start3A_246 : memref<128x16xf32, #tpu.memory_space<vmem>>) offsets(%arg15 : memref<128xi32, #tpu.memory_space<vmem>>) semaphore(%arg31 : memref<!tpu.dma_semaphore, #tpu.memory_space<semaphore_mem>>)
      %dma_start3A_250 = arith.constant 9 : i32
      %dma_start3A_251 = arith.constant 0 : i32
      %dma_start3A_252 = arith.constant 0 : i32
      %dma_start3A_253 = tpu.memref_slice %arg29[%dma_start3A_250, %dma_start3A_251, %dma_start3A_252] : memref<11x128x16xf32, #tpu.memory_space<vmem>> -> memref<1x128x16xf32, #tpu.memory_space<vmem>>
      %dma_start3A_254 = tpu.memref_squeeze %dma_start3A_253 : memref<1x128x16xf32, #tpu.memory_space<vmem>> -> memref<128x16xf32, #tpu.memory_space<vmem>>
      %dma_start3A_255 = arith.constant 0 : i32
      %dma_start3A_256 = arith.constant 0 : i32
      %dma_start3A_257 = tpu.memref_slice %arg4[%dma_start3A_255, %dma_start3A_256] : memref<100000x16xf32, #tpu.memory_space<hbm>> -> memref<100000x16xf32, #tpu.memory_space<hbm>>
      tpu.enqueue_indirect_dma source(%dma_start3A_257 : memref<100000x16xf32, #tpu.memory_space<hbm>>) target(%dma_start3A_254 : memref<128x16xf32, #tpu.memory_space<vmem>>) offsets(%arg16 : memref<128xi32, #tpu.memory_space<vmem>>) semaphore(%arg31 : memref<!tpu.dma_semaphore, #tpu.memory_space<semaphore_mem>>)
      %dma_start3A_258 = arith.constant 10 : i32
      %dma_start3A_259 = arith.constant 0 : i32
      %dma_start3A_260 = arith.constant 0 : i32
      %dma_start3A_261 = tpu.memref_slice %arg29[%dma_start3A_258, %dma_start3A_259, %dma_start3A_260] : memref<11x128x16xf32, #tpu.memory_space<vmem>> -> memref<1x128x16xf32, #tpu.memory_space<vmem>>
      %dma_start3A_262 = tpu.memref_squeeze %dma_start3A_261 : memref<1x128x16xf32, #tpu.memory_space<vmem>> -> memref<128x16xf32, #tpu.memory_space<vmem>>
      %dma_start3A_263 = arith.constant 0 : i32
      %dma_start3A_264 = arith.constant 0 : i32
      %dma_start3A_265 = tpu.memref_slice %arg4[%dma_start3A_263, %dma_start3A_264] : memref<100000x16xf32, #tpu.memory_space<hbm>> -> memref<100000x16xf32, #tpu.memory_space<hbm>>
      tpu.enqueue_indirect_dma source(%dma_start3A_265 : memref<100000x16xf32, #tpu.memory_space<hbm>>) target(%dma_start3A_262 : memref<128x16xf32, #tpu.memory_space<vmem>>) offsets(%arg17 : memref<128xi32, #tpu.memory_space<vmem>>) semaphore(%arg31 : memref<!tpu.dma_semaphore, #tpu.memory_space<semaphore_mem>>)
      %add3A_266 = arith.constant 0 : i32
      %add3A_267 = arith.addi %add3A_25, %add3A_266 : i32
      %dma_start3A_268 = arith.constant 0 : i32
      %dma_start3A_269 = tpu.memref_slice %arg3[%add3A_267, %dma_start3A_268] : memref<25000x128xi32, #tpu.memory_space<hbm>> -> memref<1x128xi32, #tpu.memory_space<hbm>>
      %dma_start3A_270 = tpu.memref_squeeze %dma_start3A_269 : memref<1x128xi32, #tpu.memory_space<hbm>> -> memref<128xi32, #tpu.memory_space<hbm>>
      %dma_start3A_271 = arith.constant 0 : i32
      %dma_start3A_272 = tpu.memref_slice %arg3[%add3A_267, %dma_start3A_271] : memref<25000x128xi32, #tpu.memory_space<hbm>> -> memref<1x128xi32, #tpu.memory_space<hbm>>
      %dma_start3A_273 = tpu.memref_squeeze %dma_start3A_272 : memref<1x128xi32, #tpu.memory_space<hbm>> -> memref<128xi32, #tpu.memory_space<hbm>>
      tpu.enqueue_dma source(%dma_start3A_273 : memref<128xi32, #tpu.memory_space<hbm>>) target(%arg18 : memref<128xi32, #tpu.memory_space<vmem>>) target_semaphore(%arg30 : memref<!tpu.dma_semaphore, #tpu.memory_space<semaphore_mem>>)
      %add3A_274 = arith.constant 1 : i32
      %add3A_275 = arith.addi %add3A_25, %add3A_274 : i32
      %dma_start3A_276 = arith.constant 0 : i32
      %dma_start3A_277 = tpu.memref_slice %arg3[%add3A_275, %dma_start3A_276] : memref<25000x128xi32, #tpu.memory_space<hbm>> -> memref<1x128xi32, #tpu.memory_space<hbm>>
      %dma_start3A_278 = tpu.memref_squeeze %dma_start3A_277 : memref<1x128xi32, #tpu.memory_space<hbm>> -> memref<128xi32, #tpu.memory_space<hbm>>
      %dma_start3A_279 = arith.constant 0 : i32
      %dma_start3A_280 = tpu.memref_slice %arg3[%add3A_275, %dma_start3A_279] : memref<25000x128xi32, #tpu.memory_space<hbm>> -> memref<1x128xi32, #tpu.memory_space<hbm>>
      %dma_start3A_281 = tpu.memref_squeeze %dma_start3A_280 : memref<1x128xi32, #tpu.memory_space<hbm>> -> memref<128xi32, #tpu.memory_space<hbm>>
      tpu.enqueue_dma source(%dma_start3A_281 : memref<128xi32, #tpu.memory_space<hbm>>) target(%arg19 : memref<128xi32, #tpu.memory_space<vmem>>) target_semaphore(%arg30 : memref<!tpu.dma_semaphore, #tpu.memory_space<semaphore_mem>>)
      %add3A_282 = arith.constant 2 : i32
      %add3A_283 = arith.addi %add3A_25, %add3A_282 : i32
      %dma_start3A_284 = arith.constant 0 : i32
      %dma_start3A_285 = tpu.memref_slice %arg3[%add3A_283, %dma_start3A_284] : memref<25000x128xi32, #tpu.memory_space<hbm>> -> memref<1x128xi32, #tpu.memory_space<hbm>>
      %dma_start3A_286 = tpu.memref_squeeze %dma_start3A_285 : memref<1x128xi32, #tpu.memory_space<hbm>> -> memref<128xi32, #tpu.memory_space<hbm>>
      %dma_start3A_287 = arith.constant 0 : i32
      %dma_start3A_288 = tpu.memref_slice %arg3[%add3A_283, %dma_start3A_287] : memref<25000x128xi32, #tpu.memory_space<hbm>> -> memref<1x128xi32, #tpu.memory_space<hbm>>
      %dma_start3A_289 = tpu.memref_squeeze %dma_start3A_288 : memref<1x128xi32, #tpu.memory_space<hbm>> -> memref<128xi32, #tpu.memory_space<hbm>>
      tpu.enqueue_dma source(%dma_start3A_289 : memref<128xi32, #tpu.memory_space<hbm>>) target(%arg20 : memref<128xi32, #tpu.memory_space<vmem>>) target_semaphore(%arg30 : memref<!tpu.dma_semaphore, #tpu.memory_space<semaphore_mem>>)
      %add3A_290 = arith.constant 3 : i32
      %add3A_291 = arith.addi %add3A_25, %add3A_290 : i32
      %dma_start3A_292 = arith.constant 0 : i32
      %dma_start3A_293 = tpu.memref_slice %arg3[%add3A_291, %dma_start3A_292] : memref<25000x128xi32, #tpu.memory_space<hbm>> -> memref<1x128xi32, #tpu.memory_space<hbm>>
      %dma_start3A_294 = tpu.memref_squeeze %dma_start3A_293 : memref<1x128xi32, #tpu.memory_space<hbm>> -> memref<128xi32, #tpu.memory_space<hbm>>
      %dma_start3A_295 = arith.constant 0 : i32
      %dma_start3A_296 = tpu.memref_slice %arg3[%add3A_291, %dma_start3A_295] : memref<25000x128xi32, #tpu.memory_space<hbm>> -> memref<1x128xi32, #tpu.memory_space<hbm>>
      %dma_start3A_297 = tpu.memref_squeeze %dma_start3A_296 : memref<1x128xi32, #tpu.memory_space<hbm>> -> memref<128xi32, #tpu.memory_space<hbm>>
      tpu.enqueue_dma source(%dma_start3A_297 : memref<128xi32, #tpu.memory_space<hbm>>) target(%arg21 : memref<128xi32, #tpu.memory_space<vmem>>) target_semaphore(%arg30 : memref<!tpu.dma_semaphore, #tpu.memory_space<semaphore_mem>>)
      %add3A_298 = arith.constant 4 : i32
      %add3A_299 = arith.addi %add3A_25, %add3A_298 : i32
      %dma_start3A_300 = arith.constant 0 : i32
      %dma_start3A_301 = tpu.memref_slice %arg3[%add3A_299, %dma_start3A_300] : memref<25000x128xi32, #tpu.memory_space<hbm>> -> memref<1x128xi32, #tpu.memory_space<hbm>>
      %dma_start3A_302 = tpu.memref_squeeze %dma_start3A_301 : memref<1x128xi32, #tpu.memory_space<hbm>> -> memref<128xi32, #tpu.memory_space<hbm>>
      %dma_start3A_303 = arith.constant 0 : i32
      %dma_start3A_304 = tpu.memref_slice %arg3[%add3A_299, %dma_start3A_303] : memref<25000x128xi32, #tpu.memory_space<hbm>> -> memref<1x128xi32, #tpu.memory_space<hbm>>
      %dma_start3A_305 = tpu.memref_squeeze %dma_start3A_304 : memref<1x128xi32, #tpu.memory_space<hbm>> -> memref<128xi32, #tpu.memory_space<hbm>>
      tpu.enqueue_dma source(%dma_start3A_305 : memref<128xi32, #tpu.memory_space<hbm>>) target(%arg22 : memref<128xi32, #tpu.memory_space<vmem>>) target_semaphore(%arg30 : memref<!tpu.dma_semaphore, #tpu.memory_space<semaphore_mem>>)
      %add3A_306 = arith.constant 5 : i32
      %add3A_307 = arith.addi %add3A_25, %add3A_306 : i32
      %dma_start3A_308 = arith.constant 0 : i32
      %dma_start3A_309 = tpu.memref_slice %arg3[%add3A_307, %dma_start3A_308] : memref<25000x128xi32, #tpu.memory_space<hbm>> -> memref<1x128xi32, #tpu.memory_space<hbm>>
      %dma_start3A_310 = tpu.memref_squeeze %dma_start3A_309 : memref<1x128xi32, #tpu.memory_space<hbm>> -> memref<128xi32, #tpu.memory_space<hbm>>
      %dma_start3A_311 = arith.constant 0 : i32
      %dma_start3A_312 = tpu.memref_slice %arg3[%add3A_307, %dma_start3A_311] : memref<25000x128xi32, #tpu.memory_space<hbm>> -> memref<1x128xi32, #tpu.memory_space<hbm>>
      %dma_start3A_313 = tpu.memref_squeeze %dma_start3A_312 : memref<1x128xi32, #tpu.memory_space<hbm>> -> memref<128xi32, #tpu.memory_space<hbm>>
      tpu.enqueue_dma source(%dma_start3A_313 : memref<128xi32, #tpu.memory_space<hbm>>) target(%arg23 : memref<128xi32, #tpu.memory_space<vmem>>) target_semaphore(%arg30 : memref<!tpu.dma_semaphore, #tpu.memory_space<semaphore_mem>>)
      %add3A_314 = arith.constant 6 : i32
      %add3A_315 = arith.addi %add3A_25, %add3A_314 : i32
      %dma_start3A_316 = arith.constant 0 : i32
      %dma_start3A_317 = tpu.memref_slice %arg3[%add3A_315, %dma_start3A_316] : memref<25000x128xi32, #tpu.memory_space<hbm>> -> memref<1x128xi32, #tpu.memory_space<hbm>>
      %dma_start3A_318 = tpu.memref_squeeze %dma_start3A_317 : memref<1x128xi32, #tpu.memory_space<hbm>> -> memref<128xi32, #tpu.memory_space<hbm>>
      %dma_start3A_319 = arith.constant 0 : i32
      %dma_start3A_320 = tpu.memref_slice %arg3[%add3A_315, %dma_start3A_319] : memref<25000x128xi32, #tpu.memory_space<hbm>> -> memref<1x128xi32, #tpu.memory_space<hbm>>
      %dma_start3A_321 = tpu.memref_squeeze %dma_start3A_320 : memref<1x128xi32, #tpu.memory_space<hbm>> -> memref<128xi32, #tpu.memory_space<hbm>>
      tpu.enqueue_dma source(%dma_start3A_321 : memref<128xi32, #tpu.memory_space<hbm>>) target(%arg24 : memref<128xi32, #tpu.memory_space<vmem>>) target_semaphore(%arg30 : memref<!tpu.dma_semaphore, #tpu.memory_space<semaphore_mem>>)
      %add3A_322 = arith.constant 7 : i32
      %add3A_323 = arith.addi %add3A_25, %add3A_322 : i32
      %dma_start3A_324 = arith.constant 0 : i32
      %dma_start3A_325 = tpu.memref_slice %arg3[%add3A_323, %dma_start3A_324] : memref<25000x128xi32, #tpu.memory_space<hbm>> -> memref<1x128xi32, #tpu.memory_space<hbm>>
      %dma_start3A_326 = tpu.memref_squeeze %dma_start3A_325 : memref<1x128xi32, #tpu.memory_space<hbm>> -> memref<128xi32, #tpu.memory_space<hbm>>
      %dma_start3A_327 = arith.constant 0 : i32
      %dma_start3A_328 = tpu.memref_slice %arg3[%add3A_323, %dma_start3A_327] : memref<25000x128xi32, #tpu.memory_space<hbm>> -> memref<1x128xi32, #tpu.memory_space<hbm>>
      %dma_start3A_329 = tpu.memref_squeeze %dma_start3A_328 : memref<1x128xi32, #tpu.memory_space<hbm>> -> memref<128xi32, #tpu.memory_space<hbm>>
      tpu.enqueue_dma source(%dma_start3A_329 : memref<128xi32, #tpu.memory_space<hbm>>) target(%arg25 : memref<128xi32, #tpu.memory_space<vmem>>) target_semaphore(%arg30 : memref<!tpu.dma_semaphore, #tpu.memory_space<semaphore_mem>>)
      %add3A_330 = arith.constant 8 : i32
      %add3A_331 = arith.addi %add3A_25, %add3A_330 : i32
      %dma_start3A_332 = arith.constant 0 : i32
      %dma_start3A_333 = tpu.memref_slice %arg3[%add3A_331, %dma_start3A_332] : memref<25000x128xi32, #tpu.memory_space<hbm>> -> memref<1x128xi32, #tpu.memory_space<hbm>>
      %dma_start3A_334 = tpu.memref_squeeze %dma_start3A_333 : memref<1x128xi32, #tpu.memory_space<hbm>> -> memref<128xi32, #tpu.memory_space<hbm>>
      %dma_start3A_335 = arith.constant 0 : i32
      %dma_start3A_336 = tpu.memref_slice %arg3[%add3A_331, %dma_start3A_335] : memref<25000x128xi32, #tpu.memory_space<hbm>> -> memref<1x128xi32, #tpu.memory_space<hbm>>
      %dma_start3A_337 = tpu.memref_squeeze %dma_start3A_336 : memref<1x128xi32, #tpu.memory_space<hbm>> -> memref<128xi32, #tpu.memory_space<hbm>>
      tpu.enqueue_dma source(%dma_start3A_337 : memref<128xi32, #tpu.memory_space<hbm>>) target(%arg26 : memref<128xi32, #tpu.memory_space<vmem>>) target_semaphore(%arg30 : memref<!tpu.dma_semaphore, #tpu.memory_space<semaphore_mem>>)
      %add3A_338 = arith.constant 9 : i32
      %add3A_339 = arith.addi %add3A_25, %add3A_338 : i32
      %dma_start3A_340 = arith.constant 0 : i32
      %dma_start3A_341 = tpu.memref_slice %arg3[%add3A_339, %dma_start3A_340] : memref<25000x128xi32, #tpu.memory_space<hbm>> -> memref<1x128xi32, #tpu.memory_space<hbm>>
      %dma_start3A_342 = tpu.memref_squeeze %dma_start3A_341 : memref<1x128xi32, #tpu.memory_space<hbm>> -> memref<128xi32, #tpu.memory_space<hbm>>
      %dma_start3A_343 = arith.constant 0 : i32
      %dma_start3A_344 = tpu.memref_slice %arg3[%add3A_339, %dma_start3A_343] : memref<25000x128xi32, #tpu.memory_space<hbm>> -> memref<1x128xi32, #tpu.memory_space<hbm>>
      %dma_start3A_345 = tpu.memref_squeeze %dma_start3A_344 : memref<1x128xi32, #tpu.memory_space<hbm>> -> memref<128xi32, #tpu.memory_space<hbm>>
      tpu.enqueue_dma source(%dma_start3A_345 : memref<128xi32, #tpu.memory_space<hbm>>) target(%arg27 : memref<128xi32, #tpu.memory_space<vmem>>) target_semaphore(%arg30 : memref<!tpu.dma_semaphore, #tpu.memory_space<semaphore_mem>>)
      %add3A_346 = arith.constant 10 : i32
      %add3A_347 = arith.addi %add3A_25, %add3A_346 : i32
      %dma_start3A_348 = arith.constant 0 : i32
      %dma_start3A_349 = tpu.memref_slice %arg3[%add3A_347, %dma_start3A_348] : memref<25000x128xi32, #tpu.memory_space<hbm>> -> memref<1x128xi32, #tpu.memory_space<hbm>>
      %dma_start3A_350 = tpu.memref_squeeze %dma_start3A_349 : memref<1x128xi32, #tpu.memory_space<hbm>> -> memref<128xi32, #tpu.memory_space<hbm>>
      %dma_start3A_351 = arith.constant 0 : i32
      %dma_start3A_352 = tpu.memref_slice %arg3[%add3A_347, %dma_start3A_351] : memref<25000x128xi32, #tpu.memory_space<hbm>> -> memref<1x128xi32, #tpu.memory_space<hbm>>
      %dma_start3A_353 = tpu.memref_squeeze %dma_start3A_352 : memref<1x128xi32, #tpu.memory_space<hbm>> -> memref<128xi32, #tpu.memory_space<hbm>>
      tpu.enqueue_dma source(%dma_start3A_353 : memref<128xi32, #tpu.memory_space<hbm>>) target(%arg28 : memref<128xi32, #tpu.memory_space<vmem>>) target_semaphore(%arg30 : memref<!tpu.dma_semaphore, #tpu.memory_space<semaphore_mem>>)
      %dma_wait3A_354 = arith.constant 0 : i32
      %dma_wait3A_355 = tpu.memref_slice %arg3[%add3A_267, %dma_wait3A_354] : memref<25000x128xi32, #tpu.memory_space<hbm>> -> memref<1x128xi32, #tpu.memory_space<hbm>>
      %dma_wait3A_356 = tpu.memref_squeeze %dma_wait3A_355 : memref<1x128xi32, #tpu.memory_space<hbm>> -> memref<128xi32, #tpu.memory_space<hbm>>
      %dma_wait3A_357 = arith.constant 0 : i32
      %dma_wait3A_358 = tpu.memref_slice %arg3[%add3A_267, %dma_wait3A_357] : memref<25000x128xi32, #tpu.memory_space<hbm>> -> memref<1x128xi32, #tpu.memory_space<hbm>>
      %dma_wait3A_359 = tpu.memref_squeeze %dma_wait3A_358 : memref<1x128xi32, #tpu.memory_space<hbm>> -> memref<128xi32, #tpu.memory_space<hbm>>
      tpu.wait_dma2 semaphore(%arg30 : memref<!tpu.dma_semaphore, #tpu.memory_space<semaphore_mem>>) src(%dma_wait3A_359 : memref<128xi32, #tpu.memory_space<hbm>>) dst(%arg18 : memref<128xi32, #tpu.memory_space<vmem>>)
      %dma_wait3A_360 = arith.constant 0 : i32
      %dma_wait3A_361 = tpu.memref_slice %arg3[%add3A_275, %dma_wait3A_360] : memref<25000x128xi32, #tpu.memory_space<hbm>> -> memref<1x128xi32, #tpu.memory_space<hbm>>
      %dma_wait3A_362 = tpu.memref_squeeze %dma_wait3A_361 : memref<1x128xi32, #tpu.memory_space<hbm>> -> memref<128xi32, #tpu.memory_space<hbm>>
      %dma_wait3A_363 = arith.constant 0 : i32
      %dma_wait3A_364 = tpu.memref_slice %arg3[%add3A_275, %dma_wait3A_363] : memref<25000x128xi32, #tpu.memory_space<hbm>> -> memref<1x128xi32, #tpu.memory_space<hbm>>
      %dma_wait3A_365 = tpu.memref_squeeze %dma_wait3A_364 : memref<1x128xi32, #tpu.memory_space<hbm>> -> memref<128xi32, #tpu.memory_space<hbm>>
      tpu.wait_dma2 semaphore(%arg30 : memref<!tpu.dma_semaphore, #tpu.memory_space<semaphore_mem>>) src(%dma_wait3A_365 : memref<128xi32, #tpu.memory_space<hbm>>) dst(%arg19 : memref<128xi32, #tpu.memory_space<vmem>>)
      %dma_wait3A_366 = arith.constant 0 : i32
      %dma_wait3A_367 = tpu.memref_slice %arg3[%add3A_283, %dma_wait3A_366] : memref<25000x128xi32, #tpu.memory_space<hbm>> -> memref<1x128xi32, #tpu.memory_space<hbm>>
      %dma_wait3A_368 = tpu.memref_squeeze %dma_wait3A_367 : memref<1x128xi32, #tpu.memory_space<hbm>> -> memref<128xi32, #tpu.memory_space<hbm>>
      %dma_wait3A_369 = arith.constant 0 : i32
      %dma_wait3A_370 = tpu.memref_slice %arg3[%add3A_283, %dma_wait3A_369] : memref<25000x128xi32, #tpu.memory_space<hbm>> -> memref<1x128xi32, #tpu.memory_space<hbm>>
      %dma_wait3A_371 = tpu.memref_squeeze %dma_wait3A_370 : memref<1x128xi32, #tpu.memory_space<hbm>> -> memref<128xi32, #tpu.memory_space<hbm>>
      tpu.wait_dma2 semaphore(%arg30 : memref<!tpu.dma_semaphore, #tpu.memory_space<semaphore_mem>>) src(%dma_wait3A_371 : memref<128xi32, #tpu.memory_space<hbm>>) dst(%arg20 : memref<128xi32, #tpu.memory_space<vmem>>)
      %dma_wait3A_372 = arith.constant 0 : i32
      %dma_wait3A_373 = tpu.memref_slice %arg3[%add3A_291, %dma_wait3A_372] : memref<25000x128xi32, #tpu.memory_space<hbm>> -> memref<1x128xi32, #tpu.memory_space<hbm>>
      %dma_wait3A_374 = tpu.memref_squeeze %dma_wait3A_373 : memref<1x128xi32, #tpu.memory_space<hbm>> -> memref<128xi32, #tpu.memory_space<hbm>>
      %dma_wait3A_375 = arith.constant 0 : i32
      %dma_wait3A_376 = tpu.memref_slice %arg3[%add3A_291, %dma_wait3A_375] : memref<25000x128xi32, #tpu.memory_space<hbm>> -> memref<1x128xi32, #tpu.memory_space<hbm>>
      %dma_wait3A_377 = tpu.memref_squeeze %dma_wait3A_376 : memref<1x128xi32, #tpu.memory_space<hbm>> -> memref<128xi32, #tpu.memory_space<hbm>>
      tpu.wait_dma2 semaphore(%arg30 : memref<!tpu.dma_semaphore, #tpu.memory_space<semaphore_mem>>) src(%dma_wait3A_377 : memref<128xi32, #tpu.memory_space<hbm>>) dst(%arg21 : memref<128xi32, #tpu.memory_space<vmem>>)
      %dma_wait3A_378 = arith.constant 0 : i32
      %dma_wait3A_379 = tpu.memref_slice %arg3[%add3A_299, %dma_wait3A_378] : memref<25000x128xi32, #tpu.memory_space<hbm>> -> memref<1x128xi32, #tpu.memory_space<hbm>>
      %dma_wait3A_380 = tpu.memref_squeeze %dma_wait3A_379 : memref<1x128xi32, #tpu.memory_space<hbm>> -> memref<128xi32, #tpu.memory_space<hbm>>
      %dma_wait3A_381 = arith.constant 0 : i32
      %dma_wait3A_382 = tpu.memref_slice %arg3[%add3A_299, %dma_wait3A_381] : memref<25000x128xi32, #tpu.memory_space<hbm>> -> memref<1x128xi32, #tpu.memory_space<hbm>>
      %dma_wait3A_383 = tpu.memref_squeeze %dma_wait3A_382 : memref<1x128xi32, #tpu.memory_space<hbm>> -> memref<128xi32, #tpu.memory_space<hbm>>
      tpu.wait_dma2 semaphore(%arg30 : memref<!tpu.dma_semaphore, #tpu.memory_space<semaphore_mem>>) src(%dma_wait3A_383 : memref<128xi32, #tpu.memory_space<hbm>>) dst(%arg22 : memref<128xi32, #tpu.memory_space<vmem>>)
      %dma_wait3A_384 = arith.constant 0 : i32
      %dma_wait3A_385 = tpu.memref_slice %arg3[%add3A_307, %dma_wait3A_384] : memref<25000x128xi32, #tpu.memory_space<hbm>> -> memref<1x128xi32, #tpu.memory_space<hbm>>
      %dma_wait3A_386 = tpu.memref_squeeze %dma_wait3A_385 : memref<1x128xi32, #tpu.memory_space<hbm>> -> memref<128xi32, #tpu.memory_space<hbm>>
      %dma_wait3A_387 = arith.constant 0 : i32
      %dma_wait3A_388 = tpu.memref_slice %arg3[%add3A_307, %dma_wait3A_387] : memref<25000x128xi32, #tpu.memory_space<hbm>> -> memref<1x128xi32, #tpu.memory_space<hbm>>
      %dma_wait3A_389 = tpu.memref_squeeze %dma_wait3A_388 : memref<1x128xi32, #tpu.memory_space<hbm>> -> memref<128xi32, #tpu.memory_space<hbm>>
      tpu.wait_dma2 semaphore(%arg30 : memref<!tpu.dma_semaphore, #tpu.memory_space<semaphore_mem>>) src(%dma_wait3A_389 : memref<128xi32, #tpu.memory_space<hbm>>) dst(%arg23 : memref<128xi32, #tpu.memory_space<vmem>>)
      %dma_wait3A_390 = arith.constant 0 : i32
      %dma_wait3A_391 = tpu.memref_slice %arg3[%add3A_315, %dma_wait3A_390] : memref<25000x128xi32, #tpu.memory_space<hbm>> -> memref<1x128xi32, #tpu.memory_space<hbm>>
      %dma_wait3A_392 = tpu.memref_squeeze %dma_wait3A_391 : memref<1x128xi32, #tpu.memory_space<hbm>> -> memref<128xi32, #tpu.memory_space<hbm>>
      %dma_wait3A_393 = arith.constant 0 : i32
      %dma_wait3A_394 = tpu.memref_slice %arg3[%add3A_315, %dma_wait3A_393] : memref<25000x128xi32, #tpu.memory_space<hbm>> -> memref<1x128xi32, #tpu.memory_space<hbm>>
      %dma_wait3A_395 = tpu.memref_squeeze %dma_wait3A_394 : memref<1x128xi32, #tpu.memory_space<hbm>> -> memref<128xi32, #tpu.memory_space<hbm>>
      tpu.wait_dma2 semaphore(%arg30 : memref<!tpu.dma_semaphore, #tpu.memory_space<semaphore_mem>>) src(%dma_wait3A_395 : memref<128xi32, #tpu.memory_space<hbm>>) dst(%arg24 : memref<128xi32, #tpu.memory_space<vmem>>)
      %dma_wait3A_396 = arith.constant 0 : i32
      %dma_wait3A_397 = tpu.memref_slice %arg3[%add3A_323, %dma_wait3A_396] : memref<25000x128xi32, #tpu.memory_space<hbm>> -> memref<1x128xi32, #tpu.memory_space<hbm>>
      %dma_wait3A_398 = tpu.memref_squeeze %dma_wait3A_397 : memref<1x128xi32, #tpu.memory_space<hbm>> -> memref<128xi32, #tpu.memory_space<hbm>>
      %dma_wait3A_399 = arith.constant 0 : i32
      %dma_wait3A_400 = tpu.memref_slice %arg3[%add3A_323, %dma_wait3A_399] : memref<25000x128xi32, #tpu.memory_space<hbm>> -> memref<1x128xi32, #tpu.memory_space<hbm>>
      %dma_wait3A_401 = tpu.memref_squeeze %dma_wait3A_400 : memref<1x128xi32, #tpu.memory_space<hbm>> -> memref<128xi32, #tpu.memory_space<hbm>>
      tpu.wait_dma2 semaphore(%arg30 : memref<!tpu.dma_semaphore, #tpu.memory_space<semaphore_mem>>) src(%dma_wait3A_401 : memref<128xi32, #tpu.memory_space<hbm>>) dst(%arg25 : memref<128xi32, #tpu.memory_space<vmem>>)
      %dma_wait3A_402 = arith.constant 0 : i32
      %dma_wait3A_403 = tpu.memref_slice %arg3[%add3A_331, %dma_wait3A_402] : memref<25000x128xi32, #tpu.memory_space<hbm>> -> memref<1x128xi32, #tpu.memory_space<hbm>>
      %dma_wait3A_404 = tpu.memref_squeeze %dma_wait3A_403 : memref<1x128xi32, #tpu.memory_space<hbm>> -> memref<128xi32, #tpu.memory_space<hbm>>
      %dma_wait3A_405 = arith.constant 0 : i32
      %dma_wait3A_406 = tpu.memref_slice %arg3[%add3A_331, %dma_wait3A_405] : memref<25000x128xi32, #tpu.memory_space<hbm>> -> memref<1x128xi32, #tpu.memory_space<hbm>>
      %dma_wait3A_407 = tpu.memref_squeeze %dma_wait3A_406 : memref<1x128xi32, #tpu.memory_space<hbm>> -> memref<128xi32, #tpu.memory_space<hbm>>
      tpu.wait_dma2 semaphore(%arg30 : memref<!tpu.dma_semaphore, #tpu.memory_space<semaphore_mem>>) src(%dma_wait3A_407 : memref<128xi32, #tpu.memory_space<hbm>>) dst(%arg26 : memref<128xi32, #tpu.memory_space<vmem>>)
      %dma_wait3A_408 = arith.constant 0 : i32
      %dma_wait3A_409 = tpu.memref_slice %arg3[%add3A_339, %dma_wait3A_408] : memref<25000x128xi32, #tpu.memory_space<hbm>> -> memref<1x128xi32, #tpu.memory_space<hbm>>
      %dma_wait3A_410 = tpu.memref_squeeze %dma_wait3A_409 : memref<1x128xi32, #tpu.memory_space<hbm>> -> memref<128xi32, #tpu.memory_space<hbm>>
      %dma_wait3A_411 = arith.constant 0 : i32
      %dma_wait3A_412 = tpu.memref_slice %arg3[%add3A_339, %dma_wait3A_411] : memref<25000x128xi32, #tpu.memory_space<hbm>> -> memref<1x128xi32, #tpu.memory_space<hbm>>
      %dma_wait3A_413 = tpu.memref_squeeze %dma_wait3A_412 : memref<1x128xi32, #tpu.memory_space<hbm>> -> memref<128xi32, #tpu.memory_space<hbm>>
      tpu.wait_dma2 semaphore(%arg30 : memref<!tpu.dma_semaphore, #tpu.memory_space<semaphore_mem>>) src(%dma_wait3A_413 : memref<128xi32, #tpu.memory_space<hbm>>) dst(%arg27 : memref<128xi32, #tpu.memory_space<vmem>>)
      %dma_wait3A_414 = arith.constant 0 : i32
      %dma_wait3A_415 = tpu.memref_slice %arg3[%add3A_347, %dma_wait3A_414] : memref<25000x128xi32, #tpu.memory_space<hbm>> -> memref<1x128xi32, #tpu.memory_space<hbm>>
      %dma_wait3A_416 = tpu.memref_squeeze %dma_wait3A_415 : memref<1x128xi32, #tpu.memory_space<hbm>> -> memref<128xi32, #tpu.memory_space<hbm>>
      %dma_wait3A_417 = arith.constant 0 : i32
      %dma_wait3A_418 = tpu.memref_slice %arg3[%add3A_347, %dma_wait3A_417] : memref<25000x128xi32, #tpu.memory_space<hbm>> -> memref<1x128xi32, #tpu.memory_space<hbm>>
      %dma_wait3A_419 = tpu.memref_squeeze %dma_wait3A_418 : memref<1x128xi32, #tpu.memory_space<hbm>> -> memref<128xi32, #tpu.memory_space<hbm>>
      tpu.wait_dma2 semaphore(%arg30 : memref<!tpu.dma_semaphore, #tpu.memory_space<semaphore_mem>>) src(%dma_wait3A_419 : memref<128xi32, #tpu.memory_space<hbm>>) dst(%arg28 : memref<128xi32, #tpu.memory_space<vmem>>)
      %dma_wait3A_420 = arith.constant 0 : i32
      %dma_wait3A_421 = arith.constant 0 : i32
      %dma_wait3A_422 = arith.constant 0 : i32
      %dma_wait3A_423 = tpu.memref_slice %arg29[%dma_wait3A_420, %dma_wait3A_421, %dma_wait3A_422] : memref<11x128x16xf32, #tpu.memory_space<vmem>> -> memref<1x128x16xf32, #tpu.memory_space<vmem>>
      %dma_wait3A_424 = tpu.memref_squeeze %dma_wait3A_423 : memref<1x128x16xf32, #tpu.memory_space<vmem>> -> memref<128x16xf32, #tpu.memory_space<vmem>>
      %dma_wait3A_425 = arith.constant 0 : i32
      %dma_wait3A_426 = arith.constant 0 : i32
      %dma_wait3A_427 = tpu.memref_slice %arg4[%dma_wait3A_425, %dma_wait3A_426] : memref<100000x16xf32, #tpu.memory_space<hbm>> -> memref<100000x16xf32, #tpu.memory_space<hbm>>
      tpu.wait_indirect_dma semaphore(%arg31 : memref<!tpu.dma_semaphore, #tpu.memory_space<semaphore_mem>>) src(%dma_wait3A_427 : memref<100000x16xf32, #tpu.memory_space<hbm>>) dst(%dma_wait3A_424 : memref<128x16xf32, #tpu.memory_space<vmem>>)
      %dma_wait3A_428 = arith.constant 1 : i32
      %dma_wait3A_429 = arith.constant 0 : i32
      %dma_wait3A_430 = arith.constant 0 : i32
      %dma_wait3A_431 = tpu.memref_slice %arg29[%dma_wait3A_428, %dma_wait3A_429, %dma_wait3A_430] : memref<11x128x16xf32, #tpu.memory_space<vmem>> -> memref<1x128x16xf32, #tpu.memory_space<vmem>>
      %dma_wait3A_432 = tpu.memref_squeeze %dma_wait3A_431 : memref<1x128x16xf32, #tpu.memory_space<vmem>> -> memref<128x16xf32, #tpu.memory_space<vmem>>
      %dma_wait3A_433 = arith.constant 0 : i32
      %dma_wait3A_434 = arith.constant 0 : i32
      %dma_wait3A_435 = tpu.memref_slice %arg4[%dma_wait3A_433, %dma_wait3A_434] : memref<100000x16xf32, #tpu.memory_space<hbm>> -> memref<100000x16xf32, #tpu.memory_space<hbm>>
      tpu.wait_indirect_dma semaphore(%arg31 : memref<!tpu.dma_semaphore, #tpu.memory_space<semaphore_mem>>) src(%dma_wait3A_435 : memref<100000x16xf32, #tpu.memory_space<hbm>>) dst(%dma_wait3A_432 : memref<128x16xf32, #tpu.memory_space<vmem>>)
      %dma_wait3A_436 = arith.constant 2 : i32
      %dma_wait3A_437 = arith.constant 0 : i32
      %dma_wait3A_438 = arith.constant 0 : i32
      %dma_wait3A_439 = tpu.memref_slice %arg29[%dma_wait3A_436, %dma_wait3A_437, %dma_wait3A_438] : memref<11x128x16xf32, #tpu.memory_space<vmem>> -> memref<1x128x16xf32, #tpu.memory_space<vmem>>
      %dma_wait3A_440 = tpu.memref_squeeze %dma_wait3A_439 : memref<1x128x16xf32, #tpu.memory_space<vmem>> -> memref<128x16xf32, #tpu.memory_space<vmem>>
      %dma_wait3A_441 = arith.constant 0 : i32
      %dma_wait3A_442 = arith.constant 0 : i32
      %dma_wait3A_443 = tpu.memref_slice %arg4[%dma_wait3A_441, %dma_wait3A_442] : memref<100000x16xf32, #tpu.memory_space<hbm>> -> memref<100000x16xf32, #tpu.memory_space<hbm>>
      tpu.wait_indirect_dma semaphore(%arg31 : memref<!tpu.dma_semaphore, #tpu.memory_space<semaphore_mem>>) src(%dma_wait3A_443 : memref<100000x16xf32, #tpu.memory_space<hbm>>) dst(%dma_wait3A_440 : memref<128x16xf32, #tpu.memory_space<vmem>>)
      %dma_wait3A_444 = arith.constant 3 : i32
      %dma_wait3A_445 = arith.constant 0 : i32
      %dma_wait3A_446 = arith.constant 0 : i32
      %dma_wait3A_447 = tpu.memref_slice %arg29[%dma_wait3A_444, %dma_wait3A_445, %dma_wait3A_446] : memref<11x128x16xf32, #tpu.memory_space<vmem>> -> memref<1x128x16xf32, #tpu.memory_space<vmem>>
      %dma_wait3A_448 = tpu.memref_squeeze %dma_wait3A_447 : memref<1x128x16xf32, #tpu.memory_space<vmem>> -> memref<128x16xf32, #tpu.memory_space<vmem>>
      %dma_wait3A_449 = arith.constant 0 : i32
      %dma_wait3A_450 = arith.constant 0 : i32
      %dma_wait3A_451 = tpu.memref_slice %arg4[%dma_wait3A_449, %dma_wait3A_450] : memref<100000x16xf32, #tpu.memory_space<hbm>> -> memref<100000x16xf32, #tpu.memory_space<hbm>>
      tpu.wait_indirect_dma semaphore(%arg31 : memref<!tpu.dma_semaphore, #tpu.memory_space<semaphore_mem>>) src(%dma_wait3A_451 : memref<100000x16xf32, #tpu.memory_space<hbm>>) dst(%dma_wait3A_448 : memref<128x16xf32, #tpu.memory_space<vmem>>)
      %dma_wait3A_452 = arith.constant 4 : i32
      %dma_wait3A_453 = arith.constant 0 : i32
      %dma_wait3A_454 = arith.constant 0 : i32
      %dma_wait3A_455 = tpu.memref_slice %arg29[%dma_wait3A_452, %dma_wait3A_453, %dma_wait3A_454] : memref<11x128x16xf32, #tpu.memory_space<vmem>> -> memref<1x128x16xf32, #tpu.memory_space<vmem>>
      %dma_wait3A_456 = tpu.memref_squeeze %dma_wait3A_455 : memref<1x128x16xf32, #tpu.memory_space<vmem>> -> memref<128x16xf32, #tpu.memory_space<vmem>>
      %dma_wait3A_457 = arith.constant 0 : i32
      %dma_wait3A_458 = arith.constant 0 : i32
      %dma_wait3A_459 = tpu.memref_slice %arg4[%dma_wait3A_457, %dma_wait3A_458] : memref<100000x16xf32, #tpu.memory_space<hbm>> -> memref<100000x16xf32, #tpu.memory_space<hbm>>
      tpu.wait_indirect_dma semaphore(%arg31 : memref<!tpu.dma_semaphore, #tpu.memory_space<semaphore_mem>>) src(%dma_wait3A_459 : memref<100000x16xf32, #tpu.memory_space<hbm>>) dst(%dma_wait3A_456 : memref<128x16xf32, #tpu.memory_space<vmem>>)
      %dma_wait3A_460 = arith.constant 5 : i32
      %dma_wait3A_461 = arith.constant 0 : i32
      %dma_wait3A_462 = arith.constant 0 : i32
      %dma_wait3A_463 = tpu.memref_slice %arg29[%dma_wait3A_460, %dma_wait3A_461, %dma_wait3A_462] : memref<11x128x16xf32, #tpu.memory_space<vmem>> -> memref<1x128x16xf32, #tpu.memory_space<vmem>>
      %dma_wait3A_464 = tpu.memref_squeeze %dma_wait3A_463 : memref<1x128x16xf32, #tpu.memory_space<vmem>> -> memref<128x16xf32, #tpu.memory_space<vmem>>
      %dma_wait3A_465 = arith.constant 0 : i32
      %dma_wait3A_466 = arith.constant 0 : i32
      %dma_wait3A_467 = tpu.memref_slice %arg4[%dma_wait3A_465, %dma_wait3A_466] : memref<100000x16xf32, #tpu.memory_space<hbm>> -> memref<100000x16xf32, #tpu.memory_space<hbm>>
      tpu.wait_indirect_dma semaphore(%arg31 : memref<!tpu.dma_semaphore, #tpu.memory_space<semaphore_mem>>) src(%dma_wait3A_467 : memref<100000x16xf32, #tpu.memory_space<hbm>>) dst(%dma_wait3A_464 : memref<128x16xf32, #tpu.memory_space<vmem>>)
      %dma_wait3A_468 = arith.constant 6 : i32
      %dma_wait3A_469 = arith.constant 0 : i32
      %dma_wait3A_470 = arith.constant 0 : i32
      %dma_wait3A_471 = tpu.memref_slice %arg29[%dma_wait3A_468, %dma_wait3A_469, %dma_wait3A_470] : memref<11x128x16xf32, #tpu.memory_space<vmem>> -> memref<1x128x16xf32, #tpu.memory_space<vmem>>
      %dma_wait3A_472 = tpu.memref_squeeze %dma_wait3A_471 : memref<1x128x16xf32, #tpu.memory_space<vmem>> -> memref<128x16xf32, #tpu.memory_space<vmem>>
      %dma_wait3A_473 = arith.constant 0 : i32
      %dma_wait3A_474 = arith.constant 0 : i32
      %dma_wait3A_475 = tpu.memref_slice %arg4[%dma_wait3A_473, %dma_wait3A_474] : memref<100000x16xf32, #tpu.memory_space<hbm>> -> memref<100000x16xf32, #tpu.memory_space<hbm>>
      tpu.wait_indirect_dma semaphore(%arg31 : memref<!tpu.dma_semaphore, #tpu.memory_space<semaphore_mem>>) src(%dma_wait3A_475 : memref<100000x16xf32, #tpu.memory_space<hbm>>) dst(%dma_wait3A_472 : memref<128x16xf32, #tpu.memory_space<vmem>>)
      %dma_wait3A_476 = arith.constant 7 : i32
      %dma_wait3A_477 = arith.constant 0 : i32
      %dma_wait3A_478 = arith.constant 0 : i32
      %dma_wait3A_479 = tpu.memref_slice %arg29[%dma_wait3A_476, %dma_wait3A_477, %dma_wait3A_478] : memref<11x128x16xf32, #tpu.memory_space<vmem>> -> memref<1x128x16xf32, #tpu.memory_space<vmem>>
      %dma_wait3A_480 = tpu.memref_squeeze %dma_wait3A_479 : memref<1x128x16xf32, #tpu.memory_space<vmem>> -> memref<128x16xf32, #tpu.memory_space<vmem>>
      %dma_wait3A_481 = arith.constant 0 : i32
      %dma_wait3A_482 = arith.constant 0 : i32
      %dma_wait3A_483 = tpu.memref_slice %arg4[%dma_wait3A_481, %dma_wait3A_482] : memref<100000x16xf32, #tpu.memory_space<hbm>> -> memref<100000x16xf32, #tpu.memory_space<hbm>>
      tpu.wait_indirect_dma semaphore(%arg31 : memref<!tpu.dma_semaphore, #tpu.memory_space<semaphore_mem>>) src(%dma_wait3A_483 : memref<100000x16xf32, #tpu.memory_space<hbm>>) dst(%dma_wait3A_480 : memref<128x16xf32, #tpu.memory_space<vmem>>)
      %dma_wait3A_484 = arith.constant 8 : i32
      %dma_wait3A_485 = arith.constant 0 : i32
      %dma_wait3A_486 = arith.constant 0 : i32
      %dma_wait3A_487 = tpu.memref_slice %arg29[%dma_wait3A_484, %dma_wait3A_485, %dma_wait3A_486] : memref<11x128x16xf32, #tpu.memory_space<vmem>> -> memref<1x128x16xf32, #tpu.memory_space<vmem>>
      %dma_wait3A_488 = tpu.memref_squeeze %dma_wait3A_487 : memref<1x128x16xf32, #tpu.memory_space<vmem>> -> memref<128x16xf32, #tpu.memory_space<vmem>>
      %dma_wait3A_489 = arith.constant 0 : i32
      %dma_wait3A_490 = arith.constant 0 : i32
      %dma_wait3A_491 = tpu.memref_slice %arg4[%dma_wait3A_489, %dma_wait3A_490] : memref<100000x16xf32, #tpu.memory_space<hbm>> -> memref<100000x16xf32, #tpu.memory_space<hbm>>
      tpu.wait_indirect_dma semaphore(%arg31 : memref<!tpu.dma_semaphore, #tpu.memory_space<semaphore_mem>>) src(%dma_wait3A_491 : memref<100000x16xf32, #tpu.memory_space<hbm>>) dst(%dma_wait3A_488 : memref<128x16xf32, #tpu.memory_space<vmem>>)
      %dma_wait3A_492 = arith.constant 9 : i32
      %dma_wait3A_493 = arith.constant 0 : i32
      %dma_wait3A_494 = arith.constant 0 : i32
      %dma_wait3A_495 = tpu.memref_slice %arg29[%dma_wait3A_492, %dma_wait3A_493, %dma_wait3A_494] : memref<11x128x16xf32, #tpu.memory_space<vmem>> -> memref<1x128x16xf32, #tpu.memory_space<vmem>>
      %dma_wait3A_496 = tpu.memref_squeeze %dma_wait3A_495 : memref<1x128x16xf32, #tpu.memory_space<vmem>> -> memref<128x16xf32, #tpu.memory_space<vmem>>
      %dma_wait3A_497 = arith.constant 0 : i32
      %dma_wait3A_498 = arith.constant 0 : i32
      %dma_wait3A_499 = tpu.memref_slice %arg4[%dma_wait3A_497, %dma_wait3A_498] : memref<100000x16xf32, #tpu.memory_space<hbm>> -> memref<100000x16xf32, #tpu.memory_space<hbm>>
      tpu.wait_indirect_dma semaphore(%arg31 : memref<!tpu.dma_semaphore, #tpu.memory_space<semaphore_mem>>) src(%dma_wait3A_499 : memref<100000x16xf32, #tpu.memory_space<hbm>>) dst(%dma_wait3A_496 : memref<128x16xf32, #tpu.memory_space<vmem>>)
      %dma_wait3A_500 = arith.constant 10 : i32
      %dma_wait3A_501 = arith.constant 0 : i32
      %dma_wait3A_502 = arith.constant 0 : i32
      %dma_wait3A_503 = tpu.memref_slice %arg29[%dma_wait3A_500, %dma_wait3A_501, %dma_wait3A_502] : memref<11x128x16xf32, #tpu.memory_space<vmem>> -> memref<1x128x16xf32, #tpu.memory_space<vmem>>
      %dma_wait3A_504 = tpu.memref_squeeze %dma_wait3A_503 : memref<1x128x16xf32, #tpu.memory_space<vmem>> -> memref<128x16xf32, #tpu.memory_space<vmem>>
      %dma_wait3A_505 = arith.constant 0 : i32
      %dma_wait3A_506 = arith.constant 0 : i32
      %dma_wait3A_507 = tpu.memref_slice %arg4[%dma_wait3A_505, %dma_wait3A_506] : memref<100000x16xf32, #tpu.memory_space<hbm>> -> memref<100000x16xf32, #tpu.memory_space<hbm>>
      tpu.wait_indirect_dma semaphore(%arg31 : memref<!tpu.dma_semaphore, #tpu.memory_space<semaphore_mem>>) src(%dma_wait3A_507 : memref<100000x16xf32, #tpu.memory_space<hbm>>) dst(%dma_wait3A_504 : memref<128x16xf32, #tpu.memory_space<vmem>>)
      %dma_start3A_508 = arith.constant 0 : i32
      %dma_start3A_509 = arith.constant 0 : i32
      %dma_start3A_510 = arith.constant 0 : i32
      %dma_start3A_511 = tpu.memref_slice %arg29[%dma_start3A_508, %dma_start3A_509, %dma_start3A_510] : memref<11x128x16xf32, #tpu.memory_space<vmem>> -> memref<1x128x16xf32, #tpu.memory_space<vmem>>
      %dma_start3A_512 = tpu.memref_squeeze %dma_start3A_511 : memref<1x128x16xf32, #tpu.memory_space<vmem>> -> memref<128x16xf32, #tpu.memory_space<vmem>>
      %dma_start3A_513 = arith.constant 0 : i32
      %dma_start3A_514 = arith.constant 0 : i32
      %dma_start3A_515 = tpu.memref_slice %arg33[%dma_start3A_513, %dma_start3A_514] : memref<100000x16xf32, #tpu.memory_space<vmem_shared>> -> memref<100000x16xf32, #tpu.memory_space<vmem_shared>>
      tpu.enqueue_indirect_dma source(%dma_start3A_512 : memref<128x16xf32, #tpu.memory_space<vmem>>) target(%dma_start3A_515 : memref<100000x16xf32, #tpu.memory_space<vmem_shared>>) offsets(%arg18 : memref<128xi32, #tpu.memory_space<vmem>>) semaphore(%arg32 : memref<!tpu.dma_semaphore, #tpu.memory_space<semaphore_mem>>) {add = true}
      %dma_start3A_516 = arith.constant 1 : i32
      %dma_start3A_517 = arith.constant 0 : i32
      %dma_start3A_518 = arith.constant 0 : i32
      %dma_start3A_519 = tpu.memref_slice %arg29[%dma_start3A_516, %dma_start3A_517, %dma_start3A_518] : memref<11x128x16xf32, #tpu.memory_space<vmem>> -> memref<1x128x16xf32, #tpu.memory_space<vmem>>
      %dma_start3A_520 = tpu.memref_squeeze %dma_start3A_519 : memref<1x128x16xf32, #tpu.memory_space<vmem>> -> memref<128x16xf32, #tpu.memory_space<vmem>>
      %dma_start3A_521 = arith.constant 0 : i32
      %dma_start3A_522 = arith.constant 0 : i32
      %dma_start3A_523 = tpu.memref_slice %arg33[%dma_start3A_521, %dma_start3A_522] : memref<100000x16xf32, #tpu.memory_space<vmem_shared>> -> memref<100000x16xf32, #tpu.memory_space<vmem_shared>>
      tpu.enqueue_indirect_dma source(%dma_start3A_520 : memref<128x16xf32, #tpu.memory_space<vmem>>) target(%dma_start3A_523 : memref<100000x16xf32, #tpu.memory_space<vmem_shared>>) offsets(%arg19 : memref<128xi32, #tpu.memory_space<vmem>>) semaphore(%arg32 : memref<!tpu.dma_semaphore, #tpu.memory_space<semaphore_mem>>) {add = true}
      %dma_start3A_524 = arith.constant 2 : i32
      %dma_start3A_525 = arith.constant 0 : i32
      %dma_start3A_526 = arith.constant 0 : i32
      %dma_start3A_527 = tpu.memref_slice %arg29[%dma_start3A_524, %dma_start3A_525, %dma_start3A_526] : memref<11x128x16xf32, #tpu.memory_space<vmem>> -> memref<1x128x16xf32, #tpu.memory_space<vmem>>
      %dma_start3A_528 = tpu.memref_squeeze %dma_start3A_527 : memref<1x128x16xf32, #tpu.memory_space<vmem>> -> memref<128x16xf32, #tpu.memory_space<vmem>>
      %dma_start3A_529 = arith.constant 0 : i32
      %dma_start3A_530 = arith.constant 0 : i32
      %dma_start3A_531 = tpu.memref_slice %arg33[%dma_start3A_529, %dma_start3A_530] : memref<100000x16xf32, #tpu.memory_space<vmem_shared>> -> memref<100000x16xf32, #tpu.memory_space<vmem_shared>>
      tpu.enqueue_indirect_dma source(%dma_start3A_528 : memref<128x16xf32, #tpu.memory_space<vmem>>) target(%dma_start3A_531 : memref<100000x16xf32, #tpu.memory_space<vmem_shared>>) offsets(%arg20 : memref<128xi32, #tpu.memory_space<vmem>>) semaphore(%arg32 : memref<!tpu.dma_semaphore, #tpu.memory_space<semaphore_mem>>) {add = true}
      %dma_start3A_532 = arith.constant 3 : i32
      %dma_start3A_533 = arith.constant 0 : i32
      %dma_start3A_534 = arith.constant 0 : i32
      %dma_start3A_535 = tpu.memref_slice %arg29[%dma_start3A_532, %dma_start3A_533, %dma_start3A_534] : memref<11x128x16xf32, #tpu.memory_space<vmem>> -> memref<1x128x16xf32, #tpu.memory_space<vmem>>
      %dma_start3A_536 = tpu.memref_squeeze %dma_start3A_535 : memref<1x128x16xf32, #tpu.memory_space<vmem>> -> memref<128x16xf32, #tpu.memory_space<vmem>>
      %dma_start3A_537 = arith.constant 0 : i32
      %dma_start3A_538 = arith.constant 0 : i32
      %dma_start3A_539 = tpu.memref_slice %arg33[%dma_start3A_537, %dma_start3A_538] : memref<100000x16xf32, #tpu.memory_space<vmem_shared>> -> memref<100000x16xf32, #tpu.memory_space<vmem_shared>>
      tpu.enqueue_indirect_dma source(%dma_start3A_536 : memref<128x16xf32, #tpu.memory_space<vmem>>) target(%dma_start3A_539 : memref<100000x16xf32, #tpu.memory_space<vmem_shared>>) offsets(%arg21 : memref<128xi32, #tpu.memory_space<vmem>>) semaphore(%arg32 : memref<!tpu.dma_semaphore, #tpu.memory_space<semaphore_mem>>) {add = true}
      %dma_start3A_540 = arith.constant 4 : i32
      %dma_start3A_541 = arith.constant 0 : i32
      %dma_start3A_542 = arith.constant 0 : i32
      %dma_start3A_543 = tpu.memref_slice %arg29[%dma_start3A_540, %dma_start3A_541, %dma_start3A_542] : memref<11x128x16xf32, #tpu.memory_space<vmem>> -> memref<1x128x16xf32, #tpu.memory_space<vmem>>
      %dma_start3A_544 = tpu.memref_squeeze %dma_start3A_543 : memref<1x128x16xf32, #tpu.memory_space<vmem>> -> memref<128x16xf32, #tpu.memory_space<vmem>>
      %dma_start3A_545 = arith.constant 0 : i32
      %dma_start3A_546 = arith.constant 0 : i32
      %dma_start3A_547 = tpu.memref_slice %arg33[%dma_start3A_545, %dma_start3A_546] : memref<100000x16xf32, #tpu.memory_space<vmem_shared>> -> memref<100000x16xf32, #tpu.memory_space<vmem_shared>>
      tpu.enqueue_indirect_dma source(%dma_start3A_544 : memref<128x16xf32, #tpu.memory_space<vmem>>) target(%dma_start3A_547 : memref<100000x16xf32, #tpu.memory_space<vmem_shared>>) offsets(%arg22 : memref<128xi32, #tpu.memory_space<vmem>>) semaphore(%arg32 : memref<!tpu.dma_semaphore, #tpu.memory_space<semaphore_mem>>) {add = true}
      %dma_start3A_548 = arith.constant 5 : i32
      %dma_start3A_549 = arith.constant 0 : i32
      %dma_start3A_550 = arith.constant 0 : i32
      %dma_start3A_551 = tpu.memref_slice %arg29[%dma_start3A_548, %dma_start3A_549, %dma_start3A_550] : memref<11x128x16xf32, #tpu.memory_space<vmem>> -> memref<1x128x16xf32, #tpu.memory_space<vmem>>
      %dma_start3A_552 = tpu.memref_squeeze %dma_start3A_551 : memref<1x128x16xf32, #tpu.memory_space<vmem>> -> memref<128x16xf32, #tpu.memory_space<vmem>>
      %dma_start3A_553 = arith.constant 0 : i32
      %dma_start3A_554 = arith.constant 0 : i32
      %dma_start3A_555 = tpu.memref_slice %arg33[%dma_start3A_553, %dma_start3A_554] : memref<100000x16xf32, #tpu.memory_space<vmem_shared>> -> memref<100000x16xf32, #tpu.memory_space<vmem_shared>>
      tpu.enqueue_indirect_dma source(%dma_start3A_552 : memref<128x16xf32, #tpu.memory_space<vmem>>) target(%dma_start3A_555 : memref<100000x16xf32, #tpu.memory_space<vmem_shared>>) offsets(%arg23 : memref<128xi32, #tpu.memory_space<vmem>>) semaphore(%arg32 : memref<!tpu.dma_semaphore, #tpu.memory_space<semaphore_mem>>) {add = true}
      %dma_start3A_556 = arith.constant 6 : i32
      %dma_start3A_557 = arith.constant 0 : i32
      %dma_start3A_558 = arith.constant 0 : i32
      %dma_start3A_559 = tpu.memref_slice %arg29[%dma_start3A_556, %dma_start3A_557, %dma_start3A_558] : memref<11x128x16xf32, #tpu.memory_space<vmem>> -> memref<1x128x16xf32, #tpu.memory_space<vmem>>
      %dma_start3A_560 = tpu.memref_squeeze %dma_start3A_559 : memref<1x128x16xf32, #tpu.memory_space<vmem>> -> memref<128x16xf32, #tpu.memory_space<vmem>>
      %dma_start3A_561 = arith.constant 0 : i32
      %dma_start3A_562 = arith.constant 0 : i32
      %dma_start3A_563 = tpu.memref_slice %arg33[%dma_start3A_561, %dma_start3A_562] : memref<100000x16xf32, #tpu.memory_space<vmem_shared>> -> memref<100000x16xf32, #tpu.memory_space<vmem_shared>>
      tpu.enqueue_indirect_dma source(%dma_start3A_560 : memref<128x16xf32, #tpu.memory_space<vmem>>) target(%dma_start3A_563 : memref<100000x16xf32, #tpu.memory_space<vmem_shared>>) offsets(%arg24 : memref<128xi32, #tpu.memory_space<vmem>>) semaphore(%arg32 : memref<!tpu.dma_semaphore, #tpu.memory_space<semaphore_mem>>) {add = true}
      %dma_start3A_564 = arith.constant 7 : i32
      %dma_start3A_565 = arith.constant 0 : i32
      %dma_start3A_566 = arith.constant 0 : i32
      %dma_start3A_567 = tpu.memref_slice %arg29[%dma_start3A_564, %dma_start3A_565, %dma_start3A_566] : memref<11x128x16xf32, #tpu.memory_space<vmem>> -> memref<1x128x16xf32, #tpu.memory_space<vmem>>
      %dma_start3A_568 = tpu.memref_squeeze %dma_start3A_567 : memref<1x128x16xf32, #tpu.memory_space<vmem>> -> memref<128x16xf32, #tpu.memory_space<vmem>>
      %dma_start3A_569 = arith.constant 0 : i32
      %dma_start3A_570 = arith.constant 0 : i32
      %dma_start3A_571 = tpu.memref_slice %arg33[%dma_start3A_569, %dma_start3A_570] : memref<100000x16xf32, #tpu.memory_space<vmem_shared>> -> memref<100000x16xf32, #tpu.memory_space<vmem_shared>>
      tpu.enqueue_indirect_dma source(%dma_start3A_568 : memref<128x16xf32, #tpu.memory_space<vmem>>) target(%dma_start3A_571 : memref<100000x16xf32, #tpu.memory_space<vmem_shared>>) offsets(%arg25 : memref<128xi32, #tpu.memory_space<vmem>>) semaphore(%arg32 : memref<!tpu.dma_semaphore, #tpu.memory_space<semaphore_mem>>) {add = true}
      %dma_start3A_572 = arith.constant 8 : i32
      %dma_start3A_573 = arith.constant 0 : i32
      %dma_start3A_574 = arith.constant 0 : i32
      %dma_start3A_575 = tpu.memref_slice %arg29[%dma_start3A_572, %dma_start3A_573, %dma_start3A_574] : memref<11x128x16xf32, #tpu.memory_space<vmem>> -> memref<1x128x16xf32, #tpu.memory_space<vmem>>
      %dma_start3A_576 = tpu.memref_squeeze %dma_start3A_575 : memref<1x128x16xf32, #tpu.memory_space<vmem>> -> memref<128x16xf32, #tpu.memory_space<vmem>>
      %dma_start3A_577 = arith.constant 0 : i32
      %dma_start3A_578 = arith.constant 0 : i32
      %dma_start3A_579 = tpu.memref_slice %arg33[%dma_start3A_577, %dma_start3A_578] : memref<100000x16xf32, #tpu.memory_space<vmem_shared>> -> memref<100000x16xf32, #tpu.memory_space<vmem_shared>>
      tpu.enqueue_indirect_dma source(%dma_start3A_576 : memref<128x16xf32, #tpu.memory_space<vmem>>) target(%dma_start3A_579 : memref<100000x16xf32, #tpu.memory_space<vmem_shared>>) offsets(%arg26 : memref<128xi32, #tpu.memory_space<vmem>>) semaphore(%arg32 : memref<!tpu.dma_semaphore, #tpu.memory_space<semaphore_mem>>) {add = true}
      %dma_start3A_580 = arith.constant 9 : i32
      %dma_start3A_581 = arith.constant 0 : i32
      %dma_start3A_582 = arith.constant 0 : i32
      %dma_start3A_583 = tpu.memref_slice %arg29[%dma_start3A_580, %dma_start3A_581, %dma_start3A_582] : memref<11x128x16xf32, #tpu.memory_space<vmem>> -> memref<1x128x16xf32, #tpu.memory_space<vmem>>
      %dma_start3A_584 = tpu.memref_squeeze %dma_start3A_583 : memref<1x128x16xf32, #tpu.memory_space<vmem>> -> memref<128x16xf32, #tpu.memory_space<vmem>>
      %dma_start3A_585 = arith.constant 0 : i32
      %dma_start3A_586 = arith.constant 0 : i32
      %dma_start3A_587 = tpu.memref_slice %arg33[%dma_start3A_585, %dma_start3A_586] : memref<100000x16xf32, #tpu.memory_space<vmem_shared>> -> memref<100000x16xf32, #tpu.memory_space<vmem_shared>>
      tpu.enqueue_indirect_dma source(%dma_start3A_584 : memref<128x16xf32, #tpu.memory_space<vmem>>) target(%dma_start3A_587 : memref<100000x16xf32, #tpu.memory_space<vmem_shared>>) offsets(%arg27 : memref<128xi32, #tpu.memory_space<vmem>>) semaphore(%arg32 : memref<!tpu.dma_semaphore, #tpu.memory_space<semaphore_mem>>) {add = true}
      %dma_start3A_588 = arith.constant 10 : i32
      %dma_start3A_589 = arith.constant 0 : i32
      %dma_start3A_590 = arith.constant 0 : i32
      %dma_start3A_591 = tpu.memref_slice %arg29[%dma_start3A_588, %dma_start3A_589, %dma_start3A_590] : memref<11x128x16xf32, #tpu.memory_space<vmem>> -> memref<1x128x16xf32, #tpu.memory_space<vmem>>
      %dma_start3A_592 = tpu.memref_squeeze %dma_start3A_591 : memref<1x128x16xf32, #tpu.memory_space<vmem>> -> memref<128x16xf32, #tpu.memory_space<vmem>>
      %dma_start3A_593 = arith.constant 0 : i32
      %dma_start3A_594 = arith.constant 0 : i32
      %dma_start3A_595 = tpu.memref_slice %arg33[%dma_start3A_593, %dma_start3A_594] : memref<100000x16xf32, #tpu.memory_space<vmem_shared>> -> memref<100000x16xf32, #tpu.memory_space<vmem_shared>>
      tpu.enqueue_indirect_dma source(%dma_start3A_592 : memref<128x16xf32, #tpu.memory_space<vmem>>) target(%dma_start3A_595 : memref<100000x16xf32, #tpu.memory_space<vmem_shared>>) offsets(%arg28 : memref<128xi32, #tpu.memory_space<vmem>>) semaphore(%arg32 : memref<!tpu.dma_semaphore, #tpu.memory_space<semaphore_mem>>) {add = true}
      %dma_wait3A_596 = arith.constant 0 : i32
      %dma_wait3A_597 = arith.constant 0 : i32
      %dma_wait3A_598 = arith.constant 0 : i32
      %dma_wait3A_599 = tpu.memref_slice %arg29[%dma_wait3A_596, %dma_wait3A_597, %dma_wait3A_598] : memref<11x128x16xf32, #tpu.memory_space<vmem>> -> memref<1x128x16xf32, #tpu.memory_space<vmem>>
      %dma_wait3A_600 = tpu.memref_squeeze %dma_wait3A_599 : memref<1x128x16xf32, #tpu.memory_space<vmem>> -> memref<128x16xf32, #tpu.memory_space<vmem>>
      %dma_wait3A_601 = arith.constant 0 : i32
      %dma_wait3A_602 = arith.constant 0 : i32
      %dma_wait3A_603 = tpu.memref_slice %arg33[%dma_wait3A_601, %dma_wait3A_602] : memref<100000x16xf32, #tpu.memory_space<vmem_shared>> -> memref<100000x16xf32, #tpu.memory_space<vmem_shared>>
      tpu.wait_indirect_dma semaphore(%arg32 : memref<!tpu.dma_semaphore, #tpu.memory_space<semaphore_mem>>) src(%dma_wait3A_600 : memref<128x16xf32, #tpu.memory_space<vmem>>) dst(%dma_wait3A_603 : memref<100000x16xf32, #tpu.memory_space<vmem_shared>>)
      %dma_wait3A_604 = arith.constant 1 : i32
      %dma_wait3A_605 = arith.constant 0 : i32
      %dma_wait3A_606 = arith.constant 0 : i32
      %dma_wait3A_607 = tpu.memref_slice %arg29[%dma_wait3A_604, %dma_wait3A_605, %dma_wait3A_606] : memref<11x128x16xf32, #tpu.memory_space<vmem>> -> memref<1x128x16xf32, #tpu.memory_space<vmem>>
      %dma_wait3A_608 = tpu.memref_squeeze %dma_wait3A_607 : memref<1x128x16xf32, #tpu.memory_space<vmem>> -> memref<128x16xf32, #tpu.memory_space<vmem>>
      %dma_wait3A_609 = arith.constant 0 : i32
      %dma_wait3A_610 = arith.constant 0 : i32
      %dma_wait3A_611 = tpu.memref_slice %arg33[%dma_wait3A_609, %dma_wait3A_610] : memref<100000x16xf32, #tpu.memory_space<vmem_shared>> -> memref<100000x16xf32, #tpu.memory_space<vmem_shared>>
      tpu.wait_indirect_dma semaphore(%arg32 : memref<!tpu.dma_semaphore, #tpu.memory_space<semaphore_mem>>) src(%dma_wait3A_608 : memref<128x16xf32, #tpu.memory_space<vmem>>) dst(%dma_wait3A_611 : memref<100000x16xf32, #tpu.memory_space<vmem_shared>>)
      %dma_wait3A_612 = arith.constant 2 : i32
      %dma_wait3A_613 = arith.constant 0 : i32
      %dma_wait3A_614 = arith.constant 0 : i32
      %dma_wait3A_615 = tpu.memref_slice %arg29[%dma_wait3A_612, %dma_wait3A_613, %dma_wait3A_614] : memref<11x128x16xf32, #tpu.memory_space<vmem>> -> memref<1x128x16xf32, #tpu.memory_space<vmem>>
      %dma_wait3A_616 = tpu.memref_squeeze %dma_wait3A_615 : memref<1x128x16xf32, #tpu.memory_space<vmem>> -> memref<128x16xf32, #tpu.memory_space<vmem>>
      %dma_wait3A_617 = arith.constant 0 : i32
      %dma_wait3A_618 = arith.constant 0 : i32
      %dma_wait3A_619 = tpu.memref_slice %arg33[%dma_wait3A_617, %dma_wait3A_618] : memref<100000x16xf32, #tpu.memory_space<vmem_shared>> -> memref<100000x16xf32, #tpu.memory_space<vmem_shared>>
      tpu.wait_indirect_dma semaphore(%arg32 : memref<!tpu.dma_semaphore, #tpu.memory_space<semaphore_mem>>) src(%dma_wait3A_616 : memref<128x16xf32, #tpu.memory_space<vmem>>) dst(%dma_wait3A_619 : memref<100000x16xf32, #tpu.memory_space<vmem_shared>>)
      %dma_wait3A_620 = arith.constant 3 : i32
      %dma_wait3A_621 = arith.constant 0 : i32
      %dma_wait3A_622 = arith.constant 0 : i32
      %dma_wait3A_623 = tpu.memref_slice %arg29[%dma_wait3A_620, %dma_wait3A_621, %dma_wait3A_622] : memref<11x128x16xf32, #tpu.memory_space<vmem>> -> memref<1x128x16xf32, #tpu.memory_space<vmem>>
      %dma_wait3A_624 = tpu.memref_squeeze %dma_wait3A_623 : memref<1x128x16xf32, #tpu.memory_space<vmem>> -> memref<128x16xf32, #tpu.memory_space<vmem>>
      %dma_wait3A_625 = arith.constant 0 : i32
      %dma_wait3A_626 = arith.constant 0 : i32
      %dma_wait3A_627 = tpu.memref_slice %arg33[%dma_wait3A_625, %dma_wait3A_626] : memref<100000x16xf32, #tpu.memory_space<vmem_shared>> -> memref<100000x16xf32, #tpu.memory_space<vmem_shared>>
      tpu.wait_indirect_dma semaphore(%arg32 : memref<!tpu.dma_semaphore, #tpu.memory_space<semaphore_mem>>) src(%dma_wait3A_624 : memref<128x16xf32, #tpu.memory_space<vmem>>) dst(%dma_wait3A_627 : memref<100000x16xf32, #tpu.memory_space<vmem_shared>>)
      %dma_wait3A_628 = arith.constant 4 : i32
      %dma_wait3A_629 = arith.constant 0 : i32
      %dma_wait3A_630 = arith.constant 0 : i32
      %dma_wait3A_631 = tpu.memref_slice %arg29[%dma_wait3A_628, %dma_wait3A_629, %dma_wait3A_630] : memref<11x128x16xf32, #tpu.memory_space<vmem>> -> memref<1x128x16xf32, #tpu.memory_space<vmem>>
      %dma_wait3A_632 = tpu.memref_squeeze %dma_wait3A_631 : memref<1x128x16xf32, #tpu.memory_space<vmem>> -> memref<128x16xf32, #tpu.memory_space<vmem>>
      %dma_wait3A_633 = arith.constant 0 : i32
      %dma_wait3A_634 = arith.constant 0 : i32
      %dma_wait3A_635 = tpu.memref_slice %arg33[%dma_wait3A_633, %dma_wait3A_634] : memref<100000x16xf32, #tpu.memory_space<vmem_shared>> -> memref<100000x16xf32, #tpu.memory_space<vmem_shared>>
      tpu.wait_indirect_dma semaphore(%arg32 : memref<!tpu.dma_semaphore, #tpu.memory_space<semaphore_mem>>) src(%dma_wait3A_632 : memref<128x16xf32, #tpu.memory_space<vmem>>) dst(%dma_wait3A_635 : memref<100000x16xf32, #tpu.memory_space<vmem_shared>>)
      %dma_wait3A_636 = arith.constant 5 : i32
      %dma_wait3A_637 = arith.constant 0 : i32
      %dma_wait3A_638 = arith.constant 0 : i32
      %dma_wait3A_639 = tpu.memref_slice %arg29[%dma_wait3A_636, %dma_wait3A_637, %dma_wait3A_638] : memref<11x128x16xf32, #tpu.memory_space<vmem>> -> memref<1x128x16xf32, #tpu.memory_space<vmem>>
      %dma_wait3A_640 = tpu.memref_squeeze %dma_wait3A_639 : memref<1x128x16xf32, #tpu.memory_space<vmem>> -> memref<128x16xf32, #tpu.memory_space<vmem>>
      %dma_wait3A_641 = arith.constant 0 : i32
      %dma_wait3A_642 = arith.constant 0 : i32
      %dma_wait3A_643 = tpu.memref_slice %arg33[%dma_wait3A_641, %dma_wait3A_642] : memref<100000x16xf32, #tpu.memory_space<vmem_shared>> -> memref<100000x16xf32, #tpu.memory_space<vmem_shared>>
      tpu.wait_indirect_dma semaphore(%arg32 : memref<!tpu.dma_semaphore, #tpu.memory_space<semaphore_mem>>) src(%dma_wait3A_640 : memref<128x16xf32, #tpu.memory_space<vmem>>) dst(%dma_wait3A_643 : memref<100000x16xf32, #tpu.memory_space<vmem_shared>>)
      %dma_wait3A_644 = arith.constant 6 : i32
      %dma_wait3A_645 = arith.constant 0 : i32
      %dma_wait3A_646 = arith.constant 0 : i32
      %dma_wait3A_647 = tpu.memref_slice %arg29[%dma_wait3A_644, %dma_wait3A_645, %dma_wait3A_646] : memref<11x128x16xf32, #tpu.memory_space<vmem>> -> memref<1x128x16xf32, #tpu.memory_space<vmem>>
      %dma_wait3A_648 = tpu.memref_squeeze %dma_wait3A_647 : memref<1x128x16xf32, #tpu.memory_space<vmem>> -> memref<128x16xf32, #tpu.memory_space<vmem>>
      %dma_wait3A_649 = arith.constant 0 : i32
      %dma_wait3A_650 = arith.constant 0 : i32
      %dma_wait3A_651 = tpu.memref_slice %arg33[%dma_wait3A_649, %dma_wait3A_650] : memref<100000x16xf32, #tpu.memory_space<vmem_shared>> -> memref<100000x16xf32, #tpu.memory_space<vmem_shared>>
      tpu.wait_indirect_dma semaphore(%arg32 : memref<!tpu.dma_semaphore, #tpu.memory_space<semaphore_mem>>) src(%dma_wait3A_648 : memref<128x16xf32, #tpu.memory_space<vmem>>) dst(%dma_wait3A_651 : memref<100000x16xf32, #tpu.memory_space<vmem_shared>>)
      %dma_wait3A_652 = arith.constant 7 : i32
      %dma_wait3A_653 = arith.constant 0 : i32
      %dma_wait3A_654 = arith.constant 0 : i32
      %dma_wait3A_655 = tpu.memref_slice %arg29[%dma_wait3A_652, %dma_wait3A_653, %dma_wait3A_654] : memref<11x128x16xf32, #tpu.memory_space<vmem>> -> memref<1x128x16xf32, #tpu.memory_space<vmem>>
      %dma_wait3A_656 = tpu.memref_squeeze %dma_wait3A_655 : memref<1x128x16xf32, #tpu.memory_space<vmem>> -> memref<128x16xf32, #tpu.memory_space<vmem>>
      %dma_wait3A_657 = arith.constant 0 : i32
      %dma_wait3A_658 = arith.constant 0 : i32
      %dma_wait3A_659 = tpu.memref_slice %arg33[%dma_wait3A_657, %dma_wait3A_658] : memref<100000x16xf32, #tpu.memory_space<vmem_shared>> -> memref<100000x16xf32, #tpu.memory_space<vmem_shared>>
      tpu.wait_indirect_dma semaphore(%arg32 : memref<!tpu.dma_semaphore, #tpu.memory_space<semaphore_mem>>) src(%dma_wait3A_656 : memref<128x16xf32, #tpu.memory_space<vmem>>) dst(%dma_wait3A_659 : memref<100000x16xf32, #tpu.memory_space<vmem_shared>>)
      %dma_wait3A_660 = arith.constant 8 : i32
      %dma_wait3A_661 = arith.constant 0 : i32
      %dma_wait3A_662 = arith.constant 0 : i32
      %dma_wait3A_663 = tpu.memref_slice %arg29[%dma_wait3A_660, %dma_wait3A_661, %dma_wait3A_662] : memref<11x128x16xf32, #tpu.memory_space<vmem>> -> memref<1x128x16xf32, #tpu.memory_space<vmem>>
      %dma_wait3A_664 = tpu.memref_squeeze %dma_wait3A_663 : memref<1x128x16xf32, #tpu.memory_space<vmem>> -> memref<128x16xf32, #tpu.memory_space<vmem>>
      %dma_wait3A_665 = arith.constant 0 : i32
      %dma_wait3A_666 = arith.constant 0 : i32
      %dma_wait3A_667 = tpu.memref_slice %arg33[%dma_wait3A_665, %dma_wait3A_666] : memref<100000x16xf32, #tpu.memory_space<vmem_shared>> -> memref<100000x16xf32, #tpu.memory_space<vmem_shared>>
      tpu.wait_indirect_dma semaphore(%arg32 : memref<!tpu.dma_semaphore, #tpu.memory_space<semaphore_mem>>) src(%dma_wait3A_664 : memref<128x16xf32, #tpu.memory_space<vmem>>) dst(%dma_wait3A_667 : memref<100000x16xf32, #tpu.memory_space<vmem_shared>>)
      %dma_wait3A_668 = arith.constant 9 : i32
      %dma_wait3A_669 = arith.constant 0 : i32
      %dma_wait3A_670 = arith.constant 0 : i32
      %dma_wait3A_671 = tpu.memref_slice %arg29[%dma_wait3A_668, %dma_wait3A_669, %dma_wait3A_670] : memref<11x128x16xf32, #tpu.memory_space<vmem>> -> memref<1x128x16xf32, #tpu.memory_space<vmem>>
      %dma_wait3A_672 = tpu.memref_squeeze %dma_wait3A_671 : memref<1x128x16xf32, #tpu.memory_space<vmem>> -> memref<128x16xf32, #tpu.memory_space<vmem>>
      %dma_wait3A_673 = arith.constant 0 : i32
      %dma_wait3A_674 = arith.constant 0 : i32
      %dma_wait3A_675 = tpu.memref_slice %arg33[%dma_wait3A_673, %dma_wait3A_674] : memref<100000x16xf32, #tpu.memory_space<vmem_shared>> -> memref<100000x16xf32, #tpu.memory_space<vmem_shared>>
      tpu.wait_indirect_dma semaphore(%arg32 : memref<!tpu.dma_semaphore, #tpu.memory_space<semaphore_mem>>) src(%dma_wait3A_672 : memref<128x16xf32, #tpu.memory_space<vmem>>) dst(%dma_wait3A_675 : memref<100000x16xf32, #tpu.memory_space<vmem_shared>>)
      %dma_wait3A_676 = arith.constant 10 : i32
      %dma_wait3A_677 = arith.constant 0 : i32
      %dma_wait3A_678 = arith.constant 0 : i32
      %dma_wait3A_679 = tpu.memref_slice %arg29[%dma_wait3A_676, %dma_wait3A_677, %dma_wait3A_678] : memref<11x128x16xf32, #tpu.memory_space<vmem>> -> memref<1x128x16xf32, #tpu.memory_space<vmem>>
      %dma_wait3A_680 = tpu.memref_squeeze %dma_wait3A_679 : memref<1x128x16xf32, #tpu.memory_space<vmem>> -> memref<128x16xf32, #tpu.memory_space<vmem>>
      %dma_wait3A_681 = arith.constant 0 : i32
      %dma_wait3A_682 = arith.constant 0 : i32
      %dma_wait3A_683 = tpu.memref_slice %arg33[%dma_wait3A_681, %dma_wait3A_682] : memref<100000x16xf32, #tpu.memory_space<vmem_shared>> -> memref<100000x16xf32, #tpu.memory_space<vmem_shared>>
      tpu.wait_indirect_dma semaphore(%arg32 : memref<!tpu.dma_semaphore, #tpu.memory_space<semaphore_mem>>) src(%dma_wait3A_680 : memref<128x16xf32, #tpu.memory_space<vmem>>) dst(%dma_wait3A_683 : memref<100000x16xf32, #tpu.memory_space<vmem_shared>>)
    }
    %scan3A_8 = arith.constant 71 : i32
    %lt3A = arith.constant 8 : i32
    %lt3A_9 = arith.cmpi slt, %add3A, %lt3A : i32
    %convert_element_type3A = arith.extui %lt3A_9 : i1 to i32
    %cond3A = arith.constant 0 : i32
    %cond3A_10 = arith.cmpi ne, %convert_element_type3A, %cond3A : i32
    scf.if %cond3A_10 {
      %add3A_16 = arith.constant 24992 : i32
      %add3A_17 = arith.addi %add3A_16, %add3A : i32
      %add3A_18 = arith.constant 0 : i32
      %add3A_19 = arith.addi %add3A_17, %add3A_18 : i32
      %dma_start3A = arith.constant 0 : i32
      %dma_start3A_20 = tpu.memref_slice %arg2[%add3A_19, %dma_start3A] : memref<25000x128xi32, #tpu.memory_space<hbm>> -> memref<1x128xi32, #tpu.memory_space<hbm>>
      %dma_start3A_21 = tpu.memref_squeeze %dma_start3A_20 : memref<1x128xi32, #tpu.memory_space<hbm>> -> memref<128xi32, #tpu.memory_space<hbm>>
      %dma_start3A_22 = arith.constant 0 : i32
      %dma_start3A_23 = tpu.memref_slice %arg2[%add3A_19, %dma_start3A_22] : memref<25000x128xi32, #tpu.memory_space<hbm>> -> memref<1x128xi32, #tpu.memory_space<hbm>>
      %dma_start3A_24 = tpu.memref_squeeze %dma_start3A_23 : memref<1x128xi32, #tpu.memory_space<hbm>> -> memref<128xi32, #tpu.memory_space<hbm>>
      tpu.enqueue_dma source(%dma_start3A_24 : memref<128xi32, #tpu.memory_space<hbm>>) target(%arg7 : memref<128xi32, #tpu.memory_space<vmem>>) target_semaphore(%arg30 : memref<!tpu.dma_semaphore, #tpu.memory_space<semaphore_mem>>)
      %dma_wait3A = arith.constant 0 : i32
      %dma_wait3A_25 = tpu.memref_slice %arg2[%add3A_19, %dma_wait3A] : memref<25000x128xi32, #tpu.memory_space<hbm>> -> memref<1x128xi32, #tpu.memory_space<hbm>>
      %dma_wait3A_26 = tpu.memref_squeeze %dma_wait3A_25 : memref<1x128xi32, #tpu.memory_space<hbm>> -> memref<128xi32, #tpu.memory_space<hbm>>
      %dma_wait3A_27 = arith.constant 0 : i32
      %dma_wait3A_28 = tpu.memref_slice %arg2[%add3A_19, %dma_wait3A_27] : memref<25000x128xi32, #tpu.memory_space<hbm>> -> memref<1x128xi32, #tpu.memory_space<hbm>>
      %dma_wait3A_29 = tpu.memref_squeeze %dma_wait3A_28 : memref<1x128xi32, #tpu.memory_space<hbm>> -> memref<128xi32, #tpu.memory_space<hbm>>
      tpu.wait_dma2 semaphore(%arg30 : memref<!tpu.dma_semaphore, #tpu.memory_space<semaphore_mem>>) src(%dma_wait3A_29 : memref<128xi32, #tpu.memory_space<hbm>>) dst(%arg7 : memref<128xi32, #tpu.memory_space<vmem>>)
      %dma_start3A_30 = arith.constant 0 : i32
      %dma_start3A_31 = arith.constant 0 : i32
      %dma_start3A_32 = arith.constant 0 : i32
      %dma_start3A_33 = tpu.memref_slice %arg29[%dma_start3A_30, %dma_start3A_31, %dma_start3A_32] : memref<11x128x16xf32, #tpu.memory_space<vmem>> -> memref<1x128x16xf32, #tpu.memory_space<vmem>>
      %dma_start3A_34 = tpu.memref_squeeze %dma_start3A_33 : memref<1x128x16xf32, #tpu.memory_space<vmem>> -> memref<128x16xf32, #tpu.memory_space<vmem>>
      %dma_start3A_35 = arith.constant 0 : i32
      %dma_start3A_36 = arith.constant 0 : i32
      %dma_start3A_37 = tpu.memref_slice %arg4[%dma_start3A_35, %dma_start3A_36] : memref<100000x16xf32, #tpu.memory_space<hbm>> -> memref<100000x16xf32, #tpu.memory_space<hbm>>
      tpu.enqueue_indirect_dma source(%dma_start3A_37 : memref<100000x16xf32, #tpu.memory_space<hbm>>) target(%dma_start3A_34 : memref<128x16xf32, #tpu.memory_space<vmem>>) offsets(%arg7 : memref<128xi32, #tpu.memory_space<vmem>>) semaphore(%arg31 : memref<!tpu.dma_semaphore, #tpu.memory_space<semaphore_mem>>)
      %add3A_38 = arith.constant 0 : i32
      %add3A_39 = arith.addi %add3A_17, %add3A_38 : i32
      %dma_start3A_40 = arith.constant 0 : i32
      %dma_start3A_41 = tpu.memref_slice %arg3[%add3A_39, %dma_start3A_40] : memref<25000x128xi32, #tpu.memory_space<hbm>> -> memref<1x128xi32, #tpu.memory_space<hbm>>
      %dma_start3A_42 = tpu.memref_squeeze %dma_start3A_41 : memref<1x128xi32, #tpu.memory_space<hbm>> -> memref<128xi32, #tpu.memory_space<hbm>>
      %dma_start3A_43 = arith.constant 0 : i32
      %dma_start3A_44 = tpu.memref_slice %arg3[%add3A_39, %dma_start3A_43] : memref<25000x128xi32, #tpu.memory_space<hbm>> -> memref<1x128xi32, #tpu.memory_space<hbm>>
      %dma_start3A_45 = tpu.memref_squeeze %dma_start3A_44 : memref<1x128xi32, #tpu.memory_space<hbm>> -> memref<128xi32, #tpu.memory_space<hbm>>
      tpu.enqueue_dma source(%dma_start3A_45 : memref<128xi32, #tpu.memory_space<hbm>>) target(%arg18 : memref<128xi32, #tpu.memory_space<vmem>>) target_semaphore(%arg30 : memref<!tpu.dma_semaphore, #tpu.memory_space<semaphore_mem>>)
      %dma_wait3A_46 = arith.constant 0 : i32
      %dma_wait3A_47 = tpu.memref_slice %arg3[%add3A_39, %dma_wait3A_46] : memref<25000x128xi32, #tpu.memory_space<hbm>> -> memref<1x128xi32, #tpu.memory_space<hbm>>
      %dma_wait3A_48 = tpu.memref_squeeze %dma_wait3A_47 : memref<1x128xi32, #tpu.memory_space<hbm>> -> memref<128xi32, #tpu.memory_space<hbm>>
      %dma_wait3A_49 = arith.constant 0 : i32
      %dma_wait3A_50 = tpu.memref_slice %arg3[%add3A_39, %dma_wait3A_49] : memref<25000x128xi32, #tpu.memory_space<hbm>> -> memref<1x128xi32, #tpu.memory_space<hbm>>
      %dma_wait3A_51 = tpu.memref_squeeze %dma_wait3A_50 : memref<1x128xi32, #tpu.memory_space<hbm>> -> memref<128xi32, #tpu.memory_space<hbm>>
      tpu.wait_dma2 semaphore(%arg30 : memref<!tpu.dma_semaphore, #tpu.memory_space<semaphore_mem>>) src(%dma_wait3A_51 : memref<128xi32, #tpu.memory_space<hbm>>) dst(%arg18 : memref<128xi32, #tpu.memory_space<vmem>>)
      %dma_wait3A_52 = arith.constant 0 : i32
      %dma_wait3A_53 = arith.constant 0 : i32
      %dma_wait3A_54 = arith.constant 0 : i32
      %dma_wait3A_55 = tpu.memref_slice %arg29[%dma_wait3A_52, %dma_wait3A_53, %dma_wait3A_54] : memref<11x128x16xf32, #tpu.memory_space<vmem>> -> memref<1x128x16xf32, #tpu.memory_space<vmem>>
      %dma_wait3A_56 = tpu.memref_squeeze %dma_wait3A_55 : memref<1x128x16xf32, #tpu.memory_space<vmem>> -> memref<128x16xf32, #tpu.memory_space<vmem>>
      %dma_wait3A_57 = arith.constant 0 : i32
      %dma_wait3A_58 = arith.constant 0 : i32
      %dma_wait3A_59 = tpu.memref_slice %arg4[%dma_wait3A_57, %dma_wait3A_58] : memref<100000x16xf32, #tpu.memory_space<hbm>> -> memref<100000x16xf32, #tpu.memory_space<hbm>>
      tpu.wait_indirect_dma semaphore(%arg31 : memref<!tpu.dma_semaphore, #tpu.memory_space<semaphore_mem>>) src(%dma_wait3A_59 : memref<100000x16xf32, #tpu.memory_space<hbm>>) dst(%dma_wait3A_56 : memref<128x16xf32, #tpu.memory_space<vmem>>)
      %dma_start3A_60 = arith.constant 0 : i32
      %dma_start3A_61 = arith.constant 0 : i32
      %dma_start3A_62 = arith.constant 0 : i32
      %dma_start3A_63 = tpu.memref_slice %arg29[%dma_start3A_60, %dma_start3A_61, %dma_start3A_62] : memref<11x128x16xf32, #tpu.memory_space<vmem>> -> memref<1x128x16xf32, #tpu.memory_space<vmem>>
      %dma_start3A_64 = tpu.memref_squeeze %dma_start3A_63 : memref<1x128x16xf32, #tpu.memory_space<vmem>> -> memref<128x16xf32, #tpu.memory_space<vmem>>
      %dma_start3A_65 = arith.constant 0 : i32
      %dma_start3A_66 = arith.constant 0 : i32
      %dma_start3A_67 = tpu.memref_slice %arg33[%dma_start3A_65, %dma_start3A_66] : memref<100000x16xf32, #tpu.memory_space<vmem_shared>> -> memref<100000x16xf32, #tpu.memory_space<vmem_shared>>
      tpu.enqueue_indirect_dma source(%dma_start3A_64 : memref<128x16xf32, #tpu.memory_space<vmem>>) target(%dma_start3A_67 : memref<100000x16xf32, #tpu.memory_space<vmem_shared>>) offsets(%arg18 : memref<128xi32, #tpu.memory_space<vmem>>) semaphore(%arg32 : memref<!tpu.dma_semaphore, #tpu.memory_space<semaphore_mem>>) {add = true}
      %dma_wait3A_68 = arith.constant 0 : i32
      %dma_wait3A_69 = arith.constant 0 : i32
      %dma_wait3A_70 = arith.constant 0 : i32
      %dma_wait3A_71 = tpu.memref_slice %arg29[%dma_wait3A_68, %dma_wait3A_69, %dma_wait3A_70] : memref<11x128x16xf32, #tpu.memory_space<vmem>> -> memref<1x128x16xf32, #tpu.memory_space<vmem>>
      %dma_wait3A_72 = tpu.memref_squeeze %dma_wait3A_71 : memref<1x128x16xf32, #tpu.memory_space<vmem>> -> memref<128x16xf32, #tpu.memory_space<vmem>>
      %dma_wait3A_73 = arith.constant 0 : i32
      %dma_wait3A_74 = arith.constant 0 : i32
      %dma_wait3A_75 = tpu.memref_slice %arg33[%dma_wait3A_73, %dma_wait3A_74] : memref<100000x16xf32, #tpu.memory_space<vmem_shared>> -> memref<100000x16xf32, #tpu.memory_space<vmem_shared>>
      tpu.wait_indirect_dma semaphore(%arg32 : memref<!tpu.dma_semaphore, #tpu.memory_space<semaphore_mem>>) src(%dma_wait3A_72 : memref<128x16xf32, #tpu.memory_space<vmem>>) dst(%dma_wait3A_75 : memref<100000x16xf32, #tpu.memory_space<vmem_shared>>)
    } else {
    }
    %barrier3A_11 = arith.constant 0 : index
    tpu.barrier barrier_id(%barrier3A_11)
    %mul3A_12 = arith.constant 6250 : i32
    %mul3A_13 = arith.muli %arg1, %mul3A_12 : i32
    %mul3A_14 = arith.constant 6250 : i32
    %mul3A_15 = arith.muli %arg1, %mul3A_14 : i32
    "tpu.region"() ({
      %run_scoped3A = tpu.sem_alloc : memref<!tpu.dma_semaphore, #tpu.memory_space<semaphore_mem>>
      %dma_start3A = arith.constant 0 : i32
      %dma_start3A_16 = arith.constant 0 : i32
      %dma_start3A_17 = tpu.memref_slice %arg6[%arg0, %dma_start3A, %dma_start3A_16] : memref<2x100000x16xf32, #tpu.memory_space<hbm>> -> memref<1x100000x16xf32, #tpu.memory_space<hbm>>
      %dma_start3A_18 = tpu.memref_squeeze %dma_start3A_17 : memref<1x100000x16xf32, #tpu.memory_space<hbm>> -> memref<100000x16xf32, #tpu.memory_space<hbm>>
      %dma_start3A_19 = arith.constant 0 : i32
      %dma_start3A_20 = tpu.memref_slice %dma_start3A_18[%mul3A_15, %dma_start3A_19] : memref<100000x16xf32, #tpu.memory_space<hbm>> -> memref<6250x16xf32, #tpu.memory_space<hbm>>
      %dma_start3A_21 = arith.constant 0 : i32
      %dma_start3A_22 = tpu.memref_slice %arg33[%mul3A_13, %dma_start3A_21] : memref<100000x16xf32, #tpu.memory_space<vmem_shared>> -> memref<6250x16xf32, #tpu.memory_space<vmem_shared>>
      tpu.enqueue_dma source(%dma_start3A_22 : memref<6250x16xf32, #tpu.memory_space<vmem_shared>>) target(%dma_start3A_20 : memref<6250x16xf32, #tpu.memory_space<hbm>>) target_semaphore(%run_scoped3A : memref<!tpu.dma_semaphore, #tpu.memory_space<semaphore_mem>>)
      %dma_wait3A = arith.constant 0 : i32
      %dma_wait3A_23 = arith.constant 0 : i32
      %dma_wait3A_24 = tpu.memref_slice %arg6[%arg0, %dma_wait3A, %dma_wait3A_23] : memref<2x100000x16xf32, #tpu.memory_space<hbm>> -> memref<1x100000x16xf32, #tpu.memory_space<hbm>>
      %dma_wait3A_25 = tpu.memref_squeeze %dma_wait3A_24 : memref<1x100000x16xf32, #tpu.memory_space<hbm>> -> memref<100000x16xf32, #tpu.memory_space<hbm>>
      %dma_wait3A_26 = arith.constant 0 : i32
      %dma_wait3A_27 = tpu.memref_slice %dma_wait3A_25[%mul3A_15, %dma_wait3A_26] : memref<100000x16xf32, #tpu.memory_space<hbm>> -> memref<6250x16xf32, #tpu.memory_space<hbm>>
      %dma_wait3A_28 = arith.constant 0 : i32
      %dma_wait3A_29 = tpu.memref_slice %arg33[%mul3A_13, %dma_wait3A_28] : memref<100000x16xf32, #tpu.memory_space<vmem_shared>> -> memref<6250x16xf32, #tpu.memory_space<vmem_shared>>
      tpu.wait_dma2 semaphore(%run_scoped3A : memref<!tpu.dma_semaphore, #tpu.memory_space<semaphore_mem>>) src(%dma_wait3A_29 : memref<6250x16xf32, #tpu.memory_space<vmem_shared>>) dst(%dma_wait3A_27 : memref<6250x16xf32, #tpu.memory_space<hbm>>)
      tpu.yield
    }) : () -> ()
    return
  }
}

#map = affine_map<(d0, d1) -> (0, 0)>
#map1 = affine_map<(d0, d1) -> (0)>
#map2 = affine_map<(d0, d1) -> (0, 0, 0)>
module attributes {stable_mosaic.version = 14 : i64} {
  func.func @body(%arg0: i32, %arg1: i32, %arg2: memref<25000x128xi32, #tpu.memory_space<hbm>>, %arg3: memref<25000x128xi32, #tpu.memory_space<hbm>>, %arg4: memref<100000x16xf32, #tpu.memory_space<hbm>>, %arg5: memref<128xf32, #tpu.memory_space<hbm>>, %arg6: memref<100000x16xf32, #tpu.memory_space<hbm>>, %arg7: memref<100000xf32, #tpu.memory_space<hbm>>, %arg8: memref<2x100000x16xf32, #tpu.memory_space<hbm>>, %arg9: memref<100000x16xf32, #tpu.memory_space<hbm>>, %arg10: memref<100000xf32, #tpu.memory_space<hbm>>, %arg11: memref<100000xf32, #tpu.memory_space<hbm>>, %arg12: memref<128xi32, #tpu.memory_space<vmem>>, %arg13: memref<128xi32, #tpu.memory_space<vmem>>, %arg14: memref<128xi32, #tpu.memory_space<vmem>>, %arg15: memref<128xi32, #tpu.memory_space<vmem>>, %arg16: memref<128xi32, #tpu.memory_space<vmem>>, %arg17: memref<128xi32, #tpu.memory_space<vmem>>, %arg18: memref<128xi32, #tpu.memory_space<vmem>>, %arg19: memref<128xi32, #tpu.memory_space<vmem>>, %arg20: memref<4x128x16xf32, #tpu.memory_space<vmem>>, %arg21: memref<128xf32, #tpu.memory_space<vmem>>, %arg22: memref<416xf32, #tpu.memory_space<vmem>>, %arg23: memref<416xf32, #tpu.memory_space<vmem>>, %arg24: memref<400xf32, #tpu.memory_space<vmem>>, %arg25: memref<400x16xf32, #tpu.memory_space<vmem>>, %arg26: memref<400x16xf32, #tpu.memory_space<vmem>>, %arg27: memref<!tpu.dma_semaphore, #tpu.memory_space<semaphore_mem>>, %arg28: memref<!tpu.dma_semaphore, #tpu.memory_space<semaphore_mem>>, %arg29: memref<!tpu.dma_semaphore, #tpu.memory_space<semaphore_mem>>, %arg30: memref<100000x16xf32, #tpu.memory_space<vmem_shared>>, %arg31: memref<100000xf32, #tpu.memory_space<vmem_shared>>) attributes {dimension_semantics = [#tpu.dimension_semantics<core_parallel>, #tpu.dimension_semantics<subcore_parallel>], iteration_bounds = array<i64: 2, 16>, scalar_prefetch = 0 : i64, scratch_operands = 20 : i64, tpu.core_type = #tpu.core_type<sc_vector_subcore>, window_params = [{transform_indices = #map}, {transform_indices = #map}, {transform_indices = #map}, {transform_indices = #map1}, {transform_indices = #map}, {transform_indices = #map1}, {transform_indices = #map2}, {transform_indices = #map}, {transform_indices = #map1}, {transform_indices = #map1}]} {
    %mul3A = arith.constant 16 : i32
    %mul3A_0 = arith.muli %arg0, %mul3A : i32
    %add3A = arith.addi %mul3A_0, %arg1 : i32
    "tpu.region"() ({
      %run_scoped3A = tpu.sem_alloc : memref<!tpu.dma_semaphore, #tpu.memory_space<semaphore_mem>>
      tpu.enqueue_dma source(%arg5 : memref<128xf32, #tpu.memory_space<hbm>>) target(%arg21 : memref<128xf32, #tpu.memory_space<vmem>>) target_semaphore(%run_scoped3A : memref<!tpu.dma_semaphore, #tpu.memory_space<semaphore_mem>>)
      tpu.wait_dma2 semaphore(%run_scoped3A : memref<!tpu.dma_semaphore, #tpu.memory_space<semaphore_mem>>) src(%arg5 : memref<128xf32, #tpu.memory_space<hbm>>) dst(%arg21 : memref<128xf32, #tpu.memory_space<vmem>>)
      tpu.yield
    }) : () -> ()
    %mul3A_1 = arith.constant 6250 : i32
    %mul3A_2 = arith.muli %arg1, %mul3A_1 : i32
    %mul3A_3 = arith.constant 6250 : i32
    %mul3A_4 = arith.muli %arg1, %mul3A_3 : i32
    "tpu.region"() ({
      %run_scoped3A = tpu.sem_alloc : memref<!tpu.dma_semaphore, #tpu.memory_space<semaphore_mem>>
      %dma_start3A_149 = arith.constant 0 : i32
      %dma_start3A_150 = tpu.memref_slice %arg30[%mul3A_4, %dma_start3A_149] : memref<100000x16xf32, #tpu.memory_space<vmem_shared>> -> memref<6250x16xf32, #tpu.memory_space<vmem_shared>>
      %dma_start3A_151 = arith.constant 0 : i32
      %dma_start3A_152 = tpu.memref_slice %arg6[%mul3A_2, %dma_start3A_151] : memref<100000x16xf32, #tpu.memory_space<hbm>> -> memref<6250x16xf32, #tpu.memory_space<hbm>>
      tpu.enqueue_dma source(%dma_start3A_152 : memref<6250x16xf32, #tpu.memory_space<hbm>>) target(%dma_start3A_150 : memref<6250x16xf32, #tpu.memory_space<vmem_shared>>) target_semaphore(%run_scoped3A : memref<!tpu.dma_semaphore, #tpu.memory_space<semaphore_mem>>)
      %dma_wait3A_153 = arith.constant 0 : i32
      %dma_wait3A_154 = tpu.memref_slice %arg30[%mul3A_4, %dma_wait3A_153] : memref<100000x16xf32, #tpu.memory_space<vmem_shared>> -> memref<6250x16xf32, #tpu.memory_space<vmem_shared>>
      %dma_wait3A_155 = arith.constant 0 : i32
      %dma_wait3A_156 = tpu.memref_slice %arg6[%mul3A_2, %dma_wait3A_155] : memref<100000x16xf32, #tpu.memory_space<hbm>> -> memref<6250x16xf32, #tpu.memory_space<hbm>>
      tpu.wait_dma2 semaphore(%run_scoped3A : memref<!tpu.dma_semaphore, #tpu.memory_space<semaphore_mem>>) src(%dma_wait3A_156 : memref<6250x16xf32, #tpu.memory_space<hbm>>) dst(%dma_wait3A_154 : memref<6250x16xf32, #tpu.memory_space<vmem_shared>>)
      tpu.yield
    }) : () -> ()
    %lt3A = arith.constant 15 : i32
    %lt3A_5 = arith.cmpi slt, %arg1, %lt3A : i32
    %convert_element_type3A = arith.extui %lt3A_5 : i1 to i32
    %cond3A = arith.constant 0 : i32
    %cond3A_6 = arith.cmpi ne, %convert_element_type3A, %cond3A : i32
    scf.if %cond3A_6 {
      %mul3A_149 = arith.constant 6400 : i32
      %mul3A_150 = arith.muli %arg1, %mul3A_149 : i32
      %mul3A_151 = arith.constant 6400 : i32
      %mul3A_152 = arith.muli %arg1, %mul3A_151 : i32
      "tpu.region"() ({
        %run_scoped3A = tpu.sem_alloc : memref<!tpu.dma_semaphore, #tpu.memory_space<semaphore_mem>>
        %dma_start3A_153 = tpu.memref_slice %arg31[%mul3A_152] : memref<100000xf32, #tpu.memory_space<vmem_shared>> -> memref<6400xf32, #tpu.memory_space<vmem_shared>>
        %dma_start3A_154 = tpu.memref_slice %arg7[%mul3A_150] : memref<100000xf32, #tpu.memory_space<hbm>> -> memref<6400xf32, #tpu.memory_space<hbm>>
        tpu.enqueue_dma source(%dma_start3A_154 : memref<6400xf32, #tpu.memory_space<hbm>>) target(%dma_start3A_153 : memref<6400xf32, #tpu.memory_space<vmem_shared>>) target_semaphore(%run_scoped3A : memref<!tpu.dma_semaphore, #tpu.memory_space<semaphore_mem>>)
        %dma_wait3A_155 = tpu.memref_slice %arg31[%mul3A_152] : memref<100000xf32, #tpu.memory_space<vmem_shared>> -> memref<6400xf32, #tpu.memory_space<vmem_shared>>
        %dma_wait3A_156 = tpu.memref_slice %arg7[%mul3A_150] : memref<100000xf32, #tpu.memory_space<hbm>> -> memref<6400xf32, #tpu.memory_space<hbm>>
        tpu.wait_dma2 semaphore(%run_scoped3A : memref<!tpu.dma_semaphore, #tpu.memory_space<semaphore_mem>>) src(%dma_wait3A_156 : memref<6400xf32, #tpu.memory_space<hbm>>) dst(%dma_wait3A_155 : memref<6400xf32, #tpu.memory_space<vmem_shared>>)
        tpu.yield
      }) : () -> ()
    } else {
    }
    %eq3A = arith.constant 15 : i32
    %eq3A_7 = arith.cmpi eq, %arg1, %eq3A : i32
    %convert_element_type3A_8 = arith.extui %eq3A_7 : i1 to i32
    %cond3A_9 = arith.constant 0 : i32
    %cond3A_10 = arith.cmpi ne, %convert_element_type3A_8, %cond3A_9 : i32
    scf.if %cond3A_10 {
      "tpu.region"() ({
        %run_scoped3A = tpu.sem_alloc : memref<!tpu.dma_semaphore, #tpu.memory_space<semaphore_mem>>
        %dma_start3A_149 = arith.constant 96000 : i32
        %dma_start3A_150 = tpu.memref_slice %arg31[%dma_start3A_149] : memref<100000xf32, #tpu.memory_space<vmem_shared>> -> memref<4000xf32, #tpu.memory_space<vmem_shared>>
        %dma_start3A_151 = arith.constant 96000 : i32
        %dma_start3A_152 = tpu.memref_slice %arg7[%dma_start3A_151] : memref<100000xf32, #tpu.memory_space<hbm>> -> memref<4000xf32, #tpu.memory_space<hbm>>
        tpu.enqueue_dma source(%dma_start3A_152 : memref<4000xf32, #tpu.memory_space<hbm>>) target(%dma_start3A_150 : memref<4000xf32, #tpu.memory_space<vmem_shared>>) target_semaphore(%run_scoped3A : memref<!tpu.dma_semaphore, #tpu.memory_space<semaphore_mem>>)
        %dma_wait3A_153 = arith.constant 96000 : i32
        %dma_wait3A_154 = tpu.memref_slice %arg31[%dma_wait3A_153] : memref<100000xf32, #tpu.memory_space<vmem_shared>> -> memref<4000xf32, #tpu.memory_space<vmem_shared>>
        %dma_wait3A_155 = arith.constant 96000 : i32
        %dma_wait3A_156 = tpu.memref_slice %arg7[%dma_wait3A_155] : memref<100000xf32, #tpu.memory_space<hbm>> -> memref<4000xf32, #tpu.memory_space<hbm>>
        tpu.wait_dma2 semaphore(%run_scoped3A : memref<!tpu.dma_semaphore, #tpu.memory_space<semaphore_mem>>) src(%dma_wait3A_156 : memref<4000xf32, #tpu.memory_space<hbm>>) dst(%dma_wait3A_154 : memref<4000xf32, #tpu.memory_space<vmem_shared>>)
        tpu.yield
      }) : () -> ()
    } else {
    }
    %barrier3A = arith.constant 0 : index
    tpu.barrier barrier_id(%barrier3A)
    %scan3A = arith.constant 0 : i32
    %scan3A_11 = arith.constant 390 : i32
    %scan3A_12 = arith.addi %scan3A, %scan3A_11 : i32
    %scan3A_13 = arith.constant 1 : i32
    scf.for %scan3A_149 = %scan3A to %scan3A_12 step %scan3A_13  : i32 {
      %mul3A_150 = arith.constant 1 : i32
      %mul3A_151 = arith.muli %scan3A_149, %mul3A_150 : i32
      %add3A_152 = arith.constant 0 : i32
      %add3A_153 = arith.addi %add3A_152, %mul3A_151 : i32
      %mul3A_154 = arith.constant 1562 : i32
      %mul3A_155 = arith.muli %arg1, %mul3A_154 : i32
      %mul3A_156 = arith.constant 4 : i32
      %mul3A_157 = arith.muli %add3A_153, %mul3A_156 : i32
      %add3A_158 = arith.addi %mul3A_155, %mul3A_157 : i32
      %add3A_159 = arith.constant 0 : i32
      %add3A_160 = arith.addi %add3A_158, %add3A_159 : i32
      %dma_start3A_161 = arith.constant 0 : i32
      %dma_start3A_162 = tpu.memref_slice %arg3[%add3A_160, %dma_start3A_161] : memref<25000x128xi32, #tpu.memory_space<hbm>> -> memref<1x128xi32, #tpu.memory_space<hbm>>
      %dma_start3A_163 = tpu.memref_squeeze %dma_start3A_162 : memref<1x128xi32, #tpu.memory_space<hbm>> -> memref<128xi32, #tpu.memory_space<hbm>>
      %dma_start3A_164 = arith.constant 0 : i32
      %dma_start3A_165 = tpu.memref_slice %arg3[%add3A_160, %dma_start3A_164] : memref<25000x128xi32, #tpu.memory_space<hbm>> -> memref<1x128xi32, #tpu.memory_space<hbm>>
      %dma_start3A_166 = tpu.memref_squeeze %dma_start3A_165 : memref<1x128xi32, #tpu.memory_space<hbm>> -> memref<128xi32, #tpu.memory_space<hbm>>
      tpu.enqueue_dma source(%dma_start3A_166 : memref<128xi32, #tpu.memory_space<hbm>>) target(%arg16 : memref<128xi32, #tpu.memory_space<vmem>>) target_semaphore(%arg27 : memref<!tpu.dma_semaphore, #tpu.memory_space<semaphore_mem>>)
      %add3A_167 = arith.constant 1 : i32
      %add3A_168 = arith.addi %add3A_158, %add3A_167 : i32
      %dma_start3A_169 = arith.constant 0 : i32
      %dma_start3A_170 = tpu.memref_slice %arg3[%add3A_168, %dma_start3A_169] : memref<25000x128xi32, #tpu.memory_space<hbm>> -> memref<1x128xi32, #tpu.memory_space<hbm>>
      %dma_start3A_171 = tpu.memref_squeeze %dma_start3A_170 : memref<1x128xi32, #tpu.memory_space<hbm>> -> memref<128xi32, #tpu.memory_space<hbm>>
      %dma_start3A_172 = arith.constant 0 : i32
      %dma_start3A_173 = tpu.memref_slice %arg3[%add3A_168, %dma_start3A_172] : memref<25000x128xi32, #tpu.memory_space<hbm>> -> memref<1x128xi32, #tpu.memory_space<hbm>>
      %dma_start3A_174 = tpu.memref_squeeze %dma_start3A_173 : memref<1x128xi32, #tpu.memory_space<hbm>> -> memref<128xi32, #tpu.memory_space<hbm>>
      tpu.enqueue_dma source(%dma_start3A_174 : memref<128xi32, #tpu.memory_space<hbm>>) target(%arg17 : memref<128xi32, #tpu.memory_space<vmem>>) target_semaphore(%arg27 : memref<!tpu.dma_semaphore, #tpu.memory_space<semaphore_mem>>)
      %add3A_175 = arith.constant 2 : i32
      %add3A_176 = arith.addi %add3A_158, %add3A_175 : i32
      %dma_start3A_177 = arith.constant 0 : i32
      %dma_start3A_178 = tpu.memref_slice %arg3[%add3A_176, %dma_start3A_177] : memref<25000x128xi32, #tpu.memory_space<hbm>> -> memref<1x128xi32, #tpu.memory_space<hbm>>
      %dma_start3A_179 = tpu.memref_squeeze %dma_start3A_178 : memref<1x128xi32, #tpu.memory_space<hbm>> -> memref<128xi32, #tpu.memory_space<hbm>>
      %dma_start3A_180 = arith.constant 0 : i32
      %dma_start3A_181 = tpu.memref_slice %arg3[%add3A_176, %dma_start3A_180] : memref<25000x128xi32, #tpu.memory_space<hbm>> -> memref<1x128xi32, #tpu.memory_space<hbm>>
      %dma_start3A_182 = tpu.memref_squeeze %dma_start3A_181 : memref<1x128xi32, #tpu.memory_space<hbm>> -> memref<128xi32, #tpu.memory_space<hbm>>
      tpu.enqueue_dma source(%dma_start3A_182 : memref<128xi32, #tpu.memory_space<hbm>>) target(%arg18 : memref<128xi32, #tpu.memory_space<vmem>>) target_semaphore(%arg27 : memref<!tpu.dma_semaphore, #tpu.memory_space<semaphore_mem>>)
      %add3A_183 = arith.constant 3 : i32
      %add3A_184 = arith.addi %add3A_158, %add3A_183 : i32
      %dma_start3A_185 = arith.constant 0 : i32
      %dma_start3A_186 = tpu.memref_slice %arg3[%add3A_184, %dma_start3A_185] : memref<25000x128xi32, #tpu.memory_space<hbm>> -> memref<1x128xi32, #tpu.memory_space<hbm>>
      %dma_start3A_187 = tpu.memref_squeeze %dma_start3A_186 : memref<1x128xi32, #tpu.memory_space<hbm>> -> memref<128xi32, #tpu.memory_space<hbm>>
      %dma_start3A_188 = arith.constant 0 : i32
      %dma_start3A_189 = tpu.memref_slice %arg3[%add3A_184, %dma_start3A_188] : memref<25000x128xi32, #tpu.memory_space<hbm>> -> memref<1x128xi32, #tpu.memory_space<hbm>>
      %dma_start3A_190 = tpu.memref_squeeze %dma_start3A_189 : memref<1x128xi32, #tpu.memory_space<hbm>> -> memref<128xi32, #tpu.memory_space<hbm>>
      tpu.enqueue_dma source(%dma_start3A_190 : memref<128xi32, #tpu.memory_space<hbm>>) target(%arg19 : memref<128xi32, #tpu.memory_space<vmem>>) target_semaphore(%arg27 : memref<!tpu.dma_semaphore, #tpu.memory_space<semaphore_mem>>)
      %dma_wait3A_191 = arith.constant 0 : i32
      %dma_wait3A_192 = tpu.memref_slice %arg3[%add3A_160, %dma_wait3A_191] : memref<25000x128xi32, #tpu.memory_space<hbm>> -> memref<1x128xi32, #tpu.memory_space<hbm>>
      %dma_wait3A_193 = tpu.memref_squeeze %dma_wait3A_192 : memref<1x128xi32, #tpu.memory_space<hbm>> -> memref<128xi32, #tpu.memory_space<hbm>>
      %dma_wait3A_194 = arith.constant 0 : i32
      %dma_wait3A_195 = tpu.memref_slice %arg3[%add3A_160, %dma_wait3A_194] : memref<25000x128xi32, #tpu.memory_space<hbm>> -> memref<1x128xi32, #tpu.memory_space<hbm>>
      %dma_wait3A_196 = tpu.memref_squeeze %dma_wait3A_195 : memref<1x128xi32, #tpu.memory_space<hbm>> -> memref<128xi32, #tpu.memory_space<hbm>>
      tpu.wait_dma2 semaphore(%arg27 : memref<!tpu.dma_semaphore, #tpu.memory_space<semaphore_mem>>) src(%dma_wait3A_196 : memref<128xi32, #tpu.memory_space<hbm>>) dst(%arg16 : memref<128xi32, #tpu.memory_space<vmem>>)
      %dma_wait3A_197 = arith.constant 0 : i32
      %dma_wait3A_198 = tpu.memref_slice %arg3[%add3A_168, %dma_wait3A_197] : memref<25000x128xi32, #tpu.memory_space<hbm>> -> memref<1x128xi32, #tpu.memory_space<hbm>>
      %dma_wait3A_199 = tpu.memref_squeeze %dma_wait3A_198 : memref<1x128xi32, #tpu.memory_space<hbm>> -> memref<128xi32, #tpu.memory_space<hbm>>
      %dma_wait3A_200 = arith.constant 0 : i32
      %dma_wait3A_201 = tpu.memref_slice %arg3[%add3A_168, %dma_wait3A_200] : memref<25000x128xi32, #tpu.memory_space<hbm>> -> memref<1x128xi32, #tpu.memory_space<hbm>>
      %dma_wait3A_202 = tpu.memref_squeeze %dma_wait3A_201 : memref<1x128xi32, #tpu.memory_space<hbm>> -> memref<128xi32, #tpu.memory_space<hbm>>
      tpu.wait_dma2 semaphore(%arg27 : memref<!tpu.dma_semaphore, #tpu.memory_space<semaphore_mem>>) src(%dma_wait3A_202 : memref<128xi32, #tpu.memory_space<hbm>>) dst(%arg17 : memref<128xi32, #tpu.memory_space<vmem>>)
      %dma_wait3A_203 = arith.constant 0 : i32
      %dma_wait3A_204 = tpu.memref_slice %arg3[%add3A_176, %dma_wait3A_203] : memref<25000x128xi32, #tpu.memory_space<hbm>> -> memref<1x128xi32, #tpu.memory_space<hbm>>
      %dma_wait3A_205 = tpu.memref_squeeze %dma_wait3A_204 : memref<1x128xi32, #tpu.memory_space<hbm>> -> memref<128xi32, #tpu.memory_space<hbm>>
      %dma_wait3A_206 = arith.constant 0 : i32
      %dma_wait3A_207 = tpu.memref_slice %arg3[%add3A_176, %dma_wait3A_206] : memref<25000x128xi32, #tpu.memory_space<hbm>> -> memref<1x128xi32, #tpu.memory_space<hbm>>
      %dma_wait3A_208 = tpu.memref_squeeze %dma_wait3A_207 : memref<1x128xi32, #tpu.memory_space<hbm>> -> memref<128xi32, #tpu.memory_space<hbm>>
      tpu.wait_dma2 semaphore(%arg27 : memref<!tpu.dma_semaphore, #tpu.memory_space<semaphore_mem>>) src(%dma_wait3A_208 : memref<128xi32, #tpu.memory_space<hbm>>) dst(%arg18 : memref<128xi32, #tpu.memory_space<vmem>>)
      %dma_wait3A_209 = arith.constant 0 : i32
      %dma_wait3A_210 = tpu.memref_slice %arg3[%add3A_184, %dma_wait3A_209] : memref<25000x128xi32, #tpu.memory_space<hbm>> -> memref<1x128xi32, #tpu.memory_space<hbm>>
      %dma_wait3A_211 = tpu.memref_squeeze %dma_wait3A_210 : memref<1x128xi32, #tpu.memory_space<hbm>> -> memref<128xi32, #tpu.memory_space<hbm>>
      %dma_wait3A_212 = arith.constant 0 : i32
      %dma_wait3A_213 = tpu.memref_slice %arg3[%add3A_184, %dma_wait3A_212] : memref<25000x128xi32, #tpu.memory_space<hbm>> -> memref<1x128xi32, #tpu.memory_space<hbm>>
      %dma_wait3A_214 = tpu.memref_squeeze %dma_wait3A_213 : memref<1x128xi32, #tpu.memory_space<hbm>> -> memref<128xi32, #tpu.memory_space<hbm>>
      tpu.wait_dma2 semaphore(%arg27 : memref<!tpu.dma_semaphore, #tpu.memory_space<semaphore_mem>>) src(%dma_wait3A_214 : memref<128xi32, #tpu.memory_space<hbm>>) dst(%arg19 : memref<128xi32, #tpu.memory_space<vmem>>)
      %dma_start3A_215 = arith.constant 0 : i32
      %dma_start3A_216 = tpu.memref_slice %arg31[%dma_start3A_215] : memref<100000xf32, #tpu.memory_space<vmem_shared>> -> memref<100000xf32, #tpu.memory_space<vmem_shared>>
      tpu.enqueue_indirect_dma source(%arg21 : memref<128xf32, #tpu.memory_space<vmem>>) target(%dma_start3A_216 : memref<100000xf32, #tpu.memory_space<vmem_shared>>) offsets(%arg16 : memref<128xi32, #tpu.memory_space<vmem>>) semaphore(%arg29 : memref<!tpu.dma_semaphore, #tpu.memory_space<semaphore_mem>>) {add = true}
      %dma_start3A_217 = arith.constant 0 : i32
      %dma_start3A_218 = tpu.memref_slice %arg31[%dma_start3A_217] : memref<100000xf32, #tpu.memory_space<vmem_shared>> -> memref<100000xf32, #tpu.memory_space<vmem_shared>>
      tpu.enqueue_indirect_dma source(%arg21 : memref<128xf32, #tpu.memory_space<vmem>>) target(%dma_start3A_218 : memref<100000xf32, #tpu.memory_space<vmem_shared>>) offsets(%arg17 : memref<128xi32, #tpu.memory_space<vmem>>) semaphore(%arg29 : memref<!tpu.dma_semaphore, #tpu.memory_space<semaphore_mem>>) {add = true}
      %dma_start3A_219 = arith.constant 0 : i32
      %dma_start3A_220 = tpu.memref_slice %arg31[%dma_start3A_219] : memref<100000xf32, #tpu.memory_space<vmem_shared>> -> memref<100000xf32, #tpu.memory_space<vmem_shared>>
      tpu.enqueue_indirect_dma source(%arg21 : memref<128xf32, #tpu.memory_space<vmem>>) target(%dma_start3A_220 : memref<100000xf32, #tpu.memory_space<vmem_shared>>) offsets(%arg18 : memref<128xi32, #tpu.memory_space<vmem>>) semaphore(%arg29 : memref<!tpu.dma_semaphore, #tpu.memory_space<semaphore_mem>>) {add = true}
      %dma_start3A_221 = arith.constant 0 : i32
      %dma_start3A_222 = tpu.memref_slice %arg31[%dma_start3A_221] : memref<100000xf32, #tpu.memory_space<vmem_shared>> -> memref<100000xf32, #tpu.memory_space<vmem_shared>>
      tpu.enqueue_indirect_dma source(%arg21 : memref<128xf32, #tpu.memory_space<vmem>>) target(%dma_start3A_222 : memref<100000xf32, #tpu.memory_space<vmem_shared>>) offsets(%arg19 : memref<128xi32, #tpu.memory_space<vmem>>) semaphore(%arg29 : memref<!tpu.dma_semaphore, #tpu.memory_space<semaphore_mem>>) {add = true}
      %dma_wait3A_223 = arith.constant 0 : i32
      %dma_wait3A_224 = tpu.memref_slice %arg31[%dma_wait3A_223] : memref<100000xf32, #tpu.memory_space<vmem_shared>> -> memref<100000xf32, #tpu.memory_space<vmem_shared>>
      tpu.wait_indirect_dma semaphore(%arg29 : memref<!tpu.dma_semaphore, #tpu.memory_space<semaphore_mem>>) src(%arg21 : memref<128xf32, #tpu.memory_space<vmem>>) dst(%dma_wait3A_224 : memref<100000xf32, #tpu.memory_space<vmem_shared>>)
      %dma_wait3A_225 = arith.constant 0 : i32
      %dma_wait3A_226 = tpu.memref_slice %arg31[%dma_wait3A_225] : memref<100000xf32, #tpu.memory_space<vmem_shared>> -> memref<100000xf32, #tpu.memory_space<vmem_shared>>
      tpu.wait_indirect_dma semaphore(%arg29 : memref<!tpu.dma_semaphore, #tpu.memory_space<semaphore_mem>>) src(%arg21 : memref<128xf32, #tpu.memory_space<vmem>>) dst(%dma_wait3A_226 : memref<100000xf32, #tpu.memory_space<vmem_shared>>)
      %dma_wait3A_227 = arith.constant 0 : i32
      %dma_wait3A_228 = tpu.memref_slice %arg31[%dma_wait3A_227] : memref<100000xf32, #tpu.memory_space<vmem_shared>> -> memref<100000xf32, #tpu.memory_space<vmem_shared>>
      tpu.wait_indirect_dma semaphore(%arg29 : memref<!tpu.dma_semaphore, #tpu.memory_space<semaphore_mem>>) src(%arg21 : memref<128xf32, #tpu.memory_space<vmem>>) dst(%dma_wait3A_228 : memref<100000xf32, #tpu.memory_space<vmem_shared>>)
      %dma_wait3A_229 = arith.constant 0 : i32
      %dma_wait3A_230 = tpu.memref_slice %arg31[%dma_wait3A_229] : memref<100000xf32, #tpu.memory_space<vmem_shared>> -> memref<100000xf32, #tpu.memory_space<vmem_shared>>
      tpu.wait_indirect_dma semaphore(%arg29 : memref<!tpu.dma_semaphore, #tpu.memory_space<semaphore_mem>>) src(%arg21 : memref<128xf32, #tpu.memory_space<vmem>>) dst(%dma_wait3A_230 : memref<100000xf32, #tpu.memory_space<vmem_shared>>)
    }
    %scan3A_14 = arith.constant 390 : i32
    %mul3A_15 = arith.constant 1562 : i32
    %mul3A_16 = arith.muli %arg1, %mul3A_15 : i32
    %add3A_17 = arith.constant 1560 : i32
    %add3A_18 = arith.addi %mul3A_16, %add3A_17 : i32
    %add3A_19 = arith.constant 0 : i32
    %add3A_20 = arith.addi %add3A_18, %add3A_19 : i32
    %dma_start3A = arith.constant 0 : i32
    %dma_start3A_21 = tpu.memref_slice %arg3[%add3A_20, %dma_start3A] : memref<25000x128xi32, #tpu.memory_space<hbm>> -> memref<1x128xi32, #tpu.memory_space<hbm>>
    %dma_start3A_22 = tpu.memref_squeeze %dma_start3A_21 : memref<1x128xi32, #tpu.memory_space<hbm>> -> memref<128xi32, #tpu.memory_space<hbm>>
    %dma_start3A_23 = arith.constant 0 : i32
    %dma_start3A_24 = tpu.memref_slice %arg3[%add3A_20, %dma_start3A_23] : memref<25000x128xi32, #tpu.memory_space<hbm>> -> memref<1x128xi32, #tpu.memory_space<hbm>>
    %dma_start3A_25 = tpu.memref_squeeze %dma_start3A_24 : memref<1x128xi32, #tpu.memory_space<hbm>> -> memref<128xi32, #tpu.memory_space<hbm>>
    tpu.enqueue_dma source(%dma_start3A_25 : memref<128xi32, #tpu.memory_space<hbm>>) target(%arg16 : memref<128xi32, #tpu.memory_space<vmem>>) target_semaphore(%arg27 : memref<!tpu.dma_semaphore, #tpu.memory_space<semaphore_mem>>)
    %add3A_26 = arith.constant 1 : i32
    %add3A_27 = arith.addi %add3A_18, %add3A_26 : i32
    %dma_start3A_28 = arith.constant 0 : i32
    %dma_start3A_29 = tpu.memref_slice %arg3[%add3A_27, %dma_start3A_28] : memref<25000x128xi32, #tpu.memory_space<hbm>> -> memref<1x128xi32, #tpu.memory_space<hbm>>
    %dma_start3A_30 = tpu.memref_squeeze %dma_start3A_29 : memref<1x128xi32, #tpu.memory_space<hbm>> -> memref<128xi32, #tpu.memory_space<hbm>>
    %dma_start3A_31 = arith.constant 0 : i32
    %dma_start3A_32 = tpu.memref_slice %arg3[%add3A_27, %dma_start3A_31] : memref<25000x128xi32, #tpu.memory_space<hbm>> -> memref<1x128xi32, #tpu.memory_space<hbm>>
    %dma_start3A_33 = tpu.memref_squeeze %dma_start3A_32 : memref<1x128xi32, #tpu.memory_space<hbm>> -> memref<128xi32, #tpu.memory_space<hbm>>
    tpu.enqueue_dma source(%dma_start3A_33 : memref<128xi32, #tpu.memory_space<hbm>>) target(%arg17 : memref<128xi32, #tpu.memory_space<vmem>>) target_semaphore(%arg27 : memref<!tpu.dma_semaphore, #tpu.memory_space<semaphore_mem>>)
    %dma_wait3A = arith.constant 0 : i32
    %dma_wait3A_34 = tpu.memref_slice %arg3[%add3A_20, %dma_wait3A] : memref<25000x128xi32, #tpu.memory_space<hbm>> -> memref<1x128xi32, #tpu.memory_space<hbm>>
    %dma_wait3A_35 = tpu.memref_squeeze %dma_wait3A_34 : memref<1x128xi32, #tpu.memory_space<hbm>> -> memref<128xi32, #tpu.memory_space<hbm>>
    %dma_wait3A_36 = arith.constant 0 : i32
    %dma_wait3A_37 = tpu.memref_slice %arg3[%add3A_20, %dma_wait3A_36] : memref<25000x128xi32, #tpu.memory_space<hbm>> -> memref<1x128xi32, #tpu.memory_space<hbm>>
    %dma_wait3A_38 = tpu.memref_squeeze %dma_wait3A_37 : memref<1x128xi32, #tpu.memory_space<hbm>> -> memref<128xi32, #tpu.memory_space<hbm>>
    tpu.wait_dma2 semaphore(%arg27 : memref<!tpu.dma_semaphore, #tpu.memory_space<semaphore_mem>>) src(%dma_wait3A_38 : memref<128xi32, #tpu.memory_space<hbm>>) dst(%arg16 : memref<128xi32, #tpu.memory_space<vmem>>)
    %dma_wait3A_39 = arith.constant 0 : i32
    %dma_wait3A_40 = tpu.memref_slice %arg3[%add3A_27, %dma_wait3A_39] : memref<25000x128xi32, #tpu.memory_space<hbm>> -> memref<1x128xi32, #tpu.memory_space<hbm>>
    %dma_wait3A_41 = tpu.memref_squeeze %dma_wait3A_40 : memref<1x128xi32, #tpu.memory_space<hbm>> -> memref<128xi32, #tpu.memory_space<hbm>>
    %dma_wait3A_42 = arith.constant 0 : i32
    %dma_wait3A_43 = tpu.memref_slice %arg3[%add3A_27, %dma_wait3A_42] : memref<25000x128xi32, #tpu.memory_space<hbm>> -> memref<1x128xi32, #tpu.memory_space<hbm>>
    %dma_wait3A_44 = tpu.memref_squeeze %dma_wait3A_43 : memref<1x128xi32, #tpu.memory_space<hbm>> -> memref<128xi32, #tpu.memory_space<hbm>>
    tpu.wait_dma2 semaphore(%arg27 : memref<!tpu.dma_semaphore, #tpu.memory_space<semaphore_mem>>) src(%dma_wait3A_44 : memref<128xi32, #tpu.memory_space<hbm>>) dst(%arg17 : memref<128xi32, #tpu.memory_space<vmem>>)
    %dma_start3A_45 = arith.constant 0 : i32
    %dma_start3A_46 = tpu.memref_slice %arg31[%dma_start3A_45] : memref<100000xf32, #tpu.memory_space<vmem_shared>> -> memref<100000xf32, #tpu.memory_space<vmem_shared>>
    tpu.enqueue_indirect_dma source(%arg21 : memref<128xf32, #tpu.memory_space<vmem>>) target(%dma_start3A_46 : memref<100000xf32, #tpu.memory_space<vmem_shared>>) offsets(%arg16 : memref<128xi32, #tpu.memory_space<vmem>>) semaphore(%arg29 : memref<!tpu.dma_semaphore, #tpu.memory_space<semaphore_mem>>) {add = true}
    %dma_start3A_47 = arith.constant 0 : i32
    %dma_start3A_48 = tpu.memref_slice %arg31[%dma_start3A_47] : memref<100000xf32, #tpu.memory_space<vmem_shared>> -> memref<100000xf32, #tpu.memory_space<vmem_shared>>
    tpu.enqueue_indirect_dma source(%arg21 : memref<128xf32, #tpu.memory_space<vmem>>) target(%dma_start3A_48 : memref<100000xf32, #tpu.memory_space<vmem_shared>>) offsets(%arg17 : memref<128xi32, #tpu.memory_space<vmem>>) semaphore(%arg29 : memref<!tpu.dma_semaphore, #tpu.memory_space<semaphore_mem>>) {add = true}
    %dma_wait3A_49 = arith.constant 0 : i32
    %dma_wait3A_50 = tpu.memref_slice %arg31[%dma_wait3A_49] : memref<100000xf32, #tpu.memory_space<vmem_shared>> -> memref<100000xf32, #tpu.memory_space<vmem_shared>>
    tpu.wait_indirect_dma semaphore(%arg29 : memref<!tpu.dma_semaphore, #tpu.memory_space<semaphore_mem>>) src(%arg21 : memref<128xf32, #tpu.memory_space<vmem>>) dst(%dma_wait3A_50 : memref<100000xf32, #tpu.memory_space<vmem_shared>>)
    %dma_wait3A_51 = arith.constant 0 : i32
    %dma_wait3A_52 = tpu.memref_slice %arg31[%dma_wait3A_51] : memref<100000xf32, #tpu.memory_space<vmem_shared>> -> memref<100000xf32, #tpu.memory_space<vmem_shared>>
    tpu.wait_indirect_dma semaphore(%arg29 : memref<!tpu.dma_semaphore, #tpu.memory_space<semaphore_mem>>) src(%arg21 : memref<128xf32, #tpu.memory_space<vmem>>) dst(%dma_wait3A_52 : memref<100000xf32, #tpu.memory_space<vmem_shared>>)
    %lt3A_53 = arith.constant 8 : i32
    %lt3A_54 = arith.cmpi slt, %arg1, %lt3A_53 : i32
    %convert_element_type3A_55 = arith.extui %lt3A_54 : i1 to i32
    %cond3A_56 = arith.constant 0 : i32
    %cond3A_57 = arith.cmpi ne, %convert_element_type3A_55, %cond3A_56 : i32
    scf.if %cond3A_57 {
      %add3A_149 = arith.constant 24992 : i32
      %add3A_150 = arith.addi %add3A_149, %arg1 : i32
      %add3A_151 = arith.constant 0 : i32
      %add3A_152 = arith.addi %add3A_150, %add3A_151 : i32
      %dma_start3A_153 = arith.constant 0 : i32
      %dma_start3A_154 = tpu.memref_slice %arg3[%add3A_152, %dma_start3A_153] : memref<25000x128xi32, #tpu.memory_space<hbm>> -> memref<1x128xi32, #tpu.memory_space<hbm>>
      %dma_start3A_155 = tpu.memref_squeeze %dma_start3A_154 : memref<1x128xi32, #tpu.memory_space<hbm>> -> memref<128xi32, #tpu.memory_space<hbm>>
      %dma_start3A_156 = arith.constant 0 : i32
      %dma_start3A_157 = tpu.memref_slice %arg3[%add3A_152, %dma_start3A_156] : memref<25000x128xi32, #tpu.memory_space<hbm>> -> memref<1x128xi32, #tpu.memory_space<hbm>>
      %dma_start3A_158 = tpu.memref_squeeze %dma_start3A_157 : memref<1x128xi32, #tpu.memory_space<hbm>> -> memref<128xi32, #tpu.memory_space<hbm>>
      tpu.enqueue_dma source(%dma_start3A_158 : memref<128xi32, #tpu.memory_space<hbm>>) target(%arg16 : memref<128xi32, #tpu.memory_space<vmem>>) target_semaphore(%arg27 : memref<!tpu.dma_semaphore, #tpu.memory_space<semaphore_mem>>)
      %dma_wait3A_159 = arith.constant 0 : i32
      %dma_wait3A_160 = tpu.memref_slice %arg3[%add3A_152, %dma_wait3A_159] : memref<25000x128xi32, #tpu.memory_space<hbm>> -> memref<1x128xi32, #tpu.memory_space<hbm>>
      %dma_wait3A_161 = tpu.memref_squeeze %dma_wait3A_160 : memref<1x128xi32, #tpu.memory_space<hbm>> -> memref<128xi32, #tpu.memory_space<hbm>>
      %dma_wait3A_162 = arith.constant 0 : i32
      %dma_wait3A_163 = tpu.memref_slice %arg3[%add3A_152, %dma_wait3A_162] : memref<25000x128xi32, #tpu.memory_space<hbm>> -> memref<1x128xi32, #tpu.memory_space<hbm>>
      %dma_wait3A_164 = tpu.memref_squeeze %dma_wait3A_163 : memref<1x128xi32, #tpu.memory_space<hbm>> -> memref<128xi32, #tpu.memory_space<hbm>>
      tpu.wait_dma2 semaphore(%arg27 : memref<!tpu.dma_semaphore, #tpu.memory_space<semaphore_mem>>) src(%dma_wait3A_164 : memref<128xi32, #tpu.memory_space<hbm>>) dst(%arg16 : memref<128xi32, #tpu.memory_space<vmem>>)
      %dma_start3A_165 = arith.constant 0 : i32
      %dma_start3A_166 = tpu.memref_slice %arg31[%dma_start3A_165] : memref<100000xf32, #tpu.memory_space<vmem_shared>> -> memref<100000xf32, #tpu.memory_space<vmem_shared>>
      tpu.enqueue_indirect_dma source(%arg21 : memref<128xf32, #tpu.memory_space<vmem>>) target(%dma_start3A_166 : memref<100000xf32, #tpu.memory_space<vmem_shared>>) offsets(%arg16 : memref<128xi32, #tpu.memory_space<vmem>>) semaphore(%arg29 : memref<!tpu.dma_semaphore, #tpu.memory_space<semaphore_mem>>) {add = true}
      %dma_wait3A_167 = arith.constant 0 : i32
      %dma_wait3A_168 = tpu.memref_slice %arg31[%dma_wait3A_167] : memref<100000xf32, #tpu.memory_space<vmem_shared>> -> memref<100000xf32, #tpu.memory_space<vmem_shared>>
      tpu.wait_indirect_dma semaphore(%arg29 : memref<!tpu.dma_semaphore, #tpu.memory_space<semaphore_mem>>) src(%arg21 : memref<128xf32, #tpu.memory_space<vmem>>) dst(%dma_wait3A_168 : memref<100000xf32, #tpu.memory_space<vmem_shared>>)
    } else {
    }
    %barrier3A_58 = arith.constant 0 : index
    tpu.barrier barrier_id(%barrier3A_58)
    %lt3A_59 = arith.constant 15 : i32
    %lt3A_60 = arith.cmpi slt, %arg1, %lt3A_59 : i32
    %convert_element_type3A_61 = arith.extui %lt3A_60 : i1 to i32
    %cond3A_62 = arith.constant 0 : i32
    %cond3A_63 = arith.cmpi ne, %convert_element_type3A_61, %cond3A_62 : i32
    scf.if %cond3A_63 {
      %scan3A_149 = arith.constant 0 : i32
      %scan3A_150 = arith.constant 16 : i32
      %scan3A_151 = arith.addi %scan3A_149, %scan3A_150 : i32
      %scan3A_152 = arith.constant 1 : i32
      scf.for %scan3A_154 = %scan3A_149 to %scan3A_151 step %scan3A_152  : i32 {
        %mul3A_155 = arith.constant 1 : i32
        %mul3A_156 = arith.muli %scan3A_154, %mul3A_155 : i32
        %add3A_157 = arith.constant 0 : i32
        %add3A_158 = arith.addi %add3A_157, %mul3A_156 : i32
        %mul3A_159 = arith.constant 6400 : i32
        %mul3A_160 = arith.muli %arg1, %mul3A_159 : i32
        %mul3A_161 = arith.constant 400 : i32
        %mul3A_162 = arith.muli %add3A_158, %mul3A_161 : i32
        %add3A_163 = arith.addi %mul3A_160, %mul3A_162 : i32
        "tpu.region"() ({
          %run_scoped3A = tpu.sem_alloc : memref<!tpu.dma_semaphore, #tpu.memory_space<semaphore_mem>>
          %dma_start3A_178 = arith.constant 0 : i32
          %dma_start3A_179 = tpu.memref_slice %arg22[%dma_start3A_178] : memref<416xf32, #tpu.memory_space<vmem>> -> memref<400xf32, #tpu.memory_space<vmem>>
          %dma_start3A_180 = tpu.memref_slice %arg31[%add3A_163] : memref<100000xf32, #tpu.memory_space<vmem_shared>> -> memref<400xf32, #tpu.memory_space<vmem_shared>>
          %dma_start3A_181 = arith.constant 0 : i32
          %dma_start3A_182 = tpu.memref_slice %arg22[%dma_start3A_181] : memref<416xf32, #tpu.memory_space<vmem>> -> memref<400xf32, #tpu.memory_space<vmem>>
          %dma_start3A_183 = tpu.memref_slice %arg31[%add3A_163] : memref<100000xf32, #tpu.memory_space<vmem_shared>> -> memref<400xf32, #tpu.memory_space<vmem_shared>>
          tpu.enqueue_dma source(%dma_start3A_183 : memref<400xf32, #tpu.memory_space<vmem_shared>>) target(%dma_start3A_182 : memref<400xf32, #tpu.memory_space<vmem>>) target_semaphore(%run_scoped3A : memref<!tpu.dma_semaphore, #tpu.memory_space<semaphore_mem>>)
          %dma_wait3A_184 = arith.constant 0 : i32
          %dma_wait3A_185 = tpu.memref_slice %arg22[%dma_wait3A_184] : memref<416xf32, #tpu.memory_space<vmem>> -> memref<400xf32, #tpu.memory_space<vmem>>
          %dma_wait3A_186 = tpu.memref_slice %arg31[%add3A_163] : memref<100000xf32, #tpu.memory_space<vmem_shared>> -> memref<400xf32, #tpu.memory_space<vmem_shared>>
          %dma_wait3A_187 = arith.constant 0 : i32
          %dma_wait3A_188 = tpu.memref_slice %arg22[%dma_wait3A_187] : memref<416xf32, #tpu.memory_space<vmem>> -> memref<400xf32, #tpu.memory_space<vmem>>
          %dma_wait3A_189 = tpu.memref_slice %arg31[%add3A_163] : memref<100000xf32, #tpu.memory_space<vmem_shared>> -> memref<400xf32, #tpu.memory_space<vmem_shared>>
          tpu.wait_dma2 semaphore(%run_scoped3A : memref<!tpu.dma_semaphore, #tpu.memory_space<semaphore_mem>>) src(%dma_wait3A_189 : memref<400xf32, #tpu.memory_space<vmem_shared>>) dst(%dma_wait3A_188 : memref<400xf32, #tpu.memory_space<vmem>>)
          tpu.yield
        }) : () -> ()
        "tpu.region"() ({
          %run_scoped3A = tpu.sem_alloc : memref<!tpu.dma_semaphore, #tpu.memory_space<semaphore_mem>>
          %dma_start3A_178 = arith.constant 0 : i32
          %dma_start3A_179 = tpu.memref_slice %arg4[%add3A_163, %dma_start3A_178] : memref<100000x16xf32, #tpu.memory_space<hbm>> -> memref<400x16xf32, #tpu.memory_space<hbm>>
          %dma_start3A_180 = arith.constant 0 : i32
          %dma_start3A_181 = tpu.memref_slice %arg4[%add3A_163, %dma_start3A_180] : memref<100000x16xf32, #tpu.memory_space<hbm>> -> memref<400x16xf32, #tpu.memory_space<hbm>>
          tpu.enqueue_dma source(%dma_start3A_181 : memref<400x16xf32, #tpu.memory_space<hbm>>) target(%arg25 : memref<400x16xf32, #tpu.memory_space<vmem>>) target_semaphore(%run_scoped3A : memref<!tpu.dma_semaphore, #tpu.memory_space<semaphore_mem>>)
          %dma_wait3A_182 = arith.constant 0 : i32
          %dma_wait3A_183 = tpu.memref_slice %arg4[%add3A_163, %dma_wait3A_182] : memref<100000x16xf32, #tpu.memory_space<hbm>> -> memref<400x16xf32, #tpu.memory_space<hbm>>
          %dma_wait3A_184 = arith.constant 0 : i32
          %dma_wait3A_185 = tpu.memref_slice %arg4[%add3A_163, %dma_wait3A_184] : memref<100000x16xf32, #tpu.memory_space<hbm>> -> memref<400x16xf32, #tpu.memory_space<hbm>>
          tpu.wait_dma2 semaphore(%run_scoped3A : memref<!tpu.dma_semaphore, #tpu.memory_space<semaphore_mem>>) src(%dma_wait3A_185 : memref<400x16xf32, #tpu.memory_space<hbm>>) dst(%arg25 : memref<400x16xf32, #tpu.memory_space<vmem>>)
          tpu.yield
        }) : () -> ()
        %broadcast_in_dim3A = arith.constant 1.000000e+00 : f32
        %broadcast_in_dim3A_164 = vector.broadcast %broadcast_in_dim3A : f32 to vector<16xf32>
        %swap3A = arith.constant 400 : index
        %swap3A_165 = tpu.vector_load %arg23[%swap3A] {strides = array<i32>} : memref<416xf32, #tpu.memory_space<vmem>>, vector<16xf32>,
        %swap3A_166 = vector.shape_cast %swap3A_165 : vector<16xf32> to vector<16xf32>
        %swap3A_167 = vector.shape_cast %broadcast_in_dim3A_164 : vector<16xf32> to vector<16xf32>
        tpu.vector_store %arg23[%swap3A], %swap3A_167 {strides = array<i32>} : memref<416xf32, #tpu.memory_space<vmem>>, vector<16xf32>,
        %scan3A_168 = arith.constant 0 : i32
        %scan3A_169 = arith.constant 25 : i32
        %scan3A_170 = arith.addi %scan3A_168, %scan3A_169 : i32
        %scan3A_171 = arith.constant 1 : i32
        scf.for %scan3A_178 = %scan3A_168 to %scan3A_170 step %scan3A_171  : i32 {
          %mul3A_179 = arith.constant 1 : i32
          %mul3A_180 = arith.muli %scan3A_178, %mul3A_179 : i32
          %add3A_181 = arith.constant 0 : i32
          %add3A_182 = arith.addi %add3A_181, %mul3A_180 : i32
          %mul3A_183 = arith.constant 16 : i32
          %mul3A_184 = arith.muli %add3A_182, %mul3A_183 : i32
          %get3A = arith.index_cast %mul3A_184 : i32 to index
          %get3A_185 = tpu.vector_load %arg22[%get3A] {strides = array<i32>} : memref<416xf32, #tpu.memory_space<vmem>>, vector<16xf32>,
          %get3A_186 = vector.shape_cast %get3A_185 : vector<16xf32> to vector<16xf32>
          %add3A_187 = arith.constant 1.000000e+00 : f32
          %add3A_188 = vector.broadcast %add3A_187 : f32 to vector<16xf32>
          %add3A_189 = arith.addf %get3A_186, %add3A_188 : vector<16xf32>
          %div3A = arith.constant 1.000000e+00 : f32
          %div3A_190 = vector.broadcast %div3A : f32 to vector<16xf32>
          %div3A_191 = arith.divf %div3A_190, %add3A_189 : vector<16xf32>
          %mul3A_192 = arith.constant 5.000000e-01 : f32
          %mul3A_193 = vector.broadcast %mul3A_192 : f32 to vector<16xf32>
          %mul3A_194 = arith.mulf %mul3A_193, %add3A_189 : vector<16xf32>
          %mul3A_195 = arith.mulf %mul3A_194, %div3A_191 : vector<16xf32>
          %mul3A_196 = arith.mulf %mul3A_195, %div3A_191 : vector<16xf32>
          %sub3A = arith.constant 1.500000e+00 : f32
          %sub3A_197 = vector.broadcast %sub3A : f32 to vector<16xf32>
          %sub3A_198 = arith.subf %sub3A_197, %mul3A_196 : vector<16xf32>
          %mul3A_199 = arith.mulf %div3A_191, %sub3A_198 : vector<16xf32>
          %mul3A_200 = arith.constant 5.000000e-01 : f32
          %mul3A_201 = vector.broadcast %mul3A_200 : f32 to vector<16xf32>
          %mul3A_202 = arith.mulf %mul3A_201, %add3A_189 : vector<16xf32>
          %mul3A_203 = arith.mulf %mul3A_202, %mul3A_199 : vector<16xf32>
          %mul3A_204 = arith.mulf %mul3A_203, %mul3A_199 : vector<16xf32>
          %sub3A_205 = arith.constant 1.500000e+00 : f32
          %sub3A_206 = vector.broadcast %sub3A_205 : f32 to vector<16xf32>
          %sub3A_207 = arith.subf %sub3A_206, %mul3A_204 : vector<16xf32>
          %mul3A_208 = arith.mulf %mul3A_199, %sub3A_207 : vector<16xf32>
          %mul3A_209 = arith.constant 5.000000e-01 : f32
          %mul3A_210 = vector.broadcast %mul3A_209 : f32 to vector<16xf32>
          %mul3A_211 = arith.mulf %mul3A_210, %add3A_189 : vector<16xf32>
          %mul3A_212 = arith.mulf %mul3A_211, %mul3A_208 : vector<16xf32>
          %mul3A_213 = arith.mulf %mul3A_212, %mul3A_208 : vector<16xf32>
          %sub3A_214 = arith.constant 1.500000e+00 : f32
          %sub3A_215 = vector.broadcast %sub3A_214 : f32 to vector<16xf32>
          %sub3A_216 = arith.subf %sub3A_215, %mul3A_213 : vector<16xf32>
          %mul3A_217 = arith.mulf %mul3A_208, %sub3A_216 : vector<16xf32>
          %mul3A_218 = arith.constant 5.000000e-01 : f32
          %mul3A_219 = vector.broadcast %mul3A_218 : f32 to vector<16xf32>
          %mul3A_220 = arith.mulf %mul3A_219, %add3A_189 : vector<16xf32>
          %mul3A_221 = arith.mulf %mul3A_220, %mul3A_217 : vector<16xf32>
          %mul3A_222 = arith.mulf %mul3A_221, %mul3A_217 : vector<16xf32>
          %sub3A_223 = arith.constant 1.500000e+00 : f32
          %sub3A_224 = vector.broadcast %sub3A_223 : f32 to vector<16xf32>
          %sub3A_225 = arith.subf %sub3A_224, %mul3A_222 : vector<16xf32>
          %mul3A_226 = arith.mulf %mul3A_217, %sub3A_225 : vector<16xf32>
          %mul3A_227 = arith.constant 5.000000e-01 : f32
          %mul3A_228 = vector.broadcast %mul3A_227 : f32 to vector<16xf32>
          %mul3A_229 = arith.mulf %mul3A_228, %add3A_189 : vector<16xf32>
          %mul3A_230 = arith.mulf %mul3A_229, %mul3A_226 : vector<16xf32>
          %mul3A_231 = arith.mulf %mul3A_230, %mul3A_226 : vector<16xf32>
          %sub3A_232 = arith.constant 1.500000e+00 : f32
          %sub3A_233 = vector.broadcast %sub3A_232 : f32 to vector<16xf32>
          %sub3A_234 = arith.subf %sub3A_233, %mul3A_231 : vector<16xf32>
          %mul3A_235 = arith.mulf %mul3A_226, %sub3A_234 : vector<16xf32>
          %mul3A_236 = arith.constant 5.000000e-01 : f32
          %mul3A_237 = vector.broadcast %mul3A_236 : f32 to vector<16xf32>
          %mul3A_238 = arith.mulf %mul3A_237, %add3A_189 : vector<16xf32>
          %mul3A_239 = arith.mulf %mul3A_238, %mul3A_235 : vector<16xf32>
          %mul3A_240 = arith.mulf %mul3A_239, %mul3A_235 : vector<16xf32>
          %sub3A_241 = arith.constant 1.500000e+00 : f32
          %sub3A_242 = vector.broadcast %sub3A_241 : f32 to vector<16xf32>
          %sub3A_243 = arith.subf %sub3A_242, %mul3A_240 : vector<16xf32>
          %mul3A_244 = arith.mulf %mul3A_235, %sub3A_243 : vector<16xf32>
          %mul3A_245 = arith.constant 5.000000e-01 : f32
          %mul3A_246 = vector.broadcast %mul3A_245 : f32 to vector<16xf32>
          %mul3A_247 = arith.mulf %mul3A_246, %add3A_189 : vector<16xf32>
          %mul3A_248 = arith.mulf %mul3A_247, %mul3A_244 : vector<16xf32>
          %mul3A_249 = arith.mulf %mul3A_248, %mul3A_244 : vector<16xf32>
          %sub3A_250 = arith.constant 1.500000e+00 : f32
          %sub3A_251 = vector.broadcast %sub3A_250 : f32 to vector<16xf32>
          %sub3A_252 = arith.subf %sub3A_251, %mul3A_249 : vector<16xf32>
          %mul3A_253 = arith.mulf %mul3A_244, %sub3A_252 : vector<16xf32>
          %mul3A_254 = arith.constant 5.000000e-01 : f32
          %mul3A_255 = vector.broadcast %mul3A_254 : f32 to vector<16xf32>
          %mul3A_256 = arith.mulf %mul3A_255, %add3A_189 : vector<16xf32>
          %mul3A_257 = arith.mulf %mul3A_256, %mul3A_253 : vector<16xf32>
          %mul3A_258 = arith.mulf %mul3A_257, %mul3A_253 : vector<16xf32>
          %sub3A_259 = arith.constant 1.500000e+00 : f32
          %sub3A_260 = vector.broadcast %sub3A_259 : f32 to vector<16xf32>
          %sub3A_261 = arith.subf %sub3A_260, %mul3A_258 : vector<16xf32>
          %mul3A_262 = arith.mulf %mul3A_253, %sub3A_261 : vector<16xf32>
          %mul3A_263 = arith.constant 5.000000e-01 : f32
          %mul3A_264 = vector.broadcast %mul3A_263 : f32 to vector<16xf32>
          %mul3A_265 = arith.mulf %mul3A_264, %add3A_189 : vector<16xf32>
          %mul3A_266 = arith.mulf %mul3A_265, %mul3A_262 : vector<16xf32>
          %mul3A_267 = arith.mulf %mul3A_266, %mul3A_262 : vector<16xf32>
          %sub3A_268 = arith.constant 1.500000e+00 : f32
          %sub3A_269 = vector.broadcast %sub3A_268 : f32 to vector<16xf32>
          %sub3A_270 = arith.subf %sub3A_269, %mul3A_267 : vector<16xf32>
          %mul3A_271 = arith.mulf %mul3A_262, %sub3A_270 : vector<16xf32>
          %mul3A_272 = arith.constant 5.000000e-01 : f32
          %mul3A_273 = vector.broadcast %mul3A_272 : f32 to vector<16xf32>
          %mul3A_274 = arith.mulf %mul3A_273, %add3A_189 : vector<16xf32>
          %mul3A_275 = arith.mulf %mul3A_274, %mul3A_271 : vector<16xf32>
          %mul3A_276 = arith.mulf %mul3A_275, %mul3A_271 : vector<16xf32>
          %sub3A_277 = arith.constant 1.500000e+00 : f32
          %sub3A_278 = vector.broadcast %sub3A_277 : f32 to vector<16xf32>
          %sub3A_279 = arith.subf %sub3A_278, %mul3A_276 : vector<16xf32>
          %mul3A_280 = arith.mulf %mul3A_271, %sub3A_279 : vector<16xf32>
          %mul3A_281 = arith.constant 5.000000e-01 : f32
          %mul3A_282 = vector.broadcast %mul3A_281 : f32 to vector<16xf32>
          %mul3A_283 = arith.mulf %mul3A_282, %add3A_189 : vector<16xf32>
          %mul3A_284 = arith.mulf %mul3A_283, %mul3A_280 : vector<16xf32>
          %mul3A_285 = arith.mulf %mul3A_284, %mul3A_280 : vector<16xf32>
          %sub3A_286 = arith.constant 1.500000e+00 : f32
          %sub3A_287 = vector.broadcast %sub3A_286 : f32 to vector<16xf32>
          %sub3A_288 = arith.subf %sub3A_287, %mul3A_285 : vector<16xf32>
          %mul3A_289 = arith.mulf %mul3A_280, %sub3A_288 : vector<16xf32>
          %mul3A_290 = arith.constant 5.000000e-01 : f32
          %mul3A_291 = vector.broadcast %mul3A_290 : f32 to vector<16xf32>
          %mul3A_292 = arith.mulf %mul3A_291, %add3A_189 : vector<16xf32>
          %mul3A_293 = arith.mulf %mul3A_292, %mul3A_289 : vector<16xf32>
          %mul3A_294 = arith.mulf %mul3A_293, %mul3A_289 : vector<16xf32>
          %sub3A_295 = arith.constant 1.500000e+00 : f32
          %sub3A_296 = vector.broadcast %sub3A_295 : f32 to vector<16xf32>
          %sub3A_297 = arith.subf %sub3A_296, %mul3A_294 : vector<16xf32>
          %mul3A_298 = arith.mulf %mul3A_289, %sub3A_297 : vector<16xf32>
          %mul3A_299 = arith.constant 5.000000e-01 : f32
          %mul3A_300 = vector.broadcast %mul3A_299 : f32 to vector<16xf32>
          %mul3A_301 = arith.mulf %mul3A_300, %add3A_189 : vector<16xf32>
          %mul3A_302 = arith.mulf %mul3A_301, %mul3A_298 : vector<16xf32>
          %mul3A_303 = arith.mulf %mul3A_302, %mul3A_298 : vector<16xf32>
          %sub3A_304 = arith.constant 1.500000e+00 : f32
          %sub3A_305 = vector.broadcast %sub3A_304 : f32 to vector<16xf32>
          %sub3A_306 = arith.subf %sub3A_305, %mul3A_303 : vector<16xf32>
          %mul3A_307 = arith.mulf %mul3A_298, %sub3A_306 : vector<16xf32>
          %mul3A_308 = arith.constant 5.000000e-01 : f32
          %mul3A_309 = vector.broadcast %mul3A_308 : f32 to vector<16xf32>
          %mul3A_310 = arith.mulf %mul3A_309, %add3A_189 : vector<16xf32>
          %mul3A_311 = arith.mulf %mul3A_310, %mul3A_307 : vector<16xf32>
          %mul3A_312 = arith.mulf %mul3A_311, %mul3A_307 : vector<16xf32>
          %sub3A_313 = arith.constant 1.500000e+00 : f32
          %sub3A_314 = vector.broadcast %sub3A_313 : f32 to vector<16xf32>
          %sub3A_315 = arith.subf %sub3A_314, %mul3A_312 : vector<16xf32>
          %mul3A_316 = arith.mulf %mul3A_307, %sub3A_315 : vector<16xf32>
          %mul3A_317 = arith.constant 5.000000e-01 : f32
          %mul3A_318 = vector.broadcast %mul3A_317 : f32 to vector<16xf32>
          %mul3A_319 = arith.mulf %mul3A_318, %add3A_189 : vector<16xf32>
          %mul3A_320 = arith.mulf %mul3A_319, %mul3A_316 : vector<16xf32>
          %mul3A_321 = arith.mulf %mul3A_320, %mul3A_316 : vector<16xf32>
          %sub3A_322 = arith.constant 1.500000e+00 : f32
          %sub3A_323 = vector.broadcast %sub3A_322 : f32 to vector<16xf32>
          %sub3A_324 = arith.subf %sub3A_323, %mul3A_321 : vector<16xf32>
          %mul3A_325 = arith.mulf %mul3A_316, %sub3A_324 : vector<16xf32>
          %mul3A_326 = arith.constant 5.000000e-01 : f32
          %mul3A_327 = vector.broadcast %mul3A_326 : f32 to vector<16xf32>
          %mul3A_328 = arith.mulf %mul3A_327, %add3A_189 : vector<16xf32>
          %mul3A_329 = arith.mulf %mul3A_328, %mul3A_325 : vector<16xf32>
          %mul3A_330 = arith.mulf %mul3A_329, %mul3A_325 : vector<16xf32>
          %sub3A_331 = arith.constant 1.500000e+00 : f32
          %sub3A_332 = vector.broadcast %sub3A_331 : f32 to vector<16xf32>
          %sub3A_333 = arith.subf %sub3A_332, %mul3A_330 : vector<16xf32>
          %mul3A_334 = arith.mulf %mul3A_325, %sub3A_333 : vector<16xf32>
          %mul3A_335 = arith.constant 5.000000e-01 : f32
          %mul3A_336 = vector.broadcast %mul3A_335 : f32 to vector<16xf32>
          %mul3A_337 = arith.mulf %mul3A_336, %add3A_189 : vector<16xf32>
          %mul3A_338 = arith.mulf %mul3A_337, %mul3A_334 : vector<16xf32>
          %mul3A_339 = arith.mulf %mul3A_338, %mul3A_334 : vector<16xf32>
          %sub3A_340 = arith.constant 1.500000e+00 : f32
          %sub3A_341 = vector.broadcast %sub3A_340 : f32 to vector<16xf32>
          %sub3A_342 = arith.subf %sub3A_341, %mul3A_339 : vector<16xf32>
          %mul3A_343 = arith.mulf %mul3A_334, %sub3A_342 : vector<16xf32>
          %mul3A_344 = arith.constant 5.000000e-01 : f32
          %mul3A_345 = vector.broadcast %mul3A_344 : f32 to vector<16xf32>
          %mul3A_346 = arith.mulf %mul3A_345, %add3A_189 : vector<16xf32>
          %mul3A_347 = arith.mulf %mul3A_346, %mul3A_343 : vector<16xf32>
          %mul3A_348 = arith.mulf %mul3A_347, %mul3A_343 : vector<16xf32>
          %sub3A_349 = arith.constant 1.500000e+00 : f32
          %sub3A_350 = vector.broadcast %sub3A_349 : f32 to vector<16xf32>
          %sub3A_351 = arith.subf %sub3A_350, %mul3A_348 : vector<16xf32>
          %mul3A_352 = arith.mulf %mul3A_343, %sub3A_351 : vector<16xf32>
          %mul3A_353 = arith.constant 5.000000e-01 : f32
          %mul3A_354 = vector.broadcast %mul3A_353 : f32 to vector<16xf32>
          %mul3A_355 = arith.mulf %mul3A_354, %add3A_189 : vector<16xf32>
          %mul3A_356 = arith.mulf %mul3A_355, %mul3A_352 : vector<16xf32>
          %mul3A_357 = arith.mulf %mul3A_356, %mul3A_352 : vector<16xf32>
          %sub3A_358 = arith.constant 1.500000e+00 : f32
          %sub3A_359 = vector.broadcast %sub3A_358 : f32 to vector<16xf32>
          %sub3A_360 = arith.subf %sub3A_359, %mul3A_357 : vector<16xf32>
          %mul3A_361 = arith.mulf %mul3A_352, %sub3A_360 : vector<16xf32>
          %mul3A_362 = arith.constant 5.000000e-01 : f32
          %mul3A_363 = vector.broadcast %mul3A_362 : f32 to vector<16xf32>
          %mul3A_364 = arith.mulf %mul3A_363, %add3A_189 : vector<16xf32>
          %mul3A_365 = arith.mulf %mul3A_364, %mul3A_361 : vector<16xf32>
          %mul3A_366 = arith.mulf %mul3A_365, %mul3A_361 : vector<16xf32>
          %sub3A_367 = arith.constant 1.500000e+00 : f32
          %sub3A_368 = vector.broadcast %sub3A_367 : f32 to vector<16xf32>
          %sub3A_369 = arith.subf %sub3A_368, %mul3A_366 : vector<16xf32>
          %mul3A_370 = arith.mulf %mul3A_361, %sub3A_369 : vector<16xf32>
          %mul3A_371 = arith.constant 5.000000e-01 : f32
          %mul3A_372 = vector.broadcast %mul3A_371 : f32 to vector<16xf32>
          %mul3A_373 = arith.mulf %mul3A_372, %add3A_189 : vector<16xf32>
          %mul3A_374 = arith.mulf %mul3A_373, %mul3A_370 : vector<16xf32>
          %mul3A_375 = arith.mulf %mul3A_374, %mul3A_370 : vector<16xf32>
          %sub3A_376 = arith.constant 1.500000e+00 : f32
          %sub3A_377 = vector.broadcast %sub3A_376 : f32 to vector<16xf32>
          %sub3A_378 = arith.subf %sub3A_377, %mul3A_375 : vector<16xf32>
          %mul3A_379 = arith.mulf %mul3A_370, %sub3A_378 : vector<16xf32>
          %mul3A_380 = arith.constant 5.000000e-01 : f32
          %mul3A_381 = vector.broadcast %mul3A_380 : f32 to vector<16xf32>
          %mul3A_382 = arith.mulf %mul3A_381, %add3A_189 : vector<16xf32>
          %mul3A_383 = arith.mulf %mul3A_382, %mul3A_379 : vector<16xf32>
          %mul3A_384 = arith.mulf %mul3A_383, %mul3A_379 : vector<16xf32>
          %sub3A_385 = arith.constant 1.500000e+00 : f32
          %sub3A_386 = vector.broadcast %sub3A_385 : f32 to vector<16xf32>
          %sub3A_387 = arith.subf %sub3A_386, %mul3A_384 : vector<16xf32>
          %mul3A_388 = arith.mulf %mul3A_379, %sub3A_387 : vector<16xf32>
          %mul3A_389 = arith.constant 5.000000e-01 : f32
          %mul3A_390 = vector.broadcast %mul3A_389 : f32 to vector<16xf32>
          %mul3A_391 = arith.mulf %mul3A_390, %add3A_189 : vector<16xf32>
          %mul3A_392 = arith.mulf %mul3A_391, %mul3A_388 : vector<16xf32>
          %mul3A_393 = arith.mulf %mul3A_392, %mul3A_388 : vector<16xf32>
          %sub3A_394 = arith.constant 1.500000e+00 : f32
          %sub3A_395 = vector.broadcast %sub3A_394 : f32 to vector<16xf32>
          %sub3A_396 = arith.subf %sub3A_395, %mul3A_393 : vector<16xf32>
          %mul3A_397 = arith.mulf %mul3A_388, %sub3A_396 : vector<16xf32>
          %mul3A_398 = arith.constant 5.000000e-01 : f32
          %mul3A_399 = vector.broadcast %mul3A_398 : f32 to vector<16xf32>
          %mul3A_400 = arith.mulf %mul3A_399, %add3A_189 : vector<16xf32>
          %mul3A_401 = arith.mulf %mul3A_400, %mul3A_397 : vector<16xf32>
          %mul3A_402 = arith.mulf %mul3A_401, %mul3A_397 : vector<16xf32>
          %sub3A_403 = arith.constant 1.500000e+00 : f32
          %sub3A_404 = vector.broadcast %sub3A_403 : f32 to vector<16xf32>
          %sub3A_405 = arith.subf %sub3A_404, %mul3A_402 : vector<16xf32>
          %mul3A_406 = arith.mulf %mul3A_397, %sub3A_405 : vector<16xf32>
          %mul3A_407 = arith.constant 5.000000e-01 : f32
          %mul3A_408 = vector.broadcast %mul3A_407 : f32 to vector<16xf32>
          %mul3A_409 = arith.mulf %mul3A_408, %add3A_189 : vector<16xf32>
          %mul3A_410 = arith.mulf %mul3A_409, %mul3A_406 : vector<16xf32>
          %mul3A_411 = arith.mulf %mul3A_410, %mul3A_406 : vector<16xf32>
          %sub3A_412 = arith.constant 1.500000e+00 : f32
          %sub3A_413 = vector.broadcast %sub3A_412 : f32 to vector<16xf32>
          %sub3A_414 = arith.subf %sub3A_413, %mul3A_411 : vector<16xf32>
          %mul3A_415 = arith.mulf %mul3A_406, %sub3A_414 : vector<16xf32>
          %mul3A_416 = arith.constant 5.000000e-01 : f32
          %mul3A_417 = vector.broadcast %mul3A_416 : f32 to vector<16xf32>
          %mul3A_418 = arith.mulf %mul3A_417, %add3A_189 : vector<16xf32>
          %mul3A_419 = arith.mulf %mul3A_418, %mul3A_415 : vector<16xf32>
          %mul3A_420 = arith.mulf %mul3A_419, %mul3A_415 : vector<16xf32>
          %sub3A_421 = arith.constant 1.500000e+00 : f32
          %sub3A_422 = vector.broadcast %sub3A_421 : f32 to vector<16xf32>
          %sub3A_423 = arith.subf %sub3A_422, %mul3A_420 : vector<16xf32>
          %mul3A_424 = arith.mulf %mul3A_415, %sub3A_423 : vector<16xf32>
          %mul3A_425 = arith.constant 16 : i32
          %mul3A_426 = arith.muli %add3A_182, %mul3A_425 : i32
          %swap3A_427 = arith.index_cast %mul3A_426 : i32 to index
          %swap3A_428 = tpu.vector_load %arg23[%swap3A_427] {strides = array<i32>} : memref<416xf32, #tpu.memory_space<vmem>>, vector<16xf32>,
          %swap3A_429 = vector.shape_cast %swap3A_428 : vector<16xf32> to vector<16xf32>
          %swap3A_430 = vector.shape_cast %mul3A_424 : vector<16xf32> to vector<16xf32>
          tpu.vector_store %arg23[%swap3A_427], %swap3A_430 {strides = array<i32>} : memref<416xf32, #tpu.memory_space<vmem>>, vector<16xf32>,
          %div3A_431 = arith.constant 1.000000e+00 : f32
          %div3A_432 = vector.broadcast %div3A_431 : f32 to vector<16xf32>
          %div3A_433 = arith.divf %div3A_432, %add3A_189 : vector<16xf32>
          %mul3A_434 = arith.constant 16 : i32
          %mul3A_435 = arith.muli %add3A_182, %mul3A_434 : i32
          %swap3A_436 = arith.index_cast %mul3A_435 : i32 to index
          %swap3A_437 = tpu.vector_load %arg24[%swap3A_436] {strides = array<i32>} : memref<400xf32, #tpu.memory_space<vmem>>, vector<16xf32>,
          %swap3A_438 = vector.shape_cast %swap3A_437 : vector<16xf32> to vector<16xf32>
          %swap3A_439 = vector.shape_cast %div3A_433 : vector<16xf32> to vector<16xf32>
          tpu.vector_store %arg24[%swap3A_436], %swap3A_439 {strides = array<i32>} : memref<400xf32, #tpu.memory_space<vmem>>, vector<16xf32>,
        }
        %scan3A_172 = arith.constant 25 : i32
        %scan3A_173 = arith.constant 0 : i32
        %scan3A_174 = arith.constant 400 : i32
        %scan3A_175 = arith.addi %scan3A_173, %scan3A_174 : i32
        %scan3A_176 = arith.constant 1 : i32
        scf.for %scan3A_178 = %scan3A_173 to %scan3A_175 step %scan3A_176  : i32 {
          %mul3A_179 = arith.constant 1 : i32
          %mul3A_180 = arith.muli %scan3A_178, %mul3A_179 : i32
          %add3A_181 = arith.constant 0 : i32
          %add3A_182 = arith.addi %add3A_181, %mul3A_180 : i32
          %get3A = arith.index_cast %add3A_182 : i32 to index
          %get3A_183 = tpu.vector_load %arg23[%get3A] {strides = array<i32>} : memref<416xf32, #tpu.memory_space<vmem>>, vector<16xf32>,
          %get3A_184 = vector.shape_cast %get3A_183 : vector<16xf32> to vector<16xf32>
          %broadcast_in_dim3A_185 = arith.constant 0 : i32
          %broadcast_in_dim3A_186 = vector.broadcast %broadcast_in_dim3A_185 : i32 to vector<16xi32>
          %lt3A_187 = arith.constant 0 : i32
          %lt3A_188 = vector.broadcast %lt3A_187 : i32 to vector<16xi32>
          %lt3A_189 = arith.cmpi slt, %broadcast_in_dim3A_186, %lt3A_188 : vector<16xi32>
          %add3A_190 = arith.constant 16 : i32
          %add3A_191 = vector.broadcast %add3A_190 : i32 to vector<16xi32>
          %add3A_192 = arith.addi %broadcast_in_dim3A_186, %add3A_191 : vector<16xi32>
          %select_n3A = arith.select %lt3A_189, %add3A_192, %broadcast_in_dim3A_186 : vector<16xi1>, vector<16xi32>
          %broadcast_in_dim3A_193 = vector.shape_cast %select_n3A : vector<16xi32> to vector<16x1xi32>
          %gather3A = vector.shape_cast %broadcast_in_dim3A_193 : vector<16x1xi32> to vector<16xi32>
          %gather3A_194 = tpu.dynamic_gather %get3A_184[%gather3A] in [0] : vector<16xf32>, vector<16xi32> -> vector<16xf32>
          %get3A_195 = arith.index_cast %add3A_182 : i32 to index
          %get3A_196 = arith.constant 0 : index
          %get3A_197 = tpu.vector_load %arg25[%get3A_195, %get3A_196] {strides = array<i32>} : memref<400x16xf32, #tpu.memory_space<vmem>>, vector<1x16xf32>,
          %get3A_198 = vector.shape_cast %get3A_197 : vector<1x16xf32> to vector<16xf32>
          %mul3A_199 = arith.mulf %get3A_198, %gather3A_194 : vector<16xf32>
          %swap3A_200 = arith.index_cast %add3A_182 : i32 to index
          %swap3A_201 = arith.constant 0 : index
          %swap3A_202 = tpu.vector_load %arg26[%swap3A_200, %swap3A_201] {strides = array<i32>} : memref<400x16xf32, #tpu.memory_space<vmem>>, vector<1x16xf32>,
          %swap3A_203 = vector.shape_cast %swap3A_202 : vector<1x16xf32> to vector<16xf32>
          %swap3A_204 = vector.shape_cast %mul3A_199 : vector<16xf32> to vector<1x16xf32>
          tpu.vector_store %arg26[%swap3A_200, %swap3A_201], %swap3A_204 {strides = array<i32>} : memref<400x16xf32, #tpu.memory_space<vmem>>, vector<1x16xf32>,
        }
        %scan3A_177 = arith.constant 400 : i32
        "tpu.region"() ({
          %run_scoped3A = tpu.sem_alloc : memref<!tpu.dma_semaphore, #tpu.memory_space<semaphore_mem>>
          %dma_start3A_178 = arith.constant 0 : i32
          %dma_start3A_179 = tpu.memref_slice %arg9[%add3A_163, %dma_start3A_178] : memref<100000x16xf32, #tpu.memory_space<hbm>> -> memref<400x16xf32, #tpu.memory_space<hbm>>
          %dma_start3A_180 = arith.constant 0 : i32
          %dma_start3A_181 = tpu.memref_slice %arg9[%add3A_163, %dma_start3A_180] : memref<100000x16xf32, #tpu.memory_space<hbm>> -> memref<400x16xf32, #tpu.memory_space<hbm>>
          tpu.enqueue_dma source(%arg26 : memref<400x16xf32, #tpu.memory_space<vmem>>) target(%dma_start3A_181 : memref<400x16xf32, #tpu.memory_space<hbm>>) target_semaphore(%run_scoped3A : memref<!tpu.dma_semaphore, #tpu.memory_space<semaphore_mem>>)
          %dma_wait3A_182 = arith.constant 0 : i32
          %dma_wait3A_183 = tpu.memref_slice %arg9[%add3A_163, %dma_wait3A_182] : memref<100000x16xf32, #tpu.memory_space<hbm>> -> memref<400x16xf32, #tpu.memory_space<hbm>>
          %dma_wait3A_184 = arith.constant 0 : i32
          %dma_wait3A_185 = tpu.memref_slice %arg9[%add3A_163, %dma_wait3A_184] : memref<100000x16xf32, #tpu.memory_space<hbm>> -> memref<400x16xf32, #tpu.memory_space<hbm>>
          tpu.wait_dma2 semaphore(%run_scoped3A : memref<!tpu.dma_semaphore, #tpu.memory_space<semaphore_mem>>) src(%arg26 : memref<400x16xf32, #tpu.memory_space<vmem>>) dst(%dma_wait3A_185 : memref<400x16xf32, #tpu.memory_space<hbm>>)
          tpu.yield
        }) : () -> ()
        "tpu.region"() ({
          %run_scoped3A = tpu.sem_alloc : memref<!tpu.dma_semaphore, #tpu.memory_space<semaphore_mem>>
          %dma_start3A_178 = arith.constant 0 : i32
          %dma_start3A_179 = tpu.memref_slice %arg23[%dma_start3A_178] : memref<416xf32, #tpu.memory_space<vmem>> -> memref<400xf32, #tpu.memory_space<vmem>>
          %dma_start3A_180 = tpu.memref_slice %arg10[%add3A_163] : memref<100000xf32, #tpu.memory_space<hbm>> -> memref<400xf32, #tpu.memory_space<hbm>>
          %dma_start3A_181 = tpu.memref_slice %arg10[%add3A_163] : memref<100000xf32, #tpu.memory_space<hbm>> -> memref<400xf32, #tpu.memory_space<hbm>>
          %dma_start3A_182 = arith.constant 0 : i32
          %dma_start3A_183 = tpu.memref_slice %arg23[%dma_start3A_182] : memref<416xf32, #tpu.memory_space<vmem>> -> memref<400xf32, #tpu.memory_space<vmem>>
          tpu.enqueue_dma source(%dma_start3A_183 : memref<400xf32, #tpu.memory_space<vmem>>) target(%dma_start3A_181 : memref<400xf32, #tpu.memory_space<hbm>>) target_semaphore(%run_scoped3A : memref<!tpu.dma_semaphore, #tpu.memory_space<semaphore_mem>>)
          %dma_wait3A_184 = arith.constant 0 : i32
          %dma_wait3A_185 = tpu.memref_slice %arg23[%dma_wait3A_184] : memref<416xf32, #tpu.memory_space<vmem>> -> memref<400xf32, #tpu.memory_space<vmem>>
          %dma_wait3A_186 = tpu.memref_slice %arg10[%add3A_163] : memref<100000xf32, #tpu.memory_space<hbm>> -> memref<400xf32, #tpu.memory_space<hbm>>
          %dma_wait3A_187 = tpu.memref_slice %arg10[%add3A_163] : memref<100000xf32, #tpu.memory_space<hbm>> -> memref<400xf32, #tpu.memory_space<hbm>>
          %dma_wait3A_188 = arith.constant 0 : i32
          %dma_wait3A_189 = tpu.memref_slice %arg23[%dma_wait3A_188] : memref<416xf32, #tpu.memory_space<vmem>> -> memref<400xf32, #tpu.memory_space<vmem>>
          tpu.wait_dma2 semaphore(%run_scoped3A : memref<!tpu.dma_semaphore, #tpu.memory_space<semaphore_mem>>) src(%dma_wait3A_189 : memref<400xf32, #tpu.memory_space<vmem>>) dst(%dma_wait3A_187 : memref<400xf32, #tpu.memory_space<hbm>>)
          tpu.yield
        }) : () -> ()
        "tpu.region"() ({
          %run_scoped3A = tpu.sem_alloc : memref<!tpu.dma_semaphore, #tpu.memory_space<semaphore_mem>>
          %dma_start3A_178 = arith.constant 0 : i32
          %dma_start3A_179 = tpu.memref_slice %arg24[%dma_start3A_178] : memref<400xf32, #tpu.memory_space<vmem>> -> memref<400xf32, #tpu.memory_space<vmem>>
          %dma_start3A_180 = tpu.memref_slice %arg11[%add3A_163] : memref<100000xf32, #tpu.memory_space<hbm>> -> memref<400xf32, #tpu.memory_space<hbm>>
          %dma_start3A_181 = tpu.memref_slice %arg11[%add3A_163] : memref<100000xf32, #tpu.memory_space<hbm>> -> memref<400xf32, #tpu.memory_space<hbm>>
          %dma_start3A_182 = arith.constant 0 : i32
          %dma_start3A_183 = tpu.memref_slice %arg24[%dma_start3A_182] : memref<400xf32, #tpu.memory_space<vmem>> -> memref<400xf32, #tpu.memory_space<vmem>>
          tpu.enqueue_dma source(%dma_start3A_183 : memref<400xf32, #tpu.memory_space<vmem>>) target(%dma_start3A_181 : memref<400xf32, #tpu.memory_space<hbm>>) target_semaphore(%run_scoped3A : memref<!tpu.dma_semaphore, #tpu.memory_space<semaphore_mem>>)
          %dma_wait3A_184 = arith.constant 0 : i32
          %dma_wait3A_185 = tpu.memref_slice %arg24[%dma_wait3A_184] : memref<400xf32, #tpu.memory_space<vmem>> -> memref<400xf32, #tpu.memory_space<vmem>>
          %dma_wait3A_186 = tpu.memref_slice %arg11[%add3A_163] : memref<100000xf32, #tpu.memory_space<hbm>> -> memref<400xf32, #tpu.memory_space<hbm>>
          %dma_wait3A_187 = tpu.memref_slice %arg11[%add3A_163] : memref<100000xf32, #tpu.memory_space<hbm>> -> memref<400xf32, #tpu.memory_space<hbm>>
          %dma_wait3A_188 = arith.constant 0 : i32
          %dma_wait3A_189 = tpu.memref_slice %arg24[%dma_wait3A_188] : memref<400xf32, #tpu.memory_space<vmem>> -> memref<400xf32, #tpu.memory_space<vmem>>
          tpu.wait_dma2 semaphore(%run_scoped3A : memref<!tpu.dma_semaphore, #tpu.memory_space<semaphore_mem>>) src(%dma_wait3A_189 : memref<400xf32, #tpu.memory_space<vmem>>) dst(%dma_wait3A_187 : memref<400xf32, #tpu.memory_space<hbm>>)
          tpu.yield
        }) : () -> ()
      }
      %scan3A_153 = arith.constant 16 : i32
    } else {
    }
    %eq3A_64 = arith.constant 15 : i32
    %eq3A_65 = arith.cmpi eq, %arg1, %eq3A_64 : i32
    %convert_element_type3A_66 = arith.extui %eq3A_65 : i1 to i32
    %cond3A_67 = arith.constant 0 : i32
    %cond3A_68 = arith.cmpi ne, %convert_element_type3A_66, %cond3A_67 : i32
    scf.if %cond3A_68 {
      %scan3A_149 = arith.constant 0 : i32
      %scan3A_150 = arith.constant 10 : i32
      %scan3A_151 = arith.addi %scan3A_149, %scan3A_150 : i32
      %scan3A_152 = arith.constant 1 : i32
      scf.for %scan3A_154 = %scan3A_149 to %scan3A_151 step %scan3A_152  : i32 {
        %mul3A_155 = arith.constant 1 : i32
        %mul3A_156 = arith.muli %scan3A_154, %mul3A_155 : i32
        %add3A_157 = arith.constant 0 : i32
        %add3A_158 = arith.addi %add3A_157, %mul3A_156 : i32
        %mul3A_159 = arith.constant 400 : i32
        %mul3A_160 = arith.muli %add3A_158, %mul3A_159 : i32
        %add3A_161 = arith.constant 96000 : i32
        %add3A_162 = arith.addi %add3A_161, %mul3A_160 : i32
        "tpu.region"() ({
          %run_scoped3A = tpu.sem_alloc : memref<!tpu.dma_semaphore, #tpu.memory_space<semaphore_mem>>
          %dma_start3A_177 = arith.constant 0 : i32
          %dma_start3A_178 = tpu.memref_slice %arg22[%dma_start3A_177] : memref<416xf32, #tpu.memory_space<vmem>> -> memref<400xf32, #tpu.memory_space<vmem>>
          %dma_start3A_179 = tpu.memref_slice %arg31[%add3A_162] : memref<100000xf32, #tpu.memory_space<vmem_shared>> -> memref<400xf32, #tpu.memory_space<vmem_shared>>
          %dma_start3A_180 = arith.constant 0 : i32
          %dma_start3A_181 = tpu.memref_slice %arg22[%dma_start3A_180] : memref<416xf32, #tpu.memory_space<vmem>> -> memref<400xf32, #tpu.memory_space<vmem>>
          %dma_start3A_182 = tpu.memref_slice %arg31[%add3A_162] : memref<100000xf32, #tpu.memory_space<vmem_shared>> -> memref<400xf32, #tpu.memory_space<vmem_shared>>
          tpu.enqueue_dma source(%dma_start3A_182 : memref<400xf32, #tpu.memory_space<vmem_shared>>) target(%dma_start3A_181 : memref<400xf32, #tpu.memory_space<vmem>>) target_semaphore(%run_scoped3A : memref<!tpu.dma_semaphore, #tpu.memory_space<semaphore_mem>>)
          %dma_wait3A_183 = arith.constant 0 : i32
          %dma_wait3A_184 = tpu.memref_slice %arg22[%dma_wait3A_183] : memref<416xf32, #tpu.memory_space<vmem>> -> memref<400xf32, #tpu.memory_space<vmem>>
          %dma_wait3A_185 = tpu.memref_slice %arg31[%add3A_162] : memref<100000xf32, #tpu.memory_space<vmem_shared>> -> memref<400xf32, #tpu.memory_space<vmem_shared>>
          %dma_wait3A_186 = arith.constant 0 : i32
          %dma_wait3A_187 = tpu.memref_slice %arg22[%dma_wait3A_186] : memref<416xf32, #tpu.memory_space<vmem>> -> memref<400xf32, #tpu.memory_space<vmem>>
          %dma_wait3A_188 = tpu.memref_slice %arg31[%add3A_162] : memref<100000xf32, #tpu.memory_space<vmem_shared>> -> memref<400xf32, #tpu.memory_space<vmem_shared>>
          tpu.wait_dma2 semaphore(%run_scoped3A : memref<!tpu.dma_semaphore, #tpu.memory_space<semaphore_mem>>) src(%dma_wait3A_188 : memref<400xf32, #tpu.memory_space<vmem_shared>>) dst(%dma_wait3A_187 : memref<400xf32, #tpu.memory_space<vmem>>)
          tpu.yield
        }) : () -> ()
        "tpu.region"() ({
          %run_scoped3A = tpu.sem_alloc : memref<!tpu.dma_semaphore, #tpu.memory_space<semaphore_mem>>
          %dma_start3A_177 = arith.constant 0 : i32
          %dma_start3A_178 = tpu.memref_slice %arg4[%add3A_162, %dma_start3A_177] : memref<100000x16xf32, #tpu.memory_space<hbm>> -> memref<400x16xf32, #tpu.memory_space<hbm>>
          %dma_start3A_179 = arith.constant 0 : i32
          %dma_start3A_180 = tpu.memref_slice %arg4[%add3A_162, %dma_start3A_179] : memref<100000x16xf32, #tpu.memory_space<hbm>> -> memref<400x16xf32, #tpu.memory_space<hbm>>
          tpu.enqueue_dma source(%dma_start3A_180 : memref<400x16xf32, #tpu.memory_space<hbm>>) target(%arg25 : memref<400x16xf32, #tpu.memory_space<vmem>>) target_semaphore(%run_scoped3A : memref<!tpu.dma_semaphore, #tpu.memory_space<semaphore_mem>>)
          %dma_wait3A_181 = arith.constant 0 : i32
          %dma_wait3A_182 = tpu.memref_slice %arg4[%add3A_162, %dma_wait3A_181] : memref<100000x16xf32, #tpu.memory_space<hbm>> -> memref<400x16xf32, #tpu.memory_space<hbm>>
          %dma_wait3A_183 = arith.constant 0 : i32
          %dma_wait3A_184 = tpu.memref_slice %arg4[%add3A_162, %dma_wait3A_183] : memref<100000x16xf32, #tpu.memory_space<hbm>> -> memref<400x16xf32, #tpu.memory_space<hbm>>
          tpu.wait_dma2 semaphore(%run_scoped3A : memref<!tpu.dma_semaphore, #tpu.memory_space<semaphore_mem>>) src(%dma_wait3A_184 : memref<400x16xf32, #tpu.memory_space<hbm>>) dst(%arg25 : memref<400x16xf32, #tpu.memory_space<vmem>>)
          tpu.yield
        }) : () -> ()
        %broadcast_in_dim3A = arith.constant 1.000000e+00 : f32
        %broadcast_in_dim3A_163 = vector.broadcast %broadcast_in_dim3A : f32 to vector<16xf32>
        %swap3A = arith.constant 400 : index
        %swap3A_164 = tpu.vector_load %arg23[%swap3A] {strides = array<i32>} : memref<416xf32, #tpu.memory_space<vmem>>, vector<16xf32>,
        %swap3A_165 = vector.shape_cast %swap3A_164 : vector<16xf32> to vector<16xf32>
        %swap3A_166 = vector.shape_cast %broadcast_in_dim3A_163 : vector<16xf32> to vector<16xf32>
        tpu.vector_store %arg23[%swap3A], %swap3A_166 {strides = array<i32>} : memref<416xf32, #tpu.memory_space<vmem>>, vector<16xf32>,
        %scan3A_167 = arith.constant 0 : i32
        %scan3A_168 = arith.constant 25 : i32
        %scan3A_169 = arith.addi %scan3A_167, %scan3A_168 : i32
        %scan3A_170 = arith.constant 1 : i32
        scf.for %scan3A_177 = %scan3A_167 to %scan3A_169 step %scan3A_170  : i32 {
          %mul3A_178 = arith.constant 1 : i32
          %mul3A_179 = arith.muli %scan3A_177, %mul3A_178 : i32
          %add3A_180 = arith.constant 0 : i32
          %add3A_181 = arith.addi %add3A_180, %mul3A_179 : i32
          %mul3A_182 = arith.constant 16 : i32
          %mul3A_183 = arith.muli %add3A_181, %mul3A_182 : i32
          %get3A = arith.index_cast %mul3A_183 : i32 to index
          %get3A_184 = tpu.vector_load %arg22[%get3A] {strides = array<i32>} : memref<416xf32, #tpu.memory_space<vmem>>, vector<16xf32>,
          %get3A_185 = vector.shape_cast %get3A_184 : vector<16xf32> to vector<16xf32>
          %add3A_186 = arith.constant 1.000000e+00 : f32
          %add3A_187 = vector.broadcast %add3A_186 : f32 to vector<16xf32>
          %add3A_188 = arith.addf %get3A_185, %add3A_187 : vector<16xf32>
          %div3A = arith.constant 1.000000e+00 : f32
          %div3A_189 = vector.broadcast %div3A : f32 to vector<16xf32>
          %div3A_190 = arith.divf %div3A_189, %add3A_188 : vector<16xf32>
          %mul3A_191 = arith.constant 5.000000e-01 : f32
          %mul3A_192 = vector.broadcast %mul3A_191 : f32 to vector<16xf32>
          %mul3A_193 = arith.mulf %mul3A_192, %add3A_188 : vector<16xf32>
          %mul3A_194 = arith.mulf %mul3A_193, %div3A_190 : vector<16xf32>
          %mul3A_195 = arith.mulf %mul3A_194, %div3A_190 : vector<16xf32>
          %sub3A = arith.constant 1.500000e+00 : f32
          %sub3A_196 = vector.broadcast %sub3A : f32 to vector<16xf32>
          %sub3A_197 = arith.subf %sub3A_196, %mul3A_195 : vector<16xf32>
          %mul3A_198 = arith.mulf %div3A_190, %sub3A_197 : vector<16xf32>
          %mul3A_199 = arith.constant 5.000000e-01 : f32
          %mul3A_200 = vector.broadcast %mul3A_199 : f32 to vector<16xf32>
          %mul3A_201 = arith.mulf %mul3A_200, %add3A_188 : vector<16xf32>
          %mul3A_202 = arith.mulf %mul3A_201, %mul3A_198 : vector<16xf32>
          %mul3A_203 = arith.mulf %mul3A_202, %mul3A_198 : vector<16xf32>
          %sub3A_204 = arith.constant 1.500000e+00 : f32
          %sub3A_205 = vector.broadcast %sub3A_204 : f32 to vector<16xf32>
          %sub3A_206 = arith.subf %sub3A_205, %mul3A_203 : vector<16xf32>
          %mul3A_207 = arith.mulf %mul3A_198, %sub3A_206 : vector<16xf32>
          %mul3A_208 = arith.constant 5.000000e-01 : f32
          %mul3A_209 = vector.broadcast %mul3A_208 : f32 to vector<16xf32>
          %mul3A_210 = arith.mulf %mul3A_209, %add3A_188 : vector<16xf32>
          %mul3A_211 = arith.mulf %mul3A_210, %mul3A_207 : vector<16xf32>
          %mul3A_212 = arith.mulf %mul3A_211, %mul3A_207 : vector<16xf32>
          %sub3A_213 = arith.constant 1.500000e+00 : f32
          %sub3A_214 = vector.broadcast %sub3A_213 : f32 to vector<16xf32>
          %sub3A_215 = arith.subf %sub3A_214, %mul3A_212 : vector<16xf32>
          %mul3A_216 = arith.mulf %mul3A_207, %sub3A_215 : vector<16xf32>
          %mul3A_217 = arith.constant 5.000000e-01 : f32
          %mul3A_218 = vector.broadcast %mul3A_217 : f32 to vector<16xf32>
          %mul3A_219 = arith.mulf %mul3A_218, %add3A_188 : vector<16xf32>
          %mul3A_220 = arith.mulf %mul3A_219, %mul3A_216 : vector<16xf32>
          %mul3A_221 = arith.mulf %mul3A_220, %mul3A_216 : vector<16xf32>
          %sub3A_222 = arith.constant 1.500000e+00 : f32
          %sub3A_223 = vector.broadcast %sub3A_222 : f32 to vector<16xf32>
          %sub3A_224 = arith.subf %sub3A_223, %mul3A_221 : vector<16xf32>
          %mul3A_225 = arith.mulf %mul3A_216, %sub3A_224 : vector<16xf32>
          %mul3A_226 = arith.constant 5.000000e-01 : f32
          %mul3A_227 = vector.broadcast %mul3A_226 : f32 to vector<16xf32>
          %mul3A_228 = arith.mulf %mul3A_227, %add3A_188 : vector<16xf32>
          %mul3A_229 = arith.mulf %mul3A_228, %mul3A_225 : vector<16xf32>
          %mul3A_230 = arith.mulf %mul3A_229, %mul3A_225 : vector<16xf32>
          %sub3A_231 = arith.constant 1.500000e+00 : f32
          %sub3A_232 = vector.broadcast %sub3A_231 : f32 to vector<16xf32>
          %sub3A_233 = arith.subf %sub3A_232, %mul3A_230 : vector<16xf32>
          %mul3A_234 = arith.mulf %mul3A_225, %sub3A_233 : vector<16xf32>
          %mul3A_235 = arith.constant 5.000000e-01 : f32
          %mul3A_236 = vector.broadcast %mul3A_235 : f32 to vector<16xf32>
          %mul3A_237 = arith.mulf %mul3A_236, %add3A_188 : vector<16xf32>
          %mul3A_238 = arith.mulf %mul3A_237, %mul3A_234 : vector<16xf32>
          %mul3A_239 = arith.mulf %mul3A_238, %mul3A_234 : vector<16xf32>
          %sub3A_240 = arith.constant 1.500000e+00 : f32
          %sub3A_241 = vector.broadcast %sub3A_240 : f32 to vector<16xf32>
          %sub3A_242 = arith.subf %sub3A_241, %mul3A_239 : vector<16xf32>
          %mul3A_243 = arith.mulf %mul3A_234, %sub3A_242 : vector<16xf32>
          %mul3A_244 = arith.constant 5.000000e-01 : f32
          %mul3A_245 = vector.broadcast %mul3A_244 : f32 to vector<16xf32>
          %mul3A_246 = arith.mulf %mul3A_245, %add3A_188 : vector<16xf32>
          %mul3A_247 = arith.mulf %mul3A_246, %mul3A_243 : vector<16xf32>
          %mul3A_248 = arith.mulf %mul3A_247, %mul3A_243 : vector<16xf32>
          %sub3A_249 = arith.constant 1.500000e+00 : f32
          %sub3A_250 = vector.broadcast %sub3A_249 : f32 to vector<16xf32>
          %sub3A_251 = arith.subf %sub3A_250, %mul3A_248 : vector<16xf32>
          %mul3A_252 = arith.mulf %mul3A_243, %sub3A_251 : vector<16xf32>
          %mul3A_253 = arith.constant 5.000000e-01 : f32
          %mul3A_254 = vector.broadcast %mul3A_253 : f32 to vector<16xf32>
          %mul3A_255 = arith.mulf %mul3A_254, %add3A_188 : vector<16xf32>
          %mul3A_256 = arith.mulf %mul3A_255, %mul3A_252 : vector<16xf32>
          %mul3A_257 = arith.mulf %mul3A_256, %mul3A_252 : vector<16xf32>
          %sub3A_258 = arith.constant 1.500000e+00 : f32
          %sub3A_259 = vector.broadcast %sub3A_258 : f32 to vector<16xf32>
          %sub3A_260 = arith.subf %sub3A_259, %mul3A_257 : vector<16xf32>
          %mul3A_261 = arith.mulf %mul3A_252, %sub3A_260 : vector<16xf32>
          %mul3A_262 = arith.constant 5.000000e-01 : f32
          %mul3A_263 = vector.broadcast %mul3A_262 : f32 to vector<16xf32>
          %mul3A_264 = arith.mulf %mul3A_263, %add3A_188 : vector<16xf32>
          %mul3A_265 = arith.mulf %mul3A_264, %mul3A_261 : vector<16xf32>
          %mul3A_266 = arith.mulf %mul3A_265, %mul3A_261 : vector<16xf32>
          %sub3A_267 = arith.constant 1.500000e+00 : f32
          %sub3A_268 = vector.broadcast %sub3A_267 : f32 to vector<16xf32>
          %sub3A_269 = arith.subf %sub3A_268, %mul3A_266 : vector<16xf32>
          %mul3A_270 = arith.mulf %mul3A_261, %sub3A_269 : vector<16xf32>
          %mul3A_271 = arith.constant 5.000000e-01 : f32
          %mul3A_272 = vector.broadcast %mul3A_271 : f32 to vector<16xf32>
          %mul3A_273 = arith.mulf %mul3A_272, %add3A_188 : vector<16xf32>
          %mul3A_274 = arith.mulf %mul3A_273, %mul3A_270 : vector<16xf32>
          %mul3A_275 = arith.mulf %mul3A_274, %mul3A_270 : vector<16xf32>
          %sub3A_276 = arith.constant 1.500000e+00 : f32
          %sub3A_277 = vector.broadcast %sub3A_276 : f32 to vector<16xf32>
          %sub3A_278 = arith.subf %sub3A_277, %mul3A_275 : vector<16xf32>
          %mul3A_279 = arith.mulf %mul3A_270, %sub3A_278 : vector<16xf32>
          %mul3A_280 = arith.constant 5.000000e-01 : f32
          %mul3A_281 = vector.broadcast %mul3A_280 : f32 to vector<16xf32>
          %mul3A_282 = arith.mulf %mul3A_281, %add3A_188 : vector<16xf32>
          %mul3A_283 = arith.mulf %mul3A_282, %mul3A_279 : vector<16xf32>
          %mul3A_284 = arith.mulf %mul3A_283, %mul3A_279 : vector<16xf32>
          %sub3A_285 = arith.constant 1.500000e+00 : f32
          %sub3A_286 = vector.broadcast %sub3A_285 : f32 to vector<16xf32>
          %sub3A_287 = arith.subf %sub3A_286, %mul3A_284 : vector<16xf32>
          %mul3A_288 = arith.mulf %mul3A_279, %sub3A_287 : vector<16xf32>
          %mul3A_289 = arith.constant 5.000000e-01 : f32
          %mul3A_290 = vector.broadcast %mul3A_289 : f32 to vector<16xf32>
          %mul3A_291 = arith.mulf %mul3A_290, %add3A_188 : vector<16xf32>
          %mul3A_292 = arith.mulf %mul3A_291, %mul3A_288 : vector<16xf32>
          %mul3A_293 = arith.mulf %mul3A_292, %mul3A_288 : vector<16xf32>
          %sub3A_294 = arith.constant 1.500000e+00 : f32
          %sub3A_295 = vector.broadcast %sub3A_294 : f32 to vector<16xf32>
          %sub3A_296 = arith.subf %sub3A_295, %mul3A_293 : vector<16xf32>
          %mul3A_297 = arith.mulf %mul3A_288, %sub3A_296 : vector<16xf32>
          %mul3A_298 = arith.constant 5.000000e-01 : f32
          %mul3A_299 = vector.broadcast %mul3A_298 : f32 to vector<16xf32>
          %mul3A_300 = arith.mulf %mul3A_299, %add3A_188 : vector<16xf32>
          %mul3A_301 = arith.mulf %mul3A_300, %mul3A_297 : vector<16xf32>
          %mul3A_302 = arith.mulf %mul3A_301, %mul3A_297 : vector<16xf32>
          %sub3A_303 = arith.constant 1.500000e+00 : f32
          %sub3A_304 = vector.broadcast %sub3A_303 : f32 to vector<16xf32>
          %sub3A_305 = arith.subf %sub3A_304, %mul3A_302 : vector<16xf32>
          %mul3A_306 = arith.mulf %mul3A_297, %sub3A_305 : vector<16xf32>
          %mul3A_307 = arith.constant 5.000000e-01 : f32
          %mul3A_308 = vector.broadcast %mul3A_307 : f32 to vector<16xf32>
          %mul3A_309 = arith.mulf %mul3A_308, %add3A_188 : vector<16xf32>
          %mul3A_310 = arith.mulf %mul3A_309, %mul3A_306 : vector<16xf32>
          %mul3A_311 = arith.mulf %mul3A_310, %mul3A_306 : vector<16xf32>
          %sub3A_312 = arith.constant 1.500000e+00 : f32
          %sub3A_313 = vector.broadcast %sub3A_312 : f32 to vector<16xf32>
          %sub3A_314 = arith.subf %sub3A_313, %mul3A_311 : vector<16xf32>
          %mul3A_315 = arith.mulf %mul3A_306, %sub3A_314 : vector<16xf32>
          %mul3A_316 = arith.constant 5.000000e-01 : f32
          %mul3A_317 = vector.broadcast %mul3A_316 : f32 to vector<16xf32>
          %mul3A_318 = arith.mulf %mul3A_317, %add3A_188 : vector<16xf32>
          %mul3A_319 = arith.mulf %mul3A_318, %mul3A_315 : vector<16xf32>
          %mul3A_320 = arith.mulf %mul3A_319, %mul3A_315 : vector<16xf32>
          %sub3A_321 = arith.constant 1.500000e+00 : f32
          %sub3A_322 = vector.broadcast %sub3A_321 : f32 to vector<16xf32>
          %sub3A_323 = arith.subf %sub3A_322, %mul3A_320 : vector<16xf32>
          %mul3A_324 = arith.mulf %mul3A_315, %sub3A_323 : vector<16xf32>
          %mul3A_325 = arith.constant 5.000000e-01 : f32
          %mul3A_326 = vector.broadcast %mul3A_325 : f32 to vector<16xf32>
          %mul3A_327 = arith.mulf %mul3A_326, %add3A_188 : vector<16xf32>
          %mul3A_328 = arith.mulf %mul3A_327, %mul3A_324 : vector<16xf32>
          %mul3A_329 = arith.mulf %mul3A_328, %mul3A_324 : vector<16xf32>
          %sub3A_330 = arith.constant 1.500000e+00 : f32
          %sub3A_331 = vector.broadcast %sub3A_330 : f32 to vector<16xf32>
          %sub3A_332 = arith.subf %sub3A_331, %mul3A_329 : vector<16xf32>
          %mul3A_333 = arith.mulf %mul3A_324, %sub3A_332 : vector<16xf32>
          %mul3A_334 = arith.constant 5.000000e-01 : f32
          %mul3A_335 = vector.broadcast %mul3A_334 : f32 to vector<16xf32>
          %mul3A_336 = arith.mulf %mul3A_335, %add3A_188 : vector<16xf32>
          %mul3A_337 = arith.mulf %mul3A_336, %mul3A_333 : vector<16xf32>
          %mul3A_338 = arith.mulf %mul3A_337, %mul3A_333 : vector<16xf32>
          %sub3A_339 = arith.constant 1.500000e+00 : f32
          %sub3A_340 = vector.broadcast %sub3A_339 : f32 to vector<16xf32>
          %sub3A_341 = arith.subf %sub3A_340, %mul3A_338 : vector<16xf32>
          %mul3A_342 = arith.mulf %mul3A_333, %sub3A_341 : vector<16xf32>
          %mul3A_343 = arith.constant 5.000000e-01 : f32
          %mul3A_344 = vector.broadcast %mul3A_343 : f32 to vector<16xf32>
          %mul3A_345 = arith.mulf %mul3A_344, %add3A_188 : vector<16xf32>
          %mul3A_346 = arith.mulf %mul3A_345, %mul3A_342 : vector<16xf32>
          %mul3A_347 = arith.mulf %mul3A_346, %mul3A_342 : vector<16xf32>
          %sub3A_348 = arith.constant 1.500000e+00 : f32
          %sub3A_349 = vector.broadcast %sub3A_348 : f32 to vector<16xf32>
          %sub3A_350 = arith.subf %sub3A_349, %mul3A_347 : vector<16xf32>
          %mul3A_351 = arith.mulf %mul3A_342, %sub3A_350 : vector<16xf32>
          %mul3A_352 = arith.constant 5.000000e-01 : f32
          %mul3A_353 = vector.broadcast %mul3A_352 : f32 to vector<16xf32>
          %mul3A_354 = arith.mulf %mul3A_353, %add3A_188 : vector<16xf32>
          %mul3A_355 = arith.mulf %mul3A_354, %mul3A_351 : vector<16xf32>
          %mul3A_356 = arith.mulf %mul3A_355, %mul3A_351 : vector<16xf32>
          %sub3A_357 = arith.constant 1.500000e+00 : f32
          %sub3A_358 = vector.broadcast %sub3A_357 : f32 to vector<16xf32>
          %sub3A_359 = arith.subf %sub3A_358, %mul3A_356 : vector<16xf32>
          %mul3A_360 = arith.mulf %mul3A_351, %sub3A_359 : vector<16xf32>
          %mul3A_361 = arith.constant 5.000000e-01 : f32
          %mul3A_362 = vector.broadcast %mul3A_361 : f32 to vector<16xf32>
          %mul3A_363 = arith.mulf %mul3A_362, %add3A_188 : vector<16xf32>
          %mul3A_364 = arith.mulf %mul3A_363, %mul3A_360 : vector<16xf32>
          %mul3A_365 = arith.mulf %mul3A_364, %mul3A_360 : vector<16xf32>
          %sub3A_366 = arith.constant 1.500000e+00 : f32
          %sub3A_367 = vector.broadcast %sub3A_366 : f32 to vector<16xf32>
          %sub3A_368 = arith.subf %sub3A_367, %mul3A_365 : vector<16xf32>
          %mul3A_369 = arith.mulf %mul3A_360, %sub3A_368 : vector<16xf32>
          %mul3A_370 = arith.constant 5.000000e-01 : f32
          %mul3A_371 = vector.broadcast %mul3A_370 : f32 to vector<16xf32>
          %mul3A_372 = arith.mulf %mul3A_371, %add3A_188 : vector<16xf32>
          %mul3A_373 = arith.mulf %mul3A_372, %mul3A_369 : vector<16xf32>
          %mul3A_374 = arith.mulf %mul3A_373, %mul3A_369 : vector<16xf32>
          %sub3A_375 = arith.constant 1.500000e+00 : f32
          %sub3A_376 = vector.broadcast %sub3A_375 : f32 to vector<16xf32>
          %sub3A_377 = arith.subf %sub3A_376, %mul3A_374 : vector<16xf32>
          %mul3A_378 = arith.mulf %mul3A_369, %sub3A_377 : vector<16xf32>
          %mul3A_379 = arith.constant 5.000000e-01 : f32
          %mul3A_380 = vector.broadcast %mul3A_379 : f32 to vector<16xf32>
          %mul3A_381 = arith.mulf %mul3A_380, %add3A_188 : vector<16xf32>
          %mul3A_382 = arith.mulf %mul3A_381, %mul3A_378 : vector<16xf32>
          %mul3A_383 = arith.mulf %mul3A_382, %mul3A_378 : vector<16xf32>
          %sub3A_384 = arith.constant 1.500000e+00 : f32
          %sub3A_385 = vector.broadcast %sub3A_384 : f32 to vector<16xf32>
          %sub3A_386 = arith.subf %sub3A_385, %mul3A_383 : vector<16xf32>
          %mul3A_387 = arith.mulf %mul3A_378, %sub3A_386 : vector<16xf32>
          %mul3A_388 = arith.constant 5.000000e-01 : f32
          %mul3A_389 = vector.broadcast %mul3A_388 : f32 to vector<16xf32>
          %mul3A_390 = arith.mulf %mul3A_389, %add3A_188 : vector<16xf32>
          %mul3A_391 = arith.mulf %mul3A_390, %mul3A_387 : vector<16xf32>
          %mul3A_392 = arith.mulf %mul3A_391, %mul3A_387 : vector<16xf32>
          %sub3A_393 = arith.constant 1.500000e+00 : f32
          %sub3A_394 = vector.broadcast %sub3A_393 : f32 to vector<16xf32>
          %sub3A_395 = arith.subf %sub3A_394, %mul3A_392 : vector<16xf32>
          %mul3A_396 = arith.mulf %mul3A_387, %sub3A_395 : vector<16xf32>
          %mul3A_397 = arith.constant 5.000000e-01 : f32
          %mul3A_398 = vector.broadcast %mul3A_397 : f32 to vector<16xf32>
          %mul3A_399 = arith.mulf %mul3A_398, %add3A_188 : vector<16xf32>
          %mul3A_400 = arith.mulf %mul3A_399, %mul3A_396 : vector<16xf32>
          %mul3A_401 = arith.mulf %mul3A_400, %mul3A_396 : vector<16xf32>
          %sub3A_402 = arith.constant 1.500000e+00 : f32
          %sub3A_403 = vector.broadcast %sub3A_402 : f32 to vector<16xf32>
          %sub3A_404 = arith.subf %sub3A_403, %mul3A_401 : vector<16xf32>
          %mul3A_405 = arith.mulf %mul3A_396, %sub3A_404 : vector<16xf32>
          %mul3A_406 = arith.constant 5.000000e-01 : f32
          %mul3A_407 = vector.broadcast %mul3A_406 : f32 to vector<16xf32>
          %mul3A_408 = arith.mulf %mul3A_407, %add3A_188 : vector<16xf32>
          %mul3A_409 = arith.mulf %mul3A_408, %mul3A_405 : vector<16xf32>
          %mul3A_410 = arith.mulf %mul3A_409, %mul3A_405 : vector<16xf32>
          %sub3A_411 = arith.constant 1.500000e+00 : f32
          %sub3A_412 = vector.broadcast %sub3A_411 : f32 to vector<16xf32>
          %sub3A_413 = arith.subf %sub3A_412, %mul3A_410 : vector<16xf32>
          %mul3A_414 = arith.mulf %mul3A_405, %sub3A_413 : vector<16xf32>
          %mul3A_415 = arith.constant 5.000000e-01 : f32
          %mul3A_416 = vector.broadcast %mul3A_415 : f32 to vector<16xf32>
          %mul3A_417 = arith.mulf %mul3A_416, %add3A_188 : vector<16xf32>
          %mul3A_418 = arith.mulf %mul3A_417, %mul3A_414 : vector<16xf32>
          %mul3A_419 = arith.mulf %mul3A_418, %mul3A_414 : vector<16xf32>
          %sub3A_420 = arith.constant 1.500000e+00 : f32
          %sub3A_421 = vector.broadcast %sub3A_420 : f32 to vector<16xf32>
          %sub3A_422 = arith.subf %sub3A_421, %mul3A_419 : vector<16xf32>
          %mul3A_423 = arith.mulf %mul3A_414, %sub3A_422 : vector<16xf32>
          %mul3A_424 = arith.constant 16 : i32
          %mul3A_425 = arith.muli %add3A_181, %mul3A_424 : i32
          %swap3A_426 = arith.index_cast %mul3A_425 : i32 to index
          %swap3A_427 = tpu.vector_load %arg23[%swap3A_426] {strides = array<i32>} : memref<416xf32, #tpu.memory_space<vmem>>, vector<16xf32>,
          %swap3A_428 = vector.shape_cast %swap3A_427 : vector<16xf32> to vector<16xf32>
          %swap3A_429 = vector.shape_cast %mul3A_423 : vector<16xf32> to vector<16xf32>
          tpu.vector_store %arg23[%swap3A_426], %swap3A_429 {strides = array<i32>} : memref<416xf32, #tpu.memory_space<vmem>>, vector<16xf32>,
          %div3A_430 = arith.constant 1.000000e+00 : f32
          %div3A_431 = vector.broadcast %div3A_430 : f32 to vector<16xf32>
          %div3A_432 = arith.divf %div3A_431, %add3A_188 : vector<16xf32>
          %mul3A_433 = arith.constant 16 : i32
          %mul3A_434 = arith.muli %add3A_181, %mul3A_433 : i32
          %swap3A_435 = arith.index_cast %mul3A_434 : i32 to index
          %swap3A_436 = tpu.vector_load %arg24[%swap3A_435] {strides = array<i32>} : memref<400xf32, #tpu.memory_space<vmem>>, vector<16xf32>,
          %swap3A_437 = vector.shape_cast %swap3A_436 : vector<16xf32> to vector<16xf32>
          %swap3A_438 = vector.shape_cast %div3A_432 : vector<16xf32> to vector<16xf32>
          tpu.vector_store %arg24[%swap3A_435], %swap3A_438 {strides = array<i32>} : memref<400xf32, #tpu.memory_space<vmem>>, vector<16xf32>,
        }
        %scan3A_171 = arith.constant 25 : i32
        %scan3A_172 = arith.constant 0 : i32
        %scan3A_173 = arith.constant 400 : i32
        %scan3A_174 = arith.addi %scan3A_172, %scan3A_173 : i32
        %scan3A_175 = arith.constant 1 : i32
        scf.for %scan3A_177 = %scan3A_172 to %scan3A_174 step %scan3A_175  : i32 {
          %mul3A_178 = arith.constant 1 : i32
          %mul3A_179 = arith.muli %scan3A_177, %mul3A_178 : i32
          %add3A_180 = arith.constant 0 : i32
          %add3A_181 = arith.addi %add3A_180, %mul3A_179 : i32
          %get3A = arith.index_cast %add3A_181 : i32 to index
          %get3A_182 = tpu.vector_load %arg23[%get3A] {strides = array<i32>} : memref<416xf32, #tpu.memory_space<vmem>>, vector<16xf32>,
          %get3A_183 = vector.shape_cast %get3A_182 : vector<16xf32> to vector<16xf32>
          %broadcast_in_dim3A_184 = arith.constant 0 : i32
          %broadcast_in_dim3A_185 = vector.broadcast %broadcast_in_dim3A_184 : i32 to vector<16xi32>
          %lt3A_186 = arith.constant 0 : i32
          %lt3A_187 = vector.broadcast %lt3A_186 : i32 to vector<16xi32>
          %lt3A_188 = arith.cmpi slt, %broadcast_in_dim3A_185, %lt3A_187 : vector<16xi32>
          %add3A_189 = arith.constant 16 : i32
          %add3A_190 = vector.broadcast %add3A_189 : i32 to vector<16xi32>
          %add3A_191 = arith.addi %broadcast_in_dim3A_185, %add3A_190 : vector<16xi32>
          %select_n3A = arith.select %lt3A_188, %add3A_191, %broadcast_in_dim3A_185 : vector<16xi1>, vector<16xi32>
          %broadcast_in_dim3A_192 = vector.shape_cast %select_n3A : vector<16xi32> to vector<16x1xi32>
          %gather3A = vector.shape_cast %broadcast_in_dim3A_192 : vector<16x1xi32> to vector<16xi32>
          %gather3A_193 = tpu.dynamic_gather %get3A_183[%gather3A] in [0] : vector<16xf32>, vector<16xi32> -> vector<16xf32>
          %get3A_194 = arith.index_cast %add3A_181 : i32 to index
          %get3A_195 = arith.constant 0 : index
          %get3A_196 = tpu.vector_load %arg25[%get3A_194, %get3A_195] {strides = array<i32>} : memref<400x16xf32, #tpu.memory_space<vmem>>, vector<1x16xf32>,
          %get3A_197 = vector.shape_cast %get3A_196 : vector<1x16xf32> to vector<16xf32>
          %mul3A_198 = arith.mulf %get3A_197, %gather3A_193 : vector<16xf32>
          %swap3A_199 = arith.index_cast %add3A_181 : i32 to index
          %swap3A_200 = arith.constant 0 : index
          %swap3A_201 = tpu.vector_load %arg26[%swap3A_199, %swap3A_200] {strides = array<i32>} : memref<400x16xf32, #tpu.memory_space<vmem>>, vector<1x16xf32>,
          %swap3A_202 = vector.shape_cast %swap3A_201 : vector<1x16xf32> to vector<16xf32>
          %swap3A_203 = vector.shape_cast %mul3A_198 : vector<16xf32> to vector<1x16xf32>
          tpu.vector_store %arg26[%swap3A_199, %swap3A_200], %swap3A_203 {strides = array<i32>} : memref<400x16xf32, #tpu.memory_space<vmem>>, vector<1x16xf32>,
        }
        %scan3A_176 = arith.constant 400 : i32
        "tpu.region"() ({
          %run_scoped3A = tpu.sem_alloc : memref<!tpu.dma_semaphore, #tpu.memory_space<semaphore_mem>>
          %dma_start3A_177 = arith.constant 0 : i32
          %dma_start3A_178 = tpu.memref_slice %arg9[%add3A_162, %dma_start3A_177] : memref<100000x16xf32, #tpu.memory_space<hbm>> -> memref<400x16xf32, #tpu.memory_space<hbm>>
          %dma_start3A_179 = arith.constant 0 : i32
          %dma_start3A_180 = tpu.memref_slice %arg9[%add3A_162, %dma_start3A_179] : memref<100000x16xf32, #tpu.memory_space<hbm>> -> memref<400x16xf32, #tpu.memory_space<hbm>>
          tpu.enqueue_dma source(%arg26 : memref<400x16xf32, #tpu.memory_space<vmem>>) target(%dma_start3A_180 : memref<400x16xf32, #tpu.memory_space<hbm>>) target_semaphore(%run_scoped3A : memref<!tpu.dma_semaphore, #tpu.memory_space<semaphore_mem>>)
          %dma_wait3A_181 = arith.constant 0 : i32
          %dma_wait3A_182 = tpu.memref_slice %arg9[%add3A_162, %dma_wait3A_181] : memref<100000x16xf32, #tpu.memory_space<hbm>> -> memref<400x16xf32, #tpu.memory_space<hbm>>
          %dma_wait3A_183 = arith.constant 0 : i32
          %dma_wait3A_184 = tpu.memref_slice %arg9[%add3A_162, %dma_wait3A_183] : memref<100000x16xf32, #tpu.memory_space<hbm>> -> memref<400x16xf32, #tpu.memory_space<hbm>>
          tpu.wait_dma2 semaphore(%run_scoped3A : memref<!tpu.dma_semaphore, #tpu.memory_space<semaphore_mem>>) src(%arg26 : memref<400x16xf32, #tpu.memory_space<vmem>>) dst(%dma_wait3A_184 : memref<400x16xf32, #tpu.memory_space<hbm>>)
          tpu.yield
        }) : () -> ()
        "tpu.region"() ({
          %run_scoped3A = tpu.sem_alloc : memref<!tpu.dma_semaphore, #tpu.memory_space<semaphore_mem>>
          %dma_start3A_177 = arith.constant 0 : i32
          %dma_start3A_178 = tpu.memref_slice %arg23[%dma_start3A_177] : memref<416xf32, #tpu.memory_space<vmem>> -> memref<400xf32, #tpu.memory_space<vmem>>
          %dma_start3A_179 = tpu.memref_slice %arg10[%add3A_162] : memref<100000xf32, #tpu.memory_space<hbm>> -> memref<400xf32, #tpu.memory_space<hbm>>
          %dma_start3A_180 = tpu.memref_slice %arg10[%add3A_162] : memref<100000xf32, #tpu.memory_space<hbm>> -> memref<400xf32, #tpu.memory_space<hbm>>
          %dma_start3A_181 = arith.constant 0 : i32
          %dma_start3A_182 = tpu.memref_slice %arg23[%dma_start3A_181] : memref<416xf32, #tpu.memory_space<vmem>> -> memref<400xf32, #tpu.memory_space<vmem>>
          tpu.enqueue_dma source(%dma_start3A_182 : memref<400xf32, #tpu.memory_space<vmem>>) target(%dma_start3A_180 : memref<400xf32, #tpu.memory_space<hbm>>) target_semaphore(%run_scoped3A : memref<!tpu.dma_semaphore, #tpu.memory_space<semaphore_mem>>)
          %dma_wait3A_183 = arith.constant 0 : i32
          %dma_wait3A_184 = tpu.memref_slice %arg23[%dma_wait3A_183] : memref<416xf32, #tpu.memory_space<vmem>> -> memref<400xf32, #tpu.memory_space<vmem>>
          %dma_wait3A_185 = tpu.memref_slice %arg10[%add3A_162] : memref<100000xf32, #tpu.memory_space<hbm>> -> memref<400xf32, #tpu.memory_space<hbm>>
          %dma_wait3A_186 = tpu.memref_slice %arg10[%add3A_162] : memref<100000xf32, #tpu.memory_space<hbm>> -> memref<400xf32, #tpu.memory_space<hbm>>
          %dma_wait3A_187 = arith.constant 0 : i32
          %dma_wait3A_188 = tpu.memref_slice %arg23[%dma_wait3A_187] : memref<416xf32, #tpu.memory_space<vmem>> -> memref<400xf32, #tpu.memory_space<vmem>>
          tpu.wait_dma2 semaphore(%run_scoped3A : memref<!tpu.dma_semaphore, #tpu.memory_space<semaphore_mem>>) src(%dma_wait3A_188 : memref<400xf32, #tpu.memory_space<vmem>>) dst(%dma_wait3A_186 : memref<400xf32, #tpu.memory_space<hbm>>)
          tpu.yield
        }) : () -> ()
        "tpu.region"() ({
          %run_scoped3A = tpu.sem_alloc : memref<!tpu.dma_semaphore, #tpu.memory_space<semaphore_mem>>
          %dma_start3A_177 = arith.constant 0 : i32
          %dma_start3A_178 = tpu.memref_slice %arg24[%dma_start3A_177] : memref<400xf32, #tpu.memory_space<vmem>> -> memref<400xf32, #tpu.memory_space<vmem>>
          %dma_start3A_179 = tpu.memref_slice %arg11[%add3A_162] : memref<100000xf32, #tpu.memory_space<hbm>> -> memref<400xf32, #tpu.memory_space<hbm>>
          %dma_start3A_180 = tpu.memref_slice %arg11[%add3A_162] : memref<100000xf32, #tpu.memory_space<hbm>> -> memref<400xf32, #tpu.memory_space<hbm>>
          %dma_start3A_181 = arith.constant 0 : i32
          %dma_start3A_182 = tpu.memref_slice %arg24[%dma_start3A_181] : memref<400xf32, #tpu.memory_space<vmem>> -> memref<400xf32, #tpu.memory_space<vmem>>
          tpu.enqueue_dma source(%dma_start3A_182 : memref<400xf32, #tpu.memory_space<vmem>>) target(%dma_start3A_180 : memref<400xf32, #tpu.memory_space<hbm>>) target_semaphore(%run_scoped3A : memref<!tpu.dma_semaphore, #tpu.memory_space<semaphore_mem>>)
          %dma_wait3A_183 = arith.constant 0 : i32
          %dma_wait3A_184 = tpu.memref_slice %arg24[%dma_wait3A_183] : memref<400xf32, #tpu.memory_space<vmem>> -> memref<400xf32, #tpu.memory_space<vmem>>
          %dma_wait3A_185 = tpu.memref_slice %arg11[%add3A_162] : memref<100000xf32, #tpu.memory_space<hbm>> -> memref<400xf32, #tpu.memory_space<hbm>>
          %dma_wait3A_186 = tpu.memref_slice %arg11[%add3A_162] : memref<100000xf32, #tpu.memory_space<hbm>> -> memref<400xf32, #tpu.memory_space<hbm>>
          %dma_wait3A_187 = arith.constant 0 : i32
          %dma_wait3A_188 = tpu.memref_slice %arg24[%dma_wait3A_187] : memref<400xf32, #tpu.memory_space<vmem>> -> memref<400xf32, #tpu.memory_space<vmem>>
          tpu.wait_dma2 semaphore(%run_scoped3A : memref<!tpu.dma_semaphore, #tpu.memory_space<semaphore_mem>>) src(%dma_wait3A_188 : memref<400xf32, #tpu.memory_space<vmem>>) dst(%dma_wait3A_186 : memref<400xf32, #tpu.memory_space<hbm>>)
          tpu.yield
        }) : () -> ()
      }
      %scan3A_153 = arith.constant 10 : i32
    } else {
    }
    %barrier3A_69 = arith.constant 0 : index
    tpu.barrier barrier_id(%barrier3A_69)
    %scan3A_70 = arith.constant 0 : i32
    %scan3A_71 = arith.constant 195 : i32
    %scan3A_72 = arith.addi %scan3A_70, %scan3A_71 : i32
    %scan3A_73 = arith.constant 1 : i32
    scf.for %scan3A_149 = %scan3A_70 to %scan3A_72 step %scan3A_73  : i32 {
      %mul3A_150 = arith.constant 1 : i32
      %mul3A_151 = arith.muli %scan3A_149, %mul3A_150 : i32
      %add3A_152 = arith.constant 0 : i32
      %add3A_153 = arith.addi %add3A_152, %mul3A_151 : i32
      %mul3A_154 = arith.constant 781 : i32
      %mul3A_155 = arith.muli %add3A, %mul3A_154 : i32
      %mul3A_156 = arith.constant 4 : i32
      %mul3A_157 = arith.muli %add3A_153, %mul3A_156 : i32
      %add3A_158 = arith.addi %mul3A_155, %mul3A_157 : i32
      %add3A_159 = arith.constant 0 : i32
      %add3A_160 = arith.addi %add3A_158, %add3A_159 : i32
      %dma_start3A_161 = arith.constant 0 : i32
      %dma_start3A_162 = tpu.memref_slice %arg2[%add3A_160, %dma_start3A_161] : memref<25000x128xi32, #tpu.memory_space<hbm>> -> memref<1x128xi32, #tpu.memory_space<hbm>>
      %dma_start3A_163 = tpu.memref_squeeze %dma_start3A_162 : memref<1x128xi32, #tpu.memory_space<hbm>> -> memref<128xi32, #tpu.memory_space<hbm>>
      %dma_start3A_164 = arith.constant 0 : i32
      %dma_start3A_165 = tpu.memref_slice %arg2[%add3A_160, %dma_start3A_164] : memref<25000x128xi32, #tpu.memory_space<hbm>> -> memref<1x128xi32, #tpu.memory_space<hbm>>
      %dma_start3A_166 = tpu.memref_squeeze %dma_start3A_165 : memref<1x128xi32, #tpu.memory_space<hbm>> -> memref<128xi32, #tpu.memory_space<hbm>>
      tpu.enqueue_dma source(%dma_start3A_166 : memref<128xi32, #tpu.memory_space<hbm>>) target(%arg12 : memref<128xi32, #tpu.memory_space<vmem>>) target_semaphore(%arg27 : memref<!tpu.dma_semaphore, #tpu.memory_space<semaphore_mem>>)
      %add3A_167 = arith.constant 1 : i32
      %add3A_168 = arith.addi %add3A_158, %add3A_167 : i32
      %dma_start3A_169 = arith.constant 0 : i32
      %dma_start3A_170 = tpu.memref_slice %arg2[%add3A_168, %dma_start3A_169] : memref<25000x128xi32, #tpu.memory_space<hbm>> -> memref<1x128xi32, #tpu.memory_space<hbm>>
      %dma_start3A_171 = tpu.memref_squeeze %dma_start3A_170 : memref<1x128xi32, #tpu.memory_space<hbm>> -> memref<128xi32, #tpu.memory_space<hbm>>
      %dma_start3A_172 = arith.constant 0 : i32
      %dma_start3A_173 = tpu.memref_slice %arg2[%add3A_168, %dma_start3A_172] : memref<25000x128xi32, #tpu.memory_space<hbm>> -> memref<1x128xi32, #tpu.memory_space<hbm>>
      %dma_start3A_174 = tpu.memref_squeeze %dma_start3A_173 : memref<1x128xi32, #tpu.memory_space<hbm>> -> memref<128xi32, #tpu.memory_space<hbm>>
      tpu.enqueue_dma source(%dma_start3A_174 : memref<128xi32, #tpu.memory_space<hbm>>) target(%arg13 : memref<128xi32, #tpu.memory_space<vmem>>) target_semaphore(%arg27 : memref<!tpu.dma_semaphore, #tpu.memory_space<semaphore_mem>>)
      %add3A_175 = arith.constant 2 : i32
      %add3A_176 = arith.addi %add3A_158, %add3A_175 : i32
      %dma_start3A_177 = arith.constant 0 : i32
      %dma_start3A_178 = tpu.memref_slice %arg2[%add3A_176, %dma_start3A_177] : memref<25000x128xi32, #tpu.memory_space<hbm>> -> memref<1x128xi32, #tpu.memory_space<hbm>>
      %dma_start3A_179 = tpu.memref_squeeze %dma_start3A_178 : memref<1x128xi32, #tpu.memory_space<hbm>> -> memref<128xi32, #tpu.memory_space<hbm>>
      %dma_start3A_180 = arith.constant 0 : i32
      %dma_start3A_181 = tpu.memref_slice %arg2[%add3A_176, %dma_start3A_180] : memref<25000x128xi32, #tpu.memory_space<hbm>> -> memref<1x128xi32, #tpu.memory_space<hbm>>
      %dma_start3A_182 = tpu.memref_squeeze %dma_start3A_181 : memref<1x128xi32, #tpu.memory_space<hbm>> -> memref<128xi32, #tpu.memory_space<hbm>>
      tpu.enqueue_dma source(%dma_start3A_182 : memref<128xi32, #tpu.memory_space<hbm>>) target(%arg14 : memref<128xi32, #tpu.memory_space<vmem>>) target_semaphore(%arg27 : memref<!tpu.dma_semaphore, #tpu.memory_space<semaphore_mem>>)
      %add3A_183 = arith.constant 3 : i32
      %add3A_184 = arith.addi %add3A_158, %add3A_183 : i32
      %dma_start3A_185 = arith.constant 0 : i32
      %dma_start3A_186 = tpu.memref_slice %arg2[%add3A_184, %dma_start3A_185] : memref<25000x128xi32, #tpu.memory_space<hbm>> -> memref<1x128xi32, #tpu.memory_space<hbm>>
      %dma_start3A_187 = tpu.memref_squeeze %dma_start3A_186 : memref<1x128xi32, #tpu.memory_space<hbm>> -> memref<128xi32, #tpu.memory_space<hbm>>
      %dma_start3A_188 = arith.constant 0 : i32
      %dma_start3A_189 = tpu.memref_slice %arg2[%add3A_184, %dma_start3A_188] : memref<25000x128xi32, #tpu.memory_space<hbm>> -> memref<1x128xi32, #tpu.memory_space<hbm>>
      %dma_start3A_190 = tpu.memref_squeeze %dma_start3A_189 : memref<1x128xi32, #tpu.memory_space<hbm>> -> memref<128xi32, #tpu.memory_space<hbm>>
      tpu.enqueue_dma source(%dma_start3A_190 : memref<128xi32, #tpu.memory_space<hbm>>) target(%arg15 : memref<128xi32, #tpu.memory_space<vmem>>) target_semaphore(%arg27 : memref<!tpu.dma_semaphore, #tpu.memory_space<semaphore_mem>>)
      %dma_wait3A_191 = arith.constant 0 : i32
      %dma_wait3A_192 = tpu.memref_slice %arg2[%add3A_160, %dma_wait3A_191] : memref<25000x128xi32, #tpu.memory_space<hbm>> -> memref<1x128xi32, #tpu.memory_space<hbm>>
      %dma_wait3A_193 = tpu.memref_squeeze %dma_wait3A_192 : memref<1x128xi32, #tpu.memory_space<hbm>> -> memref<128xi32, #tpu.memory_space<hbm>>
      %dma_wait3A_194 = arith.constant 0 : i32
      %dma_wait3A_195 = tpu.memref_slice %arg2[%add3A_160, %dma_wait3A_194] : memref<25000x128xi32, #tpu.memory_space<hbm>> -> memref<1x128xi32, #tpu.memory_space<hbm>>
      %dma_wait3A_196 = tpu.memref_squeeze %dma_wait3A_195 : memref<1x128xi32, #tpu.memory_space<hbm>> -> memref<128xi32, #tpu.memory_space<hbm>>
      tpu.wait_dma2 semaphore(%arg27 : memref<!tpu.dma_semaphore, #tpu.memory_space<semaphore_mem>>) src(%dma_wait3A_196 : memref<128xi32, #tpu.memory_space<hbm>>) dst(%arg12 : memref<128xi32, #tpu.memory_space<vmem>>)
      %dma_wait3A_197 = arith.constant 0 : i32
      %dma_wait3A_198 = tpu.memref_slice %arg2[%add3A_168, %dma_wait3A_197] : memref<25000x128xi32, #tpu.memory_space<hbm>> -> memref<1x128xi32, #tpu.memory_space<hbm>>
      %dma_wait3A_199 = tpu.memref_squeeze %dma_wait3A_198 : memref<1x128xi32, #tpu.memory_space<hbm>> -> memref<128xi32, #tpu.memory_space<hbm>>
      %dma_wait3A_200 = arith.constant 0 : i32
      %dma_wait3A_201 = tpu.memref_slice %arg2[%add3A_168, %dma_wait3A_200] : memref<25000x128xi32, #tpu.memory_space<hbm>> -> memref<1x128xi32, #tpu.memory_space<hbm>>
      %dma_wait3A_202 = tpu.memref_squeeze %dma_wait3A_201 : memref<1x128xi32, #tpu.memory_space<hbm>> -> memref<128xi32, #tpu.memory_space<hbm>>
      tpu.wait_dma2 semaphore(%arg27 : memref<!tpu.dma_semaphore, #tpu.memory_space<semaphore_mem>>) src(%dma_wait3A_202 : memref<128xi32, #tpu.memory_space<hbm>>) dst(%arg13 : memref<128xi32, #tpu.memory_space<vmem>>)
      %dma_wait3A_203 = arith.constant 0 : i32
      %dma_wait3A_204 = tpu.memref_slice %arg2[%add3A_176, %dma_wait3A_203] : memref<25000x128xi32, #tpu.memory_space<hbm>> -> memref<1x128xi32, #tpu.memory_space<hbm>>
      %dma_wait3A_205 = tpu.memref_squeeze %dma_wait3A_204 : memref<1x128xi32, #tpu.memory_space<hbm>> -> memref<128xi32, #tpu.memory_space<hbm>>
      %dma_wait3A_206 = arith.constant 0 : i32
      %dma_wait3A_207 = tpu.memref_slice %arg2[%add3A_176, %dma_wait3A_206] : memref<25000x128xi32, #tpu.memory_space<hbm>> -> memref<1x128xi32, #tpu.memory_space<hbm>>
      %dma_wait3A_208 = tpu.memref_squeeze %dma_wait3A_207 : memref<1x128xi32, #tpu.memory_space<hbm>> -> memref<128xi32, #tpu.memory_space<hbm>>
      tpu.wait_dma2 semaphore(%arg27 : memref<!tpu.dma_semaphore, #tpu.memory_space<semaphore_mem>>) src(%dma_wait3A_208 : memref<128xi32, #tpu.memory_space<hbm>>) dst(%arg14 : memref<128xi32, #tpu.memory_space<vmem>>)
      %dma_wait3A_209 = arith.constant 0 : i32
      %dma_wait3A_210 = tpu.memref_slice %arg2[%add3A_184, %dma_wait3A_209] : memref<25000x128xi32, #tpu.memory_space<hbm>> -> memref<1x128xi32, #tpu.memory_space<hbm>>
      %dma_wait3A_211 = tpu.memref_squeeze %dma_wait3A_210 : memref<1x128xi32, #tpu.memory_space<hbm>> -> memref<128xi32, #tpu.memory_space<hbm>>
      %dma_wait3A_212 = arith.constant 0 : i32
      %dma_wait3A_213 = tpu.memref_slice %arg2[%add3A_184, %dma_wait3A_212] : memref<25000x128xi32, #tpu.memory_space<hbm>> -> memref<1x128xi32, #tpu.memory_space<hbm>>
      %dma_wait3A_214 = tpu.memref_squeeze %dma_wait3A_213 : memref<1x128xi32, #tpu.memory_space<hbm>> -> memref<128xi32, #tpu.memory_space<hbm>>
      tpu.wait_dma2 semaphore(%arg27 : memref<!tpu.dma_semaphore, #tpu.memory_space<semaphore_mem>>) src(%dma_wait3A_214 : memref<128xi32, #tpu.memory_space<hbm>>) dst(%arg15 : memref<128xi32, #tpu.memory_space<vmem>>)
      %dma_start3A_215 = arith.constant 0 : i32
      %dma_start3A_216 = arith.constant 0 : i32
      %dma_start3A_217 = arith.constant 0 : i32
      %dma_start3A_218 = tpu.memref_slice %arg20[%dma_start3A_215, %dma_start3A_216, %dma_start3A_217] : memref<4x128x16xf32, #tpu.memory_space<vmem>> -> memref<1x128x16xf32, #tpu.memory_space<vmem>>
      %dma_start3A_219 = tpu.memref_squeeze %dma_start3A_218 : memref<1x128x16xf32, #tpu.memory_space<vmem>> -> memref<128x16xf32, #tpu.memory_space<vmem>>
      %dma_start3A_220 = arith.constant 0 : i32
      %dma_start3A_221 = arith.constant 0 : i32
      %dma_start3A_222 = tpu.memref_slice %arg9[%dma_start3A_220, %dma_start3A_221] : memref<100000x16xf32, #tpu.memory_space<hbm>> -> memref<100000x16xf32, #tpu.memory_space<hbm>>
      tpu.enqueue_indirect_dma source(%dma_start3A_222 : memref<100000x16xf32, #tpu.memory_space<hbm>>) target(%dma_start3A_219 : memref<128x16xf32, #tpu.memory_space<vmem>>) offsets(%arg12 : memref<128xi32, #tpu.memory_space<vmem>>) semaphore(%arg28 : memref<!tpu.dma_semaphore, #tpu.memory_space<semaphore_mem>>)
      %dma_start3A_223 = arith.constant 1 : i32
      %dma_start3A_224 = arith.constant 0 : i32
      %dma_start3A_225 = arith.constant 0 : i32
      %dma_start3A_226 = tpu.memref_slice %arg20[%dma_start3A_223, %dma_start3A_224, %dma_start3A_225] : memref<4x128x16xf32, #tpu.memory_space<vmem>> -> memref<1x128x16xf32, #tpu.memory_space<vmem>>
      %dma_start3A_227 = tpu.memref_squeeze %dma_start3A_226 : memref<1x128x16xf32, #tpu.memory_space<vmem>> -> memref<128x16xf32, #tpu.memory_space<vmem>>
      %dma_start3A_228 = arith.constant 0 : i32
      %dma_start3A_229 = arith.constant 0 : i32
      %dma_start3A_230 = tpu.memref_slice %arg9[%dma_start3A_228, %dma_start3A_229] : memref<100000x16xf32, #tpu.memory_space<hbm>> -> memref<100000x16xf32, #tpu.memory_space<hbm>>
      tpu.enqueue_indirect_dma source(%dma_start3A_230 : memref<100000x16xf32, #tpu.memory_space<hbm>>) target(%dma_start3A_227 : memref<128x16xf32, #tpu.memory_space<vmem>>) offsets(%arg13 : memref<128xi32, #tpu.memory_space<vmem>>) semaphore(%arg28 : memref<!tpu.dma_semaphore, #tpu.memory_space<semaphore_mem>>)
      %dma_start3A_231 = arith.constant 2 : i32
      %dma_start3A_232 = arith.constant 0 : i32
      %dma_start3A_233 = arith.constant 0 : i32
      %dma_start3A_234 = tpu.memref_slice %arg20[%dma_start3A_231, %dma_start3A_232, %dma_start3A_233] : memref<4x128x16xf32, #tpu.memory_space<vmem>> -> memref<1x128x16xf32, #tpu.memory_space<vmem>>
      %dma_start3A_235 = tpu.memref_squeeze %dma_start3A_234 : memref<1x128x16xf32, #tpu.memory_space<vmem>> -> memref<128x16xf32, #tpu.memory_space<vmem>>
      %dma_start3A_236 = arith.constant 0 : i32
      %dma_start3A_237 = arith.constant 0 : i32
      %dma_start3A_238 = tpu.memref_slice %arg9[%dma_start3A_236, %dma_start3A_237] : memref<100000x16xf32, #tpu.memory_space<hbm>> -> memref<100000x16xf32, #tpu.memory_space<hbm>>
      tpu.enqueue_indirect_dma source(%dma_start3A_238 : memref<100000x16xf32, #tpu.memory_space<hbm>>) target(%dma_start3A_235 : memref<128x16xf32, #tpu.memory_space<vmem>>) offsets(%arg14 : memref<128xi32, #tpu.memory_space<vmem>>) semaphore(%arg28 : memref<!tpu.dma_semaphore, #tpu.memory_space<semaphore_mem>>)
      %dma_start3A_239 = arith.constant 3 : i32
      %dma_start3A_240 = arith.constant 0 : i32
      %dma_start3A_241 = arith.constant 0 : i32
      %dma_start3A_242 = tpu.memref_slice %arg20[%dma_start3A_239, %dma_start3A_240, %dma_start3A_241] : memref<4x128x16xf32, #tpu.memory_space<vmem>> -> memref<1x128x16xf32, #tpu.memory_space<vmem>>
      %dma_start3A_243 = tpu.memref_squeeze %dma_start3A_242 : memref<1x128x16xf32, #tpu.memory_space<vmem>> -> memref<128x16xf32, #tpu.memory_space<vmem>>
      %dma_start3A_244 = arith.constant 0 : i32
      %dma_start3A_245 = arith.constant 0 : i32
      %dma_start3A_246 = tpu.memref_slice %arg9[%dma_start3A_244, %dma_start3A_245] : memref<100000x16xf32, #tpu.memory_space<hbm>> -> memref<100000x16xf32, #tpu.memory_space<hbm>>
      tpu.enqueue_indirect_dma source(%dma_start3A_246 : memref<100000x16xf32, #tpu.memory_space<hbm>>) target(%dma_start3A_243 : memref<128x16xf32, #tpu.memory_space<vmem>>) offsets(%arg15 : memref<128xi32, #tpu.memory_space<vmem>>) semaphore(%arg28 : memref<!tpu.dma_semaphore, #tpu.memory_space<semaphore_mem>>)
      %add3A_247 = arith.constant 0 : i32
      %add3A_248 = arith.addi %add3A_158, %add3A_247 : i32
      %dma_start3A_249 = arith.constant 0 : i32
      %dma_start3A_250 = tpu.memref_slice %arg3[%add3A_248, %dma_start3A_249] : memref<25000x128xi32, #tpu.memory_space<hbm>> -> memref<1x128xi32, #tpu.memory_space<hbm>>
      %dma_start3A_251 = tpu.memref_squeeze %dma_start3A_250 : memref<1x128xi32, #tpu.memory_space<hbm>> -> memref<128xi32, #tpu.memory_space<hbm>>
      %dma_start3A_252 = arith.constant 0 : i32
      %dma_start3A_253 = tpu.memref_slice %arg3[%add3A_248, %dma_start3A_252] : memref<25000x128xi32, #tpu.memory_space<hbm>> -> memref<1x128xi32, #tpu.memory_space<hbm>>
      %dma_start3A_254 = tpu.memref_squeeze %dma_start3A_253 : memref<1x128xi32, #tpu.memory_space<hbm>> -> memref<128xi32, #tpu.memory_space<hbm>>
      tpu.enqueue_dma source(%dma_start3A_254 : memref<128xi32, #tpu.memory_space<hbm>>) target(%arg16 : memref<128xi32, #tpu.memory_space<vmem>>) target_semaphore(%arg27 : memref<!tpu.dma_semaphore, #tpu.memory_space<semaphore_mem>>)
      %add3A_255 = arith.constant 1 : i32
      %add3A_256 = arith.addi %add3A_158, %add3A_255 : i32
      %dma_start3A_257 = arith.constant 0 : i32
      %dma_start3A_258 = tpu.memref_slice %arg3[%add3A_256, %dma_start3A_257] : memref<25000x128xi32, #tpu.memory_space<hbm>> -> memref<1x128xi32, #tpu.memory_space<hbm>>
      %dma_start3A_259 = tpu.memref_squeeze %dma_start3A_258 : memref<1x128xi32, #tpu.memory_space<hbm>> -> memref<128xi32, #tpu.memory_space<hbm>>
      %dma_start3A_260 = arith.constant 0 : i32
      %dma_start3A_261 = tpu.memref_slice %arg3[%add3A_256, %dma_start3A_260] : memref<25000x128xi32, #tpu.memory_space<hbm>> -> memref<1x128xi32, #tpu.memory_space<hbm>>
      %dma_start3A_262 = tpu.memref_squeeze %dma_start3A_261 : memref<1x128xi32, #tpu.memory_space<hbm>> -> memref<128xi32, #tpu.memory_space<hbm>>
      tpu.enqueue_dma source(%dma_start3A_262 : memref<128xi32, #tpu.memory_space<hbm>>) target(%arg17 : memref<128xi32, #tpu.memory_space<vmem>>) target_semaphore(%arg27 : memref<!tpu.dma_semaphore, #tpu.memory_space<semaphore_mem>>)
      %add3A_263 = arith.constant 2 : i32
      %add3A_264 = arith.addi %add3A_158, %add3A_263 : i32
      %dma_start3A_265 = arith.constant 0 : i32
      %dma_start3A_266 = tpu.memref_slice %arg3[%add3A_264, %dma_start3A_265] : memref<25000x128xi32, #tpu.memory_space<hbm>> -> memref<1x128xi32, #tpu.memory_space<hbm>>
      %dma_start3A_267 = tpu.memref_squeeze %dma_start3A_266 : memref<1x128xi32, #tpu.memory_space<hbm>> -> memref<128xi32, #tpu.memory_space<hbm>>
      %dma_start3A_268 = arith.constant 0 : i32
      %dma_start3A_269 = tpu.memref_slice %arg3[%add3A_264, %dma_start3A_268] : memref<25000x128xi32, #tpu.memory_space<hbm>> -> memref<1x128xi32, #tpu.memory_space<hbm>>
      %dma_start3A_270 = tpu.memref_squeeze %dma_start3A_269 : memref<1x128xi32, #tpu.memory_space<hbm>> -> memref<128xi32, #tpu.memory_space<hbm>>
      tpu.enqueue_dma source(%dma_start3A_270 : memref<128xi32, #tpu.memory_space<hbm>>) target(%arg18 : memref<128xi32, #tpu.memory_space<vmem>>) target_semaphore(%arg27 : memref<!tpu.dma_semaphore, #tpu.memory_space<semaphore_mem>>)
      %add3A_271 = arith.constant 3 : i32
      %add3A_272 = arith.addi %add3A_158, %add3A_271 : i32
      %dma_start3A_273 = arith.constant 0 : i32
      %dma_start3A_274 = tpu.memref_slice %arg3[%add3A_272, %dma_start3A_273] : memref<25000x128xi32, #tpu.memory_space<hbm>> -> memref<1x128xi32, #tpu.memory_space<hbm>>
      %dma_start3A_275 = tpu.memref_squeeze %dma_start3A_274 : memref<1x128xi32, #tpu.memory_space<hbm>> -> memref<128xi32, #tpu.memory_space<hbm>>
      %dma_start3A_276 = arith.constant 0 : i32
      %dma_start3A_277 = tpu.memref_slice %arg3[%add3A_272, %dma_start3A_276] : memref<25000x128xi32, #tpu.memory_space<hbm>> -> memref<1x128xi32, #tpu.memory_space<hbm>>
      %dma_start3A_278 = tpu.memref_squeeze %dma_start3A_277 : memref<1x128xi32, #tpu.memory_space<hbm>> -> memref<128xi32, #tpu.memory_space<hbm>>
      tpu.enqueue_dma source(%dma_start3A_278 : memref<128xi32, #tpu.memory_space<hbm>>) target(%arg19 : memref<128xi32, #tpu.memory_space<vmem>>) target_semaphore(%arg27 : memref<!tpu.dma_semaphore, #tpu.memory_space<semaphore_mem>>)
      %dma_wait3A_279 = arith.constant 0 : i32
      %dma_wait3A_280 = tpu.memref_slice %arg3[%add3A_248, %dma_wait3A_279] : memref<25000x128xi32, #tpu.memory_space<hbm>> -> memref<1x128xi32, #tpu.memory_space<hbm>>
      %dma_wait3A_281 = tpu.memref_squeeze %dma_wait3A_280 : memref<1x128xi32, #tpu.memory_space<hbm>> -> memref<128xi32, #tpu.memory_space<hbm>>
      %dma_wait3A_282 = arith.constant 0 : i32
      %dma_wait3A_283 = tpu.memref_slice %arg3[%add3A_248, %dma_wait3A_282] : memref<25000x128xi32, #tpu.memory_space<hbm>> -> memref<1x128xi32, #tpu.memory_space<hbm>>
      %dma_wait3A_284 = tpu.memref_squeeze %dma_wait3A_283 : memref<1x128xi32, #tpu.memory_space<hbm>> -> memref<128xi32, #tpu.memory_space<hbm>>
      tpu.wait_dma2 semaphore(%arg27 : memref<!tpu.dma_semaphore, #tpu.memory_space<semaphore_mem>>) src(%dma_wait3A_284 : memref<128xi32, #tpu.memory_space<hbm>>) dst(%arg16 : memref<128xi32, #tpu.memory_space<vmem>>)
      %dma_wait3A_285 = arith.constant 0 : i32
      %dma_wait3A_286 = tpu.memref_slice %arg3[%add3A_256, %dma_wait3A_285] : memref<25000x128xi32, #tpu.memory_space<hbm>> -> memref<1x128xi32, #tpu.memory_space<hbm>>
      %dma_wait3A_287 = tpu.memref_squeeze %dma_wait3A_286 : memref<1x128xi32, #tpu.memory_space<hbm>> -> memref<128xi32, #tpu.memory_space<hbm>>
      %dma_wait3A_288 = arith.constant 0 : i32
      %dma_wait3A_289 = tpu.memref_slice %arg3[%add3A_256, %dma_wait3A_288] : memref<25000x128xi32, #tpu.memory_space<hbm>> -> memref<1x128xi32, #tpu.memory_space<hbm>>
      %dma_wait3A_290 = tpu.memref_squeeze %dma_wait3A_289 : memref<1x128xi32, #tpu.memory_space<hbm>> -> memref<128xi32, #tpu.memory_space<hbm>>
      tpu.wait_dma2 semaphore(%arg27 : memref<!tpu.dma_semaphore, #tpu.memory_space<semaphore_mem>>) src(%dma_wait3A_290 : memref<128xi32, #tpu.memory_space<hbm>>) dst(%arg17 : memref<128xi32, #tpu.memory_space<vmem>>)
      %dma_wait3A_291 = arith.constant 0 : i32
      %dma_wait3A_292 = tpu.memref_slice %arg3[%add3A_264, %dma_wait3A_291] : memref<25000x128xi32, #tpu.memory_space<hbm>> -> memref<1x128xi32, #tpu.memory_space<hbm>>
      %dma_wait3A_293 = tpu.memref_squeeze %dma_wait3A_292 : memref<1x128xi32, #tpu.memory_space<hbm>> -> memref<128xi32, #tpu.memory_space<hbm>>
      %dma_wait3A_294 = arith.constant 0 : i32
      %dma_wait3A_295 = tpu.memref_slice %arg3[%add3A_264, %dma_wait3A_294] : memref<25000x128xi32, #tpu.memory_space<hbm>> -> memref<1x128xi32, #tpu.memory_space<hbm>>
      %dma_wait3A_296 = tpu.memref_squeeze %dma_wait3A_295 : memref<1x128xi32, #tpu.memory_space<hbm>> -> memref<128xi32, #tpu.memory_space<hbm>>
      tpu.wait_dma2 semaphore(%arg27 : memref<!tpu.dma_semaphore, #tpu.memory_space<semaphore_mem>>) src(%dma_wait3A_296 : memref<128xi32, #tpu.memory_space<hbm>>) dst(%arg18 : memref<128xi32, #tpu.memory_space<vmem>>)
      %dma_wait3A_297 = arith.constant 0 : i32
      %dma_wait3A_298 = tpu.memref_slice %arg3[%add3A_272, %dma_wait3A_297] : memref<25000x128xi32, #tpu.memory_space<hbm>> -> memref<1x128xi32, #tpu.memory_space<hbm>>
      %dma_wait3A_299 = tpu.memref_squeeze %dma_wait3A_298 : memref<1x128xi32, #tpu.memory_space<hbm>> -> memref<128xi32, #tpu.memory_space<hbm>>
      %dma_wait3A_300 = arith.constant 0 : i32
      %dma_wait3A_301 = tpu.memref_slice %arg3[%add3A_272, %dma_wait3A_300] : memref<25000x128xi32, #tpu.memory_space<hbm>> -> memref<1x128xi32, #tpu.memory_space<hbm>>
      %dma_wait3A_302 = tpu.memref_squeeze %dma_wait3A_301 : memref<1x128xi32, #tpu.memory_space<hbm>> -> memref<128xi32, #tpu.memory_space<hbm>>
      tpu.wait_dma2 semaphore(%arg27 : memref<!tpu.dma_semaphore, #tpu.memory_space<semaphore_mem>>) src(%dma_wait3A_302 : memref<128xi32, #tpu.memory_space<hbm>>) dst(%arg19 : memref<128xi32, #tpu.memory_space<vmem>>)
      %dma_wait3A_303 = arith.constant 0 : i32
      %dma_wait3A_304 = arith.constant 0 : i32
      %dma_wait3A_305 = arith.constant 0 : i32
      %dma_wait3A_306 = tpu.memref_slice %arg20[%dma_wait3A_303, %dma_wait3A_304, %dma_wait3A_305] : memref<4x128x16xf32, #tpu.memory_space<vmem>> -> memref<1x128x16xf32, #tpu.memory_space<vmem>>
      %dma_wait3A_307 = tpu.memref_squeeze %dma_wait3A_306 : memref<1x128x16xf32, #tpu.memory_space<vmem>> -> memref<128x16xf32, #tpu.memory_space<vmem>>
      %dma_wait3A_308 = arith.constant 0 : i32
      %dma_wait3A_309 = arith.constant 0 : i32
      %dma_wait3A_310 = tpu.memref_slice %arg9[%dma_wait3A_308, %dma_wait3A_309] : memref<100000x16xf32, #tpu.memory_space<hbm>> -> memref<100000x16xf32, #tpu.memory_space<hbm>>
      tpu.wait_indirect_dma semaphore(%arg28 : memref<!tpu.dma_semaphore, #tpu.memory_space<semaphore_mem>>) src(%dma_wait3A_310 : memref<100000x16xf32, #tpu.memory_space<hbm>>) dst(%dma_wait3A_307 : memref<128x16xf32, #tpu.memory_space<vmem>>)
      %dma_wait3A_311 = arith.constant 1 : i32
      %dma_wait3A_312 = arith.constant 0 : i32
      %dma_wait3A_313 = arith.constant 0 : i32
      %dma_wait3A_314 = tpu.memref_slice %arg20[%dma_wait3A_311, %dma_wait3A_312, %dma_wait3A_313] : memref<4x128x16xf32, #tpu.memory_space<vmem>> -> memref<1x128x16xf32, #tpu.memory_space<vmem>>
      %dma_wait3A_315 = tpu.memref_squeeze %dma_wait3A_314 : memref<1x128x16xf32, #tpu.memory_space<vmem>> -> memref<128x16xf32, #tpu.memory_space<vmem>>
      %dma_wait3A_316 = arith.constant 0 : i32
      %dma_wait3A_317 = arith.constant 0 : i32
      %dma_wait3A_318 = tpu.memref_slice %arg9[%dma_wait3A_316, %dma_wait3A_317] : memref<100000x16xf32, #tpu.memory_space<hbm>> -> memref<100000x16xf32, #tpu.memory_space<hbm>>
      tpu.wait_indirect_dma semaphore(%arg28 : memref<!tpu.dma_semaphore, #tpu.memory_space<semaphore_mem>>) src(%dma_wait3A_318 : memref<100000x16xf32, #tpu.memory_space<hbm>>) dst(%dma_wait3A_315 : memref<128x16xf32, #tpu.memory_space<vmem>>)
      %dma_wait3A_319 = arith.constant 2 : i32
      %dma_wait3A_320 = arith.constant 0 : i32
      %dma_wait3A_321 = arith.constant 0 : i32
      %dma_wait3A_322 = tpu.memref_slice %arg20[%dma_wait3A_319, %dma_wait3A_320, %dma_wait3A_321] : memref<4x128x16xf32, #tpu.memory_space<vmem>> -> memref<1x128x16xf32, #tpu.memory_space<vmem>>
      %dma_wait3A_323 = tpu.memref_squeeze %dma_wait3A_322 : memref<1x128x16xf32, #tpu.memory_space<vmem>> -> memref<128x16xf32, #tpu.memory_space<vmem>>
      %dma_wait3A_324 = arith.constant 0 : i32
      %dma_wait3A_325 = arith.constant 0 : i32
      %dma_wait3A_326 = tpu.memref_slice %arg9[%dma_wait3A_324, %dma_wait3A_325] : memref<100000x16xf32, #tpu.memory_space<hbm>> -> memref<100000x16xf32, #tpu.memory_space<hbm>>
      tpu.wait_indirect_dma semaphore(%arg28 : memref<!tpu.dma_semaphore, #tpu.memory_space<semaphore_mem>>) src(%dma_wait3A_326 : memref<100000x16xf32, #tpu.memory_space<hbm>>) dst(%dma_wait3A_323 : memref<128x16xf32, #tpu.memory_space<vmem>>)
      %dma_wait3A_327 = arith.constant 3 : i32
      %dma_wait3A_328 = arith.constant 0 : i32
      %dma_wait3A_329 = arith.constant 0 : i32
      %dma_wait3A_330 = tpu.memref_slice %arg20[%dma_wait3A_327, %dma_wait3A_328, %dma_wait3A_329] : memref<4x128x16xf32, #tpu.memory_space<vmem>> -> memref<1x128x16xf32, #tpu.memory_space<vmem>>
      %dma_wait3A_331 = tpu.memref_squeeze %dma_wait3A_330 : memref<1x128x16xf32, #tpu.memory_space<vmem>> -> memref<128x16xf32, #tpu.memory_space<vmem>>
      %dma_wait3A_332 = arith.constant 0 : i32
      %dma_wait3A_333 = arith.constant 0 : i32
      %dma_wait3A_334 = tpu.memref_slice %arg9[%dma_wait3A_332, %dma_wait3A_333] : memref<100000x16xf32, #tpu.memory_space<hbm>> -> memref<100000x16xf32, #tpu.memory_space<hbm>>
      tpu.wait_indirect_dma semaphore(%arg28 : memref<!tpu.dma_semaphore, #tpu.memory_space<semaphore_mem>>) src(%dma_wait3A_334 : memref<100000x16xf32, #tpu.memory_space<hbm>>) dst(%dma_wait3A_331 : memref<128x16xf32, #tpu.memory_space<vmem>>)
      %dma_start3A_335 = arith.constant 0 : i32
      %dma_start3A_336 = arith.constant 0 : i32
      %dma_start3A_337 = arith.constant 0 : i32
      %dma_start3A_338 = tpu.memref_slice %arg20[%dma_start3A_335, %dma_start3A_336, %dma_start3A_337] : memref<4x128x16xf32, #tpu.memory_space<vmem>> -> memref<1x128x16xf32, #tpu.memory_space<vmem>>
      %dma_start3A_339 = tpu.memref_squeeze %dma_start3A_338 : memref<1x128x16xf32, #tpu.memory_space<vmem>> -> memref<128x16xf32, #tpu.memory_space<vmem>>
      %dma_start3A_340 = arith.constant 0 : i32
      %dma_start3A_341 = arith.constant 0 : i32
      %dma_start3A_342 = tpu.memref_slice %arg30[%dma_start3A_340, %dma_start3A_341] : memref<100000x16xf32, #tpu.memory_space<vmem_shared>> -> memref<100000x16xf32, #tpu.memory_space<vmem_shared>>
      tpu.enqueue_indirect_dma source(%dma_start3A_339 : memref<128x16xf32, #tpu.memory_space<vmem>>) target(%dma_start3A_342 : memref<100000x16xf32, #tpu.memory_space<vmem_shared>>) offsets(%arg16 : memref<128xi32, #tpu.memory_space<vmem>>) semaphore(%arg29 : memref<!tpu.dma_semaphore, #tpu.memory_space<semaphore_mem>>) {add = true}
      %dma_start3A_343 = arith.constant 1 : i32
      %dma_start3A_344 = arith.constant 0 : i32
      %dma_start3A_345 = arith.constant 0 : i32
      %dma_start3A_346 = tpu.memref_slice %arg20[%dma_start3A_343, %dma_start3A_344, %dma_start3A_345] : memref<4x128x16xf32, #tpu.memory_space<vmem>> -> memref<1x128x16xf32, #tpu.memory_space<vmem>>
      %dma_start3A_347 = tpu.memref_squeeze %dma_start3A_346 : memref<1x128x16xf32, #tpu.memory_space<vmem>> -> memref<128x16xf32, #tpu.memory_space<vmem>>
      %dma_start3A_348 = arith.constant 0 : i32
      %dma_start3A_349 = arith.constant 0 : i32
      %dma_start3A_350 = tpu.memref_slice %arg30[%dma_start3A_348, %dma_start3A_349] : memref<100000x16xf32, #tpu.memory_space<vmem_shared>> -> memref<100000x16xf32, #tpu.memory_space<vmem_shared>>
      tpu.enqueue_indirect_dma source(%dma_start3A_347 : memref<128x16xf32, #tpu.memory_space<vmem>>) target(%dma_start3A_350 : memref<100000x16xf32, #tpu.memory_space<vmem_shared>>) offsets(%arg17 : memref<128xi32, #tpu.memory_space<vmem>>) semaphore(%arg29 : memref<!tpu.dma_semaphore, #tpu.memory_space<semaphore_mem>>) {add = true}
      %dma_start3A_351 = arith.constant 2 : i32
      %dma_start3A_352 = arith.constant 0 : i32
      %dma_start3A_353 = arith.constant 0 : i32
      %dma_start3A_354 = tpu.memref_slice %arg20[%dma_start3A_351, %dma_start3A_352, %dma_start3A_353] : memref<4x128x16xf32, #tpu.memory_space<vmem>> -> memref<1x128x16xf32, #tpu.memory_space<vmem>>
      %dma_start3A_355 = tpu.memref_squeeze %dma_start3A_354 : memref<1x128x16xf32, #tpu.memory_space<vmem>> -> memref<128x16xf32, #tpu.memory_space<vmem>>
      %dma_start3A_356 = arith.constant 0 : i32
      %dma_start3A_357 = arith.constant 0 : i32
      %dma_start3A_358 = tpu.memref_slice %arg30[%dma_start3A_356, %dma_start3A_357] : memref<100000x16xf32, #tpu.memory_space<vmem_shared>> -> memref<100000x16xf32, #tpu.memory_space<vmem_shared>>
      tpu.enqueue_indirect_dma source(%dma_start3A_355 : memref<128x16xf32, #tpu.memory_space<vmem>>) target(%dma_start3A_358 : memref<100000x16xf32, #tpu.memory_space<vmem_shared>>) offsets(%arg18 : memref<128xi32, #tpu.memory_space<vmem>>) semaphore(%arg29 : memref<!tpu.dma_semaphore, #tpu.memory_space<semaphore_mem>>) {add = true}
      %dma_start3A_359 = arith.constant 3 : i32
      %dma_start3A_360 = arith.constant 0 : i32
      %dma_start3A_361 = arith.constant 0 : i32
      %dma_start3A_362 = tpu.memref_slice %arg20[%dma_start3A_359, %dma_start3A_360, %dma_start3A_361] : memref<4x128x16xf32, #tpu.memory_space<vmem>> -> memref<1x128x16xf32, #tpu.memory_space<vmem>>
      %dma_start3A_363 = tpu.memref_squeeze %dma_start3A_362 : memref<1x128x16xf32, #tpu.memory_space<vmem>> -> memref<128x16xf32, #tpu.memory_space<vmem>>
      %dma_start3A_364 = arith.constant 0 : i32
      %dma_start3A_365 = arith.constant 0 : i32
      %dma_start3A_366 = tpu.memref_slice %arg30[%dma_start3A_364, %dma_start3A_365] : memref<100000x16xf32, #tpu.memory_space<vmem_shared>> -> memref<100000x16xf32, #tpu.memory_space<vmem_shared>>
      tpu.enqueue_indirect_dma source(%dma_start3A_363 : memref<128x16xf32, #tpu.memory_space<vmem>>) target(%dma_start3A_366 : memref<100000x16xf32, #tpu.memory_space<vmem_shared>>) offsets(%arg19 : memref<128xi32, #tpu.memory_space<vmem>>) semaphore(%arg29 : memref<!tpu.dma_semaphore, #tpu.memory_space<semaphore_mem>>) {add = true}
      %dma_wait3A_367 = arith.constant 0 : i32
      %dma_wait3A_368 = arith.constant 0 : i32
      %dma_wait3A_369 = arith.constant 0 : i32
      %dma_wait3A_370 = tpu.memref_slice %arg20[%dma_wait3A_367, %dma_wait3A_368, %dma_wait3A_369] : memref<4x128x16xf32, #tpu.memory_space<vmem>> -> memref<1x128x16xf32, #tpu.memory_space<vmem>>
      %dma_wait3A_371 = tpu.memref_squeeze %dma_wait3A_370 : memref<1x128x16xf32, #tpu.memory_space<vmem>> -> memref<128x16xf32, #tpu.memory_space<vmem>>
      %dma_wait3A_372 = arith.constant 0 : i32
      %dma_wait3A_373 = arith.constant 0 : i32
      %dma_wait3A_374 = tpu.memref_slice %arg30[%dma_wait3A_372, %dma_wait3A_373] : memref<100000x16xf32, #tpu.memory_space<vmem_shared>> -> memref<100000x16xf32, #tpu.memory_space<vmem_shared>>
      tpu.wait_indirect_dma semaphore(%arg29 : memref<!tpu.dma_semaphore, #tpu.memory_space<semaphore_mem>>) src(%dma_wait3A_371 : memref<128x16xf32, #tpu.memory_space<vmem>>) dst(%dma_wait3A_374 : memref<100000x16xf32, #tpu.memory_space<vmem_shared>>)
      %dma_wait3A_375 = arith.constant 1 : i32
      %dma_wait3A_376 = arith.constant 0 : i32
      %dma_wait3A_377 = arith.constant 0 : i32
      %dma_wait3A_378 = tpu.memref_slice %arg20[%dma_wait3A_375, %dma_wait3A_376, %dma_wait3A_377] : memref<4x128x16xf32, #tpu.memory_space<vmem>> -> memref<1x128x16xf32, #tpu.memory_space<vmem>>
      %dma_wait3A_379 = tpu.memref_squeeze %dma_wait3A_378 : memref<1x128x16xf32, #tpu.memory_space<vmem>> -> memref<128x16xf32, #tpu.memory_space<vmem>>
      %dma_wait3A_380 = arith.constant 0 : i32
      %dma_wait3A_381 = arith.constant 0 : i32
      %dma_wait3A_382 = tpu.memref_slice %arg30[%dma_wait3A_380, %dma_wait3A_381] : memref<100000x16xf32, #tpu.memory_space<vmem_shared>> -> memref<100000x16xf32, #tpu.memory_space<vmem_shared>>
      tpu.wait_indirect_dma semaphore(%arg29 : memref<!tpu.dma_semaphore, #tpu.memory_space<semaphore_mem>>) src(%dma_wait3A_379 : memref<128x16xf32, #tpu.memory_space<vmem>>) dst(%dma_wait3A_382 : memref<100000x16xf32, #tpu.memory_space<vmem_shared>>)
      %dma_wait3A_383 = arith.constant 2 : i32
      %dma_wait3A_384 = arith.constant 0 : i32
      %dma_wait3A_385 = arith.constant 0 : i32
      %dma_wait3A_386 = tpu.memref_slice %arg20[%dma_wait3A_383, %dma_wait3A_384, %dma_wait3A_385] : memref<4x128x16xf32, #tpu.memory_space<vmem>> -> memref<1x128x16xf32, #tpu.memory_space<vmem>>
      %dma_wait3A_387 = tpu.memref_squeeze %dma_wait3A_386 : memref<1x128x16xf32, #tpu.memory_space<vmem>> -> memref<128x16xf32, #tpu.memory_space<vmem>>
      %dma_wait3A_388 = arith.constant 0 : i32
      %dma_wait3A_389 = arith.constant 0 : i32
      %dma_wait3A_390 = tpu.memref_slice %arg30[%dma_wait3A_388, %dma_wait3A_389] : memref<100000x16xf32, #tpu.memory_space<vmem_shared>> -> memref<100000x16xf32, #tpu.memory_space<vmem_shared>>
      tpu.wait_indirect_dma semaphore(%arg29 : memref<!tpu.dma_semaphore, #tpu.memory_space<semaphore_mem>>) src(%dma_wait3A_387 : memref<128x16xf32, #tpu.memory_space<vmem>>) dst(%dma_wait3A_390 : memref<100000x16xf32, #tpu.memory_space<vmem_shared>>)
      %dma_wait3A_391 = arith.constant 3 : i32
      %dma_wait3A_392 = arith.constant 0 : i32
      %dma_wait3A_393 = arith.constant 0 : i32
      %dma_wait3A_394 = tpu.memref_slice %arg20[%dma_wait3A_391, %dma_wait3A_392, %dma_wait3A_393] : memref<4x128x16xf32, #tpu.memory_space<vmem>> -> memref<1x128x16xf32, #tpu.memory_space<vmem>>
      %dma_wait3A_395 = tpu.memref_squeeze %dma_wait3A_394 : memref<1x128x16xf32, #tpu.memory_space<vmem>> -> memref<128x16xf32, #tpu.memory_space<vmem>>
      %dma_wait3A_396 = arith.constant 0 : i32
      %dma_wait3A_397 = arith.constant 0 : i32
      %dma_wait3A_398 = tpu.memref_slice %arg30[%dma_wait3A_396, %dma_wait3A_397] : memref<100000x16xf32, #tpu.memory_space<vmem_shared>> -> memref<100000x16xf32, #tpu.memory_space<vmem_shared>>
      tpu.wait_indirect_dma semaphore(%arg29 : memref<!tpu.dma_semaphore, #tpu.memory_space<semaphore_mem>>) src(%dma_wait3A_395 : memref<128x16xf32, #tpu.memory_space<vmem>>) dst(%dma_wait3A_398 : memref<100000x16xf32, #tpu.memory_space<vmem_shared>>)
    }
    %scan3A_74 = arith.constant 195 : i32
    %mul3A_75 = arith.constant 781 : i32
    %mul3A_76 = arith.muli %add3A, %mul3A_75 : i32
    %add3A_77 = arith.constant 780 : i32
    %add3A_78 = arith.addi %mul3A_76, %add3A_77 : i32
    %add3A_79 = arith.constant 0 : i32
    %add3A_80 = arith.addi %add3A_78, %add3A_79 : i32
    %dma_start3A_81 = arith.constant 0 : i32
    %dma_start3A_82 = tpu.memref_slice %arg2[%add3A_80, %dma_start3A_81] : memref<25000x128xi32, #tpu.memory_space<hbm>> -> memref<1x128xi32, #tpu.memory_space<hbm>>
    %dma_start3A_83 = tpu.memref_squeeze %dma_start3A_82 : memref<1x128xi32, #tpu.memory_space<hbm>> -> memref<128xi32, #tpu.memory_space<hbm>>
    %dma_start3A_84 = arith.constant 0 : i32
    %dma_start3A_85 = tpu.memref_slice %arg2[%add3A_80, %dma_start3A_84] : memref<25000x128xi32, #tpu.memory_space<hbm>> -> memref<1x128xi32, #tpu.memory_space<hbm>>
    %dma_start3A_86 = tpu.memref_squeeze %dma_start3A_85 : memref<1x128xi32, #tpu.memory_space<hbm>> -> memref<128xi32, #tpu.memory_space<hbm>>
    tpu.enqueue_dma source(%dma_start3A_86 : memref<128xi32, #tpu.memory_space<hbm>>) target(%arg12 : memref<128xi32, #tpu.memory_space<vmem>>) target_semaphore(%arg27 : memref<!tpu.dma_semaphore, #tpu.memory_space<semaphore_mem>>)
    %dma_wait3A_87 = arith.constant 0 : i32
    %dma_wait3A_88 = tpu.memref_slice %arg2[%add3A_80, %dma_wait3A_87] : memref<25000x128xi32, #tpu.memory_space<hbm>> -> memref<1x128xi32, #tpu.memory_space<hbm>>
    %dma_wait3A_89 = tpu.memref_squeeze %dma_wait3A_88 : memref<1x128xi32, #tpu.memory_space<hbm>> -> memref<128xi32, #tpu.memory_space<hbm>>
    %dma_wait3A_90 = arith.constant 0 : i32
    %dma_wait3A_91 = tpu.memref_slice %arg2[%add3A_80, %dma_wait3A_90] : memref<25000x128xi32, #tpu.memory_space<hbm>> -> memref<1x128xi32, #tpu.memory_space<hbm>>
    %dma_wait3A_92 = tpu.memref_squeeze %dma_wait3A_91 : memref<1x128xi32, #tpu.memory_space<hbm>> -> memref<128xi32, #tpu.memory_space<hbm>>
    tpu.wait_dma2 semaphore(%arg27 : memref<!tpu.dma_semaphore, #tpu.memory_space<semaphore_mem>>) src(%dma_wait3A_92 : memref<128xi32, #tpu.memory_space<hbm>>) dst(%arg12 : memref<128xi32, #tpu.memory_space<vmem>>)
    %dma_start3A_93 = arith.constant 0 : i32
    %dma_start3A_94 = arith.constant 0 : i32
    %dma_start3A_95 = arith.constant 0 : i32
    %dma_start3A_96 = tpu.memref_slice %arg20[%dma_start3A_93, %dma_start3A_94, %dma_start3A_95] : memref<4x128x16xf32, #tpu.memory_space<vmem>> -> memref<1x128x16xf32, #tpu.memory_space<vmem>>
    %dma_start3A_97 = tpu.memref_squeeze %dma_start3A_96 : memref<1x128x16xf32, #tpu.memory_space<vmem>> -> memref<128x16xf32, #tpu.memory_space<vmem>>
    %dma_start3A_98 = arith.constant 0 : i32
    %dma_start3A_99 = arith.constant 0 : i32
    %dma_start3A_100 = tpu.memref_slice %arg9[%dma_start3A_98, %dma_start3A_99] : memref<100000x16xf32, #tpu.memory_space<hbm>> -> memref<100000x16xf32, #tpu.memory_space<hbm>>
    tpu.enqueue_indirect_dma source(%dma_start3A_100 : memref<100000x16xf32, #tpu.memory_space<hbm>>) target(%dma_start3A_97 : memref<128x16xf32, #tpu.memory_space<vmem>>) offsets(%arg12 : memref<128xi32, #tpu.memory_space<vmem>>) semaphore(%arg28 : memref<!tpu.dma_semaphore, #tpu.memory_space<semaphore_mem>>)
    %add3A_101 = arith.constant 0 : i32
    %add3A_102 = arith.addi %add3A_78, %add3A_101 : i32
    %dma_start3A_103 = arith.constant 0 : i32
    %dma_start3A_104 = tpu.memref_slice %arg3[%add3A_102, %dma_start3A_103] : memref<25000x128xi32, #tpu.memory_space<hbm>> -> memref<1x128xi32, #tpu.memory_space<hbm>>
    %dma_start3A_105 = tpu.memref_squeeze %dma_start3A_104 : memref<1x128xi32, #tpu.memory_space<hbm>> -> memref<128xi32, #tpu.memory_space<hbm>>
    %dma_start3A_106 = arith.constant 0 : i32
    %dma_start3A_107 = tpu.memref_slice %arg3[%add3A_102, %dma_start3A_106] : memref<25000x128xi32, #tpu.memory_space<hbm>> -> memref<1x128xi32, #tpu.memory_space<hbm>>
    %dma_start3A_108 = tpu.memref_squeeze %dma_start3A_107 : memref<1x128xi32, #tpu.memory_space<hbm>> -> memref<128xi32, #tpu.memory_space<hbm>>
    tpu.enqueue_dma source(%dma_start3A_108 : memref<128xi32, #tpu.memory_space<hbm>>) target(%arg16 : memref<128xi32, #tpu.memory_space<vmem>>) target_semaphore(%arg27 : memref<!tpu.dma_semaphore, #tpu.memory_space<semaphore_mem>>)
    %dma_wait3A_109 = arith.constant 0 : i32
    %dma_wait3A_110 = tpu.memref_slice %arg3[%add3A_102, %dma_wait3A_109] : memref<25000x128xi32, #tpu.memory_space<hbm>> -> memref<1x128xi32, #tpu.memory_space<hbm>>
    %dma_wait3A_111 = tpu.memref_squeeze %dma_wait3A_110 : memref<1x128xi32, #tpu.memory_space<hbm>> -> memref<128xi32, #tpu.memory_space<hbm>>
    %dma_wait3A_112 = arith.constant 0 : i32
    %dma_wait3A_113 = tpu.memref_slice %arg3[%add3A_102, %dma_wait3A_112] : memref<25000x128xi32, #tpu.memory_space<hbm>> -> memref<1x128xi32, #tpu.memory_space<hbm>>
    %dma_wait3A_114 = tpu.memref_squeeze %dma_wait3A_113 : memref<1x128xi32, #tpu.memory_space<hbm>> -> memref<128xi32, #tpu.memory_space<hbm>>
    tpu.wait_dma2 semaphore(%arg27 : memref<!tpu.dma_semaphore, #tpu.memory_space<semaphore_mem>>) src(%dma_wait3A_114 : memref<128xi32, #tpu.memory_space<hbm>>) dst(%arg16 : memref<128xi32, #tpu.memory_space<vmem>>)
    %dma_wait3A_115 = arith.constant 0 : i32
    %dma_wait3A_116 = arith.constant 0 : i32
    %dma_wait3A_117 = arith.constant 0 : i32
    %dma_wait3A_118 = tpu.memref_slice %arg20[%dma_wait3A_115, %dma_wait3A_116, %dma_wait3A_117] : memref<4x128x16xf32, #tpu.memory_space<vmem>> -> memref<1x128x16xf32, #tpu.memory_space<vmem>>
    %dma_wait3A_119 = tpu.memref_squeeze %dma_wait3A_118 : memref<1x128x16xf32, #tpu.memory_space<vmem>> -> memref<128x16xf32, #tpu.memory_space<vmem>>
    %dma_wait3A_120 = arith.constant 0 : i32
    %dma_wait3A_121 = arith.constant 0 : i32
    %dma_wait3A_122 = tpu.memref_slice %arg9[%dma_wait3A_120, %dma_wait3A_121] : memref<100000x16xf32, #tpu.memory_space<hbm>> -> memref<100000x16xf32, #tpu.memory_space<hbm>>
    tpu.wait_indirect_dma semaphore(%arg28 : memref<!tpu.dma_semaphore, #tpu.memory_space<semaphore_mem>>) src(%dma_wait3A_122 : memref<100000x16xf32, #tpu.memory_space<hbm>>) dst(%dma_wait3A_119 : memref<128x16xf32, #tpu.memory_space<vmem>>)
    %dma_start3A_123 = arith.constant 0 : i32
    %dma_start3A_124 = arith.constant 0 : i32
    %dma_start3A_125 = arith.constant 0 : i32
    %dma_start3A_126 = tpu.memref_slice %arg20[%dma_start3A_123, %dma_start3A_124, %dma_start3A_125] : memref<4x128x16xf32, #tpu.memory_space<vmem>> -> memref<1x128x16xf32, #tpu.memory_space<vmem>>
    %dma_start3A_127 = tpu.memref_squeeze %dma_start3A_126 : memref<1x128x16xf32, #tpu.memory_space<vmem>> -> memref<128x16xf32, #tpu.memory_space<vmem>>
    %dma_start3A_128 = arith.constant 0 : i32
    %dma_start3A_129 = arith.constant 0 : i32
    %dma_start3A_130 = tpu.memref_slice %arg30[%dma_start3A_128, %dma_start3A_129] : memref<100000x16xf32, #tpu.memory_space<vmem_shared>> -> memref<100000x16xf32, #tpu.memory_space<vmem_shared>>
    tpu.enqueue_indirect_dma source(%dma_start3A_127 : memref<128x16xf32, #tpu.memory_space<vmem>>) target(%dma_start3A_130 : memref<100000x16xf32, #tpu.memory_space<vmem_shared>>) offsets(%arg16 : memref<128xi32, #tpu.memory_space<vmem>>) semaphore(%arg29 : memref<!tpu.dma_semaphore, #tpu.memory_space<semaphore_mem>>) {add = true}
    %dma_wait3A_131 = arith.constant 0 : i32
    %dma_wait3A_132 = arith.constant 0 : i32
    %dma_wait3A_133 = arith.constant 0 : i32
    %dma_wait3A_134 = tpu.memref_slice %arg20[%dma_wait3A_131, %dma_wait3A_132, %dma_wait3A_133] : memref<4x128x16xf32, #tpu.memory_space<vmem>> -> memref<1x128x16xf32, #tpu.memory_space<vmem>>
    %dma_wait3A_135 = tpu.memref_squeeze %dma_wait3A_134 : memref<1x128x16xf32, #tpu.memory_space<vmem>> -> memref<128x16xf32, #tpu.memory_space<vmem>>
    %dma_wait3A_136 = arith.constant 0 : i32
    %dma_wait3A_137 = arith.constant 0 : i32
    %dma_wait3A_138 = tpu.memref_slice %arg30[%dma_wait3A_136, %dma_wait3A_137] : memref<100000x16xf32, #tpu.memory_space<vmem_shared>> -> memref<100000x16xf32, #tpu.memory_space<vmem_shared>>
    tpu.wait_indirect_dma semaphore(%arg29 : memref<!tpu.dma_semaphore, #tpu.memory_space<semaphore_mem>>) src(%dma_wait3A_135 : memref<128x16xf32, #tpu.memory_space<vmem>>) dst(%dma_wait3A_138 : memref<100000x16xf32, #tpu.memory_space<vmem_shared>>)
    %lt3A_139 = arith.constant 8 : i32
    %lt3A_140 = arith.cmpi slt, %add3A, %lt3A_139 : i32
    %convert_element_type3A_141 = arith.extui %lt3A_140 : i1 to i32
    %cond3A_142 = arith.constant 0 : i32
    %cond3A_143 = arith.cmpi ne, %convert_element_type3A_141, %cond3A_142 : i32
    scf.if %cond3A_143 {
      %add3A_149 = arith.constant 24992 : i32
      %add3A_150 = arith.addi %add3A_149, %add3A : i32
      %add3A_151 = arith.constant 0 : i32
      %add3A_152 = arith.addi %add3A_150, %add3A_151 : i32
      %dma_start3A_153 = arith.constant 0 : i32
      %dma_start3A_154 = tpu.memref_slice %arg2[%add3A_152, %dma_start3A_153] : memref<25000x128xi32, #tpu.memory_space<hbm>> -> memref<1x128xi32, #tpu.memory_space<hbm>>
      %dma_start3A_155 = tpu.memref_squeeze %dma_start3A_154 : memref<1x128xi32, #tpu.memory_space<hbm>> -> memref<128xi32, #tpu.memory_space<hbm>>
      %dma_start3A_156 = arith.constant 0 : i32
      %dma_start3A_157 = tpu.memref_slice %arg2[%add3A_152, %dma_start3A_156] : memref<25000x128xi32, #tpu.memory_space<hbm>> -> memref<1x128xi32, #tpu.memory_space<hbm>>
      %dma_start3A_158 = tpu.memref_squeeze %dma_start3A_157 : memref<1x128xi32, #tpu.memory_space<hbm>> -> memref<128xi32, #tpu.memory_space<hbm>>
      tpu.enqueue_dma source(%dma_start3A_158 : memref<128xi32, #tpu.memory_space<hbm>>) target(%arg12 : memref<128xi32, #tpu.memory_space<vmem>>) target_semaphore(%arg27 : memref<!tpu.dma_semaphore, #tpu.memory_space<semaphore_mem>>)
      %dma_wait3A_159 = arith.constant 0 : i32
      %dma_wait3A_160 = tpu.memref_slice %arg2[%add3A_152, %dma_wait3A_159] : memref<25000x128xi32, #tpu.memory_space<hbm>> -> memref<1x128xi32, #tpu.memory_space<hbm>>
      %dma_wait3A_161 = tpu.memref_squeeze %dma_wait3A_160 : memref<1x128xi32, #tpu.memory_space<hbm>> -> memref<128xi32, #tpu.memory_space<hbm>>
      %dma_wait3A_162 = arith.constant 0 : i32
      %dma_wait3A_163 = tpu.memref_slice %arg2[%add3A_152, %dma_wait3A_162] : memref<25000x128xi32, #tpu.memory_space<hbm>> -> memref<1x128xi32, #tpu.memory_space<hbm>>
      %dma_wait3A_164 = tpu.memref_squeeze %dma_wait3A_163 : memref<1x128xi32, #tpu.memory_space<hbm>> -> memref<128xi32, #tpu.memory_space<hbm>>
      tpu.wait_dma2 semaphore(%arg27 : memref<!tpu.dma_semaphore, #tpu.memory_space<semaphore_mem>>) src(%dma_wait3A_164 : memref<128xi32, #tpu.memory_space<hbm>>) dst(%arg12 : memref<128xi32, #tpu.memory_space<vmem>>)
      %dma_start3A_165 = arith.constant 0 : i32
      %dma_start3A_166 = arith.constant 0 : i32
      %dma_start3A_167 = arith.constant 0 : i32
      %dma_start3A_168 = tpu.memref_slice %arg20[%dma_start3A_165, %dma_start3A_166, %dma_start3A_167] : memref<4x128x16xf32, #tpu.memory_space<vmem>> -> memref<1x128x16xf32, #tpu.memory_space<vmem>>
      %dma_start3A_169 = tpu.memref_squeeze %dma_start3A_168 : memref<1x128x16xf32, #tpu.memory_space<vmem>> -> memref<128x16xf32, #tpu.memory_space<vmem>>
      %dma_start3A_170 = arith.constant 0 : i32
      %dma_start3A_171 = arith.constant 0 : i32
      %dma_start3A_172 = tpu.memref_slice %arg9[%dma_start3A_170, %dma_start3A_171] : memref<100000x16xf32, #tpu.memory_space<hbm>> -> memref<100000x16xf32, #tpu.memory_space<hbm>>
      tpu.enqueue_indirect_dma source(%dma_start3A_172 : memref<100000x16xf32, #tpu.memory_space<hbm>>) target(%dma_start3A_169 : memref<128x16xf32, #tpu.memory_space<vmem>>) offsets(%arg12 : memref<128xi32, #tpu.memory_space<vmem>>) semaphore(%arg28 : memref<!tpu.dma_semaphore, #tpu.memory_space<semaphore_mem>>)
      %add3A_173 = arith.constant 0 : i32
      %add3A_174 = arith.addi %add3A_150, %add3A_173 : i32
      %dma_start3A_175 = arith.constant 0 : i32
      %dma_start3A_176 = tpu.memref_slice %arg3[%add3A_174, %dma_start3A_175] : memref<25000x128xi32, #tpu.memory_space<hbm>> -> memref<1x128xi32, #tpu.memory_space<hbm>>
      %dma_start3A_177 = tpu.memref_squeeze %dma_start3A_176 : memref<1x128xi32, #tpu.memory_space<hbm>> -> memref<128xi32, #tpu.memory_space<hbm>>
      %dma_start3A_178 = arith.constant 0 : i32
      %dma_start3A_179 = tpu.memref_slice %arg3[%add3A_174, %dma_start3A_178] : memref<25000x128xi32, #tpu.memory_space<hbm>> -> memref<1x128xi32, #tpu.memory_space<hbm>>
      %dma_start3A_180 = tpu.memref_squeeze %dma_start3A_179 : memref<1x128xi32, #tpu.memory_space<hbm>> -> memref<128xi32, #tpu.memory_space<hbm>>
      tpu.enqueue_dma source(%dma_start3A_180 : memref<128xi32, #tpu.memory_space<hbm>>) target(%arg16 : memref<128xi32, #tpu.memory_space<vmem>>) target_semaphore(%arg27 : memref<!tpu.dma_semaphore, #tpu.memory_space<semaphore_mem>>)
      %dma_wait3A_181 = arith.constant 0 : i32
      %dma_wait3A_182 = tpu.memref_slice %arg3[%add3A_174, %dma_wait3A_181] : memref<25000x128xi32, #tpu.memory_space<hbm>> -> memref<1x128xi32, #tpu.memory_space<hbm>>
      %dma_wait3A_183 = tpu.memref_squeeze %dma_wait3A_182 : memref<1x128xi32, #tpu.memory_space<hbm>> -> memref<128xi32, #tpu.memory_space<hbm>>
      %dma_wait3A_184 = arith.constant 0 : i32
      %dma_wait3A_185 = tpu.memref_slice %arg3[%add3A_174, %dma_wait3A_184] : memref<25000x128xi32, #tpu.memory_space<hbm>> -> memref<1x128xi32, #tpu.memory_space<hbm>>
      %dma_wait3A_186 = tpu.memref_squeeze %dma_wait3A_185 : memref<1x128xi32, #tpu.memory_space<hbm>> -> memref<128xi32, #tpu.memory_space<hbm>>
      tpu.wait_dma2 semaphore(%arg27 : memref<!tpu.dma_semaphore, #tpu.memory_space<semaphore_mem>>) src(%dma_wait3A_186 : memref<128xi32, #tpu.memory_space<hbm>>) dst(%arg16 : memref<128xi32, #tpu.memory_space<vmem>>)
      %dma_wait3A_187 = arith.constant 0 : i32
      %dma_wait3A_188 = arith.constant 0 : i32
      %dma_wait3A_189 = arith.constant 0 : i32
      %dma_wait3A_190 = tpu.memref_slice %arg20[%dma_wait3A_187, %dma_wait3A_188, %dma_wait3A_189] : memref<4x128x16xf32, #tpu.memory_space<vmem>> -> memref<1x128x16xf32, #tpu.memory_space<vmem>>
      %dma_wait3A_191 = tpu.memref_squeeze %dma_wait3A_190 : memref<1x128x16xf32, #tpu.memory_space<vmem>> -> memref<128x16xf32, #tpu.memory_space<vmem>>
      %dma_wait3A_192 = arith.constant 0 : i32
      %dma_wait3A_193 = arith.constant 0 : i32
      %dma_wait3A_194 = tpu.memref_slice %arg9[%dma_wait3A_192, %dma_wait3A_193] : memref<100000x16xf32, #tpu.memory_space<hbm>> -> memref<100000x16xf32, #tpu.memory_space<hbm>>
      tpu.wait_indirect_dma semaphore(%arg28 : memref<!tpu.dma_semaphore, #tpu.memory_space<semaphore_mem>>) src(%dma_wait3A_194 : memref<100000x16xf32, #tpu.memory_space<hbm>>) dst(%dma_wait3A_191 : memref<128x16xf32, #tpu.memory_space<vmem>>)
      %dma_start3A_195 = arith.constant 0 : i32
      %dma_start3A_196 = arith.constant 0 : i32
      %dma_start3A_197 = arith.constant 0 : i32
      %dma_start3A_198 = tpu.memref_slice %arg20[%dma_start3A_195, %dma_start3A_196, %dma_start3A_197] : memref<4x128x16xf32, #tpu.memory_space<vmem>> -> memref<1x128x16xf32, #tpu.memory_space<vmem>>
      %dma_start3A_199 = tpu.memref_squeeze %dma_start3A_198 : memref<1x128x16xf32, #tpu.memory_space<vmem>> -> memref<128x16xf32, #tpu.memory_space<vmem>>
      %dma_start3A_200 = arith.constant 0 : i32
      %dma_start3A_201 = arith.constant 0 : i32
      %dma_start3A_202 = tpu.memref_slice %arg30[%dma_start3A_200, %dma_start3A_201] : memref<100000x16xf32, #tpu.memory_space<vmem_shared>> -> memref<100000x16xf32, #tpu.memory_space<vmem_shared>>
      tpu.enqueue_indirect_dma source(%dma_start3A_199 : memref<128x16xf32, #tpu.memory_space<vmem>>) target(%dma_start3A_202 : memref<100000x16xf32, #tpu.memory_space<vmem_shared>>) offsets(%arg16 : memref<128xi32, #tpu.memory_space<vmem>>) semaphore(%arg29 : memref<!tpu.dma_semaphore, #tpu.memory_space<semaphore_mem>>) {add = true}
      %dma_wait3A_203 = arith.constant 0 : i32
      %dma_wait3A_204 = arith.constant 0 : i32
      %dma_wait3A_205 = arith.constant 0 : i32
      %dma_wait3A_206 = tpu.memref_slice %arg20[%dma_wait3A_203, %dma_wait3A_204, %dma_wait3A_205] : memref<4x128x16xf32, #tpu.memory_space<vmem>> -> memref<1x128x16xf32, #tpu.memory_space<vmem>>
      %dma_wait3A_207 = tpu.memref_squeeze %dma_wait3A_206 : memref<1x128x16xf32, #tpu.memory_space<vmem>> -> memref<128x16xf32, #tpu.memory_space<vmem>>
      %dma_wait3A_208 = arith.constant 0 : i32
      %dma_wait3A_209 = arith.constant 0 : i32
      %dma_wait3A_210 = tpu.memref_slice %arg30[%dma_wait3A_208, %dma_wait3A_209] : memref<100000x16xf32, #tpu.memory_space<vmem_shared>> -> memref<100000x16xf32, #tpu.memory_space<vmem_shared>>
      tpu.wait_indirect_dma semaphore(%arg29 : memref<!tpu.dma_semaphore, #tpu.memory_space<semaphore_mem>>) src(%dma_wait3A_207 : memref<128x16xf32, #tpu.memory_space<vmem>>) dst(%dma_wait3A_210 : memref<100000x16xf32, #tpu.memory_space<vmem_shared>>)
    } else {
    }
    %barrier3A_144 = arith.constant 0 : index
    tpu.barrier barrier_id(%barrier3A_144)
    %mul3A_145 = arith.constant 6250 : i32
    %mul3A_146 = arith.muli %arg1, %mul3A_145 : i32
    %mul3A_147 = arith.constant 6250 : i32
    %mul3A_148 = arith.muli %arg1, %mul3A_147 : i32
    "tpu.region"() ({
      %run_scoped3A = tpu.sem_alloc : memref<!tpu.dma_semaphore, #tpu.memory_space<semaphore_mem>>
      %dma_start3A_149 = arith.constant 0 : i32
      %dma_start3A_150 = arith.constant 0 : i32
      %dma_start3A_151 = tpu.memref_slice %arg8[%arg0, %dma_start3A_149, %dma_start3A_150] : memref<2x100000x16xf32, #tpu.memory_space<hbm>> -> memref<1x100000x16xf32, #tpu.memory_space<hbm>>
      %dma_start3A_152 = tpu.memref_squeeze %dma_start3A_151 : memref<1x100000x16xf32, #tpu.memory_space<hbm>> -> memref<100000x16xf32, #tpu.memory_space<hbm>>
      %dma_start3A_153 = arith.constant 0 : i32
      %dma_start3A_154 = tpu.memref_slice %dma_start3A_152[%mul3A_148, %dma_start3A_153] : memref<100000x16xf32, #tpu.memory_space<hbm>> -> memref<6250x16xf32, #tpu.memory_space<hbm>>
      %dma_start3A_155 = arith.constant 0 : i32
      %dma_start3A_156 = tpu.memref_slice %arg30[%mul3A_146, %dma_start3A_155] : memref<100000x16xf32, #tpu.memory_space<vmem_shared>> -> memref<6250x16xf32, #tpu.memory_space<vmem_shared>>
      tpu.enqueue_dma source(%dma_start3A_156 : memref<6250x16xf32, #tpu.memory_space<vmem_shared>>) target(%dma_start3A_154 : memref<6250x16xf32, #tpu.memory_space<hbm>>) target_semaphore(%run_scoped3A : memref<!tpu.dma_semaphore, #tpu.memory_space<semaphore_mem>>)
      %dma_wait3A_157 = arith.constant 0 : i32
      %dma_wait3A_158 = arith.constant 0 : i32
      %dma_wait3A_159 = tpu.memref_slice %arg8[%arg0, %dma_wait3A_157, %dma_wait3A_158] : memref<2x100000x16xf32, #tpu.memory_space<hbm>> -> memref<1x100000x16xf32, #tpu.memory_space<hbm>>
      %dma_wait3A_160 = tpu.memref_squeeze %dma_wait3A_159 : memref<1x100000x16xf32, #tpu.memory_space<hbm>> -> memref<100000x16xf32, #tpu.memory_space<hbm>>
      %dma_wait3A_161 = arith.constant 0 : i32
      %dma_wait3A_162 = tpu.memref_slice %dma_wait3A_160[%mul3A_148, %dma_wait3A_161] : memref<100000x16xf32, #tpu.memory_space<hbm>> -> memref<6250x16xf32, #tpu.memory_space<hbm>>
      %dma_wait3A_163 = arith.constant 0 : i32
      %dma_wait3A_164 = tpu.memref_slice %arg30[%mul3A_146, %dma_wait3A_163] : memref<100000x16xf32, #tpu.memory_space<vmem_shared>> -> memref<6250x16xf32, #tpu.memory_space<vmem_shared>>
      tpu.wait_dma2 semaphore(%run_scoped3A : memref<!tpu.dma_semaphore, #tpu.memory_space<semaphore_mem>>) src(%dma_wait3A_164 : memref<6250x16xf32, #tpu.memory_space<vmem_shared>>) dst(%dma_wait3A_162 : memref<6250x16xf32, #tpu.memory_space<hbm>>)
      tpu.yield
    }) : () -> ()
    return
  }
}

module attributes {stable_mosaic.version = 14 : i64} {
  func.func @body(%arg0: i32, %arg1: memref<2x2000x16xf32, #tpu.memory_space<vmem>>, %arg2: memref<2000x16xf32, #tpu.memory_space<vmem>>, %arg3: memref<2000x1xf32, #tpu.memory_space<vmem>>, %arg4: memref<2000x1xf32, #tpu.memory_space<vmem>>, %arg5: memref<16x32xf32, #tpu.memory_space<vmem>>, %arg6: memref<1x32xf32, #tpu.memory_space<vmem>>, %arg7: memref<32x2xf32, #tpu.memory_space<vmem>>, %arg8: memref<1x2xf32, #tpu.memory_space<vmem>>, %arg9: memref<2000x16xf32, #tpu.memory_space<vmem>>, %arg10: memref<2000x2xf32, #tpu.memory_space<vmem>>) attributes {dimension_semantics = [#tpu.dimension_semantics<arbitrary>], iteration_bounds = array<i64: 50>, scalar_prefetch = 0 : i64, scratch_operands = 0 : i64, tpu.core_type = #tpu.core_type<tc>, window_params = [{transform_indices = @transform_0, window_bounds = array<i64: 2, 2000, 16>}, {transform_indices = @transform_1, window_bounds = array<i64: 2000, 16>}, {transform_indices = @transform_2, window_bounds = array<i64: 2000, 1>}, {transform_indices = @transform_3, window_bounds = array<i64: 2000, 1>}, {pipeline_mode = #tpu.pipeline_mode<synchronous>, transform_indices = @transform_4, window_bounds = array<i64: 16, 32>}, {pipeline_mode = #tpu.pipeline_mode<synchronous>, transform_indices = @transform_5, window_bounds = array<i64: 1, 32>}, {pipeline_mode = #tpu.pipeline_mode<synchronous>, transform_indices = @transform_6, window_bounds = array<i64: 32, 2>}, {pipeline_mode = #tpu.pipeline_mode<synchronous>, transform_indices = @transform_7, window_bounds = array<i64: 1, 2>}, {transform_indices = @transform_8, window_bounds = array<i64: 2000, 16>}, {transform_indices = @transform_9, window_bounds = array<i64: 2000, 2>}]} {
    %get3A = arith.constant 0 : index
    %get3A_0 = arith.constant 0 : index
    %get3A_1 = vector.load %arg3[%get3A, %get3A_0] : memref<2000x1xf32, #tpu.memory_space<vmem>>, vector<2000x1xf32>
    %get3A_2 = arith.constant 0 : index
    %get3A_3 = arith.constant 0 : index
    %get3A_4 = arith.constant 0 : index
    %get3A_5 = vector.load %arg1[%get3A_2, %get3A_3, %get3A_4] : memref<2x2000x16xf32, #tpu.memory_space<vmem>>, vector<1x2000x16xf32>
    %get3A_6 = vector.shape_cast %get3A_5 : vector<1x2000x16xf32> to vector<2000x16xf32>
    %get3A_7 = arith.constant 1 : index
    %get3A_8 = arith.constant 0 : index
    %get3A_9 = arith.constant 0 : index
    %get3A_10 = vector.load %arg1[%get3A_7, %get3A_8, %get3A_9] : memref<2x2000x16xf32, #tpu.memory_space<vmem>>, vector<1x2000x16xf32>
    %get3A_11 = vector.shape_cast %get3A_10 : vector<1x2000x16xf32> to vector<2000x16xf32>
    %add3A = arith.addf %get3A_6, %get3A_11 : vector<2000x16xf32>
    %mul3A = vector.broadcast %get3A_1 : vector<2000x1xf32> to vector<2000x16xf32>
    %mul3A_12 = arith.mulf %mul3A, %add3A : vector<2000x16xf32>
    %get3A_13 = arith.constant 0 : index
    %get3A_14 = arith.constant 0 : index
    %get3A_15 = vector.load %arg4[%get3A_13, %get3A_14] : memref<2000x1xf32, #tpu.memory_space<vmem>>, vector<2000x1xf32>
    %get3A_16 = arith.constant 0 : index
    %get3A_17 = arith.constant 0 : index
    %get3A_18 = vector.load %arg2[%get3A_16, %get3A_17] : memref<2000x16xf32, #tpu.memory_space<vmem>>, vector<2000x16xf32>
    %mul3A_19 = vector.broadcast %get3A_15 : vector<2000x1xf32> to vector<2000x16xf32>
    %mul3A_20 = arith.mulf %mul3A_19, %get3A_18 : vector<2000x16xf32>
    %add3A_21 = arith.addf %mul3A_12, %mul3A_20 : vector<2000x16xf32>
    %get3A_22 = arith.constant 0 : index
    %get3A_23 = arith.constant 0 : index
    %get3A_24 = vector.load %arg5[%get3A_22, %get3A_23] : memref<16x32xf32, #tpu.memory_space<vmem>>, vector<16x32xf32>
    %dot_general3A = arith.constant dense<0.000000e+00> : vector<2000x32xf32>
    %dot_general3A_25 = tpu.matmul %add3A_21, %get3A_24, %dot_general3A {dimension_numbers = #tpu.dot_dimension_numbers<[1], [0], [0], [1], [0, 0, 1, 1], [], []>, transpose_lhs_hint = false} : vector<2000x16xf32>, vector<16x32xf32>, vector<2000x32xf32> -> vector<2000x32xf32>
    %get3A_26 = arith.constant 0 : index
    %get3A_27 = arith.constant 0 : index
    %get3A_28 = vector.load %arg6[%get3A_26, %get3A_27] : memref<1x32xf32, #tpu.memory_space<vmem>>, vector<1x32xf32>
    %add3A_29 = vector.broadcast %get3A_28 : vector<1x32xf32> to vector<2000x32xf32>
    %add3A_30 = arith.addf %dot_general3A_25, %add3A_29 : vector<2000x32xf32>
    %max3A = arith.constant 0.000000e+00 : f32
    %max3A_31 = vector.broadcast %max3A : f32 to vector<2000x32xf32>
    %max3A_32 = arith.maximumf %add3A_30, %max3A_31 : vector<2000x32xf32>
    %get3A_33 = arith.constant 0 : index
    %get3A_34 = arith.constant 0 : index
    %get3A_35 = vector.load %arg7[%get3A_33, %get3A_34] : memref<32x2xf32, #tpu.memory_space<vmem>>, vector<32x2xf32>
    %dot_general3A_36 = arith.constant dense<0.000000e+00> : vector<2000x2xf32>
    %dot_general3A_37 = tpu.matmul %max3A_32, %get3A_35, %dot_general3A_36 {dimension_numbers = #tpu.dot_dimension_numbers<[1], [0], [0], [1], [0, 0, 1, 1], [], []>, transpose_lhs_hint = false} : vector<2000x32xf32>, vector<32x2xf32>, vector<2000x2xf32> -> vector<2000x2xf32>
    %get3A_38 = arith.constant 0 : index
    %get3A_39 = arith.constant 0 : index
    %get3A_40 = vector.load %arg3[%get3A_38, %get3A_39] : memref<2000x1xf32, #tpu.memory_space<vmem>>, vector<2000x1xf32>
    %mul3A_41 = vector.broadcast %get3A_40 : vector<2000x1xf32> to vector<2000x2xf32>
    %mul3A_42 = arith.mulf %mul3A_41, %dot_general3A_37 : vector<2000x2xf32>
    %broadcast_in_dim3A = arith.constant 0.000000e+00 : f32
    %broadcast_in_dim3A_43 = vector.broadcast %broadcast_in_dim3A : f32 to vector<2000x14xf32>
    %concatenate3A = tpu.concatenate %mul3A_42, %broadcast_in_dim3A_43 in 1 : vector<2000x2xf32>, vector<2000x14xf32> -> vector<2000x16xf32>
    %swap3A = arith.constant 0 : index
    %swap3A_44 = arith.constant 0 : index
    %swap3A_45 = vector.load %arg9[%swap3A, %swap3A_44] : memref<2000x16xf32, #tpu.memory_space<vmem>>, vector<2000x16xf32>
    tpu.vector_store %arg9[%swap3A, %swap3A_44], %concatenate3A {strides = array<i32>} : memref<2000x16xf32, #tpu.memory_space<vmem>>, vector<2000x16xf32>,
    %get3A_46 = arith.constant 0 : index
    %get3A_47 = arith.constant 0 : index
    %get3A_48 = vector.load %arg4[%get3A_46, %get3A_47] : memref<2000x1xf32, #tpu.memory_space<vmem>>, vector<2000x1xf32>
    %mul3A_49 = vector.broadcast %get3A_48 : vector<2000x1xf32> to vector<2000x2xf32>
    %mul3A_50 = arith.mulf %mul3A_49, %dot_general3A_37 : vector<2000x2xf32>
    %get3A_51 = arith.constant 0 : index
    %get3A_52 = arith.constant 0 : index
    %get3A_53 = vector.load %arg8[%get3A_51, %get3A_52] : memref<1x2xf32, #tpu.memory_space<vmem>>, vector<1x2xf32>
    %add3A_54 = vector.broadcast %get3A_53 : vector<1x2xf32> to vector<2000x2xf32>
    %add3A_55 = arith.addf %mul3A_50, %add3A_54 : vector<2000x2xf32>
    %swap3A_56 = arith.constant 0 : index
    %swap3A_57 = arith.constant 0 : index
    %swap3A_58 = vector.load %arg10[%swap3A_56, %swap3A_57] : memref<2000x2xf32, #tpu.memory_space<vmem>>, vector<2000x2xf32>
    tpu.vector_store %arg10[%swap3A_56, %swap3A_57], %add3A_55 {strides = array<i32>} : memref<2000x2xf32, #tpu.memory_space<vmem>>, vector<2000x2xf32>,
    return
  }
  func.func @transform_0(%arg0: i32) -> (i32, i32, i32) {
    %c0_i32 = arith.constant 0 : i32
    %c0_i32_0 = arith.constant 0 : i32
    %c0_i32_1 = arith.constant 0 : i32
    return %c0_i32, %arg0, %c0_i32_0 : i32, i32, i32
  }
  func.func @transform_1(%arg0: i32) -> (i32, i32) {
    %c0_i32 = arith.constant 0 : i32
    %c0_i32_0 = arith.constant 0 : i32
    return %arg0, %c0_i32 : i32, i32
  }
  func.func @transform_2(%arg0: i32) -> (i32, i32) {
    %c0_i32 = arith.constant 0 : i32
    %c0_i32_0 = arith.constant 0 : i32
    return %arg0, %c0_i32 : i32, i32
  }
  func.func @transform_3(%arg0: i32) -> (i32, i32) {
    %c0_i32 = arith.constant 0 : i32
    %c0_i32_0 = arith.constant 0 : i32
    return %arg0, %c0_i32 : i32, i32
  }
  func.func @transform_4(%arg0: i32) -> (i32, i32) {
    %c0_i32 = arith.constant 0 : i32
    %c0_i32_0 = arith.constant 0 : i32
    %c0_i32_1 = arith.constant 0 : i32
    return %c0_i32, %c0_i32_0 : i32, i32
  }
  func.func @transform_5(%arg0: i32) -> (i32, i32) {
    %c0_i32 = arith.constant 0 : i32
    %c0_i32_0 = arith.constant 0 : i32
    %c0_i32_1 = arith.constant 0 : i32
    return %c0_i32, %c0_i32_0 : i32, i32
  }
  func.func @transform_6(%arg0: i32) -> (i32, i32) {
    %c0_i32 = arith.constant 0 : i32
    %c0_i32_0 = arith.constant 0 : i32
    %c0_i32_1 = arith.constant 0 : i32
    return %c0_i32, %c0_i32_0 : i32, i32
  }
  func.func @transform_7(%arg0: i32) -> (i32, i32) {
    %c0_i32 = arith.constant 0 : i32
    %c0_i32_0 = arith.constant 0 : i32
    %c0_i32_1 = arith.constant 0 : i32
    return %c0_i32, %c0_i32_0 : i32, i32
  }
  func.func @transform_8(%arg0: i32) -> (i32, i32) {
    %c0_i32 = arith.constant 0 : i32
    %c0_i32_0 = arith.constant 0 : i32
    return %arg0, %c0_i32 : i32, i32
  }
  func.func @transform_9(%arg0: i32) -> (i32, i32) {
    %c0_i32 = arith.constant 0 : i32
    %c0_i32_0 = arith.constant 0 : i32
    return %arg0, %c0_i32 : i32, i32
  }
}

module attributes {stable_mosaic.version = 14 : i64} {
  func.func @body(%arg0: i32, %arg1: memref<2x2000x16xf32, #tpu.memory_space<vmem>>, %arg2: memref<2000x2xf32, #tpu.memory_space<vmem>>, %arg3: memref<2000x1xf32, #tpu.memory_space<vmem>>, %arg4: memref<2000x2xf32, #tpu.memory_space<vmem>>) attributes {dimension_semantics = [#tpu.dimension_semantics<arbitrary>], iteration_bounds = array<i64: 50>, scalar_prefetch = 0 : i64, scratch_operands = 0 : i64, tpu.core_type = #tpu.core_type<tc>, window_params = [{transform_indices = @transform_0, window_bounds = array<i64: 2, 2000, 16>}, {transform_indices = @transform_1, window_bounds = array<i64: 2000, 2>}, {transform_indices = @transform_2, window_bounds = array<i64: 2000, 1>}, {transform_indices = @transform_3, window_bounds = array<i64: 2000, 2>}]} {
    %get3A = arith.constant 0 : index
    %get3A_0 = arith.constant 0 : index
    %get3A_1 = arith.constant 0 : index
    %get3A_2 = vector.load %arg1[%get3A, %get3A_0, %get3A_1] : memref<2x2000x16xf32, #tpu.memory_space<vmem>>, vector<1x2000x16xf32>
    %get3A_3 = vector.shape_cast %get3A_2 : vector<1x2000x16xf32> to vector<2000x16xf32>
    %get3A_4 = arith.constant 1 : index
    %get3A_5 = arith.constant 0 : index
    %get3A_6 = arith.constant 0 : index
    %get3A_7 = vector.load %arg1[%get3A_4, %get3A_5, %get3A_6] : memref<2x2000x16xf32, #tpu.memory_space<vmem>>, vector<1x2000x16xf32>
    %get3A_8 = vector.shape_cast %get3A_7 : vector<1x2000x16xf32> to vector<2000x16xf32>
    %add3A = arith.addf %get3A_3, %get3A_8 : vector<2000x16xf32>
    %slice3A = vector.extract_strided_slice %add3A {offsets = [0, 0], sizes = [2000, 2], strides = [1, 1]} : vector<2000x16xf32> to vector<2000x2xf32>
    %get3A_9 = arith.constant 0 : index
    %get3A_10 = arith.constant 0 : index
    %get3A_11 = vector.load %arg3[%get3A_9, %get3A_10] : memref<2000x1xf32, #tpu.memory_space<vmem>>, vector<2000x1xf32>
    %mul3A = vector.broadcast %get3A_11 : vector<2000x1xf32> to vector<2000x2xf32>
    %mul3A_12 = arith.mulf %mul3A, %slice3A : vector<2000x2xf32>
    %get3A_13 = arith.constant 0 : index
    %get3A_14 = arith.constant 0 : index
    %get3A_15 = vector.load %arg2[%get3A_13, %get3A_14] : memref<2000x2xf32, #tpu.memory_space<vmem>>, vector<2000x2xf32>
    %add3A_16 = arith.addf %mul3A_12, %get3A_15 : vector<2000x2xf32>
    %swap3A = arith.constant 0 : index
    %swap3A_17 = arith.constant 0 : index
    %swap3A_18 = vector.load %arg4[%swap3A, %swap3A_17] : memref<2000x2xf32, #tpu.memory_space<vmem>>, vector<2000x2xf32>
    tpu.vector_store %arg4[%swap3A, %swap3A_17], %add3A_16 {strides = array<i32>} : memref<2000x2xf32, #tpu.memory_space<vmem>>, vector<2000x2xf32>,
    return
  }
  func.func @transform_0(%arg0: i32) -> (i32, i32, i32) {
    %c0_i32 = arith.constant 0 : i32
    %c0_i32_0 = arith.constant 0 : i32
    %c0_i32_1 = arith.constant 0 : i32
    return %c0_i32, %arg0, %c0_i32_0 : i32, i32, i32
  }
  func.func @transform_1(%arg0: i32) -> (i32, i32) {
    %c0_i32 = arith.constant 0 : i32
    %c0_i32_0 = arith.constant 0 : i32
    return %arg0, %c0_i32 : i32, i32
  }
  func.func @transform_2(%arg0: i32) -> (i32, i32) {
    %c0_i32 = arith.constant 0 : i32
    %c0_i32_0 = arith.constant 0 : i32
    return %arg0, %c0_i32 : i32, i32
  }
  func.func @transform_3(%arg0: i32) -> (i32, i32) {
    %c0_i32 = arith.constant 0 : i32
    %c0_i32_0 = arith.constant 0 : i32
    return %arg0, %c0_i32 : i32, i32
  }
}

</mosaic_0001>

<sc_bundles>
// kernel: kernel.6.cloned.1.call-start
scs
__scs_entry_jumppad:
0x0: {  	(pc) =	sbr.rel $0x88, $3  }
0x1: {  	(tag) =	ssettag $0x0;
	lr =	simm.s32 $0x1  }
0x2: {  	[smem:$0x3F9B] =	sst lr;
	_ =	strace $0xD0000000  }
0x3: {  	_ = 	snop  }
0x4: {  	_ = 	snop  }
0x5: {  	_ = 	snop  }
0x6: {  	_ = 	snop  }
0x7: {  	_ = 	snop  }
__scs_overlays_trampoline_lowered:
0x8: {  	[smem:$0x3FAA] =	sst s0  }
0x9: {  	[smem:$0x3FAB] =	sst s1  }
0xa: {  	[smem:$0x3FAC] =	sst s2  }
0xb: {  	[smem:$0x3FAD] =	sst s3  }
0xc: {  	[smem:$0x3FAE] =	sst s4  }
0xd: {  	[smem:$0x3FAF] =	sst s5  }
0xe: {  	[smem:$0x3FB0] =	sst s6  }
0xf: {  	[smem:$0x3FB1] =	sst s7  }
0x10: {  	[smem:$0x3FB2] =	sst s8  }
0x11: {  	[smem:$0x3FB3] =	sst s9;
	s0 =	simm.s32 @!p0 $0x0  }
0x12: {  	s1 =	sld [smem:$0x3F99];
	s0 =	simm.s32 @p0 $0x1  }
0x13: {  	[smem:$0x3FB4] =	sst s0;
	s0 =	simm.s32 @!p1 $0x0  }
0x14: {  	s2 =	sld [smem:$0x3F98];
	s0 =	simm.s32 @p1 $0x1  }
0x15: {  	[smem:$0x3FB5] =	sst s0;
	s0 =	simm.s32 @!p2 $0x0  }
0x16: {  	s3 =	sld [smem:$0x3FDB];
	s0 =	simm.s32 @p2 $0x1  }
0x17: {  	s4 =	simm.s32 $0x1BF5;
	[smem:$0x3FB7] =	sst s0  }
0x18: {  	s0 =	sld [smem:$0x3F9A];
	_ =	swait.ge [sflag:s4], $0x0  }
0x19: {  	s7 =	sld [smem:$0x3F9B]  }
0x1a: {  	s8 =	sadd.s32 $0xFFFFE003, lr  }
0x1b: {  	s9 =	sadd.s32 $0xFFFFFEF7, lr;
	s5 =	simm.s32 $0xFFFFFFFF;
	p2 =	slt.u32 s8, $0xFFFFF086  }
0x1c: {  	p1 =	slt.u32 s9, $0xF7A;
	s5 =	simm.s32 @!p2 $0x0  }
0x1d: {  	s5 =	simm.s32 @p1 $0x1;
	p0 =	seq.s32 s7, s2  }
0x1e: {  	s7 =	smul.u32 @!p0 $0xF7A, s2;
	p2 =	seq.s32 @!p0 s5, $0x0  }
0x1f: {  	s9 =	smul.u32 $0xF7A, s1;
	s8 =	simm.s32 @!p0 $0x1BF5;
	p2 =	por !p2, p0  }
0x20: {  	[sflag:s8] =	ssyncset.s32 @!p0 $0xFFFFF086;
	s6 =	sadd.s32 @!p0 s3, s7;
	s7 =	simm.s32 @!p0 $0x108  }
0x21: {  	s3 =	sadd.s32 s3, s9;
	s6 =	sadd.s32 @!p0 $0x88, s6;
	s7 =	simm.s32 @p2 $0x1082  }
0x22: {  	[simem:s7], [sflag:s8] =	dma.local @!p0 [hbm:s6], $0xF7A  }
0x23: {  	s9 =	sor.u32 $0xD0000000, s2;
	s6 =	simm.s32 $0x108;
	_ =	swait.ge @!p0 [sflag:s8], $0x0  }
0x24: {  	s3 =	sadd.s32 $0x88, s3;
	s6 =	simm.s32 @!p1 $0x1082;
	[sflag:s4] =	ssyncset.s32 $0xFFFFF086  }
0x25: {  	[simem:s6], [sflag:s4] =	dma.local [hbm:s3], $0xF7A  }
0x26: {  	[smem:$0x3F9B] =	sst s1;
	(tag) =	ssettag s2;
	_ =	strace s9  }
0x27: {  	s1 =	sld [smem:$0x3FAB]  }
0x28: {  	s2 =	sld [smem:$0x3FAC]  }
0x29: {  	s4 =	sld [smem:$0x3FAE]  }
0x2a: {  	p0 =	seq.s32 s5, $0x0;
	s5 =	sld [smem:$0x3FAF]  }
0x2b: {  	s6 =	sld [smem:$0x3FB0]  }
0x2c: {  	s7 =	sld [smem:$0x3FB1]  }
0x2d: {  	s3 =	simm.s32 $0x108;
	s8 =	sld [smem:$0x3FB2]  }
0x2e: {  	s3 =	simm.s32 @!p0 $0x1082;
	s9 =	sld [smem:$0x3FB3]  }
0x2f: {  	lr =	sadd.s32 s0, s3;
	s0 =	sld [smem:$0x3FAA]  }
0x30: {  	s3 =	sld [smem:$0x3FAD]  }
0x31: {  	[smem:$0x3FB6] =	sst s10  }
0x32: {  	s10 =	sld [smem:$0x3FB4];
	_ =	sdelay $0x3  }
0x33: {  	p0 =	seq.s32 s10, $0x1;
	s10 =	sld [smem:$0x3FB6];
	_ =	sdelay $0x3  }
0x34: {  	[smem:$0x3FB6] =	sst s10  }
0x35: {  	s10 =	sld [smem:$0x3FB5];
	_ =	sdelay $0x3  }
0x36: {  	p1 =	seq.s32 s10, $0x1;
	s10 =	sld [smem:$0x3FB6];
	_ =	sdelay $0x3  }
0x37: {  	[smem:$0x3FB6] =	sst s10  }
0x38: {  	s10 =	sld [smem:$0x3FB7]  }
0x39: {  	_ = 	snop;
	(pc) =	sbr.ind lr, $3  }
0x3a: {  	_ = 	snop  }
0x3b: {  	_ = 	snop  }
0x3c: {  	p2 =	seq.s32 s10, $0x1;
	s10 =	sld [smem:$0x3FB6]  }
0x3d: {  	_ =	shalt  }
0x3e: {  	_ =	shalt  }
0x3f: {  	_ =	shalt  }
0x40: {  	_ =	shalt  }
0x41: {  	_ =	shalt  }
0x42: {  	_ =	shalt  }
0x43: {  	_ =	shalt  }
0x44: {  	_ =	shalt  }
0x45: {  	_ =	shalt  }
0x46: {  	_ =	shalt  }
0x47: {  	_ =	shalt  }
0x48: {  	_ =	shalt  }
0x49: {  	_ =	shalt  }
0x4a: {  	_ =	shalt  }
0x4b: {  	_ =	shalt  }
0x4c: {  	_ =	shalt  }
0x4d: {  	_ =	shalt  }
0x4e: {  	_ =	shalt  }
0x4f: {  	_ =	shalt  }
0x50: {  	_ =	shalt  }
0x51: {  	_ =	shalt  }
0x52: {  	_ =	shalt  }
0x53: {  	_ =	shalt  }
0x54: {  	_ =	shalt  }
0x55: {  	_ =	shalt  }
0x56: {  	_ =	shalt  }
0x57: {  	_ =	shalt  }
0x58: {  	_ =	shalt  }
0x59: {  	_ =	shalt  }
0x5a: {  	_ =	shalt  }
0x5b: {  	_ =	shalt  }
0x5c: {  	_ =	shalt  }
0x5d: {  	_ =	shalt  }
0x5e: {  	_ =	shalt  }
0x5f: {  	_ =	shalt  }
0x60: {  	_ =	shalt  }
0x61: {  	_ =	shalt  }
0x62: {  	_ =	shalt  }
0x63: {  	_ =	shalt  }
0x64: {  	_ =	shalt  }
0x65: {  	_ =	shalt  }
0x66: {  	_ =	shalt  }
0x67: {  	_ =	shalt  }
0x68: {  	_ =	shalt  }
0x69: {  	_ =	shalt  }
0x6a: {  	_ =	shalt  }
0x6b: {  	_ =	shalt  }
0x6c: {  	_ =	shalt  }
0x6d: {  	_ =	shalt  }
0x6e: {  	_ =	shalt  }
0x6f: {  	_ =	shalt  }
0x70: {  	_ =	shalt  }
0x71: {  	_ =	shalt  }
0x72: {  	_ =	shalt  }
0x73: {  	_ =	shalt  }
0x74: {  	_ =	shalt  }
0x75: {  	_ =	shalt  }
0x76: {  	_ =	shalt  }
0x77: {  	_ =	shalt  }
0x78: {  	_ =	shalt  }
0x79: {  	_ =	shalt  }
0x7a: {  	_ =	shalt  }
0x7b: {  	_ =	shalt  }
0x7c: {  	_ =	shalt  }
0x7d: {  	_ =	shalt  }
0x7e: {  	_ =	shalt  }
0x7f: {  	_ =	shalt  }
0x80: {  	_ =	shalt  }
0x81: {  	_ =	shalt  }
0x82: {  	_ =	shalt  }
0x83: {  	_ =	shalt  }
0x84: {  	_ =	shalt  }
0x85: {  	_ =	shalt  }
0x86: {  	_ =	shalt  }
0x87: {  	_ =	shalt  }
.Lfunc_end0:
.L_simem_size_0:
called_computation_lowered:
.L_overlay_start_0:
0x88: {  	s2 =	sld [smem:$0x3FD9]  }
0x89: {  	s3 =	sld [smem:$0x3FFE];
	_ =	sdelay $0x1  }
0x8a: {  	s1 =	srdreg.scid  }
0x8b: {  	s0 =	sand.u32 $0x1, s1  }
0x8c: {  	s17 =	sshll.u32 s0, $0xA;
	s2 =	sadd.s32 s3, s2  }
0x8d: {  	s2 =	sadd.s32 s2, s17  }
0x8e: {  	[smem:$0x3FC2] =	sst s2  }
0x8f: {  	_ = 	snop  }
0x90: {  	s2 =	sld [smem:$0x3FD0];
	(tm) =	ssettm $0x1  }
0x91: {  	s18 =	sld [smem:$0x3FFB];
	_ =	sdelay $0x3  }
0x92: {  	_ =	strace s18  }
0x93: {  	s3 =	sld [smem:$0x3FFC];
	_ =	sdelay $0x3  }
0x94: {  	_ =	strace s3  }
0x95: {  	s3 =	sld [smem:$0x3FFD];
	_ =	sdelay $0x3  }
0x96: {  	_ =	strace s3  }
0x97: {  	_ =	strace $0x8FFFFFFF  }
0x98: {  	s19 =	sld [smem:$0x3FDB];
	_ =	sdelay $0x1  }
0x99: {  	s4 =	simm.s32 $_scs_section_size  }
0x9a: {  	s5 =	simm.s32 $_size__tile_overlayer_lowered;
	s6 =	simm.s32 $_tile_overlayer_lowered  }
0x9b: {  	s22 =	simm.s32 $0x1BFF;
	s21 =	sshll.u32 s6, $0x1;
	s3 =	sadd.s32 s4, s19  }
0x9c: {  	s7 =	simm.s32 $0x0;
	s20 =	sshll.u32 s5, $0x1;
	s5 =	sadd.s32 s21, s3  }
0x9d: {  	[timem:s7], [sflag:s22] =	dma.local [hbm:s5], s20  }
0x9e: {  	_ =	swait.ge [sflag:s22], s20  }
0x9f: {  	s4 =	ssub.s32 $0x0, s20;
	[sflag:s22] =	ssyncset.done $0x0  }
0xa0: {  	[sflag:s22] =	ssyncadd.s32 s4;
	_ =	sdelay $0x1  }
0xa1: {  	s23 =	simm.s32 $0x1B8B  }
0xa2: {  	_ =	swait.ge [sflag:s23], $0x1  }
0xa3: {  	[sflag:s23] =	ssyncset.done $0x0  }
0xa4: {  	s25 =	simm.s32 $0x1B8E;
	s24 =	sld [smem:$0x3FFE];
	[sflag:s23] =	ssyncadd.s32 $0xFFFFFFFF  }
0xa5: {  	s26 =	simm.s32 $execute0_lowered;
	[smem:$0x3FD2] =	sst s25  }
0xa6: {  	s5 =	sshll.u32 s26, $0x1;
	_ =	strace $0x80000046;
	[dreg:$0x1] =	wrdreg $0xFFFFFFFF  }
0xa7: {  	s28 =	simm.s32 $_size_execute0_lowered;
	s3 =	sadd.s32 s3, s5;
	[dreg:$0x0] =	wrdreg $0x0  }
0xa8: {  	s5 =	sshll.u32 s28, $0x1;
	[dreg:$0x2] =	wrdreg s3  }
0xa9: {  	[dreg:$0x3] =	wrdreg s5  }
0xaa: {  	[dreg:$0x4] =	wrdreg $0xC0  }
0xab: {  	_ =	task [dreg:s7], $0x5FFFF  }
0xac: {  	[dreg:$0x1] =	wrdreg $0xFFFFFFFF  }
0xad: {  	[dreg:$0x0] =	wrdreg $0x60  }
0xae: {  	[dreg:$0x2] =	wrdreg s24  }
0xaf: {  	[dreg:$0x3] =	wrdreg s2  }
0xb0: {  	[dreg:$0x4] =	wrdreg $0x5B500  }
0xb1: {  	[dreg:$0x5] =	wrdreg $0x1E1F00  }
0xb2: {  	[dreg:$0x6] =	wrdreg $0x9  }
0xb3: {  	_ =	task.clear_ibuf [dreg:s7], $0x7FFFF;
	_ =	strace $0x90000046  }
0xb4: {  	s29 =	simm.s32 $0x9;
	_ =	strace $0x80000048  }
0xb5: {  	_ =	swait.ge [sflag:s29], $0x1  }
0xb6: {  	[sflag:s29] =	ssyncadd.s32 $0xFFFFFFFF  }
0xb7: {  	_ =	strace $0x90000048  }
0xb8: {  	_ =	sfence  }
0xb9: {  	s30 =	sld [smem:$0x0];
	_ =	sdelay $0x2  }
0xba: {  	s31 =	sshll.u32 s1, $0xD;
	s1 =	sshrl.u32 s1, $0x2  }
0xbb: {  	s3 =	sand.u32 $0x4000, s31;
	s1 =	sadd.s32 s1, s30  }
0xbc: {  	s0 =	sor.u32 s3, s0;
	s1 =	sshll.u32 s1, $0x11  }
0xbd: {  	s0 =	sor.u32 s1, s0  }
0xbe: {  	s0 =	sadd.s32 $0x8F2B, s0  }
0xbf: {  	[sflag:s0] =	ssyncadd.remote.s32 $0x1  }
0xc0: {  	_ =	sfence.sel $0xFFFF  }
0xc1: {  	[dreg:$0x0] =	wrdreg $0xFFFFFFFF;
	(pc) =	sbr.abs _section_cstart, $3  }
0xc2: {  	[dreg:$0x1] =	wrdreg $0xFFFFFFFF  }
0xc3: {  	_ =	task.clear_ibuf [dreg:s7], $0x2FFFF;
	_ =	strace $0x9FFFFFFF  }
0xc4: {  	(tm) =	ssettm $0x7FFFFFFF  }
0xc5: {  	_ =	shalt  }
tec
execute0_lowered:
.L_overlay_start_1:
0x0: {  	(tag) =	ssettag $0x1  }
0x1: {  	s0 =	rddreg [dreg:$0x0]  }
0x2: {  	s4 =	rddreg [dreg:$0x1]  }
0x3: {  	s1 =	rddreg [dreg:$0x2]  }
0x4: {  	s2 =	rddreg [dreg:$0x3];
	s3 =	simm.s32 $0x0  }
0x5: {  	s20 =	stileid.u32;
	s7 =	srdreg.scid;
	s30 =	simm.s32 $0x2400  }
0x6: {  	s28 =	simm.s32 $0x1400;
	s29 =	simm.s32 $0x1C00;
	[smem:$0x7FF] =	sst s3  }
0x7: {  	s5 =	sadd.s32 $0x63A00, s0;
	s6 =	sadd.s32 $0x1E00, s0;
	s12 =	smul.u32 $0x30D00, s20  }
0x8: {  	s8 =	sadd.s32 $0x24C000, s0;
	s7 =	sand.u32 $0x1, s7;
	s22 =	smul.u32 $0x61A0, s20  }
0x9: {  	s9 =	sadd.s32 $0x27CE00, s0;
	s24 =	sshll.u32 s20, $0x4;
	s31 =	smul.u32 $0x30D0, s20  }
0xa: {  	p1 =	seq.s32 s20, $0xF;
	_ =	strace $0x80000047;
	[dreg:$0x5] =	wrdreg s8  }
0xb: {  	p2 =	sgt.u32 s20, $0x7;
	s8 =	smul.u32 $0x186A0, s20;
	[dreg:$0x6] =	wrdreg s9  }
0xc: {  	s21 =	smul.u32 $0x30D40, s7;
	s10 =	sshll.u32 s7, $0x4;
	s11 =	ssub.s32 $0x2, s7  }
0xd: {  	s19 =	sadd.s32 s24, s6;
	s7 =	smul.u32 $0x30D00, s7;
	s10 =	sor.u32 s20, s10  }
0xe: {  	s13 =	sshrl.u32 s11, $0x1;
	s12 =	sshrl.u32 s12, $0x3;
	s15 =	sshrl.u32 s8, $0x3  }
0xf: {  	s14 =	smul.u32 $0x18680, s10;
	s9 =	sadd.s32 s21, s0;
	s17 =	ssub.s32 s11, s13  }
0x10: {  	s18 =	sadd.s32 s6, s12;
	s12 =	sor.u32 $0x61A00, s24;
	s11 =	sadd.s32 s22, s6  }
0x11: {  	p0 =	sgt.u32 s10, $0x7;
	s21 =	sadd.s32 s8, s1;
	s8 =	simm.s32 $0x80  }
0x12: {  	s16 =	sadd.s32 s15, s0;
	s26 =	sadd.s32 s5, s12;
	s12 =	sadd.s32 s6, s12  }
0x13: {  	s9 =	sadd.s32 $0x2E5000, s9;
	[dreg:$0xf] =	wrdreg s21;
	s24 =	sadd.s32 $0x6180, s18  }
0x14: {  	s21 =	simm.s32 $0x4;
	s23 =	sshrl.u32 s14, $0x3;
	[dreg:$0x9] =	wrdreg s26  }
0x15: {  	[dreg:$0xa] =	wrdreg s12;
	s12 =	sadd.s32 $0x2ADE00, s0;
	s10 =	sadd.s32 s15, s9  }
0x16: {  	s22 =	sadd.s32 $0x27D000, s16;
	[dreg:$0x13] =	wrdreg s24;
	s26 =	sadd.s32 $0x61A00, s19  }
0x17: {  	s9 =	simm.s32 $0x3;
	s24 =	simm.s32 $0x400;
	[dreg:$0xe] =	wrdreg s10  }
0x18: {  	s13 =	sadd.s32 $0x30C0, s23;
	[dreg:$0x10] =	wrdreg s22;
	s23 =	sadd.s32 $0x2EE0, s4  }
0x19: {  	[dreg:$0x15] =	wrdreg s26;
	s22 =	simm.s32 $0x100;
	s26 =	simm.s32 $0xC00  }
0x1a: {  	s25 =	sadd.s32 s5, s13;
	s13 =	sadd.s32 s6, s13;
	[dreg:$0x12] =	wrdreg s23  }
0x1b: {  	s6 =	sadd.s32 s7, s6;
	s5 =	sadd.s32 s7, s5;
	[dreg:$0x7] =	wrdreg s25  }
0x1c: {  	s7 =	sadd.s32 $0x2E1E00, s0;
	s0 =	sadd.s32 $0x2DEC00, s0;
	[dreg:$0x8] =	wrdreg s13  }
0x1d: {  	s13 =	sadd.s32 s31, s6;
	s6 =	smul.u32 $0x1900, s20;
	[dreg:$0xc] =	wrdreg s7  }
0x1e: {  	s14 =	sadd.s32 s31, s5;
	[dreg:$0xd] =	wrdreg s0;
	s25 =	sadd.s32 $0x6190, s18  }
0x1f: {  	s31 =	smax.u32 s17, $0x1;
	[dreg:$0x14] =	wrdreg s25;
	s15 =	sshrl.u32 s6, $0x3  }
0x20: {  	s10 =	simm.s32 $0x2;
	[dreg:$0x16] =	wrdreg s31;
	s0 =	sadd.s32 s4, s15  }
0x21: {  	s23 =	simm.s32 $0x180;
	[dreg:$0x11] =	wrdreg s0;
	s0 =	sadd.s32 $0x17700, s2  }
0x22: {  	s7 =	simm.s32 $0x1;
	[dreg:$0xb] =	wrdreg s6;
	s0 =	sshrl.u32 @p1 s0, $0x3  }
0x23: {  	s25 =	simm.s32 $0x280;
	[dreg:$0x17] =	wrdreg s0;
	s0 =	sadd.s32 s6, s2  }
0x24: {  	s4 =	simm.s32 $0x300;
	s15 =	simm.s32 $0x0;
	s0 =	sshrl.u32 @!p1 s0, $0x3  }
0x25: {  	v0 =	vimm.f32 $1.000000000e+00;
	v1 =	vimm.s32 $0x0;
	s6 =	simm.s32 $0x380;
	[dreg:$0x18] =	wrdreg s0;
	s0 =	simm.s32 $0x200  }
.LBB2_1:
0x26: {  	[dreg:$0x19] =	wrdreg s15  }
0x27: {  	s5 =	rddreg [dreg:$0x6]  }
0x28: {  	[tilespmem:s30], [sflag:$0x4] =	stream.linear.gather [hbm4b:s5+s3], $0x80, $0x38;
	[tilespmem:$0x1FA60] =	vst v63  }
0x29: {  	s31 =	stileid.u32;
	_ =	swait.ge [sflag:s21], $0x80  }
0x2a: {  	s5 =	sshll.u32 s31, $0x6;
	s15 =	rddreg [dreg:$0xf]  }
0x2b: {  	[sflag:s21] =	ssyncset.done $0x0;
	s18 =	rddreg [dreg:$0x10];
	s17 =	sshrl.u32 s15, $0x3  }
0x2c: {  	s16 =	sor.u32 $0x1C04, s5;
	[sflag:s21] =	ssyncadd.s32 $0xFFFFFF80;
	[dreg:$0x1b] =	wrdreg s17  }
0x2d: {  	[spmem:s17], [sflag:s16] =	dma.local [hbm:s18], $0x30D4  }
0x2e: {  	_ =	swait.ge [sflag:s21], $0x30D4  }
0x2f: {  	[sflag:s21] =	ssyncset.done $0x0;
	s5 =	rddreg [dreg:$0x12]  }
0x30: {  	s15 =	rddreg [dreg:$0x17];
	[sflag:s21] =	ssyncadd.s32 $0xFFFFCF2C  }
0x31: {  	[spmem:s15], [sflag:s16] =	dma.local @p1 [hbm:s5], $0x1F4  }
0x32: {  	s5 =	simm.s32 @p1 $0x4  }
0x33: {  	_ =	swait.ge @p1 [sflag:s5], $0x1F4;
	[dreg:$0x1a] =	wrdreg s16  }
0x34: {  	[sflag:s5] =	ssyncset.done @p1 $0x0;
	s15 =	rddreg [dreg:$0x18]  }
0x35: {  	[sflag:s5] =	ssyncadd.s32 @p1 $0xFFFFFE0C;
	s5 =	rddreg [dreg:$0x11]  }
0x36: {  	[spmem:s15], [sflag:s16] =	dma.local @!p1 [hbm:s5], $0x320  }
0x37: {  	s5 =	simm.s32 @!p1 $0x4  }
0x38: {  	_ =	swait.ge @!p1 [sflag:s5], $0x320  }
0x39: {  	[sflag:s5] =	ssyncset.done @!p1 $0x0  }
0x3a: {  	[sflag:s5] =	ssyncadd.s32 @!p1 $0xFFFFFCE0  }
0x3b: {  	s19 =	sadd.s32 $0x0, s11;
	[bflag:$0x0] =	sbarrier.arrive $0xFFFF  }
0x3c: {  	[tilespmem:s0], [sflag:$0x1] =	stream.linear.gather [hbm4b:s19+s3], $0x80, $0x38;
	[tilespmem:$0x1FA60] =	vst v63  }
0x3d: {  	s20 =	sadd.s32 $0x10, s19  }
0x3e: {  	[tilespmem:s25], [sflag:$0x1] =	stream.linear.gather [hbm4b:s20+s3], $0x80, $0x38;
	[tilespmem:$0x1FA60] =	vst v63  }
0x3f: {  	s31 =	sadd.s32 $0x20, s19  }
0x40: {  	[tilespmem:s4], [sflag:$0x1] =	stream.linear.gather [hbm4b:s31+s3], $0x80, $0x38;
	[tilespmem:$0x1FA60] =	vst v63  }
0x41: {  	s5 =	sadd.s32 $0x30, s19  }
0x42: {  	[tilespmem:s6], [sflag:$0x1] =	stream.linear.gather [hbm4b:s5+s3], $0x80, $0x38;
	[tilespmem:$0x1FA60] =	vst v63  }
0x43: {  	_ =	swait.ge [sflag:s7], $0x80  }
0x44: {  	[sflag:s7] =	ssyncset.done $0x0  }
0x45: {  	[sflag:s7] =	ssyncadd.s32 $0xFFFFFF80  }
0x46: {  	_ =	swait.ge [sflag:s7], $0x80  }
0x47: {  	[sflag:s7] =	ssyncset.done $0x0  }
0x48: {  	[sflag:s7] =	ssyncadd.s32 $0xFFFFFF80  }
0x49: {  	_ =	swait.ge [sflag:s7], $0x80  }
0x4a: {  	[sflag:s7] =	ssyncset.done $0x0  }
0x4b: {  	[sflag:s7] =	ssyncadd.s32 $0xFFFFFF80  }
0x4c: {  	_ =	swait.ge [sflag:s7], $0x80  }
0x4d: {  	[sflag:s7] =	ssyncset.done $0x0  }
0x4e: {  	[sflag:s7] =	ssyncadd.s32 $0xFFFFFF80  }
0x4f: {  	[spmem:s2] =	stream.indirect.scatter.add.f32 [tilespmem:s30], [sflag:$0x3], $0x1, s0, s8, $0xb8;
	[tilespmem:$0x1FA60] =	vst v63  }
0x50: {  	_ = 	snop  }
0x51: {  	[spmem:s2] =	stream.indirect.scatter.add.f32 [tilespmem:s30], [sflag:$0x3], $0x1, s25, s8, $0xb8;
	[tilespmem:$0x1FA60] =	vst v63  }
0x52: {  	_ = 	snop  }
0x53: {  	[spmem:s2] =	stream.indirect.scatter.add.f32 [tilespmem:s30], [sflag:$0x3], $0x1, s4, s8, $0xb8;
	[tilespmem:$0x1FA60] =	vst v63  }
0x54: {  	_ = 	snop  }
0x55: {  	[spmem:s2] =	stream.indirect.scatter.add.f32 [tilespmem:s30], [sflag:$0x3], $0x1, s6, s8, $0xb8;
	[tilespmem:$0x1FA60] =	vst v63  }
0x56: {  	_ =	swait.ge [sflag:s9], $0x80  }
0x57: {  	[sflag:s9] =	ssyncset.done $0x0  }
0x58: {  	[sflag:s9] =	ssyncadd.s32 $0xFFFFFF80  }
0x59: {  	_ =	swait.ge [sflag:s9], $0x80  }
0x5a: {  	[sflag:s9] =	ssyncset.done $0x0  }
0x5b: {  	[sflag:s9] =	ssyncadd.s32 $0xFFFFFF80  }
0x5c: {  	_ =	swait.ge [sflag:s9], $0x80  }
0x5d: {  	[sflag:s9] =	ssyncset.done $0x0  }
0x5e: {  	[sflag:s9] =	ssyncadd.s32 $0xFFFFFF80  }
0x5f: {  	_ =	swait.ge [sflag:s9], $0x80  }
0x60: {  	s16 =	simm.s32 $0x80;
	s5 =	simm.s32 $0x40;
	[sflag:s9] =	ssyncset.done $0x0  }
.LBB2_2:
0x61: {  	s17 =	sadd.s32 s5, s11  }
0x62: {  	[sflag:s9] =	ssyncadd.s32 $0xFFFFFF80;
	s5 =	smov.u32 s16;
	s15 =	sadd.s32 $0x40, s16  }
0x63: {  	[tilespmem:s0], [sflag:$0x1] =	stream.linear.gather [hbm4b:s17+s3], $0x80, $0x38;
	[tilespmem:$0x1FA60] =	vst v63  }
0x64: {  	p3 =	sne.s32 s16, $0x6140;
	s16 =	sadd.s32 $0x10, s17  }
0x65: {  	[tilespmem:s25], [sflag:$0x1] =	stream.linear.gather [hbm4b:s16+s3], $0x80, $0x38;
	[tilespmem:$0x1FA60] =	vst v63  }
0x66: {  	s16 =	sadd.s32 $0x20, s17  }
0x67: {  	[tilespmem:s4], [sflag:$0x1] =	stream.linear.gather [hbm4b:s16+s3], $0x80, $0x38;
	[tilespmem:$0x1FA60] =	vst v63  }
0x68: {  	s16 =	sadd.s32 $0x30, s17  }
0x69: {  	[tilespmem:s6], [sflag:$0x1] =	stream.linear.gather [hbm4b:s16+s3], $0x80, $0x38;
	[tilespmem:$0x1FA60] =	vst v63  }
0x6a: {  	_ =	swait.ge [sflag:s7], $0x80  }
0x6b: {  	[sflag:s7] =	ssyncset.done $0x0  }
0x6c: {  	[sflag:s7] =	ssyncadd.s32 $0xFFFFFF80  }
0x6d: {  	_ =	swait.ge [sflag:s7], $0x80  }
0x6e: {  	[sflag:s7] =	ssyncset.done $0x0  }
0x6f: {  	[sflag:s7] =	ssyncadd.s32 $0xFFFFFF80  }
0x70: {  	_ =	swait.ge [sflag:s7], $0x80  }
0x71: {  	[sflag:s7] =	ssyncset.done $0x0  }
0x72: {  	[sflag:s7] =	ssyncadd.s32 $0xFFFFFF80  }
0x73: {  	_ =	swait.ge [sflag:s7], $0x80  }
0x74: {  	[sflag:s7] =	ssyncset.done $0x0  }
0x75: {  	[sflag:s7] =	ssyncadd.s32 $0xFFFFFF80  }
0x76: {  	[spmem:s2] =	stream.indirect.scatter.add.f32 [tilespmem:s30], [sflag:$0x3], $0x1, s0, s8, $0xb8;
	[tilespmem:$0x1FA60] =	vst v63  }
0x77: {  	_ = 	snop  }
0x78: {  	[spmem:s2] =	stream.indirect.scatter.add.f32 [tilespmem:s30], [sflag:$0x3], $0x1, s25, s8, $0xb8;
	[tilespmem:$0x1FA60] =	vst v63  }
0x79: {  	_ = 	snop  }
0x7a: {  	[spmem:s2] =	stream.indirect.scatter.add.f32 [tilespmem:s30], [sflag:$0x3], $0x1, s4, s8, $0xb8;
	[tilespmem:$0x1FA60] =	vst v63  }
0x7b: {  	_ = 	snop  }
0x7c: {  	[spmem:s2] =	stream.indirect.scatter.add.f32 [tilespmem:s30], [sflag:$0x3], $0x1, s6, s8, $0xb8;
	[tilespmem:$0x1FA60] =	vst v63  }
0x7d: {  	_ =	swait.ge [sflag:s9], $0x80  }
0x7e: {  	[sflag:s9] =	ssyncset.done $0x0  }
0x7f: {  	[sflag:s9] =	ssyncadd.s32 $0xFFFFFF80  }
0x80: {  	_ =	swait.ge [sflag:s9], $0x80  }
0x81: {  	[sflag:s9] =	ssyncset.done $0x0  }
0x82: {  	[sflag:s9] =	ssyncadd.s32 $0xFFFFFF80  }
.Ltmp0:
0x83: {  	_ =	swait.ge [sflag:s9], $0x80;
	(pc) =	sbr.rel @p3 .LBB2_2-.Ltmp0, $4  }
0x84: {  	[sflag:s9] =	ssyncset.done $0x0  }
0x85: {  	[sflag:s9] =	ssyncadd.s32 $0xFFFFFF80  }
0x86: {  	_ =	swait.ge [sflag:s9], $0x80  }
0x87: {  	s16 =	smov.u32 s15;
	[sflag:s9] =	ssyncset.done $0x0  }
0x88: {  	s5 =	sadd.s32 s5, s11;
	[sflag:s9] =	ssyncadd.s32 $0xFFFFFF80  }
0x89: {  	[tilespmem:s0], [sflag:$0x1] =	stream.linear.gather [hbm4b:s5+s3], $0x80, $0x38;
	[tilespmem:$0x1FA60] =	vst v63  }
0x8a: {  	s15 =	sadd.s32 $0x10, s5  }
0x8b: {  	[tilespmem:s25], [sflag:$0x1] =	stream.linear.gather [hbm4b:s15+s3], $0x80, $0x38;
	[tilespmem:$0x1FA60] =	vst v63  }
0x8c: {  	s19 =	sadd.s32 $0x20, s5  }
0x8d: {  	[tilespmem:s4], [sflag:$0x1] =	stream.linear.gather [hbm4b:s19+s3], $0x80, $0x38;
	[tilespmem:$0x1FA60] =	vst v63  }
0x8e: {  	s5 =	sadd.s32 $0x30, s5  }
0x8f: {  	[tilespmem:s6], [sflag:$0x1] =	stream.linear.gather [hbm4b:s5+s3], $0x80, $0x38;
	[tilespmem:$0x1FA60] =	vst v63  }
0x90: {  	_ =	swait.ge [sflag:s7], $0x80  }
0x91: {  	[sflag:s7] =	ssyncset.done $0x0  }
0x92: {  	[sflag:s7] =	ssyncadd.s32 $0xFFFFFF80  }
0x93: {  	_ =	swait.ge [sflag:s7], $0x80  }
0x94: {  	[sflag:s7] =	ssyncset.done $0x0  }
0x95: {  	[sflag:s7] =	ssyncadd.s32 $0xFFFFFF80  }
0x96: {  	_ =	swait.ge [sflag:s7], $0x80  }
0x97: {  	[sflag:s7] =	ssyncset.done $0x0  }
0x98: {  	[sflag:s7] =	ssyncadd.s32 $0xFFFFFF80  }
0x99: {  	_ =	swait.ge [sflag:s7], $0x80  }
0x9a: {  	[sflag:s7] =	ssyncset.done $0x0  }
0x9b: {  	[sflag:s7] =	ssyncadd.s32 $0xFFFFFF80  }
0x9c: {  	[spmem:s2] =	stream.indirect.scatter.add.f32 [tilespmem:s30], [sflag:$0x3], $0x1, s0, s8, $0xb8;
	[tilespmem:$0x1FA60] =	vst v63  }
0x9d: {  	_ = 	snop  }
0x9e: {  	[spmem:s2] =	stream.indirect.scatter.add.f32 [tilespmem:s30], [sflag:$0x3], $0x1, s25, s8, $0xb8;
	[tilespmem:$0x1FA60] =	vst v63  }
0x9f: {  	_ = 	snop  }
0xa0: {  	[spmem:s2] =	stream.indirect.scatter.add.f32 [tilespmem:s30], [sflag:$0x3], $0x1, s4, s8, $0xb8;
	[tilespmem:$0x1FA60] =	vst v63  }
0xa1: {  	_ = 	snop  }
0xa2: {  	[spmem:s2] =	stream.indirect.scatter.add.f32 [tilespmem:s30], [sflag:$0x3], $0x1, s6, s8, $0xb8;
	[tilespmem:$0x1FA60] =	vst v63  }
0xa3: {  	_ =	swait.ge [sflag:s9], $0x80  }
0xa4: {  	[sflag:s9] =	ssyncset.done $0x0  }
0xa5: {  	[sflag:s9] =	ssyncadd.s32 $0xFFFFFF80  }
0xa6: {  	_ =	swait.ge [sflag:s9], $0x80  }
0xa7: {  	[sflag:s9] =	ssyncset.done $0x0  }
0xa8: {  	[sflag:s9] =	ssyncadd.s32 $0xFFFFFF80  }
0xa9: {  	_ =	swait.ge [sflag:s9], $0x80  }
0xaa: {  	[sflag:s9] =	ssyncset.done $0x0  }
0xab: {  	[sflag:s9] =	ssyncadd.s32 $0xFFFFFF80  }
0xac: {  	_ =	swait.ge [sflag:s9], $0x80  }
0xad: {  	[sflag:s9] =	ssyncset.done $0x0  }
0xae: {  	s20 =	rddreg [dreg:$0x13];
	[sflag:s9] =	ssyncadd.s32 $0xFFFFFF80  }
0xaf: {  	[tilespmem:s0], [sflag:$0x1] =	stream.linear.gather [hbm4b:s20+s3], $0x80, $0x38;
	[tilespmem:$0x1FA60] =	vst v63  }
0xb0: {  	s31 =	rddreg [dreg:$0x14]  }
0xb1: {  	[tilespmem:s25], [sflag:$0x1] =	stream.linear.gather [hbm4b:s31+s3], $0x80, $0x38;
	[tilespmem:$0x1FA60] =	vst v63  }
0xb2: {  	_ =	swait.ge [sflag:s7], $0x80  }
0xb3: {  	[sflag:s7] =	ssyncset.done $0x0  }
0xb4: {  	[sflag:s7] =	ssyncadd.s32 $0xFFFFFF80  }
0xb5: {  	_ =	swait.ge [sflag:s7], $0x80  }
0xb6: {  	[sflag:s7] =	ssyncset.done $0x0  }
0xb7: {  	[sflag:s7] =	ssyncadd.s32 $0xFFFFFF80  }
0xb8: {  	[spmem:s2] =	stream.indirect.scatter.add.f32 [tilespmem:s30], [sflag:$0x3], $0x1, s0, s8, $0xb8;
	[tilespmem:$0x1FA60] =	vst v63  }
0xb9: {  	_ = 	snop  }
0xba: {  	[spmem:s2] =	stream.indirect.scatter.add.f32 [tilespmem:s30], [sflag:$0x3], $0x1, s25, s8, $0xb8;
	[tilespmem:$0x1FA60] =	vst v63  }
0xbb: {  	_ =	swait.ge [sflag:s9], $0x80  }
.Ltmp1:
0xbc: {  	[sflag:s9] =	ssyncset.done $0x0;
	(pc) =	sbr.rel @p2 .LBB2_5-.Ltmp1, $4  }
0xbd: {  	[sflag:s9] =	ssyncadd.s32 $0xFFFFFF80  }
0xbe: {  	_ =	swait.ge [sflag:s9], $0x80  }
0xbf: {  	[sflag:s9] =	ssyncset.done $0x0  }
0xc0: {  	[sflag:s9] =	ssyncadd.s32 $0xFFFFFF80  }
0xc1: {  	s5 =	rddreg [dreg:$0x15]  }
0xc2: {  	[tilespmem:s0], [sflag:$0x1] =	stream.linear.gather [hbm4b:s5+s3], $0x80, $0x38;
	[tilespmem:$0x1FA60] =	vst v63  }
0xc3: {  	_ =	swait.ge [sflag:s7], $0x80  }
0xc4: {  	[sflag:s7] =	ssyncset.done $0x0  }
0xc5: {  	[sflag:s7] =	ssyncadd.s32 $0xFFFFFF80  }
0xc6: {  	[spmem:s2] =	stream.indirect.scatter.add.f32 [tilespmem:s30], [sflag:$0x3], $0x1, s0, s8, $0xb8;
	[tilespmem:$0x1FA60] =	vst v63  }
.Ltmp2:
0xc7: {  	_ =	swait.ge [sflag:s9], $0x80;
	(pc) =	sbr.rel .LBB2_6-.Ltmp2, $3  }
0xc8: {  	[sflag:s9] =	ssyncset.done $0x0  }
0xc9: {  	[sflag:s9] =	ssyncadd.s32 $0xFFFFFF80  }
0xca: {  	[bflag:$0x0] =	sbarrier.arrive $0xFFFF;
	_ =	sdelay $0x1  }
.LBB2_5:
.Ltmp3:
0xcb: {  	(pc) =	sbr.rel @!p1 .LBB2_6-.Ltmp3, $3  }
0xcc: {  	_ =	sdelay $0x1  }
0xcd: {  	[bflag:$0x0] =	sbarrier.arrive $0xFFFF  }
0xce: {  	s18 =	simm.s32 $0x0  }
.LBB2_12:
0xcf: {  	s5 =	smul.u32 $0x190, s18;
	_ =	sdelay $0x1  }
0xd0: {  	s19 =	sadd.s32 $0x17700, s5  }
0xd1: {  	s15 =	simm.s32 $0x2480;
	s5 =	sadd.s32 s19, s2;
	s16 =	sshll.u32 s19, $0x1  }
0xd2: {  	[tilespmem:s15], [sflag:$0x4] =	stream.linear.gather [spmem:s5], $0x190, $0x38;
	[tilespmem:$0x1FA60] =	vst v63  }
0xd3: {  	_ =	swait.ge [sflag:s21], $0x190;
	[dreg:$0x1d] =	wrdreg s16  }
0xd4: {  	s20 =	simm.s32 $0x2950;
	[sflag:s21] =	ssyncset.done $0x0;
	s17 =	rddreg [dreg:$0x5]  }
0xd5: {  	[sflag:s21] =	ssyncadd.s32 $0xFFFFFE70;
	s5 =	sadd.s32 s17, s16;
	s16 =	simm.s32 $0x0  }
0xd6: {  	[tilespmem:s20], [sflag:$0x4] =	stream.linear.gather [hbm4b:s5+s16], $0x1900, $0x38;
	[tilespmem:$0x1FA60] =	vst v63  }
0xd7: {  	_ =	swait.ge [sflag:s21], $0x1900  }
0xd8: {  	[sflag:s21] =	ssyncset.done $0x0  }
0xd9: {  	[sflag:s21] =	ssyncadd.s32 $0xFFFFE700  }
0xda: {  	s15 =	simm.s32 $0x0;
	[tilespmem:$0x27B0] =	vst v0  }
0xdb: {  	v2 =	vld [tilespmem:s15+$0x2480];
	_ =	sdelay $0x4  }
0xdc: {  	v2 =	vadd.f32 $1.000000000e+00, v2;
	_ =	sdelay $0x1  }
0xdd: {  	(erf) = vrcp.f32 v2;
	_ =	sdelay $0x7  }
0xde: {  	v2 =	vmul.f32 $5.000000000e-01, v2  }
0xdf: {  	v3 =	vpop (erf)  }
0xe0: {  	v4 =	vmul.f32 v3, v2;
	_ =	sdelay $0x1  }
0xe1: {  	v4 =	vmul.f32 v4, v3;
	_ =	sdelay $0x1  }
0xe2: {  	v4 =	vsub.f32 $1.500000000e+00, v4;
	_ =	sdelay $0x1  }
0xe3: {  	v4 =	vmul.f32 v4, v3;
	_ =	sdelay $0x1  }
0xe4: {  	v5 =	vmul.f32 v4, v2;
	_ =	sdelay $0x1  }
0xe5: {  	v5 =	vmul.f32 v5, v4;
	_ =	sdelay $0x1  }
0xe6: {  	v5 =	vsub.f32 $1.500000000e+00, v5;
	_ =	sdelay $0x1  }
0xe7: {  	v4 =	vmul.f32 v5, v4;
	_ =	sdelay $0x1  }
0xe8: {  	v5 =	vmul.f32 v4, v2;
	_ =	sdelay $0x1  }
0xe9: {  	v5 =	vmul.f32 v5, v4;
	_ =	sdelay $0x1  }
0xea: {  	v5 =	vsub.f32 $1.500000000e+00, v5;
	_ =	sdelay $0x1  }
0xeb: {  	v4 =	vmul.f32 v5, v4  }
0xec: {  	s5 =	simm.s32 $0x10;
	[tilespmem:s15+$0x27C0] =	vst v3  }
0xed: {  	v5 =	vld [tilespmem:s5+$0x2480];
	v3 =	vmul.f32 v4, v2;
	_ =	sdelay $0x1  }
0xee: {  	v3 =	vmul.f32 v3, v4;
	_ =	sdelay $0x1  }
0xef: {  	v3 =	vsub.f32 $1.500000000e+00, v3  }
0xf0: {  	v5 =	vadd.f32 $1.000000000e+00, v5  }
0xf1: {  	v3 =	vmul.f32 v3, v4  }
0xf2: {  	(erf) = vrcp.f32 v5  }
0xf3: {  	v4 =	vmul.f32 v3, v2;
	_ =	sdelay $0x1  }
0xf4: {  	v4 =	vmul.f32 v4, v3;
	_ =	sdelay $0x1  }
0xf5: {  	v4 =	vsub.f32 $1.500000000e+00, v4;
	_ =	sdelay $0x1  }
0xf6: {  	v4 =	vmul.f32 v4, v3  }
0xf7: {  	v3 =	vmul.f32 $5.000000000e-01, v5  }
0xf8: {  	v6 =	vpop (erf);
	v5 =	vmul.f32 v4, v2  }
0xf9: {  	v7 =	vmul.f32 v6, v3  }
0xfa: {  	v5 =	vmul.f32 v5, v4  }
0xfb: {  	v7 =	vmul.f32 v7, v6  }
0xfc: {  	v5 =	vsub.f32 $1.500000000e+00, v5  }
0xfd: {  	v7 =	vsub.f32 $1.500000000e+00, v7  }
0xfe: {  	v4 =	vmul.f32 v5, v4  }
0xff: {  	v5 =	vmul.f32 v7, v6  }
0x100: {  	v7 =	vmul.f32 v4, v2  }
0x101: {  	v8 =	vmul.f32 v5, v3  }
0x102: {  	v7 =	vmul.f32 v7, v4  }
0x103: {  	v8 =	vmul.f32 v8, v5  }
0x104: {  	v7 =	vsub.f32 $1.500000000e+00, v7  }
0x105: {  	v8 =	vsub.f32 $1.500000000e+00, v8  }
0x106: {  	v4 =	vmul.f32 v7, v4  }
0x107: {  	v5 =	vmul.f32 v8, v5  }
0x108: {  	v7 =	vmul.f32 v4, v2  }
0x109: {  	v8 =	vmul.f32 v5, v3  }
0x10a: {  	v7 =	vmul.f32 v7, v4  }
0x10b: {  	v8 =	vmul.f32 v8, v5  }
0x10c: {  	v7 =	vsub.f32 $1.500000000e+00, v7  }
0x10d: {  	v8 =	vsub.f32 $1.500000000e+00, v8  }
0x10e: {  	v4 =	vmul.f32 v7, v4  }
0x10f: {  	v5 =	vmul.f32 v8, v5  }
0x110: {  	v7 =	vmul.f32 v4, v2  }
0x111: {  	s16 =	simm.s32 $0x20;
	[tilespmem:s5+$0x27C0] =	vst v6;
	v8 =	vmul.f32 v5, v3  }
0x112: {  	v6 =	vld [tilespmem:s16+$0x2480];
	v7 =	vmul.f32 v7, v4  }
0x113: {  	v8 =	vmul.f32 v8, v5  }
0x114: {  	v7 =	vsub.f32 $1.500000000e+00, v7  }
0x115: {  	v8 =	vsub.f32 $1.500000000e+00, v8  }
0x116: {  	v4 =	vmul.f32 v7, v4  }
0x117: {  	v6 =	vadd.f32 $1.000000000e+00, v6;
	v5 =	vmul.f32 v8, v5  }
0x118: {  	v7 =	vmul.f32 v4, v2  }
0x119: {  	(erf) = vrcp.f32 v6;
	v8 =	vmul.f32 v5, v3  }
0x11a: {  	v7 =	vmul.f32 v7, v4  }
0x11b: {  	v8 =	vmul.f32 v8, v5  }
0x11c: {  	v7 =	vsub.f32 $1.500000000e+00, v7  }
0x11d: {  	v8 =	vsub.f32 $1.500000000e+00, v8  }
0x11e: {  	v7 =	vmul.f32 v7, v4  }
0x11f: {  	v5 =	vmul.f32 v8, v5  }
0x120: {  	v8 =	vmul.f32 v7, v2  }
0x121: {  	v4 =	vmul.f32 $5.000000000e-01, v6;
	v9 =	vmul.f32 v5, v3  }
0x122: {  	v6 =	vpop (erf);
	v8 =	vmul.f32 v8, v7  }
0x123: {  	v10 =	vmul.f32 v6, v4;
	v9 =	vmul.f32 v9, v5  }
0x124: {  	v8 =	vsub.f32 $1.500000000e+00, v8  }
0x125: {  	v10 =	vmul.f32 v10, v6;
	v9 =	vsub.f32 $1.500000000e+00, v9  }
0x126: {  	v7 =	vmul.f32 v8, v7  }
0x127: {  	v8 =	vsub.f32 $1.500000000e+00, v10;
	v5 =	vmul.f32 v9, v5  }
0x128: {  	v9 =	vmul.f32 v7, v2  }
0x129: {  	v8 =	vmul.f32 v8, v6;
	v10 =	vmul.f32 v5, v3  }
0x12a: {  	v9 =	vmul.f32 v9, v7  }
0x12b: {  	v11 =	vmul.f32 v8, v4;
	v10 =	vmul.f32 v10, v5  }
0x12c: {  	v9 =	vsub.f32 $1.500000000e+00, v9  }
0x12d: {  	v11 =	vmul.f32 v11, v8;
	v10 =	vsub.f32 $1.500000000e+00, v10  }
0x12e: {  	v7 =	vmul.f32 v9, v7  }
0x12f: {  	v9 =	vsub.f32 $1.500000000e+00, v11;
	v5 =	vmul.f32 v10, v5  }
0x130: {  	v10 =	vmul.f32 v7, v2  }
0x131: {  	v8 =	vmul.f32 v9, v8;
	v9 =	vmul.f32 v5, v3  }
0x132: {  	v10 =	vmul.f32 v10, v7  }
0x133: {  	v11 =	vmul.f32 v8, v4;
	v9 =	vmul.f32 v9, v5  }
0x134: {  	v10 =	vsub.f32 $1.500000000e+00, v10  }
0x135: {  	v11 =	vmul.f32 v11, v8;
	v9 =	vsub.f32 $1.500000000e+00, v9  }
0x136: {  	v7 =	vmul.f32 v10, v7  }
0x137: {  	v10 =	vsub.f32 $1.500000000e+00, v11;
	v5 =	vmul.f32 v9, v5  }
0x138: {  	v9 =	vmul.f32 v7, v2  }
0x139: {  	v8 =	vmul.f32 v10, v8;
	v10 =	vmul.f32 v5, v3  }
0x13a: {  	s17 =	simm.s32 $0x30;
	[tilespmem:s16+$0x27C0] =	vst v6;
	v9 =	vmul.f32 v9, v7  }
0x13b: {  	v11 =	vld [tilespmem:s17+$0x2480];
	v6 =	vmul.f32 v8, v4;
	v10 =	vmul.f32 v10, v5  }
0x13c: {  	v9 =	vsub.f32 $1.500000000e+00, v9  }
0x13d: {  	v6 =	vmul.f32 v6, v8;
	v10 =	vsub.f32 $1.500000000e+00, v10  }
0x13e: {  	v7 =	vmul.f32 v9, v7  }
0x13f: {  	v6 =	vsub.f32 $1.500000000e+00, v6;
	v5 =	vmul.f32 v10, v5  }
0x140: {  	v10 =	vadd.f32 $1.000000000e+00, v11;
	v9 =	vmul.f32 v7, v2  }
0x141: {  	v6 =	vmul.f32 v6, v8;
	v8 =	vmul.f32 v5, v3  }
0x142: {  	(erf) = vrcp.f32 v10;
	v9 =	vmul.f32 v9, v7  }
0x143: {  	v11 =	vmul.f32 v6, v4;
	v8 =	vmul.f32 v8, v5  }
0x144: {  	v9 =	vsub.f32 $1.500000000e+00, v9  }
0x145: {  	v11 =	vmul.f32 v11, v6;
	v8 =	vsub.f32 $1.500000000e+00, v8  }
0x146: {  	v7 =	vmul.f32 v9, v7  }
0x147: {  	v9 =	vsub.f32 $1.500000000e+00, v11;
	v8 =	vmul.f32 v8, v5  }
0x148: {  	v5 =	vmul.f32 v7, v2  }
0x149: {  	v6 =	vmul.f32 v9, v6;
	v9 =	vmul.f32 v8, v3  }
0x14a: {  	v11 =	vmul.f32 v5, v7;
	v5 =	vmul.f32 $5.000000000e-01, v10  }
0x14b: {  	v12 =	vpop (erf);
	v10 =	vmul.f32 v6, v4;
	v9 =	vmul.f32 v9, v8  }
0x14c: {  	v11 =	vsub.f32 $1.500000000e+00, v11;
	v13 =	vmul.f32 v12, v5  }
0x14d: {  	v10 =	vmul.f32 v10, v6;
	v9 =	vsub.f32 $1.500000000e+00, v9  }
0x14e: {  	v7 =	vmul.f32 v11, v7;
	v11 =	vmul.f32 v13, v12  }
0x14f: {  	v10 =	vsub.f32 $1.500000000e+00, v10;
	v8 =	vmul.f32 v9, v8  }
0x150: {  	v9 =	vmul.f32 v7, v2;
	v11 =	vsub.f32 $1.500000000e+00, v11  }
0x151: {  	v6 =	vmul.f32 v10, v6;
	v10 =	vmul.f32 v8, v3  }
0x152: {  	v9 =	vmul.f32 v9, v7;
	v11 =	vmul.f32 v11, v12  }
0x153: {  	v13 =	vmul.f32 v6, v4;
	v10 =	vmul.f32 v10, v8  }
0x154: {  	v9 =	vsub.f32 $1.500000000e+00, v9;
	v14 =	vmul.f32 v11, v5  }
0x155: {  	v13 =	vmul.f32 v13, v6;
	v10 =	vsub.f32 $1.500000000e+00, v10  }
0x156: {  	v7 =	vmul.f32 v9, v7;
	v9 =	vmul.f32 v14, v11  }
0x157: {  	v13 =	vsub.f32 $1.500000000e+00, v13;
	v8 =	vmul.f32 v10, v8  }
0x158: {  	s21 =	simm.s32 $0x40;
	[tilespmem:s17+$0x27C0] =	vst v12;
	v10 =	vmul.f32 v7, v2;
	v9 =	vsub.f32 $1.500000000e+00, v9  }
0x159: {  	v12 =	vld [tilespmem:s21+$0x2480];
	v6 =	vmul.f32 v13, v6;
	v13 =	vmul.f32 v8, v3  }
0x15a: {  	v10 =	vmul.f32 v10, v7;
	v9 =	vmul.f32 v9, v11  }
0x15b: {  	v11 =	vmul.f32 v6, v4;
	v13 =	vmul.f32 v13, v8  }
0x15c: {  	v10 =	vsub.f32 $1.500000000e+00, v10;
	v14 =	vmul.f32 v9, v5  }
0x15d: {  	v11 =	vmul.f32 v11, v6;
	v13 =	vsub.f32 $1.500000000e+00, v13  }
0x15e: {  	v7 =	vmul.f32 v10, v7;
	v10 =	vadd.f32 $1.000000000e+00, v12;
	v12 =	vmul.f32 v14, v9  }
0x15f: {  	v11 =	vsub.f32 $1.500000000e+00, v11;
	v8 =	vmul.f32 v13, v8  }
0x160: {  	v13 =	vmul.f32 v7, v2;
	(erf) = vrcp.f32 v10;
	v12 =	vsub.f32 $1.500000000e+00, v12  }
0x161: {  	v11 =	vmul.f32 v11, v6;
	v6 =	vmul.f32 v8, v3  }
0x162: {  	v13 =	vmul.f32 v13, v7;
	v9 =	vmul.f32 v12, v9  }
0x163: {  	v12 =	vmul.f32 v11, v4;
	v6 =	vmul.f32 v6, v8  }
0x164: {  	v13 =	vsub.f32 $1.500000000e+00, v13;
	v14 =	vmul.f32 v9, v5  }
0x165: {  	v12 =	vmul.f32 v12, v11;
	v6 =	vsub.f32 $1.500000000e+00, v6  }
0x166: {  	v7 =	vmul.f32 v13, v7;
	v13 =	vmul.f32 v14, v9  }
0x167: {  	v12 =	vsub.f32 $1.500000000e+00, v12;
	v8 =	vmul.f32 v6, v8  }
0x168: {  	v6 =	vmul.f32 $5.000000000e-01, v10;
	v14 =	vmul.f32 v7, v2;
	v10 =	vsub.f32 $1.500000000e+00, v13  }
0x169: {  	v11 =	vmul.f32 v12, v11;
	v12 =	vmul.f32 v8, v3  }
0x16a: {  	v13 =	vmul.f32 v14, v7;
	v9 =	vmul.f32 v10, v9  }
0x16b: {  	v10 =	vmul.f32 v11, v4  }
0x16c: {  	v12 =	vmul.f32 v12, v8;
	v14 =	vpop (erf);
	v13 =	vsub.f32 $1.500000000e+00, v13;
	v16 =	vmul.f32 v9, v5  }
0x16d: {  	v10 =	vmul.f32 v10, v11;
	v15 =	vmul.f32 v14, v6  }
0x16e: {  	v12 =	vsub.f32 $1.500000000e+00, v12;
	v7 =	vmul.f32 v13, v7  }
0x16f: {  	v10 =	vsub.f32 $1.500000000e+00, v10;
	v13 =	vmul.f32 v15, v14;
	v15 =	vmul.f32 v16, v9  }
0x170: {  	v8 =	vmul.f32 v12, v8;
	v12 =	vmul.f32 v7, v2  }
0x171: {  	v10 =	vmul.f32 v10, v11;
	v15 =	vsub.f32 $1.500000000e+00, v15  }
0x172: {  	v11 =	vsub.f32 $1.500000000e+00, v13;
	v13 =	vmul.f32 v8, v3;
	v12 =	vmul.f32 v12, v7  }
0x173: {  	v9 =	vmul.f32 v15, v9;
	v15 =	vmul.f32 v10, v4  }
0x174: {  	v11 =	vmul.f32 v11, v14;
	v13 =	vmul.f32 v13, v8;
	v12 =	vsub.f32 $1.500000000e+00, v12  }
0x175: {  	v16 =	vmul.f32 v9, v5;
	v15 =	vmul.f32 v15, v10  }
0x176: {  	v13 =	vsub.f32 $1.500000000e+00, v13;
	v7 =	vmul.f32 v12, v7  }
0x177: {  	v12 =	vmul.f32 v11, v6;
	v16 =	vmul.f32 v16, v9;
	v15 =	vsub.f32 $1.500000000e+00, v15  }
0x178: {  	v8 =	vmul.f32 v13, v8;
	v13 =	vmul.f32 v7, v2  }
0x179: {  	v12 =	vmul.f32 v12, v11;
	v16 =	vsub.f32 $1.500000000e+00, v16;
	v10 =	vmul.f32 v15, v10  }
0x17a: {  	v15 =	vmul.f32 v8, v3;
	v13 =	vmul.f32 v13, v7  }
0x17b: {  	v9 =	vmul.f32 v16, v9;
	v16 =	vmul.f32 v10, v4  }
0x17c: {  	v15 =	vmul.f32 v15, v8;
	v13 =	vsub.f32 $1.500000000e+00, v13  }
0x17d: {  	s20 =	simm.s32 $0x50;
	[tilespmem:s21+$0x27C0] =	vst v14;
	v12 =	vsub.f32 $1.500000000e+00, v12;
	v14 =	vmul.f32 v9, v5;
	v16 =	vmul.f32 v16, v10  }
0x17e: {  	v17 =	vld [tilespmem:s20+$0x2480];
	v15 =	vsub.f32 $1.500000000e+00, v15;
	v7 =	vmul.f32 v13, v7  }
0x17f: {  	v11 =	vmul.f32 v12, v11;
	v12 =	vmul.f32 v14, v9;
	v13 =	vsub.f32 $1.500000000e+00, v16  }
0x180: {  	v8 =	vmul.f32 v15, v8;
	v14 =	vmul.f32 v7, v2  }
0x181: {  	v15 =	vmul.f32 v11, v6;
	v12 =	vsub.f32 $1.500000000e+00, v12;
	v10 =	vmul.f32 v13, v10  }
0x182: {  	v13 =	vmul.f32 v8, v3;
	v14 =	vmul.f32 v14, v7  }
0x183: {  	v16 =	vadd.f32 $1.000000000e+00, v17;
	v9 =	vmul.f32 v12, v9;
	v12 =	vmul.f32 v10, v4  }
0x184: {  	v15 =	vmul.f32 v15, v11;
	v13 =	vmul.f32 v13, v8;
	v14 =	vsub.f32 $1.500000000e+00, v14  }
0x185: {  	v17 =	vmul.f32 v9, v5;
	v12 =	vmul.f32 v12, v10  }
0x186: {  	(erf) = vrcp.f32 v16;
	v13 =	vsub.f32 $1.500000000e+00, v13;
	v18 =	vmul.f32 v14, v7  }
0x187: {  	v7 =	vsub.f32 $1.500000000e+00, v15;
	v15 =	vmul.f32 v17, v9;
	v12 =	vsub.f32 $1.500000000e+00, v12  }
0x188: {  	v19 =	vmul.f32 v13, v8;
	v8 =	vmul.f32 v18, v2  }
0x189: {  	v14 =	vmul.f32 v7, v11;
	v7 =	vsub.f32 $1.500000000e+00, v15;
	v10 =	vmul.f32 v12, v10  }
0x18a: {  	v11 =	vmul.f32 v19, v3;
	v8 =	vmul.f32 v8, v18  }
0x18b: {  	v13 =	vmul.f32 v7, v9;
	v7 =	vmul.f32 v10, v4  }
0x18c: {  	v9 =	vmul.f32 v14, v6;
	v11 =	vmul.f32 v11, v19;
	v8 =	vsub.f32 $1.500000000e+00, v8  }
0x18d: {  	v12 =	vmul.f32 v13, v5;
	v20 =	vmul.f32 v7, v10  }
0x18e: {  	v7 =	vmul.f32 $5.000000000e-01, v16;
	v11 =	vsub.f32 $1.500000000e+00, v11;
	v8 =	vmul.f32 v8, v18  }
0x18f: {  	v16 =	vpop (erf);
	v17 =	vmul.f32 v9, v14;
	v15 =	vmul.f32 v12, v13;
	v12 =	vsub.f32 $1.500000000e+00, v20  }
0x190: {  	s31 =	simm.s32 $0x180;
	[tilespmem:s20+$0x27C0] =	vst v16;
	v11 =	vmul.f32 v11, v19;
	v9 =	vmul.f32 v8, v2  }
.LBB2_13:
0x191: {  	p3 =	sne.s32 s31, $0x600;
	v18 =	vmul.f32 v16, v7;
	v15 =	vsub.f32 $1.500000000e+00, v15;
	v10 =	vmul.f32 v12, v10  }
0x192: {  	v12 =	vsub.f32 $1.500000000e+00, v17;
	v17 =	vmul.f32 v11, v3;
	v9 =	vmul.f32 v9, v8  }
0x193: {  	v13 =	vmul.f32 v15, v13;
	v15 =	vmul.f32 v10, v4  }
0x194: {  	v12 =	vmul.f32 v12, v14;
	v14 =	vmul.f32 v17, v11;
	v9 =	vsub.f32 $1.500000000e+00, v9  }
0x195: {  	v17 =	vmul.f32 v13, v5;
	v15 =	vmul.f32 v15, v10  }
0x196: {  	v18 =	vmul.f32 v18, v16;
	v14 =	vsub.f32 $1.500000000e+00, v14;
	v8 =	vmul.f32 v9, v8  }
0x197: {  	v9 =	vmul.f32 v12, v6;
	v17 =	vmul.f32 v17, v13;
	v15 =	vsub.f32 $1.500000000e+00, v15  }
0x198: {  	v18 =	vsub.f32 $1.500000000e+00, v18;
	v11 =	vmul.f32 v14, v11;
	v14 =	vmul.f32 v8, v2;
	v2 =	vmovc v3;
	v3 =	vmovc v4  }
0x199: {  	v9 =	vmul.f32 v9, v12;
	v4 =	vmovc v5;
	v5 =	vmovc v6;
	v17 =	vsub.f32 $1.500000000e+00, v17;
	v10 =	vmul.f32 v15, v10  }
0x19a: {  	v6 =	vmov v7;
	v15 =	vmul.f32 v11, v2;
	v14 =	vmul.f32 v14, v8  }
0x19b: {  	v7 =	vmul.f32 v18, v16;
	v9 =	vsub.f32 $1.500000000e+00, v9;
	v13 =	vmul.f32 v17, v13  }
0x19c: {  	v16 =	vmul.f32 v10, v3;
	v15 =	vmul.f32 v15, v11;
	v14 =	vsub.f32 $1.500000000e+00, v14  }
0x19d: {  	v9 =	vmul.f32 v9, v12;
	v12 =	vmul.f32 v13, v4  }
0x19e: {  	v16 =	vmul.f32 v16, v10;
	v15 =	vsub.f32 $1.500000000e+00, v15;
	v8 =	vmul.f32 v14, v8  }
0x19f: {  	v14 =	vmul.f32 v9, v5;
	v12 =	vmul.f32 v12, v13  }
0x1a0: {  	v16 =	vsub.f32 $1.500000000e+00, v16;
	v11 =	vmul.f32 v15, v11;
	[tilespmem:s15+$0x2620] =	vst v8;
	s15 =	smov.u32 s5;
	s5 =	smov.u32 s16;
	s16 =	smov.u32 s17  }
0x1a1: {  	v8 =	vmul.f32 v7, v6;
	v14 =	vmul.f32 v14, v9;
	s17 =	smov.u32 s21;
	s21 =	smov.u32 s20;
	v12 =	vsub.f32 $1.500000000e+00, v12  }
0x1a2: {  	v10 =	vmul.f32 v16, v10;
	v15 =	vmul.f32 v11, v2  }
0x1a3: {  	v8 =	vmul.f32 v8, v7;
	v14 =	vsub.f32 $1.500000000e+00, v14;
	v12 =	vmul.f32 v12, v13  }
0x1a4: {  	v13 =	vmul.f32 v10, v3;
	v15 =	vmul.f32 v15, v11  }
0x1a5: {  	v9 =	vmul.f32 v14, v9;
	v14 =	vmul.f32 v12, v4  }
0x1a6: {  	v13 =	vmul.f32 v13, v10;
	v15 =	vsub.f32 $1.500000000e+00, v15  }
0x1a7: {  	s20 =	sshra.s32 s31, $0x2;
	v8 =	vsub.f32 $1.500000000e+00, v8;
	v16 =	vmul.f32 v9, v5;
	v14 =	vmul.f32 v14, v12  }
0x1a8: {  	v13 =	vsub.f32 $1.500000000e+00, v13;
	v17 =	vld [tilespmem:s20+$0x2480];
	v11 =	vmul.f32 v15, v11  }
0x1a9: {  	v7 =	vmul.f32 v8, v7;
	v8 =	vmul.f32 v16, v9;
	v14 =	vsub.f32 $1.500000000e+00, v14  }
0x1aa: {  	v10 =	vmul.f32 v13, v10;
	v13 =	vmul.f32 v11, v2  }
0x1ab: {  	v15 =	vmul.f32 v7, v6;
	v8 =	vsub.f32 $1.500000000e+00, v8;
	v12 =	vmul.f32 v14, v12  }
0x1ac: {  	v14 =	vmul.f32 v10, v3;
	v13 =	vmul.f32 v13, v11  }
0x1ad: {  	v8 =	vmul.f32 v8, v9;
	v16 =	vadd.f32 $1.000000000e+00, v17;
	v9 =	vmul.f32 v12, v4  }
0x1ae: {  	v15 =	vmul.f32 v15, v7;
	v14 =	vmul.f32 v14, v10;
	v13 =	vsub.f32 $1.500000000e+00, v13  }
0x1af: {  	v17 =	vmul.f32 v8, v5;
	v9 =	vmul.f32 v9, v12  }
0x1b0: {  	v14 =	vsub.f32 $1.500000000e+00, v14;
	(erf) = vrcp.f32 v16;
	v11 =	vmul.f32 v13, v11  }
0x1b1: {  	v13 =	vsub.f32 $1.500000000e+00, v15;
	v15 =	vmul.f32 v17, v8;
	v9 =	vsub.f32 $1.500000000e+00, v9  }
0x1b2: {  	v18 =	vmul.f32 v14, v10;
	v17 =	vmul.f32 v11, v2  }
0x1b3: {  	v14 =	vmul.f32 v13, v7;
	v7 =	vsub.f32 $1.500000000e+00, v15;
	v10 =	vmul.f32 v9, v12  }
0x1b4: {  	v9 =	vmul.f32 v18, v3;
	v12 =	vmul.f32 v17, v11  }
0x1b5: {  	v13 =	vmul.f32 v7, v8;
	v7 =	vmul.f32 v10, v4  }
.Ltmp4:
0x1b6: {  	v15 =	vmul.f32 v14, v6;
	v8 =	vmul.f32 v9, v18;
	v9 =	vsub.f32 $1.500000000e+00, v12;
	(pc) =	sbr.rel @p3 .LBB2_13-.Ltmp4, $4  }
0x1b7: {  	v12 =	vmul.f32 v13, v5;
	v19 =	vmul.f32 v7, v10  }
0x1b8: {  	v7 =	vmul.f32 $5.000000000e-01, v16;
	v20 =	vsub.f32 $1.500000000e+00, v8;
	v8 =	vmul.f32 v9, v11  }
0x1b9: {  	v17 =	vmul.f32 v15, v14;
	v15 =	vmul.f32 v12, v13;
	v16 =	vpop (erf);
	v12 =	vsub.f32 $1.500000000e+00, v19  }
0x1ba: {  	s31 =	sadd.s32 $0x40, s31;
	v11 =	vmul.f32 v20, v18;
	[tilespmem:s20+$0x27C0] =	vst v16;
	v9 =	vmul.f32 v8, v2  }
0x1bb: {  	v18 =	vmul.f32 v16, v7;
	_ =	sdelay $0x1  }
0x1bc: {  	v18 =	vmul.f32 v18, v16;
	_ =	sdelay $0x1  }
0x1bd: {  	v18 =	vsub.f32 $1.500000000e+00, v18;
	_ =	sdelay $0x1  }
0x1be: {  	v31 =	vmul.f32 v18, v16;
	_ =	sdelay $0x1  }
0x1bf: {  	v18 =	vmul.f32 v31, v7;
	_ =	sdelay $0x1  }
0x1c0: {  	v18 =	vmul.f32 v18, v31;
	_ =	sdelay $0x1  }
0x1c1: {  	v18 =	vsub.f32 $1.500000000e+00, v18;
	_ =	sdelay $0x1  }
0x1c2: {  	v16 =	vmul.f32 v18, v31;
	_ =	sdelay $0x1  }
0x1c3: {  	v18 =	vmul.f32 v16, v7;
	_ =	sdelay $0x1  }
0x1c4: {  	v18 =	vmul.f32 v18, v16;
	_ =	sdelay $0x1  }
0x1c5: {  	v18 =	vsub.f32 $1.500000000e+00, v18;
	_ =	sdelay $0x1  }
0x1c6: {  	v16 =	vmul.f32 v18, v16;
	_ =	sdelay $0x1  }
0x1c7: {  	v18 =	vmul.f32 v16, v7;
	_ =	sdelay $0x1  }
0x1c8: {  	v18 =	vmul.f32 v18, v16  }
0x1c9: {  	v17 =	vsub.f32 $1.500000000e+00, v17  }
0x1ca: {  	v18 =	vsub.f32 $1.500000000e+00, v18  }
0x1cb: {  	v14 =	vmul.f32 v17, v14  }
0x1cc: {  	v16 =	vmul.f32 v18, v16  }
0x1cd: {  	v17 =	vmul.f32 v14, v6  }
0x1ce: {  	v18 =	vmul.f32 v16, v7  }
0x1cf: {  	v17 =	vmul.f32 v17, v14  }
0x1d0: {  	v18 =	vmul.f32 v18, v16  }
0x1d1: {  	v17 =	vsub.f32 $1.500000000e+00, v17  }
0x1d2: {  	v18 =	vsub.f32 $1.500000000e+00, v18  }
0x1d3: {  	v14 =	vmul.f32 v17, v14  }
0x1d4: {  	v16 =	vmul.f32 v18, v16  }
0x1d5: {  	v17 =	vmul.f32 v14, v6  }
0x1d6: {  	v18 =	vmul.f32 v16, v7  }
0x1d7: {  	v17 =	vmul.f32 v17, v14  }
0x1d8: {  	v18 =	vmul.f32 v18, v16  }
0x1d9: {  	v17 =	vsub.f32 $1.500000000e+00, v17  }
0x1da: {  	v18 =	vsub.f32 $1.500000000e+00, v18  }
0x1db: {  	v14 =	vmul.f32 v17, v14  }
0x1dc: {  	v16 =	vmul.f32 v18, v16  }
0x1dd: {  	v17 =	vmul.f32 v14, v6  }
0x1de: {  	v18 =	vmul.f32 v16, v7  }
0x1df: {  	v17 =	vmul.f32 v17, v14  }
0x1e0: {  	v18 =	vmul.f32 v18, v16  }
0x1e1: {  	v17 =	vsub.f32 $1.500000000e+00, v17  }
0x1e2: {  	v18 =	vsub.f32 $1.500000000e+00, v18  }
0x1e3: {  	v14 =	vmul.f32 v17, v14  }
0x1e4: {  	v16 =	vmul.f32 v18, v16  }
0x1e5: {  	v17 =	vmul.f32 v14, v6  }
0x1e6: {  	v18 =	vmul.f32 v16, v7  }
0x1e7: {  	v17 =	vmul.f32 v17, v14  }
0x1e8: {  	v18 =	vmul.f32 v18, v16  }
0x1e9: {  	v17 =	vsub.f32 $1.500000000e+00, v17  }
0x1ea: {  	v18 =	vsub.f32 $1.500000000e+00, v18  }
0x1eb: {  	v14 =	vmul.f32 v17, v14  }
0x1ec: {  	v16 =	vmul.f32 v18, v16  }
0x1ed: {  	v17 =	vmul.f32 v14, v6  }
0x1ee: {  	v18 =	vmul.f32 v16, v7  }
0x1ef: {  	v17 =	vmul.f32 v17, v14  }
0x1f0: {  	v15 =	vsub.f32 $1.500000000e+00, v15;
	v18 =	vmul.f32 v18, v16  }
0x1f1: {  	v17 =	vsub.f32 $1.500000000e+00, v17  }
0x1f2: {  	v13 =	vmul.f32 v15, v13;
	v32 =	vsub.f32 $1.500000000e+00, v18  }
0x1f3: {  	v14 =	vmul.f32 v17, v14  }
0x1f4: {  	v33 =	vmul.f32 v13, v5;
	v15 =	vmul.f32 v32, v16  }
0x1f5: {  	v34 =	vmul.f32 v14, v6  }
0x1f6: {  	v17 =	vmul.f32 v33, v13;
	v35 =	vmul.f32 v15, v7  }
0x1f7: {  	v16 =	vmul.f32 v34, v14  }
0x1f8: {  	v17 =	vsub.f32 $1.500000000e+00, v17;
	v18 =	vmul.f32 v35, v15  }
0x1f9: {  	v16 =	vsub.f32 $1.500000000e+00, v16  }
0x1fa: {  	v13 =	vmul.f32 v17, v13;
	v36 =	vsub.f32 $1.500000000e+00, v18  }
0x1fb: {  	v14 =	vmul.f32 v16, v14  }
0x1fc: {  	v37 =	vmul.f32 v13, v5;
	v15 =	vmul.f32 v36, v15  }
0x1fd: {  	v38 =	vmul.f32 v14, v6  }
0x1fe: {  	v16 =	vmul.f32 v37, v13;
	v39 =	vmul.f32 v15, v7  }
0x1ff: {  	v17 =	vmul.f32 v38, v14  }
0x200: {  	v16 =	vsub.f32 $1.500000000e+00, v16;
	v18 =	vmul.f32 v39, v15  }
0x201: {  	v17 =	vsub.f32 $1.500000000e+00, v17  }
0x202: {  	v13 =	vmul.f32 v16, v13;
	v40 =	vsub.f32 $1.500000000e+00, v18  }
0x203: {  	v14 =	vmul.f32 v17, v14  }
0x204: {  	v41 =	vmul.f32 v13, v5;
	v15 =	vmul.f32 v40, v15  }
0x205: {  	v42 =	vmul.f32 v14, v6  }
0x206: {  	v17 =	vmul.f32 v41, v13;
	v43 =	vmul.f32 v15, v7  }
0x207: {  	v16 =	vmul.f32 v42, v14  }
0x208: {  	v17 =	vsub.f32 $1.500000000e+00, v17;
	v18 =	vmul.f32 v43, v15  }
0x209: {  	v16 =	vsub.f32 $1.500000000e+00, v16  }
0x20a: {  	v13 =	vmul.f32 v17, v13;
	v44 =	vsub.f32 $1.500000000e+00, v18  }
0x20b: {  	v14 =	vmul.f32 v16, v14  }
0x20c: {  	v45 =	vmul.f32 v13, v5;
	v15 =	vmul.f32 v44, v15  }
0x20d: {  	v46 =	vmul.f32 v14, v6  }
0x20e: {  	v16 =	vmul.f32 v45, v13;
	v47 =	vmul.f32 v15, v7  }
0x20f: {  	v17 =	vmul.f32 v46, v14  }
0x210: {  	v16 =	vsub.f32 $1.500000000e+00, v16;
	v18 =	vmul.f32 v47, v15  }
0x211: {  	v17 =	vsub.f32 $1.500000000e+00, v17  }
0x212: {  	v13 =	vmul.f32 v16, v13;
	v48 =	vsub.f32 $1.500000000e+00, v18  }
0x213: {  	v14 =	vmul.f32 v17, v14  }
0x214: {  	v49 =	vmul.f32 v13, v5;
	v15 =	vmul.f32 v48, v15  }
0x215: {  	v10 =	vmul.f32 v12, v10;
	v50 =	vmul.f32 v14, v6  }
0x216: {  	v17 =	vmul.f32 v49, v13;
	v51 =	vmul.f32 v15, v7  }
0x217: {  	v53 =	vmul.f32 v11, v3;
	v52 =	vmul.f32 v50, v14  }
0x218: {  	v17 =	vsub.f32 $1.500000000e+00, v17;
	v18 =	vmul.f32 v51, v15  }
0x219: {  	v19 =	vmul.f32 v10, v4;
	v16 =	vmul.f32 v53, v11;
	v12 =	vsub.f32 $1.500000000e+00, v52  }
0x21a: {  	v13 =	vmul.f32 v17, v13;
	v54 =	vsub.f32 $1.500000000e+00, v18  }
0x21b: {  	v55 =	vmul.f32 v19, v10;
	v16 =	vsub.f32 $1.500000000e+00, v16;
	v12 =	vmul.f32 v12, v14  }
0x21c: {  	v56 =	vmul.f32 v13, v5;
	v15 =	vmul.f32 v54, v15  }
0x21d: {  	v59 =	vmul.f32 v16, v11;
	v57 =	vmul.f32 v12, v6  }
0x21e: {  	v14 =	vmul.f32 v56, v13;
	v58 =	vmul.f32 v15, v7  }
0x21f: {  	v18 =	vsub.f32 $1.500000000e+00, v55;
	v60 =	vmul.f32 v57, v12  }
0x220: {  	v62 =	vmul.f32 v59, v3;
	v14 =	vsub.f32 $1.500000000e+00, v14;
	v61 =	vmul.f32 v58, v15  }
0x221: {  	v10 =	vmul.f32 v18, v10;
	v16 =	vsub.f32 $1.500000000e+00, v60  }
0x222: {  	v21 =	vmul.f32 v62, v59;
	v13 =	vmul.f32 v14, v13;
	v20 =	vsub.f32 $1.500000000e+00, v61  }
0x223: {  	v63 =	vmul.f32 v10, v4;
	v12 =	vmul.f32 v16, v12  }
0x224: {  	v22 =	vmul.f32 v13, v5;
	v14 =	vmul.f32 v20, v15  }
0x225: {  	v23 =	vmul.f32 v63, v10;
	v24 =	vmul.f32 v12, v6  }
0x226: {  	v16 =	vmul.f32 v22, v13;
	v25 =	vmul.f32 v14, v7  }
0x227: {  	v15 =	vsub.f32 $1.500000000e+00, v23;
	v18 =	vmul.f32 v24, v12  }
0x228: {  	v17 =	vsub.f32 $1.500000000e+00, v21;
	v16 =	vsub.f32 $1.500000000e+00, v16;
	v19 =	vmul.f32 v25, v14  }
0x229: {  	v10 =	vmul.f32 v15, v10;
	v26 =	vsub.f32 $1.500000000e+00, v18  }
0x22a: {  	v11 =	vmul.f32 v17, v59;
	v13 =	vmul.f32 v16, v13;
	v27 =	vsub.f32 $1.500000000e+00, v19  }
0x22b: {  	v28 =	vmul.f32 v10, v4;
	v12 =	vmul.f32 v26, v12  }
0x22c: {  	v29 =	vmul.f32 v13, v5;
	v14 =	vmul.f32 v27, v14  }
0x22d: {  	v30 =	vmul.f32 v28, v10;
	v31 =	vmul.f32 v12, v6  }
0x22e: {  	v15 =	vmul.f32 v29, v13;
	v32 =	vmul.f32 v14, v7  }
0x22f: {  	v16 =	vsub.f32 $1.500000000e+00, v30;
	v17 =	vmul.f32 v31, v12  }
0x230: {  	v33 =	vmul.f32 v11, v3;
	v15 =	vsub.f32 $1.500000000e+00, v15;
	v18 =	vmul.f32 v32, v14  }
0x231: {  	v10 =	vmul.f32 v16, v10;
	v34 =	vsub.f32 $1.500000000e+00, v17  }
0x232: {  	v35 =	vmul.f32 v33, v11;
	v13 =	vmul.f32 v15, v13;
	v36 =	vsub.f32 $1.500000000e+00, v18  }
0x233: {  	v37 =	vmul.f32 v10, v4;
	v12 =	vmul.f32 v34, v12  }
0x234: {  	v38 =	vmul.f32 v13, v5;
	v14 =	vmul.f32 v36, v14  }
0x235: {  	v39 =	vmul.f32 v37, v10;
	v40 =	vmul.f32 v12, v6  }
0x236: {  	v16 =	vmul.f32 v38, v13;
	v41 =	vmul.f32 v14, v7  }
0x237: {  	v15 =	vsub.f32 $1.500000000e+00, v39;
	v18 =	vmul.f32 v40, v12  }
0x238: {  	v17 =	vsub.f32 $1.500000000e+00, v35;
	v16 =	vsub.f32 $1.500000000e+00, v16;
	v19 =	vmul.f32 v41, v14  }
0x239: {  	v10 =	vmul.f32 v15, v10;
	v42 =	vsub.f32 $1.500000000e+00, v18  }
0x23a: {  	v11 =	vmul.f32 v17, v11;
	v13 =	vmul.f32 v16, v13;
	v43 =	vsub.f32 $1.500000000e+00, v19  }
0x23b: {  	v44 =	vmul.f32 v10, v4;
	v12 =	vmul.f32 v42, v12  }
0x23c: {  	v45 =	vmul.f32 v13, v5;
	v14 =	vmul.f32 v43, v14  }
0x23d: {  	v46 =	vmul.f32 v44, v10;
	v47 =	vmul.f32 v12, v6  }
0x23e: {  	v15 =	vmul.f32 v45, v13;
	v48 =	vmul.f32 v14, v7  }
0x23f: {  	v16 =	vsub.f32 $1.500000000e+00, v46;
	v17 =	vmul.f32 v47, v12  }
0x240: {  	v49 =	vmul.f32 v11, v3;
	v15 =	vsub.f32 $1.500000000e+00, v15;
	v18 =	vmul.f32 v48, v14  }
0x241: {  	v10 =	vmul.f32 v16, v10;
	v50 =	vsub.f32 $1.500000000e+00, v17  }
0x242: {  	v51 =	vmul.f32 v49, v11;
	v13 =	vmul.f32 v15, v13;
	v52 =	vsub.f32 $1.500000000e+00, v18  }
0x243: {  	v53 =	vmul.f32 v10, v4;
	v12 =	vmul.f32 v50, v12  }
0x244: {  	v54 =	vmul.f32 v13, v5;
	v14 =	vmul.f32 v52, v14  }
0x245: {  	v55 =	vmul.f32 v53, v10;
	v56 =	vmul.f32 v12, v6  }
0x246: {  	v16 =	vmul.f32 v54, v13;
	v57 =	vmul.f32 v14, v7  }
0x247: {  	v15 =	vsub.f32 $1.500000000e+00, v55;
	v18 =	vmul.f32 v56, v12  }
0x248: {  	v17 =	vsub.f32 $1.500000000e+00, v51;
	v16 =	vsub.f32 $1.500000000e+00, v16;
	v19 =	vmul.f32 v57, v14  }
0x249: {  	v10 =	vmul.f32 v15, v10;
	v58 =	vsub.f32 $1.500000000e+00, v18  }
0x24a: {  	v11 =	vmul.f32 v17, v11;
	v13 =	vmul.f32 v16, v13;
	v59 =	vsub.f32 $1.500000000e+00, v19  }
0x24b: {  	v60 =	vmul.f32 v10, v4;
	v12 =	vmul.f32 v58, v12  }
0x24c: {  	v61 =	vmul.f32 v13, v5;
	v14 =	vmul.f32 v59, v14  }
0x24d: {  	v62 =	vmul.f32 v60, v10;
	v63 =	vmul.f32 v12, v6  }
0x24e: {  	v15 =	vmul.f32 v61, v13;
	v21 =	vmul.f32 v14, v7  }
0x24f: {  	v16 =	vsub.f32 $1.500000000e+00, v62;
	v17 =	vmul.f32 v63, v12  }
0x250: {  	v22 =	vmul.f32 v11, v3;
	v15 =	vsub.f32 $1.500000000e+00, v15;
	v18 =	vmul.f32 v21, v14  }
0x251: {  	v10 =	vmul.f32 v16, v10;
	v23 =	vsub.f32 $1.500000000e+00, v17  }
0x252: {  	v24 =	vmul.f32 v22, v11;
	v13 =	vmul.f32 v15, v13;
	v25 =	vsub.f32 $1.500000000e+00, v18  }
0x253: {  	v26 =	vmul.f32 v10, v4;
	v12 =	vmul.f32 v23, v12  }
0x254: {  	v27 =	vmul.f32 v13, v5;
	v14 =	vmul.f32 v25, v14  }
0x255: {  	v28 =	vmul.f32 v26, v10;
	v29 =	vmul.f32 v12, v6  }
0x256: {  	v16 =	vmul.f32 v27, v13;
	v30 =	vmul.f32 v14, v7  }
0x257: {  	v15 =	vsub.f32 $1.500000000e+00, v28;
	v18 =	vmul.f32 v29, v12  }
0x258: {  	v17 =	vsub.f32 $1.500000000e+00, v24;
	v16 =	vsub.f32 $1.500000000e+00, v16;
	v19 =	vmul.f32 v30, v14  }
0x259: {  	v10 =	vmul.f32 v15, v10;
	v31 =	vsub.f32 $1.500000000e+00, v18  }
0x25a: {  	v11 =	vmul.f32 v17, v11;
	v13 =	vmul.f32 v16, v13;
	v32 =	vsub.f32 $1.500000000e+00, v19  }
0x25b: {  	v33 =	vmul.f32 v10, v4;
	v12 =	vmul.f32 v31, v12  }
0x25c: {  	v34 =	vmul.f32 v13, v5;
	v14 =	vmul.f32 v32, v14  }
0x25d: {  	v35 =	vmul.f32 v33, v10;
	v36 =	vmul.f32 v12, v6  }
0x25e: {  	v15 =	vmul.f32 v34, v13;
	v37 =	vmul.f32 v14, v7  }
0x25f: {  	v16 =	vsub.f32 $1.500000000e+00, v35;
	v17 =	vmul.f32 v36, v12  }
0x260: {  	v38 =	vmul.f32 v11, v3;
	v15 =	vsub.f32 $1.500000000e+00, v15;
	v18 =	vmul.f32 v37, v14  }
0x261: {  	v9 =	vmul.f32 v9, v8;
	v10 =	vmul.f32 v16, v10;
	v39 =	vsub.f32 $1.500000000e+00, v17  }
0x262: {  	v40 =	vmul.f32 v38, v11;
	v13 =	vmul.f32 v15, v13;
	v41 =	vsub.f32 $1.500000000e+00, v18  }
0x263: {  	v42 =	vmul.f32 v10, v4;
	v12 =	vmul.f32 v39, v12  }
0x264: {  	v43 =	vmul.f32 v13, v5;
	v14 =	vmul.f32 v41, v14  }
0x265: {  	v44 =	vmul.f32 v42, v10;
	v45 =	vmul.f32 v12, v6  }
0x266: {  	v16 =	vmul.f32 v43, v13;
	v46 =	vmul.f32 v14, v7  }
0x267: {  	v9 =	vsub.f32 $1.500000000e+00, v9;
	v15 =	vsub.f32 $1.500000000e+00, v44;
	v18 =	vmul.f32 v45, v12  }
0x268: {  	v17 =	vsub.f32 $1.500000000e+00, v40;
	v16 =	vsub.f32 $1.500000000e+00, v16;
	v19 =	vmul.f32 v46, v14  }
0x269: {  	v47 =	vmul.f32 v9, v8;
	v48 =	vmul.f32 v15, v10;
	v49 =	vsub.f32 $1.500000000e+00, v18  }
0x26a: {  	v11 =	vmul.f32 v17, v11;
	v13 =	vmul.f32 v16, v13;
	v50 =	vsub.f32 $1.500000000e+00, v19  }
0x26b: {  	v51 =	vmul.f32 v48, v4;
	v10 =	vmul.f32 v49, v12  }
0x26c: {  	v52 =	vmul.f32 v13, v5;
	v14 =	vmul.f32 v50, v14  }
0x26d: {  	v53 =	vmul.f32 v51, v48;
	v54 =	vmul.f32 v10, v6  }
0x26e: {  	v12 =	vmul.f32 v52, v13;
	v55 =	vmul.f32 v14, v7  }
0x26f: {  	v2 =	vmul.f32 v47, v2;
	v15 =	vsub.f32 $1.500000000e+00, v53;
	v16 =	vmul.f32 v54, v10  }
0x270: {  	v3 =	vmul.f32 v11, v3;
	v12 =	vsub.f32 $1.500000000e+00, v12;
	v17 =	vmul.f32 v55, v14  }
0x271: {  	v2 =	vmul.f32 v2, v47;
	v9 =	vmul.f32 v15, v48;
	v56 =	vsub.f32 $1.500000000e+00, v16  }
0x272: {  	v3 =	vmul.f32 v3, v11;
	v12 =	vmul.f32 v12, v13;
	v57 =	vsub.f32 $1.500000000e+00, v17  }
0x273: {  	v58 =	vmul.f32 v9, v4;
	v10 =	vmul.f32 v56, v10  }
0x274: {  	v59 =	vmul.f32 v12, v5;
	v13 =	vmul.f32 v57, v14  }
0x275: {  	v2 =	vsub.f32 $1.500000000e+00, v2;
	v4 =	vmul.f32 v58, v9;
	v60 =	vmul.f32 v10, v6  }
0x276: {  	v3 =	vsub.f32 $1.500000000e+00, v3;
	v5 =	vmul.f32 v59, v12;
	v61 =	vmul.f32 v13, v7  }
0x277: {  	v2 =	vmul.f32 v2, v47;
	v4 =	vsub.f32 $1.500000000e+00, v4;
	v6 =	vmul.f32 v60, v10  }
0x278: {  	v3 =	vmul.f32 v3, v11;
	v5 =	vsub.f32 $1.500000000e+00, v5;
	v7 =	vmul.f32 v61, v13  }
0x279: {  	[tilespmem:s15+$0x2620] =	vst v2;
	v2 =	vmul.f32 v4, v9;
	v62 =	vsub.f32 $1.500000000e+00, v6  }
0x27a: {  	[tilespmem:s5+$0x2620] =	vst v3;
	v3 =	vmul.f32 v5, v12;
	v63 =	vsub.f32 $1.500000000e+00, v7  }
0x27b: {  	[tilespmem:s16+$0x2620] =	vst v2;
	v2 =	vmul.f32 v62, v10  }
0x27c: {  	[tilespmem:s17+$0x2620] =	vst v3;
	v3 =	vmul.f32 v63, v13  }
0x27d: {  	[tilespmem:s21+$0x2620] =	vst v2  }
0x27e: {  	s5 =	simm.s32 $0x2620;
	[tilespmem:s20+$0x2620] =	vst v3  }
0x27f: {  	s15 =	simm.s32 $0x0;
	s16 =	simm.s32 $0x40;
	v2 =	vld [tilespmem:s5+$0x0]  }
.LBB2_15:
0x280: {  	p3 =	sne.s32 s16, $0x63C0;
	s17 =	sshra.s32 s15, $0x2;
	s15 =	smov.u32 s16  }
0x281: {  	v3 =	vld [tilespmem:s17+$0x2950];
	_ =	sdelay $0x2  }
0x282: {  	v2 =	vperm.xlane v2, v1  }
.Ltmp5:
0x283: {  	(pc) =	sbr.rel @p3 .LBB2_15-.Ltmp5, $3  }
0x284: {  	v2 =	vmul.f32 v3, v2;
	_ =	sdelay $0x1  }
0x285: {  	s5 =	sadd.s32 $0x1, s5;
	[tilespmem:s17+$0x4250] =	vst v2  }
0x286: {  	s16 =	sadd.s32 $0x40, s16;
	v2 =	vld [tilespmem:s5+$0x0]  }
0x287: {  	s5 =	sshra.s32 s15, $0x2  }
0x288: {  	v3 =	vld [tilespmem:s5+$0x2950];
	_ =	sdelay $0x2  }
0x289: {  	v2 =	vperm.xlane v2, v1;
	_ =	sdelay $0x1  }
0x28a: {  	v2 =	vmul.f32 v3, v2  }
0x28b: {  	s15 =	rddreg [dreg:$0x1d]  }
0x28c: {  	s16 =	simm.s32 $0x4250;
	s21 =	simm.s32 $0x4;
	[tilespmem:s5+$0x4250] =	vst v2;
	s5 =	sadd.s32 s12, s15  }
0x28d: {  	[hbm4b:s5+s3] =	stream.linear.scatter [tilespmem:s16], [sflag:$0x4], $0x1900, $0x38;
	[tilespmem:$0x1FA60] =	vst v63  }
0x28e: {  	_ =	swait.ge [sflag:s21], $0x1900  }
0x28f: {  	s17 =	sshrl.u32 s19, $0x3;
	[sflag:s21] =	ssyncset.done $0x0;
	s19 =	rddreg [dreg:$0xc]  }
0x290: {  	s16 =	simm.s32 $0x2620;
	[sflag:s21] =	ssyncadd.s32 $0xFFFFE700;
	s15 =	sadd.s32 s19, s17  }
0x291: {  	[hbm4b:s15+s3] =	stream.linear.scatter [tilespmem:s16], [sflag:$0x4], $0x190, $0x38;
	[tilespmem:$0x1FA60] =	vst v63  }
0x292: {  	s31 =	simm.s32 $0x27C0;
	_ =	swait.ge [sflag:s21], $0x190  }
0x293: {  	s18 =	sadd.s32 $0x1, s18;
	[sflag:s21] =	ssyncset.done $0x0;
	s20 =	rddreg [dreg:$0xd]  }
0x294: {  	p3 =	sne.s32 s18, $0xA;
	[sflag:s21] =	ssyncadd.s32 $0xFFFFFE70;
	s5 =	sadd.s32 s20, s17  }
0x295: {  	[hbm4b:s5+s3] =	stream.linear.scatter [tilespmem:s31], [sflag:$0x4], $0x190, $0x38;
	[tilespmem:$0x1FA60] =	vst v63  }
.Ltmp6:
0x296: {  	_ = 	snop;
	(pc) =	sbr.rel @p3 .LBB2_12-.Ltmp6, $4  }
.Ltmp7:
0x297: {  	_ = 	snop;
	(pc) =	sbr.rel @!p3 .LBB2_17-.Ltmp7, $4  }
0x298: {  	_ =	swait.ge [sflag:s21], $0x190  }
0x299: {  	[sflag:s21] =	ssyncset.done $0x0  }
0x29a: {  	[sflag:s21] =	ssyncadd.s32 $0xFFFFFE70  }
0x29b: {  	_ = 	snop  }
.LBB2_6:
0x29c: {  	s19 =	simm.s32 $0x0  }
.LBB2_7:
0x29d: {  	s5 =	smul.u32 $0x190, s19  }
0x29e: {  	s15 =	rddreg [dreg:$0xb]  }
0x29f: {  	s20 =	sadd.s32 s15, s5  }
0x2a0: {  	s18 =	simm.s32 $0x2480;
	s5 =	sadd.s32 s20, s2;
	s16 =	sshll.u32 s20, $0x1  }
0x2a1: {  	[tilespmem:s18], [sflag:$0x4] =	stream.linear.gather [spmem:s5], $0x190, $0x38;
	[tilespmem:$0x1FA60] =	vst v63  }
0x2a2: {  	_ =	swait.ge [sflag:s21], $0x190;
	[dreg:$0x1c] =	wrdreg s16  }
0x2a3: {  	s18 =	simm.s32 $0x2950;
	[sflag:s21] =	ssyncset.done $0x0;
	s17 =	rddreg [dreg:$0x5]  }
0x2a4: {  	[sflag:s21] =	ssyncadd.s32 $0xFFFFFE70;
	s5 =	sadd.s32 s17, s16;
	s16 =	simm.s32 $0x0  }
0x2a5: {  	[tilespmem:s18], [sflag:$0x4] =	stream.linear.gather [hbm4b:s5+s16], $0x1900, $0x38;
	[tilespmem:$0x1FA60] =	vst v63  }
0x2a6: {  	_ =	swait.ge [sflag:s21], $0x1900  }
0x2a7: {  	[sflag:s21] =	ssyncset.done $0x0  }
0x2a8: {  	[sflag:s21] =	ssyncadd.s32 $0xFFFFE700  }
0x2a9: {  	s15 =	simm.s32 $0x0;
	[tilespmem:$0x27B0] =	vst v0  }
0x2aa: {  	v2 =	vld [tilespmem:s15+$0x2480];
	_ =	sdelay $0x4  }
0x2ab: {  	v2 =	vadd.f32 $1.000000000e+00, v2;
	_ =	sdelay $0x1  }
0x2ac: {  	(erf) = vrcp.f32 v2;
	_ =	sdelay $0x7  }
0x2ad: {  	v2 =	vmul.f32 $5.000000000e-01, v2  }
0x2ae: {  	v3 =	vpop (erf)  }
0x2af: {  	v4 =	vmul.f32 v3, v2;
	_ =	sdelay $0x1  }
0x2b0: {  	v4 =	vmul.f32 v4, v3;
	_ =	sdelay $0x1  }
0x2b1: {  	v4 =	vsub.f32 $1.500000000e+00, v4;
	_ =	sdelay $0x1  }
0x2b2: {  	v4 =	vmul.f32 v4, v3;
	_ =	sdelay $0x1  }
0x2b3: {  	v5 =	vmul.f32 v4, v2;
	_ =	sdelay $0x1  }
0x2b4: {  	v5 =	vmul.f32 v5, v4;
	_ =	sdelay $0x1  }
0x2b5: {  	v5 =	vsub.f32 $1.500000000e+00, v5;
	_ =	sdelay $0x1  }
0x2b6: {  	v4 =	vmul.f32 v5, v4;
	_ =	sdelay $0x1  }
0x2b7: {  	v5 =	vmul.f32 v4, v2;
	_ =	sdelay $0x1  }
0x2b8: {  	v5 =	vmul.f32 v5, v4;
	_ =	sdelay $0x1  }
0x2b9: {  	v5 =	vsub.f32 $1.500000000e+00, v5;
	_ =	sdelay $0x1  }
0x2ba: {  	v4 =	vmul.f32 v5, v4  }
0x2bb: {  	s5 =	simm.s32 $0x10;
	[tilespmem:s15+$0x27C0] =	vst v3  }
0x2bc: {  	v5 =	vld [tilespmem:s5+$0x2480];
	v3 =	vmul.f32 v4, v2;
	_ =	sdelay $0x1  }
0x2bd: {  	v3 =	vmul.f32 v3, v4;
	_ =	sdelay $0x1  }
0x2be: {  	v3 =	vsub.f32 $1.500000000e+00, v3  }
0x2bf: {  	v5 =	vadd.f32 $1.000000000e+00, v5  }
0x2c0: {  	v3 =	vmul.f32 v3, v4  }
0x2c1: {  	(erf) = vrcp.f32 v5  }
0x2c2: {  	v4 =	vmul.f32 v3, v2;
	_ =	sdelay $0x1  }
0x2c3: {  	v4 =	vmul.f32 v4, v3;
	_ =	sdelay $0x1  }
0x2c4: {  	v4 =	vsub.f32 $1.500000000e+00, v4;
	_ =	sdelay $0x1  }
0x2c5: {  	v4 =	vmul.f32 v4, v3  }
0x2c6: {  	v3 =	vmul.f32 $5.000000000e-01, v5  }
0x2c7: {  	v6 =	vpop (erf);
	v5 =	vmul.f32 v4, v2  }
0x2c8: {  	v7 =	vmul.f32 v6, v3  }
0x2c9: {  	v5 =	vmul.f32 v5, v4  }
0x2ca: {  	v7 =	vmul.f32 v7, v6  }
0x2cb: {  	v5 =	vsub.f32 $1.500000000e+00, v5  }
0x2cc: {  	v7 =	vsub.f32 $1.500000000e+00, v7  }
0x2cd: {  	v4 =	vmul.f32 v5, v4  }
0x2ce: {  	v5 =	vmul.f32 v7, v6  }
0x2cf: {  	v7 =	vmul.f32 v4, v2  }
0x2d0: {  	v8 =	vmul.f32 v5, v3  }
0x2d1: {  	v7 =	vmul.f32 v7, v4  }
0x2d2: {  	v8 =	vmul.f32 v8, v5  }
0x2d3: {  	v7 =	vsub.f32 $1.500000000e+00, v7  }
0x2d4: {  	v8 =	vsub.f32 $1.500000000e+00, v8  }
0x2d5: {  	v4 =	vmul.f32 v7, v4  }
0x2d6: {  	v5 =	vmul.f32 v8, v5  }
0x2d7: {  	v7 =	vmul.f32 v4, v2  }
0x2d8: {  	v8 =	vmul.f32 v5, v3  }
0x2d9: {  	v7 =	vmul.f32 v7, v4  }
0x2da: {  	v8 =	vmul.f32 v8, v5  }
0x2db: {  	v7 =	vsub.f32 $1.500000000e+00, v7  }
0x2dc: {  	v8 =	vsub.f32 $1.500000000e+00, v8  }
0x2dd: {  	v4 =	vmul.f32 v7, v4  }
0x2de: {  	v5 =	vmul.f32 v8, v5  }
0x2df: {  	v7 =	vmul.f32 v4, v2  }
0x2e0: {  	s16 =	simm.s32 $0x20;
	[tilespmem:s5+$0x27C0] =	vst v6;
	v8 =	vmul.f32 v5, v3  }
0x2e1: {  	v6 =	vld [tilespmem:s16+$0x2480];
	v7 =	vmul.f32 v7, v4  }
0x2e2: {  	v8 =	vmul.f32 v8, v5  }
0x2e3: {  	v7 =	vsub.f32 $1.500000000e+00, v7  }
0x2e4: {  	v8 =	vsub.f32 $1.500000000e+00, v8  }
0x2e5: {  	v4 =	vmul.f32 v7, v4  }
0x2e6: {  	v6 =	vadd.f32 $1.000000000e+00, v6;
	v5 =	vmul.f32 v8, v5  }
0x2e7: {  	v7 =	vmul.f32 v4, v2  }
0x2e8: {  	(erf) = vrcp.f32 v6;
	v8 =	vmul.f32 v5, v3  }
0x2e9: {  	v7 =	vmul.f32 v7, v4  }
0x2ea: {  	v8 =	vmul.f32 v8, v5  }
0x2eb: {  	v7 =	vsub.f32 $1.500000000e+00, v7  }
0x2ec: {  	v8 =	vsub.f32 $1.500000000e+00, v8  }
0x2ed: {  	v7 =	vmul.f32 v7, v4  }
0x2ee: {  	v5 =	vmul.f32 v8, v5  }
0x2ef: {  	v8 =	vmul.f32 v7, v2  }
0x2f0: {  	v4 =	vmul.f32 $5.000000000e-01, v6;
	v9 =	vmul.f32 v5, v3  }
0x2f1: {  	v6 =	vpop (erf);
	v8 =	vmul.f32 v8, v7  }
0x2f2: {  	v10 =	vmul.f32 v6, v4;
	v9 =	vmul.f32 v9, v5  }
0x2f3: {  	v8 =	vsub.f32 $1.500000000e+00, v8  }
0x2f4: {  	v10 =	vmul.f32 v10, v6;
	v9 =	vsub.f32 $1.500000000e+00, v9  }
0x2f5: {  	v7 =	vmul.f32 v8, v7  }
0x2f6: {  	v8 =	vsub.f32 $1.500000000e+00, v10;
	v5 =	vmul.f32 v9, v5  }
0x2f7: {  	v9 =	vmul.f32 v7, v2  }
0x2f8: {  	v8 =	vmul.f32 v8, v6;
	v10 =	vmul.f32 v5, v3  }
0x2f9: {  	v9 =	vmul.f32 v9, v7  }
0x2fa: {  	v11 =	vmul.f32 v8, v4;
	v10 =	vmul.f32 v10, v5  }
0x2fb: {  	v9 =	vsub.f32 $1.500000000e+00, v9  }
0x2fc: {  	v11 =	vmul.f32 v11, v8;
	v10 =	vsub.f32 $1.500000000e+00, v10  }
0x2fd: {  	v7 =	vmul.f32 v9, v7  }
0x2fe: {  	v9 =	vsub.f32 $1.500000000e+00, v11;
	v5 =	vmul.f32 v10, v5  }
0x2ff: {  	v10 =	vmul.f32 v7, v2  }
0x300: {  	v8 =	vmul.f32 v9, v8;
	v9 =	vmul.f32 v5, v3  }
0x301: {  	v10 =	vmul.f32 v10, v7  }
0x302: {  	v11 =	vmul.f32 v8, v4;
	v9 =	vmul.f32 v9, v5  }
0x303: {  	v10 =	vsub.f32 $1.500000000e+00, v10  }
0x304: {  	v11 =	vmul.f32 v11, v8;
	v9 =	vsub.f32 $1.500000000e+00, v9  }
0x305: {  	v7 =	vmul.f32 v10, v7  }
0x306: {  	v10 =	vsub.f32 $1.500000000e+00, v11;
	v5 =	vmul.f32 v9, v5  }
0x307: {  	v9 =	vmul.f32 v7, v2  }
0x308: {  	v8 =	vmul.f32 v10, v8;
	v10 =	vmul.f32 v5, v3  }
0x309: {  	s17 =	simm.s32 $0x30;
	[tilespmem:s16+$0x27C0] =	vst v6;
	v9 =	vmul.f32 v9, v7  }
0x30a: {  	v11 =	vld [tilespmem:s17+$0x2480];
	v6 =	vmul.f32 v8, v4;
	v10 =	vmul.f32 v10, v5  }
0x30b: {  	v9 =	vsub.f32 $1.500000000e+00, v9  }
0x30c: {  	v6 =	vmul.f32 v6, v8;
	v10 =	vsub.f32 $1.500000000e+00, v10  }
0x30d: {  	v7 =	vmul.f32 v9, v7  }
0x30e: {  	v6 =	vsub.f32 $1.500000000e+00, v6;
	v5 =	vmul.f32 v10, v5  }
0x30f: {  	v10 =	vadd.f32 $1.000000000e+00, v11;
	v9 =	vmul.f32 v7, v2  }
0x310: {  	v6 =	vmul.f32 v6, v8;
	v8 =	vmul.f32 v5, v3  }
0x311: {  	(erf) = vrcp.f32 v10;
	v9 =	vmul.f32 v9, v7  }
0x312: {  	v11 =	vmul.f32 v6, v4;
	v8 =	vmul.f32 v8, v5  }
0x313: {  	v9 =	vsub.f32 $1.500000000e+00, v9  }
0x314: {  	v11 =	vmul.f32 v11, v6;
	v8 =	vsub.f32 $1.500000000e+00, v8  }
0x315: {  	v7 =	vmul.f32 v9, v7  }
0x316: {  	v9 =	vsub.f32 $1.500000000e+00, v11;
	v8 =	vmul.f32 v8, v5  }
0x317: {  	v5 =	vmul.f32 v7, v2  }
0x318: {  	v6 =	vmul.f32 v9, v6;
	v9 =	vmul.f32 v8, v3  }
0x319: {  	v11 =	vmul.f32 v5, v7;
	v5 =	vmul.f32 $5.000000000e-01, v10  }
0x31a: {  	v12 =	vpop (erf);
	v10 =	vmul.f32 v6, v4;
	v9 =	vmul.f32 v9, v8  }
0x31b: {  	v11 =	vsub.f32 $1.500000000e+00, v11;
	v13 =	vmul.f32 v12, v5  }
0x31c: {  	v10 =	vmul.f32 v10, v6;
	v9 =	vsub.f32 $1.500000000e+00, v9  }
0x31d: {  	v7 =	vmul.f32 v11, v7;
	v11 =	vmul.f32 v13, v12  }
0x31e: {  	v10 =	vsub.f32 $1.500000000e+00, v10;
	v8 =	vmul.f32 v9, v8  }
0x31f: {  	v9 =	vmul.f32 v7, v2;
	v11 =	vsub.f32 $1.500000000e+00, v11  }
0x320: {  	v6 =	vmul.f32 v10, v6;
	v10 =	vmul.f32 v8, v3  }
0x321: {  	v9 =	vmul.f32 v9, v7;
	v11 =	vmul.f32 v11, v12  }
0x322: {  	v13 =	vmul.f32 v6, v4;
	v10 =	vmul.f32 v10, v8  }
0x323: {  	v9 =	vsub.f32 $1.500000000e+00, v9;
	v14 =	vmul.f32 v11, v5  }
0x324: {  	v13 =	vmul.f32 v13, v6;
	v10 =	vsub.f32 $1.500000000e+00, v10  }
0x325: {  	v7 =	vmul.f32 v9, v7;
	v9 =	vmul.f32 v14, v11  }
0x326: {  	v13 =	vsub.f32 $1.500000000e+00, v13;
	v8 =	vmul.f32 v10, v8  }
0x327: {  	s18 =	simm.s32 $0x40;
	[tilespmem:s17+$0x27C0] =	vst v12;
	v10 =	vmul.f32 v7, v2;
	v9 =	vsub.f32 $1.500000000e+00, v9  }
0x328: {  	v12 =	vld [tilespmem:s18+$0x2480];
	v6 =	vmul.f32 v13, v6;
	v13 =	vmul.f32 v8, v3  }
0x329: {  	v10 =	vmul.f32 v10, v7;
	v9 =	vmul.f32 v9, v11  }
0x32a: {  	v11 =	vmul.f32 v6, v4;
	v13 =	vmul.f32 v13, v8  }
0x32b: {  	v10 =	vsub.f32 $1.500000000e+00, v10;
	v14 =	vmul.f32 v9, v5  }
0x32c: {  	v11 =	vmul.f32 v11, v6;
	v13 =	vsub.f32 $1.500000000e+00, v13  }
0x32d: {  	v7 =	vmul.f32 v10, v7;
	v10 =	vadd.f32 $1.000000000e+00, v12;
	v12 =	vmul.f32 v14, v9  }
0x32e: {  	v11 =	vsub.f32 $1.500000000e+00, v11;
	v8 =	vmul.f32 v13, v8  }
0x32f: {  	v13 =	vmul.f32 v7, v2;
	(erf) = vrcp.f32 v10;
	v12 =	vsub.f32 $1.500000000e+00, v12  }
0x330: {  	v11 =	vmul.f32 v11, v6;
	v6 =	vmul.f32 v8, v3  }
0x331: {  	v13 =	vmul.f32 v13, v7;
	v9 =	vmul.f32 v12, v9  }
0x332: {  	v12 =	vmul.f32 v11, v4;
	v6 =	vmul.f32 v6, v8  }
0x333: {  	v13 =	vsub.f32 $1.500000000e+00, v13;
	v14 =	vmul.f32 v9, v5  }
0x334: {  	v12 =	vmul.f32 v12, v11;
	v6 =	vsub.f32 $1.500000000e+00, v6  }
0x335: {  	v7 =	vmul.f32 v13, v7;
	v13 =	vmul.f32 v14, v9  }
0x336: {  	v12 =	vsub.f32 $1.500000000e+00, v12;
	v8 =	vmul.f32 v6, v8  }
0x337: {  	v6 =	vmul.f32 $5.000000000e-01, v10;
	v14 =	vmul.f32 v7, v2;
	v10 =	vsub.f32 $1.500000000e+00, v13  }
0x338: {  	v11 =	vmul.f32 v12, v11;
	v12 =	vmul.f32 v8, v3  }
0x339: {  	v13 =	vmul.f32 v14, v7;
	v9 =	vmul.f32 v10, v9  }
0x33a: {  	v10 =	vmul.f32 v11, v4  }
0x33b: {  	v12 =	vmul.f32 v12, v8;
	v14 =	vpop (erf);
	v13 =	vsub.f32 $1.500000000e+00, v13;
	v16 =	vmul.f32 v9, v5  }
0x33c: {  	v10 =	vmul.f32 v10, v11;
	v15 =	vmul.f32 v14, v6  }
0x33d: {  	v12 =	vsub.f32 $1.500000000e+00, v12;
	v7 =	vmul.f32 v13, v7  }
0x33e: {  	v10 =	vsub.f32 $1.500000000e+00, v10;
	v13 =	vmul.f32 v15, v14;
	v15 =	vmul.f32 v16, v9  }
0x33f: {  	v8 =	vmul.f32 v12, v8;
	v12 =	vmul.f32 v7, v2  }
0x340: {  	v10 =	vmul.f32 v10, v11;
	v15 =	vsub.f32 $1.500000000e+00, v15  }
0x341: {  	v11 =	vsub.f32 $1.500000000e+00, v13;
	v13 =	vmul.f32 v8, v3;
	v12 =	vmul.f32 v12, v7  }
0x342: {  	v9 =	vmul.f32 v15, v9;
	v15 =	vmul.f32 v10, v4  }
0x343: {  	v11 =	vmul.f32 v11, v14;
	v13 =	vmul.f32 v13, v8;
	v12 =	vsub.f32 $1.500000000e+00, v12  }
0x344: {  	v16 =	vmul.f32 v9, v5;
	v15 =	vmul.f32 v15, v10  }
0x345: {  	v13 =	vsub.f32 $1.500000000e+00, v13;
	v7 =	vmul.f32 v12, v7  }
0x346: {  	v12 =	vmul.f32 v11, v6;
	v16 =	vmul.f32 v16, v9;
	v15 =	vsub.f32 $1.500000000e+00, v15  }
0x347: {  	v8 =	vmul.f32 v13, v8;
	v13 =	vmul.f32 v7, v2  }
0x348: {  	v12 =	vmul.f32 v12, v11;
	v16 =	vsub.f32 $1.500000000e+00, v16;
	v10 =	vmul.f32 v15, v10  }
0x349: {  	v15 =	vmul.f32 v8, v3;
	v13 =	vmul.f32 v13, v7  }
0x34a: {  	v9 =	vmul.f32 v16, v9;
	v16 =	vmul.f32 v10, v4  }
0x34b: {  	v15 =	vmul.f32 v15, v8;
	v13 =	vsub.f32 $1.500000000e+00, v13  }
0x34c: {  	s21 =	simm.s32 $0x50;
	[tilespmem:s18+$0x27C0] =	vst v14;
	v12 =	vsub.f32 $1.500000000e+00, v12;
	v14 =	vmul.f32 v9, v5;
	v16 =	vmul.f32 v16, v10  }
0x34d: {  	v17 =	vld [tilespmem:s21+$0x2480];
	v15 =	vsub.f32 $1.500000000e+00, v15;
	v7 =	vmul.f32 v13, v7  }
0x34e: {  	v11 =	vmul.f32 v12, v11;
	v12 =	vmul.f32 v14, v9;
	v13 =	vsub.f32 $1.500000000e+00, v16  }
0x34f: {  	v8 =	vmul.f32 v15, v8;
	v14 =	vmul.f32 v7, v2  }
0x350: {  	v15 =	vmul.f32 v11, v6;
	v12 =	vsub.f32 $1.500000000e+00, v12;
	v10 =	vmul.f32 v13, v10  }
0x351: {  	v13 =	vmul.f32 v8, v3;
	v14 =	vmul.f32 v14, v7  }
0x352: {  	v16 =	vadd.f32 $1.000000000e+00, v17;
	v9 =	vmul.f32 v12, v9;
	v12 =	vmul.f32 v10, v4  }
0x353: {  	v15 =	vmul.f32 v15, v11;
	v13 =	vmul.f32 v13, v8;
	v14 =	vsub.f32 $1.500000000e+00, v14  }
0x354: {  	v17 =	vmul.f32 v9, v5;
	v12 =	vmul.f32 v12, v10  }
0x355: {  	(erf) = vrcp.f32 v16;
	v13 =	vsub.f32 $1.500000000e+00, v13;
	v18 =	vmul.f32 v14, v7  }
0x356: {  	v7 =	vsub.f32 $1.500000000e+00, v15;
	v15 =	vmul.f32 v17, v9;
	v12 =	vsub.f32 $1.500000000e+00, v12  }
0x357: {  	v19 =	vmul.f32 v13, v8;
	v8 =	vmul.f32 v18, v2  }
0x358: {  	v14 =	vmul.f32 v7, v11;
	v7 =	vsub.f32 $1.500000000e+00, v15;
	v10 =	vmul.f32 v12, v10  }
0x359: {  	v11 =	vmul.f32 v19, v3;
	v8 =	vmul.f32 v8, v18  }
0x35a: {  	v13 =	vmul.f32 v7, v9;
	v7 =	vmul.f32 v10, v4  }
0x35b: {  	v9 =	vmul.f32 v14, v6;
	v11 =	vmul.f32 v11, v19;
	v8 =	vsub.f32 $1.500000000e+00, v8  }
0x35c: {  	v12 =	vmul.f32 v13, v5;
	v20 =	vmul.f32 v7, v10  }
0x35d: {  	v7 =	vmul.f32 $5.000000000e-01, v16;
	v11 =	vsub.f32 $1.500000000e+00, v11;
	v8 =	vmul.f32 v8, v18  }
0x35e: {  	v16 =	vpop (erf);
	v17 =	vmul.f32 v9, v14;
	v15 =	vmul.f32 v12, v13;
	v12 =	vsub.f32 $1.500000000e+00, v20  }
0x35f: {  	s31 =	simm.s32 $0x180;
	[tilespmem:s21+$0x27C0] =	vst v16;
	v11 =	vmul.f32 v11, v19;
	v9 =	vmul.f32 v8, v2  }
.LBB2_8:
0x360: {  	p3 =	sne.s32 s31, $0x600;
	v18 =	vmul.f32 v16, v7;
	v15 =	vsub.f32 $1.500000000e+00, v15;
	v10 =	vmul.f32 v12, v10  }
0x361: {  	v12 =	vsub.f32 $1.500000000e+00, v17;
	v17 =	vmul.f32 v11, v3;
	v9 =	vmul.f32 v9, v8  }
0x362: {  	v13 =	vmul.f32 v15, v13;
	v15 =	vmul.f32 v10, v4  }
0x363: {  	v12 =	vmul.f32 v12, v14;
	v14 =	vmul.f32 v17, v11;
	v9 =	vsub.f32 $1.500000000e+00, v9  }
0x364: {  	v17 =	vmul.f32 v13, v5;
	v15 =	vmul.f32 v15, v10  }
0x365: {  	v18 =	vmul.f32 v18, v16;
	v14 =	vsub.f32 $1.500000000e+00, v14;
	v8 =	vmul.f32 v9, v8  }
0x366: {  	v9 =	vmul.f32 v12, v6;
	v17 =	vmul.f32 v17, v13;
	v15 =	vsub.f32 $1.500000000e+00, v15  }
0x367: {  	v18 =	vsub.f32 $1.500000000e+00, v18;
	v11 =	vmul.f32 v14, v11;
	v14 =	vmul.f32 v8, v2;
	v2 =	vmovc v3;
	v3 =	vmovc v4  }
0x368: {  	v9 =	vmul.f32 v9, v12;
	v4 =	vmovc v5;
	v5 =	vmovc v6;
	v17 =	vsub.f32 $1.500000000e+00, v17;
	v10 =	vmul.f32 v15, v10  }
0x369: {  	v6 =	vmov v7;
	v15 =	vmul.f32 v11, v2;
	v14 =	vmul.f32 v14, v8  }
0x36a: {  	v7 =	vmul.f32 v18, v16;
	v9 =	vsub.f32 $1.500000000e+00, v9;
	v13 =	vmul.f32 v17, v13  }
0x36b: {  	v16 =	vmul.f32 v10, v3;
	v15 =	vmul.f32 v15, v11;
	v14 =	vsub.f32 $1.500000000e+00, v14  }
0x36c: {  	v9 =	vmul.f32 v9, v12;
	v12 =	vmul.f32 v13, v4  }
0x36d: {  	v16 =	vmul.f32 v16, v10;
	v15 =	vsub.f32 $1.500000000e+00, v15;
	v8 =	vmul.f32 v14, v8  }
0x36e: {  	v14 =	vmul.f32 v9, v5;
	v12 =	vmul.f32 v12, v13  }
0x36f: {  	v16 =	vsub.f32 $1.500000000e+00, v16;
	v11 =	vmul.f32 v15, v11;
	[tilespmem:s15+$0x2620] =	vst v8;
	s15 =	smov.u32 s5;
	s5 =	smov.u32 s16;
	s16 =	smov.u32 s17  }
0x370: {  	v8 =	vmul.f32 v7, v6;
	v14 =	vmul.f32 v14, v9;
	s17 =	smov.u32 s18;
	s18 =	smov.u32 s21;
	v12 =	vsub.f32 $1.500000000e+00, v12  }
0x371: {  	v10 =	vmul.f32 v16, v10;
	v15 =	vmul.f32 v11, v2  }
0x372: {  	v8 =	vmul.f32 v8, v7;
	v14 =	vsub.f32 $1.500000000e+00, v14;
	v12 =	vmul.f32 v12, v13  }
0x373: {  	v13 =	vmul.f32 v10, v3;
	v15 =	vmul.f32 v15, v11  }
0x374: {  	v9 =	vmul.f32 v14, v9;
	v14 =	vmul.f32 v12, v4  }
0x375: {  	v13 =	vmul.f32 v13, v10;
	v15 =	vsub.f32 $1.500000000e+00, v15  }
0x376: {  	s21 =	sshra.s32 s31, $0x2;
	v8 =	vsub.f32 $1.500000000e+00, v8;
	v16 =	vmul.f32 v9, v5;
	v14 =	vmul.f32 v14, v12  }
0x377: {  	v13 =	vsub.f32 $1.500000000e+00, v13;
	v17 =	vld [tilespmem:s21+$0x2480];
	v11 =	vmul.f32 v15, v11  }
0x378: {  	v7 =	vmul.f32 v8, v7;
	v8 =	vmul.f32 v16, v9;
	v14 =	vsub.f32 $1.500000000e+00, v14  }
0x379: {  	v10 =	vmul.f32 v13, v10;
	v13 =	vmul.f32 v11, v2  }
0x37a: {  	v15 =	vmul.f32 v7, v6;
	v8 =	vsub.f32 $1.500000000e+00, v8;
	v12 =	vmul.f32 v14, v12  }
0x37b: {  	v14 =	vmul.f32 v10, v3;
	v13 =	vmul.f32 v13, v11  }
0x37c: {  	v8 =	vmul.f32 v8, v9;
	v16 =	vadd.f32 $1.000000000e+00, v17;
	v9 =	vmul.f32 v12, v4  }
0x37d: {  	v15 =	vmul.f32 v15, v7;
	v14 =	vmul.f32 v14, v10;
	v13 =	vsub.f32 $1.500000000e+00, v13  }
0x37e: {  	v17 =	vmul.f32 v8, v5;
	v9 =	vmul.f32 v9, v12  }
0x37f: {  	v14 =	vsub.f32 $1.500000000e+00, v14;
	(erf) = vrcp.f32 v16;
	v11 =	vmul.f32 v13, v11  }
0x380: {  	v13 =	vsub.f32 $1.500000000e+00, v15;
	v15 =	vmul.f32 v17, v8;
	v9 =	vsub.f32 $1.500000000e+00, v9  }
0x381: {  	v18 =	vmul.f32 v14, v10;
	v17 =	vmul.f32 v11, v2  }
0x382: {  	v14 =	vmul.f32 v13, v7;
	v7 =	vsub.f32 $1.500000000e+00, v15;
	v10 =	vmul.f32 v9, v12  }
0x383: {  	v9 =	vmul.f32 v18, v3;
	v12 =	vmul.f32 v17, v11  }
0x384: {  	v13 =	vmul.f32 v7, v8;
	v7 =	vmul.f32 v10, v4  }
.Ltmp8:
0x385: {  	v15 =	vmul.f32 v14, v6;
	v8 =	vmul.f32 v9, v18;
	v9 =	vsub.f32 $1.500000000e+00, v12;
	(pc) =	sbr.rel @p3 .LBB2_8-.Ltmp8, $4  }
0x386: {  	v12 =	vmul.f32 v13, v5;
	v19 =	vmul.f32 v7, v10  }
0x387: {  	v7 =	vmul.f32 $5.000000000e-01, v16;
	v20 =	vsub.f32 $1.500000000e+00, v8;
	v8 =	vmul.f32 v9, v11  }
0x388: {  	v17 =	vmul.f32 v15, v14;
	v15 =	vmul.f32 v12, v13;
	v16 =	vpop (erf);
	v12 =	vsub.f32 $1.500000000e+00, v19  }
0x389: {  	s31 =	sadd.s32 $0x40, s31;
	v11 =	vmul.f32 v20, v18;
	[tilespmem:s21+$0x27C0] =	vst v16;
	v9 =	vmul.f32 v8, v2  }
0x38a: {  	v18 =	vmul.f32 v16, v7;
	_ =	sdelay $0x1  }
0x38b: {  	v18 =	vmul.f32 v18, v16;
	_ =	sdelay $0x1  }
0x38c: {  	v18 =	vsub.f32 $1.500000000e+00, v18;
	_ =	sdelay $0x1  }
0x38d: {  	v31 =	vmul.f32 v18, v16;
	_ =	sdelay $0x1  }
0x38e: {  	v18 =	vmul.f32 v31, v7;
	_ =	sdelay $0x1  }
0x38f: {  	v18 =	vmul.f32 v18, v31;
	_ =	sdelay $0x1  }
0x390: {  	v18 =	vsub.f32 $1.500000000e+00, v18;
	_ =	sdelay $0x1  }
0x391: {  	v16 =	vmul.f32 v18, v31;
	_ =	sdelay $0x1  }
0x392: {  	v18 =	vmul.f32 v16, v7;
	_ =	sdelay $0x1  }
0x393: {  	v18 =	vmul.f32 v18, v16;
	_ =	sdelay $0x1  }
0x394: {  	v18 =	vsub.f32 $1.500000000e+00, v18;
	_ =	sdelay $0x1  }
0x395: {  	v16 =	vmul.f32 v18, v16;
	_ =	sdelay $0x1  }
0x396: {  	v18 =	vmul.f32 v16, v7;
	_ =	sdelay $0x1  }
0x397: {  	v18 =	vmul.f32 v18, v16  }
0x398: {  	v17 =	vsub.f32 $1.500000000e+00, v17  }
0x399: {  	v18 =	vsub.f32 $1.500000000e+00, v18  }
0x39a: {  	v14 =	vmul.f32 v17, v14  }
0x39b: {  	v16 =	vmul.f32 v18, v16  }
0x39c: {  	v17 =	vmul.f32 v14, v6  }
0x39d: {  	v18 =	vmul.f32 v16, v7  }
0x39e: {  	v17 =	vmul.f32 v17, v14  }
0x39f: {  	v18 =	vmul.f32 v18, v16  }
0x3a0: {  	v17 =	vsub.f32 $1.500000000e+00, v17  }
0x3a1: {  	v18 =	vsub.f32 $1.500000000e+00, v18  }
0x3a2: {  	v14 =	vmul.f32 v17, v14  }
0x3a3: {  	v16 =	vmul.f32 v18, v16  }
0x3a4: {  	v17 =	vmul.f32 v14, v6  }
0x3a5: {  	v18 =	vmul.f32 v16, v7  }
0x3a6: {  	v17 =	vmul.f32 v17, v14  }
0x3a7: {  	v18 =	vmul.f32 v18, v16  }
0x3a8: {  	v17 =	vsub.f32 $1.500000000e+00, v17  }
0x3a9: {  	v18 =	vsub.f32 $1.500000000e+00, v18  }
0x3aa: {  	v14 =	vmul.f32 v17, v14  }
0x3ab: {  	v16 =	vmul.f32 v18, v16  }
0x3ac: {  	v17 =	vmul.f32 v14, v6  }
0x3ad: {  	v18 =	vmul.f32 v16, v7  }
0x3ae: {  	v17 =	vmul.f32 v17, v14  }
0x3af: {  	v18 =	vmul.f32 v18, v16  }
0x3b0: {  	v17 =	vsub.f32 $1.500000000e+00, v17  }
0x3b1: {  	v18 =	vsub.f32 $1.500000000e+00, v18  }
0x3b2: {  	v14 =	vmul.f32 v17, v14  }
0x3b3: {  	v16 =	vmul.f32 v18, v16  }
0x3b4: {  	v17 =	vmul.f32 v14, v6  }
0x3b5: {  	v18 =	vmul.f32 v16, v7  }
0x3b6: {  	v17 =	vmul.f32 v17, v14  }
0x3b7: {  	v18 =	vmul.f32 v18, v16  }
0x3b8: {  	v17 =	vsub.f32 $1.500000000e+00, v17  }
0x3b9: {  	v18 =	vsub.f32 $1.500000000e+00, v18  }
0x3ba: {  	v14 =	vmul.f32 v17, v14  }
0x3bb: {  	v16 =	vmul.f32 v18, v16  }
0x3bc: {  	v17 =	vmul.f32 v14, v6  }
0x3bd: {  	v18 =	vmul.f32 v16, v7  }
0x3be: {  	v17 =	vmul.f32 v17, v14  }
0x3bf: {  	v15 =	vsub.f32 $1.500000000e+00, v15;
	v18 =	vmul.f32 v18, v16  }
0x3c0: {  	v17 =	vsub.f32 $1.500000000e+00, v17  }
0x3c1: {  	v13 =	vmul.f32 v15, v13;
	v32 =	vsub.f32 $1.500000000e+00, v18  }
0x3c2: {  	v14 =	vmul.f32 v17, v14  }
0x3c3: {  	v33 =	vmul.f32 v13, v5;
	v15 =	vmul.f32 v32, v16  }
0x3c4: {  	v34 =	vmul.f32 v14, v6  }
0x3c5: {  	v17 =	vmul.f32 v33, v13;
	v35 =	vmul.f32 v15, v7  }
0x3c6: {  	v16 =	vmul.f32 v34, v14  }
0x3c7: {  	v17 =	vsub.f32 $1.500000000e+00, v17;
	v18 =	vmul.f32 v35, v15  }
0x3c8: {  	v16 =	vsub.f32 $1.500000000e+00, v16  }
0x3c9: {  	v13 =	vmul.f32 v17, v13;
	v36 =	vsub.f32 $1.500000000e+00, v18  }
0x3ca: {  	v14 =	vmul.f32 v16, v14  }
0x3cb: {  	v37 =	vmul.f32 v13, v5;
	v15 =	vmul.f32 v36, v15  }
0x3cc: {  	v38 =	vmul.f32 v14, v6  }
0x3cd: {  	v16 =	vmul.f32 v37, v13;
	v39 =	vmul.f32 v15, v7  }
0x3ce: {  	v17 =	vmul.f32 v38, v14  }
0x3cf: {  	v16 =	vsub.f32 $1.500000000e+00, v16;
	v18 =	vmul.f32 v39, v15  }
0x3d0: {  	v17 =	vsub.f32 $1.500000000e+00, v17  }
0x3d1: {  	v13 =	vmul.f32 v16, v13;
	v40 =	vsub.f32 $1.500000000e+00, v18  }
0x3d2: {  	v14 =	vmul.f32 v17, v14  }
0x3d3: {  	v41 =	vmul.f32 v13, v5;
	v15 =	vmul.f32 v40, v15  }
0x3d4: {  	v42 =	vmul.f32 v14, v6  }
0x3d5: {  	v17 =	vmul.f32 v41, v13;
	v43 =	vmul.f32 v15, v7  }
0x3d6: {  	v16 =	vmul.f32 v42, v14  }
0x3d7: {  	v17 =	vsub.f32 $1.500000000e+00, v17;
	v18 =	vmul.f32 v43, v15  }
0x3d8: {  	v16 =	vsub.f32 $1.500000000e+00, v16  }
0x3d9: {  	v13 =	vmul.f32 v17, v13;
	v44 =	vsub.f32 $1.500000000e+00, v18  }
0x3da: {  	v14 =	vmul.f32 v16, v14  }
0x3db: {  	v45 =	vmul.f32 v13, v5;
	v15 =	vmul.f32 v44, v15  }
0x3dc: {  	v46 =	vmul.f32 v14, v6  }
0x3dd: {  	v16 =	vmul.f32 v45, v13;
	v47 =	vmul.f32 v15, v7  }
0x3de: {  	v17 =	vmul.f32 v46, v14  }
0x3df: {  	v16 =	vsub.f32 $1.500000000e+00, v16;
	v18 =	vmul.f32 v47, v15  }
0x3e0: {  	v17 =	vsub.f32 $1.500000000e+00, v17  }
0x3e1: {  	v13 =	vmul.f32 v16, v13;
	v48 =	vsub.f32 $1.500000000e+00, v18  }
0x3e2: {  	v14 =	vmul.f32 v17, v14  }
0x3e3: {  	v49 =	vmul.f32 v13, v5;
	v15 =	vmul.f32 v48, v15  }
0x3e4: {  	v10 =	vmul.f32 v12, v10;
	v50 =	vmul.f32 v14, v6  }
0x3e5: {  	v17 =	vmul.f32 v49, v13;
	v51 =	vmul.f32 v15, v7  }
0x3e6: {  	v53 =	vmul.f32 v11, v3;
	v52 =	vmul.f32 v50, v14  }
0x3e7: {  	v17 =	vsub.f32 $1.500000000e+00, v17;
	v18 =	vmul.f32 v51, v15  }
0x3e8: {  	v19 =	vmul.f32 v10, v4;
	v16 =	vmul.f32 v53, v11;
	v12 =	vsub.f32 $1.500000000e+00, v52  }
0x3e9: {  	v13 =	vmul.f32 v17, v13;
	v54 =	vsub.f32 $1.500000000e+00, v18  }
0x3ea: {  	v55 =	vmul.f32 v19, v10;
	v16 =	vsub.f32 $1.500000000e+00, v16;
	v12 =	vmul.f32 v12, v14  }
0x3eb: {  	v56 =	vmul.f32 v13, v5;
	v15 =	vmul.f32 v54, v15  }
0x3ec: {  	v59 =	vmul.f32 v16, v11;
	v57 =	vmul.f32 v12, v6  }
0x3ed: {  	v14 =	vmul.f32 v56, v13;
	v58 =	vmul.f32 v15, v7  }
0x3ee: {  	v18 =	vsub.f32 $1.500000000e+00, v55;
	v60 =	vmul.f32 v57, v12  }
0x3ef: {  	v62 =	vmul.f32 v59, v3;
	v14 =	vsub.f32 $1.500000000e+00, v14;
	v61 =	vmul.f32 v58, v15  }
0x3f0: {  	v10 =	vmul.f32 v18, v10;
	v16 =	vsub.f32 $1.500000000e+00, v60  }
0x3f1: {  	v21 =	vmul.f32 v62, v59;
	v13 =	vmul.f32 v14, v13;
	v20 =	vsub.f32 $1.500000000e+00, v61  }
0x3f2: {  	v63 =	vmul.f32 v10, v4;
	v12 =	vmul.f32 v16, v12  }
0x3f3: {  	v22 =	vmul.f32 v13, v5;
	v14 =	vmul.f32 v20, v15  }
0x3f4: {  	v23 =	vmul.f32 v63, v10;
	v24 =	vmul.f32 v12, v6  }
0x3f5: {  	v16 =	vmul.f32 v22, v13;
	v25 =	vmul.f32 v14, v7  }
0x3f6: {  	v15 =	vsub.f32 $1.500000000e+00, v23;
	v18 =	vmul.f32 v24, v12  }
0x3f7: {  	v17 =	vsub.f32 $1.500000000e+00, v21;
	v16 =	vsub.f32 $1.500000000e+00, v16;
	v19 =	vmul.f32 v25, v14  }
0x3f8: {  	v10 =	vmul.f32 v15, v10;
	v26 =	vsub.f32 $1.500000000e+00, v18  }
0x3f9: {  	v11 =	vmul.f32 v17, v59;
	v13 =	vmul.f32 v16, v13;
	v27 =	vsub.f32 $1.500000000e+00, v19  }
0x3fa: {  	v28 =	vmul.f32 v10, v4;
	v12 =	vmul.f32 v26, v12  }
0x3fb: {  	v29 =	vmul.f32 v13, v5;
	v14 =	vmul.f32 v27, v14  }
0x3fc: {  	v30 =	vmul.f32 v28, v10;
	v31 =	vmul.f32 v12, v6  }
0x3fd: {  	v15 =	vmul.f32 v29, v13;
	v32 =	vmul.f32 v14, v7  }
0x3fe: {  	v16 =	vsub.f32 $1.500000000e+00, v30;
	v17 =	vmul.f32 v31, v12  }
0x3ff: {  	v33 =	vmul.f32 v11, v3;
	v15 =	vsub.f32 $1.500000000e+00, v15;
	v18 =	vmul.f32 v32, v14  }
0x400: {  	v10 =	vmul.f32 v16, v10;
	v34 =	vsub.f32 $1.500000000e+00, v17  }
0x401: {  	v35 =	vmul.f32 v33, v11;
	v13 =	vmul.f32 v15, v13;
	v36 =	vsub.f32 $1.500000000e+00, v18  }
0x402: {  	v37 =	vmul.f32 v10, v4;
	v12 =	vmul.f32 v34, v12  }
0x403: {  	v38 =	vmul.f32 v13, v5;
	v14 =	vmul.f32 v36, v14  }
0x404: {  	v39 =	vmul.f32 v37, v10;
	v40 =	vmul.f32 v12, v6  }
0x405: {  	v16 =	vmul.f32 v38, v13;
	v41 =	vmul.f32 v14, v7  }
0x406: {  	v15 =	vsub.f32 $1.500000000e+00, v39;
	v18 =	vmul.f32 v40, v12  }
0x407: {  	v17 =	vsub.f32 $1.500000000e+00, v35;
	v16 =	vsub.f32 $1.500000000e+00, v16;
	v19 =	vmul.f32 v41, v14  }
0x408: {  	v10 =	vmul.f32 v15, v10;
	v42 =	vsub.f32 $1.500000000e+00, v18  }
0x409: {  	v11 =	vmul.f32 v17, v11;
	v13 =	vmul.f32 v16, v13;
	v43 =	vsub.f32 $1.500000000e+00, v19  }
0x40a: {  	v44 =	vmul.f32 v10, v4;
	v12 =	vmul.f32 v42, v12  }
0x40b: {  	v45 =	vmul.f32 v13, v5;
	v14 =	vmul.f32 v43, v14  }
0x40c: {  	v46 =	vmul.f32 v44, v10;
	v47 =	vmul.f32 v12, v6  }
0x40d: {  	v15 =	vmul.f32 v45, v13;
	v48 =	vmul.f32 v14, v7  }
0x40e: {  	v16 =	vsub.f32 $1.500000000e+00, v46;
	v17 =	vmul.f32 v47, v12  }
0x40f: {  	v49 =	vmul.f32 v11, v3;
	v15 =	vsub.f32 $1.500000000e+00, v15;
	v18 =	vmul.f32 v48, v14  }
0x410: {  	v10 =	vmul.f32 v16, v10;
	v50 =	vsub.f32 $1.500000000e+00, v17  }
0x411: {  	v51 =	vmul.f32 v49, v11;
	v13 =	vmul.f32 v15, v13;
	v52 =	vsub.f32 $1.500000000e+00, v18  }
0x412: {  	v53 =	vmul.f32 v10, v4;
	v12 =	vmul.f32 v50, v12  }
0x413: {  	v54 =	vmul.f32 v13, v5;
	v14 =	vmul.f32 v52, v14  }
0x414: {  	v55 =	vmul.f32 v53, v10;
	v56 =	vmul.f32 v12, v6  }
0x415: {  	v16 =	vmul.f32 v54, v13;
	v57 =	vmul.f32 v14, v7  }
0x416: {  	v15 =	vsub.f32 $1.500000000e+00, v55;
	v18 =	vmul.f32 v56, v12  }
0x417: {  	v17 =	vsub.f32 $1.500000000e+00, v51;
	v16 =	vsub.f32 $1.500000000e+00, v16;
	v19 =	vmul.f32 v57, v14  }
0x418: {  	v10 =	vmul.f32 v15, v10;
	v58 =	vsub.f32 $1.500000000e+00, v18  }
0x419: {  	v11 =	vmul.f32 v17, v11;
	v13 =	vmul.f32 v16, v13;
	v59 =	vsub.f32 $1.500000000e+00, v19  }
0x41a: {  	v60 =	vmul.f32 v10, v4;
	v12 =	vmul.f32 v58, v12  }
0x41b: {  	v61 =	vmul.f32 v13, v5;
	v14 =	vmul.f32 v59, v14  }
0x41c: {  	v62 =	vmul.f32 v60, v10;
	v63 =	vmul.f32 v12, v6  }
0x41d: {  	v15 =	vmul.f32 v61, v13;
	v21 =	vmul.f32 v14, v7  }
0x41e: {  	v16 =	vsub.f32 $1.500000000e+00, v62;
	v17 =	vmul.f32 v63, v12  }
0x41f: {  	v22 =	vmul.f32 v11, v3;
	v15 =	vsub.f32 $1.500000000e+00, v15;
	v18 =	vmul.f32 v21, v14  }
0x420: {  	v10 =	vmul.f32 v16, v10;
	v23 =	vsub.f32 $1.500000000e+00, v17  }
0x421: {  	v24 =	vmul.f32 v22, v11;
	v13 =	vmul.f32 v15, v13;
	v25 =	vsub.f32 $1.500000000e+00, v18  }
0x422: {  	v26 =	vmul.f32 v10, v4;
	v12 =	vmul.f32 v23, v12  }
0x423: {  	v27 =	vmul.f32 v13, v5;
	v14 =	vmul.f32 v25, v14  }
0x424: {  	v28 =	vmul.f32 v26, v10;
	v29 =	vmul.f32 v12, v6  }
0x425: {  	v16 =	vmul.f32 v27, v13;
	v30 =	vmul.f32 v14, v7  }
0x426: {  	v15 =	vsub.f32 $1.500000000e+00, v28;
	v18 =	vmul.f32 v29, v12  }
0x427: {  	v17 =	vsub.f32 $1.500000000e+00, v24;
	v16 =	vsub.f32 $1.500000000e+00, v16;
	v19 =	vmul.f32 v30, v14  }
0x428: {  	v10 =	vmul.f32 v15, v10;
	v31 =	vsub.f32 $1.500000000e+00, v18  }
0x429: {  	v11 =	vmul.f32 v17, v11;
	v13 =	vmul.f32 v16, v13;
	v32 =	vsub.f32 $1.500000000e+00, v19  }
0x42a: {  	v33 =	vmul.f32 v10, v4;
	v12 =	vmul.f32 v31, v12  }
0x42b: {  	v34 =	vmul.f32 v13, v5;
	v14 =	vmul.f32 v32, v14  }
0x42c: {  	v35 =	vmul.f32 v33, v10;
	v36 =	vmul.f32 v12, v6  }
0x42d: {  	v15 =	vmul.f32 v34, v13;
	v37 =	vmul.f32 v14, v7  }
0x42e: {  	v16 =	vsub.f32 $1.500000000e+00, v35;
	v17 =	vmul.f32 v36, v12  }
0x42f: {  	v38 =	vmul.f32 v11, v3;
	v15 =	vsub.f32 $1.500000000e+00, v15;
	v18 =	vmul.f32 v37, v14  }
0x430: {  	v9 =	vmul.f32 v9, v8;
	v10 =	vmul.f32 v16, v10;
	v39 =	vsub.f32 $1.500000000e+00, v17  }
0x431: {  	v40 =	vmul.f32 v38, v11;
	v13 =	vmul.f32 v15, v13;
	v41 =	vsub.f32 $1.500000000e+00, v18  }
0x432: {  	v42 =	vmul.f32 v10, v4;
	v12 =	vmul.f32 v39, v12  }
0x433: {  	v43 =	vmul.f32 v13, v5;
	v14 =	vmul.f32 v41, v14  }
0x434: {  	v44 =	vmul.f32 v42, v10;
	v45 =	vmul.f32 v12, v6  }
0x435: {  	v16 =	vmul.f32 v43, v13;
	v46 =	vmul.f32 v14, v7  }
0x436: {  	v9 =	vsub.f32 $1.500000000e+00, v9;
	v15 =	vsub.f32 $1.500000000e+00, v44;
	v18 =	vmul.f32 v45, v12  }
0x437: {  	v17 =	vsub.f32 $1.500000000e+00, v40;
	v16 =	vsub.f32 $1.500000000e+00, v16;
	v19 =	vmul.f32 v46, v14  }
0x438: {  	v47 =	vmul.f32 v9, v8;
	v48 =	vmul.f32 v15, v10;
	v49 =	vsub.f32 $1.500000000e+00, v18  }
0x439: {  	v11 =	vmul.f32 v17, v11;
	v13 =	vmul.f32 v16, v13;
	v50 =	vsub.f32 $1.500000000e+00, v19  }
0x43a: {  	v51 =	vmul.f32 v48, v4;
	v10 =	vmul.f32 v49, v12  }
0x43b: {  	v52 =	vmul.f32 v13, v5;
	v14 =	vmul.f32 v50, v14  }
0x43c: {  	v53 =	vmul.f32 v51, v48;
	v54 =	vmul.f32 v10, v6  }
0x43d: {  	v12 =	vmul.f32 v52, v13;
	v55 =	vmul.f32 v14, v7  }
0x43e: {  	v2 =	vmul.f32 v47, v2;
	v15 =	vsub.f32 $1.500000000e+00, v53;
	v16 =	vmul.f32 v54, v10  }
0x43f: {  	v3 =	vmul.f32 v11, v3;
	v12 =	vsub.f32 $1.500000000e+00, v12;
	v17 =	vmul.f32 v55, v14  }
0x440: {  	v2 =	vmul.f32 v2, v47;
	v9 =	vmul.f32 v15, v48;
	v56 =	vsub.f32 $1.500000000e+00, v16  }
0x441: {  	v3 =	vmul.f32 v3, v11;
	v12 =	vmul.f32 v12, v13;
	v57 =	vsub.f32 $1.500000000e+00, v17  }
0x442: {  	v58 =	vmul.f32 v9, v4;
	v10 =	vmul.f32 v56, v10  }
0x443: {  	v59 =	vmul.f32 v12, v5;
	v13 =	vmul.f32 v57, v14  }
0x444: {  	v2 =	vsub.f32 $1.500000000e+00, v2;
	v4 =	vmul.f32 v58, v9;
	v60 =	vmul.f32 v10, v6  }
0x445: {  	v3 =	vsub.f32 $1.500000000e+00, v3;
	v5 =	vmul.f32 v59, v12;
	v61 =	vmul.f32 v13, v7  }
0x446: {  	v2 =	vmul.f32 v2, v47;
	v4 =	vsub.f32 $1.500000000e+00, v4;
	v6 =	vmul.f32 v60, v10  }
0x447: {  	v3 =	vmul.f32 v3, v11;
	v5 =	vsub.f32 $1.500000000e+00, v5;
	v7 =	vmul.f32 v61, v13  }
0x448: {  	[tilespmem:s15+$0x2620] =	vst v2;
	v2 =	vmul.f32 v4, v9;
	v62 =	vsub.f32 $1.500000000e+00, v6  }
0x449: {  	[tilespmem:s5+$0x2620] =	vst v3;
	v3 =	vmul.f32 v5, v12;
	v63 =	vsub.f32 $1.500000000e+00, v7  }
0x44a: {  	[tilespmem:s16+$0x2620] =	vst v2;
	v2 =	vmul.f32 v62, v10  }
0x44b: {  	[tilespmem:s17+$0x2620] =	vst v3;
	v3 =	vmul.f32 v63, v13  }
0x44c: {  	[tilespmem:s18+$0x2620] =	vst v2  }
0x44d: {  	s5 =	simm.s32 $0x2620;
	[tilespmem:s21+$0x2620] =	vst v3  }
0x44e: {  	s15 =	simm.s32 $0x0;
	s16 =	simm.s32 $0x40;
	v2 =	vld [tilespmem:s5+$0x0]  }
.LBB2_10:
0x44f: {  	p3 =	sne.s32 s16, $0x63C0;
	s17 =	sshra.s32 s15, $0x2;
	s15 =	smov.u32 s16  }
0x450: {  	v3 =	vld [tilespmem:s17+$0x2950];
	_ =	sdelay $0x2  }
0x451: {  	v2 =	vperm.xlane v2, v1  }
.Ltmp9:
0x452: {  	(pc) =	sbr.rel @p3 .LBB2_10-.Ltmp9, $3  }
0x453: {  	v2 =	vmul.f32 v3, v2;
	_ =	sdelay $0x1  }
0x454: {  	s5 =	sadd.s32 $0x1, s5;
	[tilespmem:s17+$0x4250] =	vst v2  }
0x455: {  	s16 =	sadd.s32 $0x40, s16;
	v2 =	vld [tilespmem:s5+$0x0]  }
0x456: {  	s5 =	sshra.s32 s15, $0x2  }
0x457: {  	v3 =	vld [tilespmem:s5+$0x2950];
	_ =	sdelay $0x2  }
0x458: {  	v2 =	vperm.xlane v2, v1;
	_ =	sdelay $0x1  }
0x459: {  	v2 =	vmul.f32 v3, v2  }
0x45a: {  	s15 =	rddreg [dreg:$0x1c]  }
0x45b: {  	s16 =	simm.s32 $0x4250;
	s21 =	simm.s32 $0x4;
	[tilespmem:s5+$0x4250] =	vst v2;
	s5 =	sadd.s32 s12, s15  }
0x45c: {  	[hbm4b:s5+s3] =	stream.linear.scatter [tilespmem:s16], [sflag:$0x4], $0x1900, $0x38;
	[tilespmem:$0x1FA60] =	vst v63  }
0x45d: {  	_ =	swait.ge [sflag:s21], $0x1900  }
0x45e: {  	s17 =	sshrl.u32 s20, $0x3;
	[sflag:s21] =	ssyncset.done $0x0;
	s18 =	rddreg [dreg:$0xc]  }
0x45f: {  	s16 =	simm.s32 $0x2620;
	[sflag:s21] =	ssyncadd.s32 $0xFFFFE700;
	s15 =	sadd.s32 s18, s17  }
0x460: {  	[hbm4b:s15+s3] =	stream.linear.scatter [tilespmem:s16], [sflag:$0x4], $0x190, $0x38;
	[tilespmem:$0x1FA60] =	vst v63  }
0x461: {  	s31 =	simm.s32 $0x27C0;
	s19 =	sadd.s32 $0x1, s19;
	_ =	swait.ge [sflag:s21], $0x190  }
0x462: {  	p3 =	seq.s32 s19, $0x10;
	[sflag:s21] =	ssyncset.done $0x0;
	s20 =	rddreg [dreg:$0xd]  }
.Ltmp10:
0x463: {  	[sflag:s21] =	ssyncadd.s32 $0xFFFFFE70;
	s5 =	sadd.s32 s20, s17;
	(pc) =	sbr.rel @!p3 .LBB2_7-.Ltmp10, $4  }
0x464: {  	[hbm4b:s5+s3] =	stream.linear.scatter [tilespmem:s31], [sflag:$0x4], $0x190, $0x38;
	[tilespmem:$0x1FA60] =	vst v63  }
0x465: {  	_ =	swait.ge [sflag:s21], $0x190  }
0x466: {  	[sflag:s21] =	ssyncset.done $0x0  }
0x467: {  	[sflag:s21] =	ssyncadd.s32 $0xFFFFFE70  }
.LBB2_17:
0x468: {  	[bflag:$0x0] =	sbarrier.arrive $0xFFFF;
	s5 =	sadd.s32 $0x0, s14  }
0x469: {  	[tilespmem:s3], [sflag:$0x1] =	stream.linear.gather [hbm4b:s5+s3], $0x80, $0x38;
	[tilespmem:$0x1FA60] =	vst v63  }
0x46a: {  	s15 =	sadd.s32 $0x10, s5  }
0x46b: {  	[tilespmem:s8], [sflag:$0x1] =	stream.linear.gather [hbm4b:s15+s3], $0x80, $0x38;
	[tilespmem:$0x1FA60] =	vst v63  }
0x46c: {  	s18 =	sadd.s32 $0x20, s5  }
0x46d: {  	[tilespmem:s22], [sflag:$0x1] =	stream.linear.gather [hbm4b:s18+s3], $0x80, $0x38;
	[tilespmem:$0x1FA60] =	vst v63  }
0x46e: {  	s5 =	sadd.s32 $0x30, s5  }
0x46f: {  	[tilespmem:s23], [sflag:$0x1] =	stream.linear.gather [hbm4b:s5+s3], $0x80, $0x38;
	[tilespmem:$0x1FA60] =	vst v63  }
0x470: {  	_ =	swait.ge [sflag:s7], $0x80  }
0x471: {  	[sflag:s7] =	ssyncset.done $0x0  }
0x472: {  	[sflag:s7] =	ssyncadd.s32 $0xFFFFFF80  }
0x473: {  	_ =	swait.ge [sflag:s7], $0x80  }
0x474: {  	[sflag:s7] =	ssyncset.done $0x0  }
0x475: {  	[sflag:s7] =	ssyncadd.s32 $0xFFFFFF80  }
0x476: {  	_ =	swait.ge [sflag:s7], $0x80  }
0x477: {  	[sflag:s7] =	ssyncset.done $0x0  }
0x478: {  	[sflag:s7] =	ssyncadd.s32 $0xFFFFFF80  }
0x479: {  	_ =	swait.ge [sflag:s7], $0x80  }
0x47a: {  	[sflag:s7] =	ssyncset.done $0x0  }
0x47b: {  	[sflag:s7] =	ssyncadd.s32 $0xFFFFFF80  }
0x47c: {  	[tilespmem:s24], [sflag:$0x2] =	stream.indirect.gather [hbm4b:s12+s8], $0x10, s3, s8, $0xb8;
	[tilespmem:$0x1FA60] =	vst v63  }
0x47d: {  	_ = 	snop  }
0x47e: {  	[tilespmem:s26], [sflag:$0x2] =	stream.indirect.gather [hbm4b:s12+s8], $0x10, s8, s8, $0xb8;
	[tilespmem:$0x1FA60] =	vst v63  }
0x47f: {  	_ = 	snop  }
0x480: {  	[tilespmem:s28], [sflag:$0x2] =	stream.indirect.gather [hbm4b:s12+s8], $0x10, s22, s8, $0xb8;
	[tilespmem:$0x1FA60] =	vst v63  }
0x481: {  	_ = 	snop  }
0x482: {  	[tilespmem:s29], [sflag:$0x2] =	stream.indirect.gather [hbm4b:s12+s8], $0x10, s23, s8, $0xb8;
	[tilespmem:$0x1FA60] =	vst v63  }
0x483: {  	s19 =	sadd.s32 $0x0, s13  }
0x484: {  	[tilespmem:s0], [sflag:$0x1] =	stream.linear.gather [hbm4b:s19+s3], $0x80, $0x38;
	[tilespmem:$0x1FA60] =	vst v63  }
0x485: {  	s20 =	sadd.s32 $0x10, s19  }
0x486: {  	[tilespmem:s25], [sflag:$0x1] =	stream.linear.gather [hbm4b:s20+s3], $0x80, $0x38;
	[tilespmem:$0x1FA60] =	vst v63  }
0x487: {  	s31 =	sadd.s32 $0x20, s19  }
0x488: {  	[tilespmem:s4], [sflag:$0x1] =	stream.linear.gather [hbm4b:s31+s3], $0x80, $0x38;
	[tilespmem:$0x1FA60] =	vst v63  }
0x489: {  	s5 =	sadd.s32 $0x30, s19  }
0x48a: {  	[tilespmem:s6], [sflag:$0x1] =	stream.linear.gather [hbm4b:s5+s3], $0x80, $0x38;
	[tilespmem:$0x1FA60] =	vst v63  }
0x48b: {  	_ =	swait.ge [sflag:s7], $0x80  }
0x48c: {  	[sflag:s7] =	ssyncset.done $0x0  }
0x48d: {  	[sflag:s7] =	ssyncadd.s32 $0xFFFFFF80  }
0x48e: {  	_ =	swait.ge [sflag:s7], $0x80  }
0x48f: {  	[sflag:s7] =	ssyncset.done $0x0  }
0x490: {  	[sflag:s7] =	ssyncadd.s32 $0xFFFFFF80  }
0x491: {  	_ =	swait.ge [sflag:s7], $0x80  }
0x492: {  	[sflag:s7] =	ssyncset.done $0x0  }
0x493: {  	[sflag:s7] =	ssyncadd.s32 $0xFFFFFF80  }
0x494: {  	_ =	swait.ge [sflag:s7], $0x80  }
0x495: {  	[sflag:s7] =	ssyncset.done $0x0  }
0x496: {  	[sflag:s7] =	ssyncadd.s32 $0xFFFFFF80  }
0x497: {  	_ =	swait.ge [sflag:s10], $0x800  }
0x498: {  	[sflag:s10] =	ssyncset.done $0x0  }
0x499: {  	[sflag:s10] =	ssyncadd.s32 $0xFFFFF800  }
0x49a: {  	_ =	swait.ge [sflag:s10], $0x800  }
0x49b: {  	[sflag:s10] =	ssyncset.done $0x0  }
0x49c: {  	[sflag:s10] =	ssyncadd.s32 $0xFFFFF800  }
0x49d: {  	_ =	swait.ge [sflag:s10], $0x800  }
0x49e: {  	[sflag:s10] =	ssyncset.done $0x0  }
0x49f: {  	[sflag:s10] =	ssyncadd.s32 $0xFFFFF800  }
0x4a0: {  	_ =	swait.ge [sflag:s10], $0x800  }
0x4a1: {  	[sflag:s10] =	ssyncset.done $0x0  }
0x4a2: {  	[sflag:s10] =	ssyncadd.s32 $0xFFFFF800  }
0x4a3: {  	[spmem:s1] =	stream.indirect.scatter.add.f32 [tilespmem:s24], [sflag:$0x3], $0x10, s0, s8, $0xb8;
	[tilespmem:$0x1FA60] =	vst v63  }
0x4a4: {  	_ = 	snop  }
0x4a5: {  	[spmem:s1] =	stream.indirect.scatter.add.f32 [tilespmem:s26], [sflag:$0x3], $0x10, s25, s8, $0xb8;
	[tilespmem:$0x1FA60] =	vst v63  }
0x4a6: {  	_ = 	snop  }
0x4a7: {  	[spmem:s1] =	stream.indirect.scatter.add.f32 [tilespmem:s28], [sflag:$0x3], $0x10, s4, s8, $0xb8;
	[tilespmem:$0x1FA60] =	vst v63  }
0x4a8: {  	_ = 	snop  }
0x4a9: {  	[spmem:s1] =	stream.indirect.scatter.add.f32 [tilespmem:s29], [sflag:$0x3], $0x10, s6, s8, $0xb8;
	[tilespmem:$0x1FA60] =	vst v63  }
0x4aa: {  	_ =	swait.ge [sflag:s9], $0x800  }
0x4ab: {  	[sflag:s9] =	ssyncset.done $0x0  }
0x4ac: {  	[sflag:s9] =	ssyncadd.s32 $0xFFFFF800  }
0x4ad: {  	_ =	swait.ge [sflag:s9], $0x800  }
0x4ae: {  	[sflag:s9] =	ssyncset.done $0x0  }
0x4af: {  	[sflag:s9] =	ssyncadd.s32 $0xFFFFF800  }
0x4b0: {  	_ =	swait.ge [sflag:s9], $0x800  }
0x4b1: {  	[sflag:s9] =	ssyncset.done $0x0  }
0x4b2: {  	[sflag:s9] =	ssyncadd.s32 $0xFFFFF800  }
0x4b3: {  	_ =	swait.ge [sflag:s9], $0x800  }
0x4b4: {  	s16 =	simm.s32 $0x80;
	s5 =	simm.s32 $0x40;
	[sflag:s9] =	ssyncset.done $0x0  }
.LBB2_18:
0x4b5: {  	s17 =	sadd.s32 s5, s14  }
0x4b6: {  	[sflag:s9] =	ssyncadd.s32 $0xFFFFF800;
	s18 =	smov.u32 s16;
	s15 =	sadd.s32 $0x40, s16  }
0x4b7: {  	[tilespmem:s3], [sflag:$0x1] =	stream.linear.gather [hbm4b:s17+s3], $0x80, $0x38;
	[tilespmem:$0x1FA60] =	vst v63  }
0x4b8: {  	p3 =	sne.s32 s16, $0x3080;
	s16 =	sadd.s32 $0x10, s17  }
0x4b9: {  	[tilespmem:s8], [sflag:$0x1] =	stream.linear.gather [hbm4b:s16+s3], $0x80, $0x38;
	[tilespmem:$0x1FA60] =	vst v63  }
0x4ba: {  	s16 =	sadd.s32 $0x20, s17  }
0x4bb: {  	[tilespmem:s22], [sflag:$0x1] =	stream.linear.gather [hbm4b:s16+s3], $0x80, $0x38;
	[tilespmem:$0x1FA60] =	vst v63  }
0x4bc: {  	s16 =	sadd.s32 $0x30, s17  }
0x4bd: {  	[tilespmem:s23], [sflag:$0x1] =	stream.linear.gather [hbm4b:s16+s3], $0x80, $0x38;
	[tilespmem:$0x1FA60] =	vst v63  }
0x4be: {  	_ =	swait.ge [sflag:s7], $0x80  }
0x4bf: {  	[sflag:s7] =	ssyncset.done $0x0  }
0x4c0: {  	[sflag:s7] =	ssyncadd.s32 $0xFFFFFF80  }
0x4c1: {  	_ =	swait.ge [sflag:s7], $0x80  }
0x4c2: {  	[sflag:s7] =	ssyncset.done $0x0  }
0x4c3: {  	[sflag:s7] =	ssyncadd.s32 $0xFFFFFF80  }
0x4c4: {  	_ =	swait.ge [sflag:s7], $0x80  }
0x4c5: {  	[sflag:s7] =	ssyncset.done $0x0  }
0x4c6: {  	[sflag:s7] =	ssyncadd.s32 $0xFFFFFF80  }
0x4c7: {  	_ =	swait.ge [sflag:s7], $0x80  }
0x4c8: {  	[sflag:s7] =	ssyncset.done $0x0  }
0x4c9: {  	[sflag:s7] =	ssyncadd.s32 $0xFFFFFF80  }
0x4ca: {  	[tilespmem:s24], [sflag:$0x2] =	stream.indirect.gather [hbm4b:s12+s8], $0x10, s3, s8, $0xb8;
	[tilespmem:$0x1FA60] =	vst v63  }
0x4cb: {  	_ = 	snop  }
0x4cc: {  	[tilespmem:s26], [sflag:$0x2] =	stream.indirect.gather [hbm4b:s12+s8], $0x10, s8, s8, $0xb8;
	[tilespmem:$0x1FA60] =	vst v63  }
0x4cd: {  	_ = 	snop  }
0x4ce: {  	[tilespmem:s28], [sflag:$0x2] =	stream.indirect.gather [hbm4b:s12+s8], $0x10, s22, s8, $0xb8;
	[tilespmem:$0x1FA60] =	vst v63  }
0x4cf: {  	_ = 	snop  }
0x4d0: {  	[tilespmem:s29], [sflag:$0x2] =	stream.indirect.gather [hbm4b:s12+s8], $0x10, s23, s8, $0xb8;
	[tilespmem:$0x1FA60] =	vst v63  }
0x4d1: {  	s16 =	sadd.s32 s5, s13;
	s5 =	smov.u32 s18  }
0x4d2: {  	[tilespmem:s0], [sflag:$0x1] =	stream.linear.gather [hbm4b:s16+s3], $0x80, $0x38;
	[tilespmem:$0x1FA60] =	vst v63  }
0x4d3: {  	s17 =	sadd.s32 $0x10, s16  }
0x4d4: {  	[tilespmem:s25], [sflag:$0x1] =	stream.linear.gather [hbm4b:s17+s3], $0x80, $0x38;
	[tilespmem:$0x1FA60] =	vst v63  }
0x4d5: {  	s17 =	sadd.s32 $0x20, s16  }
0x4d6: {  	[tilespmem:s4], [sflag:$0x1] =	stream.linear.gather [hbm4b:s17+s3], $0x80, $0x38;
	[tilespmem:$0x1FA60] =	vst v63  }
0x4d7: {  	s16 =	sadd.s32 $0x30, s16  }
0x4d8: {  	[tilespmem:s6], [sflag:$0x1] =	stream.linear.gather [hbm4b:s16+s3], $0x80, $0x38;
	[tilespmem:$0x1FA60] =	vst v63  }
0x4d9: {  	_ =	swait.ge [sflag:s7], $0x80  }
0x4da: {  	[sflag:s7] =	ssyncset.done $0x0  }
0x4db: {  	[sflag:s7] =	ssyncadd.s32 $0xFFFFFF80  }
0x4dc: {  	_ =	swait.ge [sflag:s7], $0x80  }
0x4dd: {  	[sflag:s7] =	ssyncset.done $0x0  }
0x4de: {  	[sflag:s7] =	ssyncadd.s32 $0xFFFFFF80  }
0x4df: {  	_ =	swait.ge [sflag:s7], $0x80  }
0x4e0: {  	[sflag:s7] =	ssyncset.done $0x0  }
0x4e1: {  	[sflag:s7] =	ssyncadd.s32 $0xFFFFFF80  }
0x4e2: {  	_ =	swait.ge [sflag:s7], $0x80  }
0x4e3: {  	[sflag:s7] =	ssyncset.done $0x0  }
0x4e4: {  	[sflag:s7] =	ssyncadd.s32 $0xFFFFFF80  }
0x4e5: {  	_ =	swait.ge [sflag:s10], $0x800  }
0x4e6: {  	[sflag:s10] =	ssyncset.done $0x0  }
0x4e7: {  	[sflag:s10] =	ssyncadd.s32 $0xFFFFF800  }
0x4e8: {  	_ =	swait.ge [sflag:s10], $0x800  }
0x4e9: {  	[sflag:s10] =	ssyncset.done $0x0  }
0x4ea: {  	[sflag:s10] =	ssyncadd.s32 $0xFFFFF800  }
0x4eb: {  	_ =	swait.ge [sflag:s10], $0x800  }
0x4ec: {  	[sflag:s10] =	ssyncset.done $0x0  }
0x4ed: {  	[sflag:s10] =	ssyncadd.s32 $0xFFFFF800  }
0x4ee: {  	_ =	swait.ge [sflag:s10], $0x800  }
0x4ef: {  	[sflag:s10] =	ssyncset.done $0x0  }
0x4f0: {  	[sflag:s10] =	ssyncadd.s32 $0xFFFFF800  }
0x4f1: {  	[spmem:s1] =	stream.indirect.scatter.add.f32 [tilespmem:s24], [sflag:$0x3], $0x10, s0, s8, $0xb8;
	[tilespmem:$0x1FA60] =	vst v63  }
0x4f2: {  	_ = 	snop  }
0x4f3: {  	[spmem:s1] =	stream.indirect.scatter.add.f32 [tilespmem:s26], [sflag:$0x3], $0x10, s25, s8, $0xb8;
	[tilespmem:$0x1FA60] =	vst v63  }
0x4f4: {  	_ = 	snop  }
0x4f5: {  	[spmem:s1] =	stream.indirect.scatter.add.f32 [tilespmem:s28], [sflag:$0x3], $0x10, s4, s8, $0xb8;
	[tilespmem:$0x1FA60] =	vst v63  }
0x4f6: {  	_ = 	snop  }
0x4f7: {  	[spmem:s1] =	stream.indirect.scatter.add.f32 [tilespmem:s29], [sflag:$0x3], $0x10, s6, s8, $0xb8;
	[tilespmem:$0x1FA60] =	vst v63  }
0x4f8: {  	_ =	swait.ge [sflag:s9], $0x800  }
0x4f9: {  	[sflag:s9] =	ssyncset.done $0x0  }
0x4fa: {  	[sflag:s9] =	ssyncadd.s32 $0xFFFFF800  }
0x4fb: {  	_ =	swait.ge [sflag:s9], $0x800  }
0x4fc: {  	[sflag:s9] =	ssyncset.done $0x0  }
0x4fd: {  	[sflag:s9] =	ssyncadd.s32 $0xFFFFF800  }
.Ltmp11:
0x4fe: {  	_ =	swait.ge [sflag:s9], $0x800;
	(pc) =	sbr.rel @p3 .LBB2_18-.Ltmp11, $4  }
0x4ff: {  	[sflag:s9] =	ssyncset.done $0x0  }
0x500: {  	[sflag:s9] =	ssyncadd.s32 $0xFFFFF800  }
0x501: {  	_ =	swait.ge [sflag:s9], $0x800  }
0x502: {  	s16 =	smov.u32 s15;
	[sflag:s9] =	ssyncset.done $0x0  }
0x503: {  	s15 =	sadd.s32 s5, s14;
	[sflag:s9] =	ssyncadd.s32 $0xFFFFF800  }
0x504: {  	[tilespmem:s3], [sflag:$0x1] =	stream.linear.gather [hbm4b:s15+s3], $0x80, $0x38;
	[tilespmem:$0x1FA60] =	vst v63  }
0x505: {  	s16 =	sadd.s32 $0x10, s15  }
0x506: {  	[tilespmem:s8], [sflag:$0x1] =	stream.linear.gather [hbm4b:s16+s3], $0x80, $0x38;
	[tilespmem:$0x1FA60] =	vst v63  }
0x507: {  	s18 =	sadd.s32 $0x20, s15  }
0x508: {  	[tilespmem:s22], [sflag:$0x1] =	stream.linear.gather [hbm4b:s18+s3], $0x80, $0x38;
	[tilespmem:$0x1FA60] =	vst v63  }
0x509: {  	s15 =	sadd.s32 $0x30, s15  }
0x50a: {  	[tilespmem:s23], [sflag:$0x1] =	stream.linear.gather [hbm4b:s15+s3], $0x80, $0x38;
	[tilespmem:$0x1FA60] =	vst v63  }
0x50b: {  	_ =	swait.ge [sflag:s7], $0x80  }
0x50c: {  	[sflag:s7] =	ssyncset.done $0x0  }
0x50d: {  	[sflag:s7] =	ssyncadd.s32 $0xFFFFFF80  }
0x50e: {  	_ =	swait.ge [sflag:s7], $0x80  }
0x50f: {  	[sflag:s7] =	ssyncset.done $0x0  }
0x510: {  	[sflag:s7] =	ssyncadd.s32 $0xFFFFFF80  }
0x511: {  	_ =	swait.ge [sflag:s7], $0x80  }
0x512: {  	[sflag:s7] =	ssyncset.done $0x0  }
0x513: {  	[sflag:s7] =	ssyncadd.s32 $0xFFFFFF80  }
0x514: {  	_ =	swait.ge [sflag:s7], $0x80  }
0x515: {  	[sflag:s7] =	ssyncset.done $0x0  }
0x516: {  	[sflag:s7] =	ssyncadd.s32 $0xFFFFFF80  }
0x517: {  	[tilespmem:s24], [sflag:$0x2] =	stream.indirect.gather [hbm4b:s12+s8], $0x10, s3, s8, $0xb8;
	[tilespmem:$0x1FA60] =	vst v63  }
0x518: {  	_ = 	snop  }
0x519: {  	[tilespmem:s26], [sflag:$0x2] =	stream.indirect.gather [hbm4b:s12+s8], $0x10, s8, s8, $0xb8;
	[tilespmem:$0x1FA60] =	vst v63  }
0x51a: {  	_ = 	snop  }
0x51b: {  	[tilespmem:s28], [sflag:$0x2] =	stream.indirect.gather [hbm4b:s12+s8], $0x10, s22, s8, $0xb8;
	[tilespmem:$0x1FA60] =	vst v63  }
0x51c: {  	_ = 	snop  }
0x51d: {  	[tilespmem:s29], [sflag:$0x2] =	stream.indirect.gather [hbm4b:s12+s8], $0x10, s23, s8, $0xb8;
	[tilespmem:$0x1FA60] =	vst v63  }
0x51e: {  	s19 =	sadd.s32 s5, s13  }
0x51f: {  	[tilespmem:s0], [sflag:$0x1] =	stream.linear.gather [hbm4b:s19+s3], $0x80, $0x38;
	[tilespmem:$0x1FA60] =	vst v63  }
0x520: {  	s20 =	sadd.s32 $0x10, s19  }
0x521: {  	[tilespmem:s25], [sflag:$0x1] =	stream.linear.gather [hbm4b:s20+s3], $0x80, $0x38;
	[tilespmem:$0x1FA60] =	vst v63  }
0x522: {  	s31 =	sadd.s32 $0x20, s19  }
0x523: {  	[tilespmem:s4], [sflag:$0x1] =	stream.linear.gather [hbm4b:s31+s3], $0x80, $0x38;
	[tilespmem:$0x1FA60] =	vst v63  }
0x524: {  	s5 =	sadd.s32 $0x30, s19  }
0x525: {  	[tilespmem:s6], [sflag:$0x1] =	stream.linear.gather [hbm4b:s5+s3], $0x80, $0x38;
	[tilespmem:$0x1FA60] =	vst v63  }
0x526: {  	_ =	swait.ge [sflag:s7], $0x80  }
0x527: {  	[sflag:s7] =	ssyncset.done $0x0  }
0x528: {  	[sflag:s7] =	ssyncadd.s32 $0xFFFFFF80  }
0x529: {  	_ =	swait.ge [sflag:s7], $0x80  }
0x52a: {  	[sflag:s7] =	ssyncset.done $0x0  }
0x52b: {  	[sflag:s7] =	ssyncadd.s32 $0xFFFFFF80  }
0x52c: {  	_ =	swait.ge [sflag:s7], $0x80  }
0x52d: {  	[sflag:s7] =	ssyncset.done $0x0  }
0x52e: {  	[sflag:s7] =	ssyncadd.s32 $0xFFFFFF80  }
0x52f: {  	_ =	swait.ge [sflag:s7], $0x80  }
0x530: {  	[sflag:s7] =	ssyncset.done $0x0  }
0x531: {  	[sflag:s7] =	ssyncadd.s32 $0xFFFFFF80  }
0x532: {  	_ =	swait.ge [sflag:s10], $0x800  }
0x533: {  	[sflag:s10] =	ssyncset.done $0x0  }
0x534: {  	[sflag:s10] =	ssyncadd.s32 $0xFFFFF800  }
0x535: {  	_ =	swait.ge [sflag:s10], $0x800  }
0x536: {  	[sflag:s10] =	ssyncset.done $0x0  }
0x537: {  	[sflag:s10] =	ssyncadd.s32 $0xFFFFF800  }
0x538: {  	_ =	swait.ge [sflag:s10], $0x800  }
0x539: {  	[sflag:s10] =	ssyncset.done $0x0  }
0x53a: {  	[sflag:s10] =	ssyncadd.s32 $0xFFFFF800  }
0x53b: {  	_ =	swait.ge [sflag:s10], $0x800  }
0x53c: {  	[sflag:s10] =	ssyncset.done $0x0  }
0x53d: {  	[sflag:s10] =	ssyncadd.s32 $0xFFFFF800  }
0x53e: {  	[spmem:s1] =	stream.indirect.scatter.add.f32 [tilespmem:s24], [sflag:$0x3], $0x10, s0, s8, $0xb8;
	[tilespmem:$0x1FA60] =	vst v63  }
0x53f: {  	_ = 	snop  }
0x540: {  	[spmem:s1] =	stream.indirect.scatter.add.f32 [tilespmem:s26], [sflag:$0x3], $0x10, s25, s8, $0xb8;
	[tilespmem:$0x1FA60] =	vst v63  }
0x541: {  	_ = 	snop  }
0x542: {  	[spmem:s1] =	stream.indirect.scatter.add.f32 [tilespmem:s28], [sflag:$0x3], $0x10, s4, s8, $0xb8;
	[tilespmem:$0x1FA60] =	vst v63  }
0x543: {  	_ = 	snop  }
0x544: {  	[spmem:s1] =	stream.indirect.scatter.add.f32 [tilespmem:s29], [sflag:$0x3], $0x10, s6, s8, $0xb8;
	[tilespmem:$0x1FA60] =	vst v63  }
0x545: {  	_ =	swait.ge [sflag:s9], $0x800  }
0x546: {  	[sflag:s9] =	ssyncset.done $0x0  }
0x547: {  	[sflag:s9] =	ssyncadd.s32 $0xFFFFF800  }
0x548: {  	_ =	swait.ge [sflag:s9], $0x800  }
0x549: {  	[sflag:s9] =	ssyncset.done $0x0  }
0x54a: {  	[sflag:s9] =	ssyncadd.s32 $0xFFFFF800  }
0x54b: {  	_ =	swait.ge [sflag:s9], $0x800  }
0x54c: {  	[sflag:s9] =	ssyncset.done $0x0  }
0x54d: {  	[sflag:s9] =	ssyncadd.s32 $0xFFFFF800  }
0x54e: {  	_ =	swait.ge [sflag:s9], $0x800  }
0x54f: {  	[sflag:s9] =	ssyncset.done $0x0  }
0x550: {  	s15 =	rddreg [dreg:$0x7];
	[sflag:s9] =	ssyncadd.s32 $0xFFFFF800  }
0x551: {  	[tilespmem:s3], [sflag:$0x1] =	stream.linear.gather [hbm4b:s15+s3], $0x80, $0x38;
	[tilespmem:$0x1FA60] =	vst v63  }
0x552: {  	_ =	swait.ge [sflag:s7], $0x80  }
0x553: {  	[sflag:s7] =	ssyncset.done $0x0  }
0x554: {  	[sflag:s7] =	ssyncadd.s32 $0xFFFFFF80  }
0x555: {  	[tilespmem:s24], [sflag:$0x2] =	stream.indirect.gather [hbm4b:s12+s8], $0x10, s3, s8, $0xb8;
	[tilespmem:$0x1FA60] =	vst v63  }
0x556: {  	s16 =	rddreg [dreg:$0x8]  }
0x557: {  	[tilespmem:s0], [sflag:$0x1] =	stream.linear.gather [hbm4b:s16+s3], $0x80, $0x38;
	[tilespmem:$0x1FA60] =	vst v63  }
0x558: {  	_ =	swait.ge [sflag:s7], $0x80  }
0x559: {  	[sflag:s7] =	ssyncset.done $0x0  }
0x55a: {  	[sflag:s7] =	ssyncadd.s32 $0xFFFFFF80  }
0x55b: {  	_ =	swait.ge [sflag:s10], $0x800  }
0x55c: {  	[sflag:s10] =	ssyncset.done $0x0  }
0x55d: {  	[sflag:s10] =	ssyncadd.s32 $0xFFFFF800  }
0x55e: {  	[spmem:s1] =	stream.indirect.scatter.add.f32 [tilespmem:s24], [sflag:$0x3], $0x10, s0, s8, $0xb8;
	[tilespmem:$0x1FA60] =	vst v63  }
0x55f: {  	_ =	swait.ge [sflag:s9], $0x800  }
0x560: {  	[sflag:s9] =	ssyncset.done $0x0  }
0x561: {  	s5 =	simm.s32 @!p0 $0x0;
	s15 =	rddreg [dreg:$0x9];
	[sflag:s9] =	ssyncadd.s32 $0xFFFFF800  }
0x562: {  	[tilespmem:s5], [sflag:$0x1] =	stream.linear.gather @!p0 [hbm4b:s15+s5], $0x80, $0x38;
	[tilespmem:$0x1FA60] =	vst v63  }
0x563: {  	s15 =	simm.s32 @!p0 $0x1  }
0x564: {  	_ =	swait.ge @!p0 [sflag:s15], $0x80  }
0x565: {  	[sflag:s15] =	ssyncset.done @!p0 $0x0  }
0x566: {  	s17 =	simm.s32 @!p0 $0x400;
	s16 =	simm.s32 @!p0 $0x80;
	[sflag:s15] =	ssyncadd.s32 @!p0 $0xFFFFFF80  }
0x567: {  	[tilespmem:s17], [sflag:$0x2] =	stream.indirect.gather @!p0 [hbm4b:s12+s16], $0x10, s5, s16, $0xb8;
	[tilespmem:$0x1FA60] =	vst v63  }
0x568: {  	s18 =	simm.s32 @!p0 $0x200;
	s19 =	rddreg [dreg:$0xa]  }
0x569: {  	[tilespmem:s18], [sflag:$0x1] =	stream.linear.gather @!p0 [hbm4b:s19+s5], $0x80, $0x38;
	[tilespmem:$0x1FA60] =	vst v63  }
0x56a: {  	_ =	swait.ge @!p0 [sflag:s15], $0x80  }
0x56b: {  	[sflag:s15] =	ssyncset.done @!p0 $0x0  }
0x56c: {  	s5 =	simm.s32 @!p0 $0x2;
	[sflag:s15] =	ssyncadd.s32 @!p0 $0xFFFFFF80  }
0x56d: {  	_ =	swait.ge @!p0 [sflag:s5], $0x800  }
0x56e: {  	[sflag:s5] =	ssyncset.done @!p0 $0x0  }
0x56f: {  	[sflag:s5] =	ssyncadd.s32 @!p0 $0xFFFFF800;
	s5 =	simm.s32 @!p0 $0x3  }
0x570: {  	[spmem:s1] =	stream.indirect.scatter.add.f32 @!p0 [tilespmem:s17], [sflag:$0x3], $0x10, s18, s16, $0xb8;
	[tilespmem:$0x1FA60] =	vst v63  }
0x571: {  	_ =	swait.ge @!p0 [sflag:s5], $0x800  }
0x572: {  	[sflag:s5] =	ssyncset.done @!p0 $0x0  }
0x573: {  	[sflag:s5] =	ssyncadd.s32 @!p0 $0xFFFFF800  }
0x574: {  	[bflag:$0x0] =	sbarrier.arrive $0xFFFF  }
0x575: {  	s17 =	rddreg [dreg:$0xe]  }
0x576: {  	s18 =	rddreg [dreg:$0x1a]  }
0x577: {  	s19 =	rddreg [dreg:$0x1b]  }
0x578: {  	[hbm:s17], [sflag:s18] =	dma.local [spmem:s19], $0x30D4  }
0x579: {  	_ =	swait.ge [sflag:s21], $0x30D4  }
0x57a: {  	s20 =	rddreg [dreg:$0x19]  }
0x57b: {  	s31 =	rddreg [dreg:$0x16];
	s15 =	sadd.s32 $0x1, s20  }
0x57c: {  	p3 =	sne.s32 s15, s31  }
.Ltmp12:
0x57d: {  	_ = 	snop;
	(pc) =	sbr.rel @p3 .LBB2_1-.Ltmp12, $3  }
0x57e: {  	_ =	sdelay $0x1  }
0x57f: {  	[sflag:s21] =	ssyncset.done $0x0  }
0x580: {  	[sflag:s21] =	ssyncadd.s32 $0xFFFFCF2C  }
0x581: {  	_ =	sfence.sel $0x180000  }
0x582: {  	[bflag:$0x0] =	sbarrier.arrive $0xFFFF  }
0x583: {  	_ =	strace $0x90000047  }
0x584: {  	s0 =	stileid.u32;
	[bflag:$0x2] =	sbarrier.arrive $0xFFFF  }
0x585: {  	p0 =	sne.s32 s0, $0x0;
	s0 =	rddreg [dreg:$0x4]  }
0x586: {  	s0 =	sadd.s32 @!p0 $0x100000, s0  }
0x587: {  	[sflag:s0] =	ssyncadd.tile.s32 @!p0 $0x1;
	_ =	shalt  }
.Lfunc_end2:
_tile_overlayer_lowered:
.L_overlay_start_2:
0x588: {  	(tag) =	ssettag $0x2  }
0x589: {  	s0 =	rddreg [dreg:$0x0];
	s2 =	stileid.u32  }
0x58a: {  	s1 =	rddreg [dreg:$0x1];
	p0 =	sne.s32 s2, $0x0  }
0x58b: {  	s3 =	rddreg [dreg:$0x2];
	[bflag:$0x3] =	sbarrier.arrive $0xFFFF;
	s2 =	simm.s32 @!p0 $0x1C04  }
0x58c: {  	[timem:s3], [sflag:s2] =	dma.local @!p0 [hbm:s0], s1  }
0x58d: {  	s0 =	simm.s32 @!p0 $0x4  }
0x58e: {  	_ =	swait.ge @!p0 [sflag:s0], s1  }
0x58f: {  	s1 =	ssub.s32 @!p0 $0x0, s1;
	[sflag:s0] =	ssyncset.done @!p0 $0x0  }
0x590: {  	[sflag:s0] =	ssyncadd.s32 @!p0 s1  }
0x591: {  	[bflag:$0x3] =	sbarrier.arrive $0xFFFF  }
0x592: {  	_ =	shalt  }

// kernel: kernel.9.cloned.1.call-start
scs
__scs_entry_jumppad:
0x0: {  	(pc) =	sbr.rel $0x88, $3  }
0x1: {  	(tag) =	ssettag $0x0;
	lr =	simm.s32 $0x1  }
0x2: {  	[smem:$0x3F9B] =	sst lr;
	_ =	strace $0xD0000000  }
0x3: {  	_ = 	snop  }
0x4: {  	_ = 	snop  }
0x5: {  	_ = 	snop  }
0x6: {  	_ = 	snop  }
0x7: {  	_ = 	snop  }
__scs_overlays_trampoline_lowered:
0x8: {  	[smem:$0x3FAA] =	sst s0  }
0x9: {  	[smem:$0x3FAB] =	sst s1  }
0xa: {  	[smem:$0x3FAC] =	sst s2  }
0xb: {  	[smem:$0x3FAD] =	sst s3  }
0xc: {  	[smem:$0x3FAE] =	sst s4  }
0xd: {  	[smem:$0x3FAF] =	sst s5  }
0xe: {  	[smem:$0x3FB0] =	sst s6  }
0xf: {  	[smem:$0x3FB1] =	sst s7  }
0x10: {  	[smem:$0x3FB2] =	sst s8  }
0x11: {  	[smem:$0x3FB3] =	sst s9;
	s0 =	simm.s32 @!p0 $0x0  }
0x12: {  	s1 =	sld [smem:$0x3F99];
	s0 =	simm.s32 @p0 $0x1  }
0x13: {  	[smem:$0x3FB4] =	sst s0;
	s0 =	simm.s32 @!p1 $0x0  }
0x14: {  	s2 =	sld [smem:$0x3F98];
	s0 =	simm.s32 @p1 $0x1  }
0x15: {  	[smem:$0x3FB5] =	sst s0;
	s0 =	simm.s32 @!p2 $0x0  }
0x16: {  	s3 =	sld [smem:$0x3FDB];
	s0 =	simm.s32 @p2 $0x1  }
0x17: {  	s4 =	simm.s32 $0x1BF5;
	[smem:$0x3FB7] =	sst s0  }
0x18: {  	s0 =	sld [smem:$0x3F9A];
	_ =	swait.ge [sflag:s4], $0x0  }
0x19: {  	s7 =	sld [smem:$0x3F9B]  }
0x1a: {  	s8 =	sadd.s32 $0xFFFFE003, lr  }
0x1b: {  	s9 =	sadd.s32 $0xFFFFFEF7, lr;
	s5 =	simm.s32 $0xFFFFFFFF;
	p2 =	slt.u32 s8, $0xFFFFF086  }
0x1c: {  	p1 =	slt.u32 s9, $0xF7A;
	s5 =	simm.s32 @!p2 $0x0  }
0x1d: {  	s5 =	simm.s32 @p1 $0x1;
	p0 =	seq.s32 s7, s2  }
0x1e: {  	s7 =	smul.u32 @!p0 $0xF7A, s2;
	p2 =	seq.s32 @!p0 s5, $0x0  }
0x1f: {  	s9 =	smul.u32 $0xF7A, s1;
	s8 =	simm.s32 @!p0 $0x1BF5;
	p2 =	por !p2, p0  }
0x20: {  	[sflag:s8] =	ssyncset.s32 @!p0 $0xFFFFF086;
	s6 =	sadd.s32 @!p0 s3, s7;
	s7 =	simm.s32 @!p0 $0x108  }
0x21: {  	s3 =	sadd.s32 s3, s9;
	s6 =	sadd.s32 @!p0 $0x88, s6;
	s7 =	simm.s32 @p2 $0x1082  }
0x22: {  	[simem:s7], [sflag:s8] =	dma.local @!p0 [hbm:s6], $0xF7A  }
0x23: {  	s9 =	sor.u32 $0xD0000000, s2;
	s6 =	simm.s32 $0x108;
	_ =	swait.ge @!p0 [sflag:s8], $0x0  }
0x24: {  	s3 =	sadd.s32 $0x88, s3;
	s6 =	simm.s32 @!p1 $0x1082;
	[sflag:s4] =	ssyncset.s32 $0xFFFFF086  }
0x25: {  	[simem:s6], [sflag:s4] =	dma.local [hbm:s3], $0xF7A  }
0x26: {  	[smem:$0x3F9B] =	sst s1;
	(tag) =	ssettag s2;
	_ =	strace s9  }
0x27: {  	s1 =	sld [smem:$0x3FAB]  }
0x28: {  	s2 =	sld [smem:$0x3FAC]  }
0x29: {  	s4 =	sld [smem:$0x3FAE]  }
0x2a: {  	p0 =	seq.s32 s5, $0x0;
	s5 =	sld [smem:$0x3FAF]  }
0x2b: {  	s6 =	sld [smem:$0x3FB0]  }
0x2c: {  	s7 =	sld [smem:$0x3FB1]  }
0x2d: {  	s3 =	simm.s32 $0x108;
	s8 =	sld [smem:$0x3FB2]  }
0x2e: {  	s3 =	simm.s32 @!p0 $0x1082;
	s9 =	sld [smem:$0x3FB3]  }
0x2f: {  	lr =	sadd.s32 s0, s3;
	s0 =	sld [smem:$0x3FAA]  }
0x30: {  	s3 =	sld [smem:$0x3FAD]  }
0x31: {  	[smem:$0x3FB6] =	sst s10  }
0x32: {  	s10 =	sld [smem:$0x3FB4];
	_ =	sdelay $0x3  }
0x33: {  	p0 =	seq.s32 s10, $0x1;
	s10 =	sld [smem:$0x3FB6];
	_ =	sdelay $0x3  }
0x34: {  	[smem:$0x3FB6] =	sst s10  }
0x35: {  	s10 =	sld [smem:$0x3FB5];
	_ =	sdelay $0x3  }
0x36: {  	p1 =	seq.s32 s10, $0x1;
	s10 =	sld [smem:$0x3FB6];
	_ =	sdelay $0x3  }
0x37: {  	[smem:$0x3FB6] =	sst s10  }
0x38: {  	s10 =	sld [smem:$0x3FB7]  }
0x39: {  	_ = 	snop;
	(pc) =	sbr.ind lr, $3  }
0x3a: {  	_ = 	snop  }
0x3b: {  	_ = 	snop  }
0x3c: {  	p2 =	seq.s32 s10, $0x1;
	s10 =	sld [smem:$0x3FB6]  }
0x3d: {  	_ =	shalt  }
0x3e: {  	_ =	shalt  }
0x3f: {  	_ =	shalt  }
0x40: {  	_ =	shalt  }
0x41: {  	_ =	shalt  }
0x42: {  	_ =	shalt  }
0x43: {  	_ =	shalt  }
0x44: {  	_ =	shalt  }
0x45: {  	_ =	shalt  }
0x46: {  	_ =	shalt  }
0x47: {  	_ =	shalt  }
0x48: {  	_ =	shalt  }
0x49: {  	_ =	shalt  }
0x4a: {  	_ =	shalt  }
0x4b: {  	_ =	shalt  }
0x4c: {  	_ =	shalt  }
0x4d: {  	_ =	shalt  }
0x4e: {  	_ =	shalt  }
0x4f: {  	_ =	shalt  }
0x50: {  	_ =	shalt  }
0x51: {  	_ =	shalt  }
0x52: {  	_ =	shalt  }
0x53: {  	_ =	shalt  }
0x54: {  	_ =	shalt  }
0x55: {  	_ =	shalt  }
0x56: {  	_ =	shalt  }
0x57: {  	_ =	shalt  }
0x58: {  	_ =	shalt  }
0x59: {  	_ =	shalt  }
0x5a: {  	_ =	shalt  }
0x5b: {  	_ =	shalt  }
0x5c: {  	_ =	shalt  }
0x5d: {  	_ =	shalt  }
0x5e: {  	_ =	shalt  }
0x5f: {  	_ =	shalt  }
0x60: {  	_ =	shalt  }
0x61: {  	_ =	shalt  }
0x62: {  	_ =	shalt  }
0x63: {  	_ =	shalt  }
0x64: {  	_ =	shalt  }
0x65: {  	_ =	shalt  }
0x66: {  	_ =	shalt  }
0x67: {  	_ =	shalt  }
0x68: {  	_ =	shalt  }
0x69: {  	_ =	shalt  }
0x6a: {  	_ =	shalt  }
0x6b: {  	_ =	shalt  }
0x6c: {  	_ =	shalt  }
0x6d: {  	_ =	shalt  }
0x6e: {  	_ =	shalt  }
0x6f: {  	_ =	shalt  }
0x70: {  	_ =	shalt  }
0x71: {  	_ =	shalt  }
0x72: {  	_ =	shalt  }
0x73: {  	_ =	shalt  }
0x74: {  	_ =	shalt  }
0x75: {  	_ =	shalt  }
0x76: {  	_ =	shalt  }
0x77: {  	_ =	shalt  }
0x78: {  	_ =	shalt  }
0x79: {  	_ =	shalt  }
0x7a: {  	_ =	shalt  }
0x7b: {  	_ =	shalt  }
0x7c: {  	_ =	shalt  }
0x7d: {  	_ =	shalt  }
0x7e: {  	_ =	shalt  }
0x7f: {  	_ =	shalt  }
0x80: {  	_ =	shalt  }
0x81: {  	_ =	shalt  }
0x82: {  	_ =	shalt  }
0x83: {  	_ =	shalt  }
0x84: {  	_ =	shalt  }
0x85: {  	_ =	shalt  }
0x86: {  	_ =	shalt  }
0x87: {  	_ =	shalt  }
.Lfunc_end0:
.L_simem_size_0:
called_computation.1_lowered:
.L_overlay_start_0:
0x88: {  	s2 =	sld [smem:$0x3FD9]  }
0x89: {  	s3 =	sld [smem:$0x3FFE];
	_ =	sdelay $0x1  }
0x8a: {  	s1 =	srdreg.scid  }
0x8b: {  	s0 =	sand.u32 $0x1, s1  }
0x8c: {  	s16 =	sshll.u32 s0, $0xA;
	s2 =	sadd.s32 s3, s2  }
0x8d: {  	s2 =	sadd.s32 s2, s16  }
0x8e: {  	[smem:$0x3FC2] =	sst s2  }
0x8f: {  	_ = 	snop  }
0x90: {  	(tm) =	ssettm $0x1  }
0x91: {  	s17 =	sld [smem:$0x3FFB];
	_ =	sdelay $0x3  }
0x92: {  	_ =	strace s17  }
0x93: {  	s2 =	sld [smem:$0x3FFC];
	_ =	sdelay $0x3  }
0x94: {  	_ =	strace s2  }
0x95: {  	s2 =	sld [smem:$0x3FFD];
	_ =	sdelay $0x3  }
0x96: {  	_ =	strace s2  }
0x97: {  	_ =	strace $0x8FFFFFFF  }
0x98: {  	s18 =	sld [smem:$0x3FDB];
	_ =	sdelay $0x1  }
0x99: {  	s19 =	simm.s32 $_scs_section_size  }
0x9a: {  	s4 =	simm.s32 $_size__tile_overlayer_lowered;
	s5 =	simm.s32 $_tile_overlayer_lowered  }
0x9b: {  	s22 =	simm.s32 $0x1BFF;
	s21 =	sshll.u32 s5, $0x1;
	s2 =	sadd.s32 s19, s18  }
0x9c: {  	s6 =	simm.s32 $0x0;
	s20 =	sshll.u32 s4, $0x1;
	s4 =	sadd.s32 s21, s2  }
0x9d: {  	[timem:s6], [sflag:s22] =	dma.local [hbm:s4], s20  }
0x9e: {  	_ =	swait.ge [sflag:s22], s20  }
0x9f: {  	s3 =	ssub.s32 $0x0, s20;
	[sflag:s22] =	ssyncset.done $0x0  }
0xa0: {  	[sflag:s22] =	ssyncadd.s32 s3;
	_ =	sdelay $0x1  }
0xa1: {  	s23 =	simm.s32 $0x1B8B  }
0xa2: {  	_ =	swait.ge [sflag:s23], $0x1  }
0xa3: {  	[sflag:s23] =	ssyncset.done $0x0  }
0xa4: {  	s25 =	simm.s32 $0x1B8E;
	s24 =	sld [smem:$0x3FFE];
	[sflag:s23] =	ssyncadd.s32 $0xFFFFFFFF  }
0xa5: {  	s26 =	simm.s32 $execute0_lowered;
	[smem:$0x3FD2] =	sst s25  }
0xa6: {  	s4 =	sshll.u32 s26, $0x1;
	_ =	strace $0x80000049;
	[dreg:$0x1] =	wrdreg $0xFFFFFFFF  }
0xa7: {  	s28 =	simm.s32 $_size_execute0_lowered;
	s2 =	sadd.s32 s2, s4;
	[dreg:$0x0] =	wrdreg $0x0  }
0xa8: {  	s4 =	sshll.u32 s28, $0x1;
	[dreg:$0x2] =	wrdreg s2  }
0xa9: {  	[dreg:$0x3] =	wrdreg s4  }
0xaa: {  	[dreg:$0x4] =	wrdreg $0xC0  }
0xab: {  	_ =	task [dreg:s6], $0x5FFFF  }
0xac: {  	[dreg:$0x1] =	wrdreg $0xFFFFFFFF  }
0xad: {  	[dreg:$0x0] =	wrdreg $0x60  }
0xae: {  	[dreg:$0x2] =	wrdreg s24  }
0xaf: {  	[dreg:$0x3] =	wrdreg $0x63000  }
0xb0: {  	[dreg:$0x4] =	wrdreg $0x9  }
0xb1: {  	_ =	task.clear_ibuf [dreg:s6], $0x5FFFF;
	_ =	strace $0x90000049  }
0xb2: {  	s29 =	simm.s32 $0x9;
	_ =	strace $0x8000004B  }
0xb3: {  	_ =	swait.ge [sflag:s29], $0x1  }
0xb4: {  	[sflag:s29] =	ssyncadd.s32 $0xFFFFFFFF  }
0xb5: {  	_ =	strace $0x9000004B  }
0xb6: {  	_ =	sfence  }
0xb7: {  	s30 =	sld [smem:$0x0];
	_ =	sdelay $0x2  }
0xb8: {  	s31 =	sshll.u32 s1, $0xD;
	s1 =	sshrl.u32 s1, $0x2  }
0xb9: {  	s3 =	sand.u32 $0x4000, s31;
	s1 =	sadd.s32 s1, s30  }
0xba: {  	s0 =	sor.u32 s3, s0;
	s1 =	sshll.u32 s1, $0x11  }
0xbb: {  	s0 =	sor.u32 s1, s0  }
0xbc: {  	s0 =	sadd.s32 $0x8F2B, s0  }
0xbd: {  	[sflag:s0] =	ssyncadd.remote.s32 $0x1  }
0xbe: {  	_ =	sfence.sel $0xFFFF  }
0xbf: {  	[dreg:$0x0] =	wrdreg $0xFFFFFFFF;
	(pc) =	sbr.abs _section_cstart, $3  }
0xc0: {  	[dreg:$0x1] =	wrdreg $0xFFFFFFFF  }
0xc1: {  	_ =	task.clear_ibuf [dreg:s6], $0x2FFFF;
	_ =	strace $0x9FFFFFFF  }
0xc2: {  	(tm) =	ssettm $0x7FFFFFFF  }
0xc3: {  	_ =	shalt  }
tec
execute0_lowered:
.L_overlay_start_1:
0x0: {  	(tag) =	ssettag $0x1  }
0x1: {  	s0 =	rddreg [dreg:$0x0]  }
0x2: {  	s2 =	rddreg [dreg:$0x1];
	s3 =	simm.s32 $0x0;
	s13 =	stileid.u32  }
0x3: {  	s4 =	srdreg.scid;
	s22 =	simm.s32 $0x1;
	s18 =	simm.s32 $0x2  }
0x4: {  	[smem:$0x7FF] =	sst s3;
	s1 =	smul.u32 $0x186A0, s13;
	s5 =	sadd.s32 $0x63A00, s0  }
0x5: {  	s6 =	sand.u32 $0x1, s4;
	s7 =	sadd.s32 $0x1E00, s0;
	s4 =	sadd.s32 $0xC5600, s0  }
0x6: {  	s25 =	sshll.u32 s13, $0x4;
	s26 =	sshll.u32 s13, $0x6;
	_ =	strace $0x8000004A  }
0x7: {  	s9 =	smul.u32 $0x30D40, s6;
	s11 =	ssub.s32 $0x2, s6;
	s12 =	sshll.u32 s6, $0x4  }
0x8: {  	s6 =	smul.u32 $0x30D00, s6;
	s21 =	sor.u32 $0x1C04, s26;
	s8 =	sshrl.u32 s1, $0x3  }
0x9: {  	s23 =	sshrl.u32 s11, $0x1;
	s24 =	sor.u32 s13, s12;
	s1 =	sadd.s32 s1, s2  }
0xa: {  	s13 =	smul.u32 $0x30D0, s13;
	[dreg:$0x6] =	wrdreg s21;
	s10 =	sadd.s32 s8, s0  }
0xb: {  	s0 =	sadd.s32 s9, s0;
	s9 =	ssub.s32 s11, s23;
	s23 =	sshrl.u32 s1, $0x3  }
0xc: {  	s29 =	sadd.s32 s6, s7;
	s10 =	sadd.s32 $0x27D000, s10;
	[dreg:$0xa] =	wrdreg s23  }
0xd: {  	s19 =	simm.s32 $0x3;
	s30 =	sadd.s32 s13, s29;
	[dreg:$0x5] =	wrdreg s10  }
0xe: {  	s0 =	sadd.s32 $0xF6400, s0;
	s31 =	smax.u32 s9, $0x1;
	[dreg:$0x3] =	wrdreg s30  }
0xf: {  	s10 =	sor.u32 $0x61A00, s25;
	[dreg:$0x9] =	wrdreg s31;
	s0 =	sadd.s32 s8, s0  }
0x10: {  	s12 =	simm.s32 $0x80;
	s28 =	sadd.s32 s5, s10;
	[dreg:$0xb] =	wrdreg s0  }
0x11: {  	s7 =	sadd.s32 s7, s10;
	s5 =	sadd.s32 s6, s5;
	[dreg:$0x7] =	wrdreg s28  }
0x12: {  	p0 =	sgt.u32 s24, $0x7;
	[dreg:$0x8] =	wrdreg s7;
	s5 =	sadd.s32 s13, s5  }
0x13: {  	s25 =	simm.s32 $0x4;
	s0 =	simm.s32 $0x0;
	[dreg:$0x4] =	wrdreg s5  }
.LBB2_1:
0x14: {  	[dreg:$0xc] =	wrdreg s0  }
0x15: {  	s20 =	rddreg [dreg:$0x5]  }
0x16: {  	[spmem:s23], [sflag:s21] =	dma.local [hbm:s20], $0x30D4  }
0x17: {  	_ =	swait.ge [sflag:s25], $0x30D4  }
0x18: {  	[sflag:s25] =	ssyncset.done $0x0  }
0x19: {  	[sflag:s25] =	ssyncadd.s32 $0xFFFFCF2C  }
0x1a: {  	[bflag:$0x0] =	sbarrier.arrive $0xFFFF  }
0x1b: {  	s7 =	rddreg [dreg:$0x4]  }
0x1c: {  	s20 =	sadd.s32 $0x0, s7  }
0x1d: {  	[tilespmem:s3], [sflag:$0x1] =	stream.linear.gather [hbm4b:s20+s3], $0x80, $0x38;
	[tilespmem:$0x1E9A0] =	vst v63  }
0x1e: {  	s8 =	sadd.s32 $0x10, s20  }
0x1f: {  	[tilespmem:s12], [sflag:$0x1] =	stream.linear.gather [hbm4b:s8+s3], $0x80, $0x38;
	[tilespmem:$0x1E9A0] =	vst v63  }
0x20: {  	s10 =	simm.s32 $0x100;
	s9 =	sadd.s32 $0x20, s20  }
0x21: {  	[tilespmem:s10], [sflag:$0x1] =	stream.linear.gather [hbm4b:s9+s3], $0x80, $0x38;
	[tilespmem:$0x1E9A0] =	vst v63  }
0x22: {  	s13 =	simm.s32 $0x180;
	s11 =	sadd.s32 $0x30, s20  }
0x23: {  	[tilespmem:s13], [sflag:$0x1] =	stream.linear.gather [hbm4b:s11+s3], $0x80, $0x38;
	[tilespmem:$0x1E9A0] =	vst v63  }
0x24: {  	s26 =	simm.s32 $0x200;
	s14 =	sadd.s32 $0x40, s20  }
0x25: {  	[tilespmem:s26], [sflag:$0x1] =	stream.linear.gather [hbm4b:s14+s3], $0x80, $0x38;
	[tilespmem:$0x1E9A0] =	vst v63  }
0x26: {  	s28 =	simm.s32 $0x280;
	s15 =	sadd.s32 $0x50, s20  }
0x27: {  	[tilespmem:s28], [sflag:$0x1] =	stream.linear.gather [hbm4b:s15+s3], $0x80, $0x38;
	[tilespmem:$0x1E9A0] =	vst v63  }
0x28: {  	s17 =	simm.s32 $0x300;
	s16 =	sadd.s32 $0x60, s20  }
0x29: {  	[tilespmem:s17], [sflag:$0x1] =	stream.linear.gather [hbm4b:s16+s3], $0x80, $0x38;
	[tilespmem:$0x1E9A0] =	vst v63  }
0x2a: {  	s1 =	simm.s32 $0x380;
	s29 =	sadd.s32 $0x70, s20  }
0x2b: {  	[tilespmem:s1], [sflag:$0x1] =	stream.linear.gather [hbm4b:s29+s3], $0x80, $0x38;
	[tilespmem:$0x1E9A0] =	vst v63  }
0x2c: {  	s5 =	simm.s32 $0x400;
	s30 =	sadd.s32 $0x80, s20  }
0x2d: {  	[tilespmem:s5], [sflag:$0x1] =	stream.linear.gather [hbm4b:s30+s3], $0x80, $0x38;
	[tilespmem:$0x1E9A0] =	vst v63  }
0x2e: {  	s7 =	simm.s32 $0x480;
	s31 =	sadd.s32 $0x90, s20  }
0x2f: {  	[tilespmem:s7], [sflag:$0x1] =	stream.linear.gather [hbm4b:s31+s3], $0x80, $0x38;
	[tilespmem:$0x1E9A0] =	vst v63  }
0x30: {  	s2 =	simm.s32 $0x500;
	s20 =	sadd.s32 $0xA0, s20  }
0x31: {  	[tilespmem:s2], [sflag:$0x1] =	stream.linear.gather [hbm4b:s20+s3], $0x80, $0x38;
	[tilespmem:$0x1E9A0] =	vst v63  }
0x32: {  	_ =	swait.ge [sflag:s22], $0x80  }
0x33: {  	[sflag:s22] =	ssyncset.done $0x0  }
0x34: {  	[sflag:s22] =	ssyncadd.s32 $0xFFFFFF80  }
0x35: {  	_ =	swait.ge [sflag:s22], $0x80  }
0x36: {  	[sflag:s22] =	ssyncset.done $0x0  }
0x37: {  	[sflag:s22] =	ssyncadd.s32 $0xFFFFFF80  }
0x38: {  	_ =	swait.ge [sflag:s22], $0x80  }
0x39: {  	[sflag:s22] =	ssyncset.done $0x0  }
0x3a: {  	[sflag:s22] =	ssyncadd.s32 $0xFFFFFF80  }
0x3b: {  	_ =	swait.ge [sflag:s22], $0x80  }
0x3c: {  	[sflag:s22] =	ssyncset.done $0x0  }
0x3d: {  	[sflag:s22] =	ssyncadd.s32 $0xFFFFFF80  }
0x3e: {  	_ =	swait.ge [sflag:s22], $0x80  }
0x3f: {  	[sflag:s22] =	ssyncset.done $0x0  }
0x40: {  	[sflag:s22] =	ssyncadd.s32 $0xFFFFFF80  }
0x41: {  	_ =	swait.ge [sflag:s22], $0x80  }
0x42: {  	[sflag:s22] =	ssyncset.done $0x0  }
0x43: {  	[sflag:s22] =	ssyncadd.s32 $0xFFFFFF80  }
0x44: {  	_ =	swait.ge [sflag:s22], $0x80  }
0x45: {  	[sflag:s22] =	ssyncset.done $0x0  }
0x46: {  	[sflag:s22] =	ssyncadd.s32 $0xFFFFFF80  }
0x47: {  	_ =	swait.ge [sflag:s22], $0x80  }
0x48: {  	[sflag:s22] =	ssyncset.done $0x0  }
0x49: {  	[sflag:s22] =	ssyncadd.s32 $0xFFFFFF80  }
0x4a: {  	_ =	swait.ge [sflag:s22], $0x80  }
0x4b: {  	[sflag:s22] =	ssyncset.done $0x0  }
0x4c: {  	[sflag:s22] =	ssyncadd.s32 $0xFFFFFF80  }
0x4d: {  	_ =	swait.ge [sflag:s22], $0x80  }
0x4e: {  	[sflag:s22] =	ssyncset.done $0x0  }
0x4f: {  	[sflag:s22] =	ssyncadd.s32 $0xFFFFFF80  }
0x50: {  	_ =	swait.ge [sflag:s22], $0x80  }
0x51: {  	[sflag:s22] =	ssyncset.done $0x0  }
0x52: {  	s8 =	simm.s32 $0xB00;
	[sflag:s22] =	ssyncadd.s32 $0xFFFFFF80  }
0x53: {  	[tilespmem:s8], [sflag:$0x2] =	stream.indirect.gather [hbm4b:s4+s12], $0x10, s3, s12, $0xb8;
	[tilespmem:$0x1E9A0] =	vst v63  }
0x54: {  	s9 =	simm.s32 $0x1300  }
0x55: {  	[tilespmem:s9], [sflag:$0x2] =	stream.indirect.gather [hbm4b:s4+s12], $0x10, s12, s12, $0xb8;
	[tilespmem:$0x1E9A0] =	vst v63  }
0x56: {  	s24 =	simm.s32 $0x1B00  }
0x57: {  	[tilespmem:s24], [sflag:$0x2] =	stream.indirect.gather [hbm4b:s4+s12], $0x10, s10, s12, $0xb8;
	[tilespmem:$0x1E9A0] =	vst v63  }
0x58: {  	s23 =	simm.s32 $0x2300  }
0x59: {  	[tilespmem:s23], [sflag:$0x2] =	stream.indirect.gather [hbm4b:s4+s12], $0x10, s13, s12, $0xb8;
	[tilespmem:$0x1E9A0] =	vst v63  }
0x5a: {  	s25 =	simm.s32 $0x2B00  }
0x5b: {  	[tilespmem:s25], [sflag:$0x2] =	stream.indirect.gather [hbm4b:s4+s12], $0x10, s26, s12, $0xb8;
	[tilespmem:$0x1E9A0] =	vst v63  }
0x5c: {  	s26 =	simm.s32 $0x3300  }
0x5d: {  	[tilespmem:s26], [sflag:$0x2] =	stream.indirect.gather [hbm4b:s4+s12], $0x10, s28, s12, $0xb8;
	[tilespmem:$0x1E9A0] =	vst v63  }
0x5e: {  	s28 =	simm.s32 $0x3B00  }
0x5f: {  	[tilespmem:s28], [sflag:$0x2] =	stream.indirect.gather [hbm4b:s4+s12], $0x10, s17, s12, $0xb8;
	[tilespmem:$0x1E9A0] =	vst v63  }
0x60: {  	s0 =	simm.s32 $0x4300  }
0x61: {  	[tilespmem:s0], [sflag:$0x2] =	stream.indirect.gather [hbm4b:s4+s12], $0x10, s1, s12, $0xb8;
	[tilespmem:$0x1E9A0] =	vst v63  }
0x62: {  	s1 =	simm.s32 $0x4B00  }
0x63: {  	[tilespmem:s1], [sflag:$0x2] =	stream.indirect.gather [hbm4b:s4+s12], $0x10, s5, s12, $0xb8;
	[tilespmem:$0x1E9A0] =	vst v63  }
0x64: {  	s5 =	simm.s32 $0x5300  }
0x65: {  	[tilespmem:s5], [sflag:$0x2] =	stream.indirect.gather [hbm4b:s4+s12], $0x10, s7, s12, $0xb8;
	[tilespmem:$0x1E9A0] =	vst v63  }
0x66: {  	s6 =	rddreg [dreg:$0x3];
	s7 =	simm.s32 $0x5B00  }
0x67: {  	[tilespmem:s7], [sflag:$0x2] =	stream.indirect.gather [hbm4b:s4+s12], $0x10, s2, s12, $0xb8;
	[tilespmem:$0x1E9A0] =	vst v63  }
0x68: {  	s29 =	simm.s32 $0x580;
	s20 =	sadd.s32 $0x0, s6  }
0x69: {  	[tilespmem:s29], [sflag:$0x1] =	stream.linear.gather [hbm4b:s20+s3], $0x80, $0x38;
	[tilespmem:$0x1E9A0] =	vst v63  }
0x6a: {  	s6 =	simm.s32 $0x600;
	s10 =	sadd.s32 $0x10, s20  }
0x6b: {  	[tilespmem:s6], [sflag:$0x1] =	stream.linear.gather [hbm4b:s10+s3], $0x80, $0x38;
	[tilespmem:$0x1E9A0] =	vst v63  }
0x6c: {  	s11 =	sadd.s32 $0x20, s20;
	s10 =	simm.s32 $0x680  }
0x6d: {  	[tilespmem:s10], [sflag:$0x1] =	stream.linear.gather [hbm4b:s11+s3], $0x80, $0x38;
	[tilespmem:$0x1E9A0] =	vst v63  }
0x6e: {  	s13 =	sadd.s32 $0x30, s20;
	s11 =	simm.s32 $0x700  }
0x6f: {  	[tilespmem:s11], [sflag:$0x1] =	stream.linear.gather [hbm4b:s13+s3], $0x80, $0x38;
	[tilespmem:$0x1E9A0] =	vst v63  }
0x70: {  	s14 =	sadd.s32 $0x40, s20;
	s13 =	simm.s32 $0x780  }
0x71: {  	[tilespmem:s13], [sflag:$0x1] =	stream.linear.gather [hbm4b:s14+s3], $0x80, $0x38;
	[tilespmem:$0x1E9A0] =	vst v63  }
0x72: {  	s15 =	sadd.s32 $0x50, s20;
	s14 =	simm.s32 $0x800  }
0x73: {  	[tilespmem:s14], [sflag:$0x1] =	stream.linear.gather [hbm4b:s15+s3], $0x80, $0x38;
	[tilespmem:$0x1E9A0] =	vst v63  }
0x74: {  	s16 =	sadd.s32 $0x60, s20;
	s15 =	simm.s32 $0x880  }
0x75: {  	[tilespmem:s15], [sflag:$0x1] =	stream.linear.gather [hbm4b:s16+s3], $0x80, $0x38;
	[tilespmem:$0x1E9A0] =	vst v63  }
0x76: {  	s17 =	sadd.s32 $0x70, s20;
	s16 =	simm.s32 $0x900  }
0x77: {  	[tilespmem:s16], [sflag:$0x1] =	stream.linear.gather [hbm4b:s17+s3], $0x80, $0x38;
	[tilespmem:$0x1E9A0] =	vst v63  }
0x78: {  	s30 =	sadd.s32 $0x80, s20;
	s17 =	simm.s32 $0x980  }
0x79: {  	[tilespmem:s17], [sflag:$0x1] =	stream.linear.gather [hbm4b:s30+s3], $0x80, $0x38;
	[tilespmem:$0x1E9A0] =	vst v63  }
0x7a: {  	s31 =	sadd.s32 $0x90, s20;
	s2 =	simm.s32 $0xA00  }
0x7b: {  	[tilespmem:s2], [sflag:$0x1] =	stream.linear.gather [hbm4b:s31+s3], $0x80, $0x38;
	[tilespmem:$0x1E9A0] =	vst v63  }
0x7c: {  	s20 =	sadd.s32 $0xA0, s20;
	s30 =	simm.s32 $0xA80  }
0x7d: {  	[tilespmem:s30], [sflag:$0x1] =	stream.linear.gather [hbm4b:s20+s3], $0x80, $0x38;
	[tilespmem:$0x1E9A0] =	vst v63  }
0x7e: {  	_ =	swait.ge [sflag:s22], $0x80  }
0x7f: {  	[sflag:s22] =	ssyncset.done $0x0  }
0x80: {  	[sflag:s22] =	ssyncadd.s32 $0xFFFFFF80  }
0x81: {  	_ =	swait.ge [sflag:s22], $0x80  }
0x82: {  	[sflag:s22] =	ssyncset.done $0x0  }
0x83: {  	[sflag:s22] =	ssyncadd.s32 $0xFFFFFF80  }
0x84: {  	_ =	swait.ge [sflag:s22], $0x80  }
0x85: {  	[sflag:s22] =	ssyncset.done $0x0  }
0x86: {  	[sflag:s22] =	ssyncadd.s32 $0xFFFFFF80  }
0x87: {  	_ =	swait.ge [sflag:s22], $0x80  }
0x88: {  	[sflag:s22] =	ssyncset.done $0x0  }
0x89: {  	[sflag:s22] =	ssyncadd.s32 $0xFFFFFF80  }
0x8a: {  	_ =	swait.ge [sflag:s22], $0x80  }
0x8b: {  	[sflag:s22] =	ssyncset.done $0x0  }
0x8c: {  	[sflag:s22] =	ssyncadd.s32 $0xFFFFFF80  }
0x8d: {  	_ =	swait.ge [sflag:s22], $0x80  }
0x8e: {  	[sflag:s22] =	ssyncset.done $0x0  }
0x8f: {  	[sflag:s22] =	ssyncadd.s32 $0xFFFFFF80  }
0x90: {  	_ =	swait.ge [sflag:s22], $0x80  }
0x91: {  	[sflag:s22] =	ssyncset.done $0x0  }
0x92: {  	[sflag:s22] =	ssyncadd.s32 $0xFFFFFF80  }
0x93: {  	_ =	swait.ge [sflag:s22], $0x80  }
0x94: {  	[sflag:s22] =	ssyncset.done $0x0  }
0x95: {  	[sflag:s22] =	ssyncadd.s32 $0xFFFFFF80  }
0x96: {  	_ =	swait.ge [sflag:s22], $0x80  }
0x97: {  	[sflag:s22] =	ssyncset.done $0x0  }
0x98: {  	[sflag:s22] =	ssyncadd.s32 $0xFFFFFF80  }
0x99: {  	_ =	swait.ge [sflag:s22], $0x80  }
0x9a: {  	[sflag:s22] =	ssyncset.done $0x0  }
0x9b: {  	[sflag:s22] =	ssyncadd.s32 $0xFFFFFF80  }
0x9c: {  	_ =	swait.ge [sflag:s22], $0x80  }
0x9d: {  	[sflag:s22] =	ssyncset.done $0x0  }
0x9e: {  	[sflag:s22] =	ssyncadd.s32 $0xFFFFFF80  }
0x9f: {  	_ =	swait.ge [sflag:s18], $0x800  }
0xa0: {  	[sflag:s18] =	ssyncset.done $0x0  }
0xa1: {  	[sflag:s18] =	ssyncadd.s32 $0xFFFFF800  }
0xa2: {  	_ =	swait.ge [sflag:s18], $0x800  }
0xa3: {  	[sflag:s18] =	ssyncset.done $0x0  }
0xa4: {  	[sflag:s18] =	ssyncadd.s32 $0xFFFFF800  }
0xa5: {  	_ =	swait.ge [sflag:s18], $0x800  }
0xa6: {  	[sflag:s18] =	ssyncset.done $0x0  }
0xa7: {  	[sflag:s18] =	ssyncadd.s32 $0xFFFFF800  }
0xa8: {  	_ =	swait.ge [sflag:s18], $0x800  }
0xa9: {  	[sflag:s18] =	ssyncset.done $0x0  }
0xaa: {  	[sflag:s18] =	ssyncadd.s32 $0xFFFFF800  }
0xab: {  	_ =	swait.ge [sflag:s18], $0x800  }
0xac: {  	[sflag:s18] =	ssyncset.done $0x0  }
0xad: {  	[sflag:s18] =	ssyncadd.s32 $0xFFFFF800  }
0xae: {  	_ =	swait.ge [sflag:s18], $0x800  }
0xaf: {  	[sflag:s18] =	ssyncset.done $0x0  }
0xb0: {  	[sflag:s18] =	ssyncadd.s32 $0xFFFFF800  }
0xb1: {  	_ =	swait.ge [sflag:s18], $0x800  }
0xb2: {  	[sflag:s18] =	ssyncset.done $0x0  }
0xb3: {  	[sflag:s18] =	ssyncadd.s32 $0xFFFFF800  }
0xb4: {  	_ =	swait.ge [sflag:s18], $0x800  }
0xb5: {  	[sflag:s18] =	ssyncset.done $0x0  }
0xb6: {  	[sflag:s18] =	ssyncadd.s32 $0xFFFFF800  }
0xb7: {  	_ =	swait.ge [sflag:s18], $0x800  }
0xb8: {  	[sflag:s18] =	ssyncset.done $0x0  }
0xb9: {  	[sflag:s18] =	ssyncadd.s32 $0xFFFFF800  }
0xba: {  	_ =	swait.ge [sflag:s18], $0x800  }
0xbb: {  	[sflag:s18] =	ssyncset.done $0x0  }
0xbc: {  	[sflag:s18] =	ssyncadd.s32 $0xFFFFF800  }
0xbd: {  	_ =	swait.ge [sflag:s18], $0x800  }
0xbe: {  	[sflag:s18] =	ssyncset.done $0x0  }
0xbf: {  	[sflag:s18] =	ssyncadd.s32 $0xFFFFF800  }
0xc0: {  	s31 =	rddreg [dreg:$0x1]  }
0xc1: {  	[spmem:s31] =	stream.indirect.scatter.add.f32 [tilespmem:s8], [sflag:$0x3], $0x10, s29, s12, $0xb8;
	[tilespmem:$0x1E9A0] =	vst v63  }
0xc2: {  	_ = 	snop  }
0xc3: {  	[spmem:s31] =	stream.indirect.scatter.add.f32 [tilespmem:s9], [sflag:$0x3], $0x10, s6, s12, $0xb8;
	[tilespmem:$0x1E9A0] =	vst v63  }
0xc4: {  	_ = 	snop  }
0xc5: {  	[spmem:s31] =	stream.indirect.scatter.add.f32 [tilespmem:s24], [sflag:$0x3], $0x10, s10, s12, $0xb8;
	[tilespmem:$0x1E9A0] =	vst v63  }
0xc6: {  	_ = 	snop  }
0xc7: {  	[spmem:s31] =	stream.indirect.scatter.add.f32 [tilespmem:s23], [sflag:$0x3], $0x10, s11, s12, $0xb8;
	[tilespmem:$0x1E9A0] =	vst v63  }
0xc8: {  	_ = 	snop  }
0xc9: {  	[spmem:s31] =	stream.indirect.scatter.add.f32 [tilespmem:s25], [sflag:$0x3], $0x10, s13, s12, $0xb8;
	[tilespmem:$0x1E9A0] =	vst v63  }
0xca: {  	_ = 	snop  }
0xcb: {  	[spmem:s31] =	stream.indirect.scatter.add.f32 [tilespmem:s26], [sflag:$0x3], $0x10, s14, s12, $0xb8;
	[tilespmem:$0x1E9A0] =	vst v63  }
0xcc: {  	_ = 	snop  }
0xcd: {  	[spmem:s31] =	stream.indirect.scatter.add.f32 [tilespmem:s28], [sflag:$0x3], $0x10, s15, s12, $0xb8;
	[tilespmem:$0x1E9A0] =	vst v63  }
0xce: {  	_ = 	snop  }
0xcf: {  	[spmem:s31] =	stream.indirect.scatter.add.f32 [tilespmem:s0], [sflag:$0x3], $0x10, s16, s12, $0xb8;
	[tilespmem:$0x1E9A0] =	vst v63  }
0xd0: {  	_ = 	snop  }
0xd1: {  	[spmem:s31] =	stream.indirect.scatter.add.f32 [tilespmem:s1], [sflag:$0x3], $0x10, s17, s12, $0xb8;
	[tilespmem:$0x1E9A0] =	vst v63  }
0xd2: {  	_ = 	snop  }
0xd3: {  	[spmem:s31] =	stream.indirect.scatter.add.f32 [tilespmem:s5], [sflag:$0x3], $0x10, s2, s12, $0xb8;
	[tilespmem:$0x1E9A0] =	vst v63  }
0xd4: {  	_ = 	snop  }
0xd5: {  	[spmem:s31] =	stream.indirect.scatter.add.f32 [tilespmem:s7], [sflag:$0x3], $0x10, s30, s12, $0xb8;
	[tilespmem:$0x1E9A0] =	vst v63  }
0xd6: {  	_ =	swait.ge [sflag:s19], $0x800  }
0xd7: {  	[sflag:s19] =	ssyncset.done $0x0  }
0xd8: {  	[sflag:s19] =	ssyncadd.s32 $0xFFFFF800  }
0xd9: {  	_ =	swait.ge [sflag:s19], $0x800  }
0xda: {  	[sflag:s19] =	ssyncset.done $0x0  }
0xdb: {  	[sflag:s19] =	ssyncadd.s32 $0xFFFFF800  }
0xdc: {  	_ =	swait.ge [sflag:s19], $0x800  }
0xdd: {  	[sflag:s19] =	ssyncset.done $0x0  }
0xde: {  	[sflag:s19] =	ssyncadd.s32 $0xFFFFF800  }
0xdf: {  	_ =	swait.ge [sflag:s19], $0x800  }
0xe0: {  	[sflag:s19] =	ssyncset.done $0x0  }
0xe1: {  	[sflag:s19] =	ssyncadd.s32 $0xFFFFF800  }
0xe2: {  	_ =	swait.ge [sflag:s19], $0x800  }
0xe3: {  	[sflag:s19] =	ssyncset.done $0x0  }
0xe4: {  	[sflag:s19] =	ssyncadd.s32 $0xFFFFF800  }
0xe5: {  	_ =	swait.ge [sflag:s19], $0x800  }
0xe6: {  	[sflag:s19] =	ssyncset.done $0x0  }
0xe7: {  	[sflag:s19] =	ssyncadd.s32 $0xFFFFF800  }
0xe8: {  	_ =	swait.ge [sflag:s19], $0x800  }
0xe9: {  	[sflag:s19] =	ssyncset.done $0x0  }
0xea: {  	[sflag:s19] =	ssyncadd.s32 $0xFFFFF800  }
0xeb: {  	_ =	swait.ge [sflag:s19], $0x800  }
0xec: {  	[sflag:s19] =	ssyncset.done $0x0  }
0xed: {  	[sflag:s19] =	ssyncadd.s32 $0xFFFFF800  }
0xee: {  	_ =	swait.ge [sflag:s19], $0x800  }
0xef: {  	[sflag:s19] =	ssyncset.done $0x0  }
0xf0: {  	[sflag:s19] =	ssyncadd.s32 $0xFFFFF800  }
0xf1: {  	_ =	swait.ge [sflag:s19], $0x800  }
0xf2: {  	[sflag:s19] =	ssyncset.done $0x0  }
0xf3: {  	[sflag:s19] =	ssyncadd.s32 $0xFFFFF800  }
0xf4: {  	s21 =	simm.s32 $0x160;
	_ =	swait.ge [sflag:s19], $0x800  }
0xf5: {  	s20 =	simm.s32 $0xB0;
	s25 =	rddreg [dreg:$0x4];
	[sflag:s19] =	ssyncset.done $0x0  }
.LBB2_2:
0xf6: {  	[sflag:s19] =	ssyncadd.s32 $0xFFFFF800;
	s25 =	sadd.s32 s20, s25  }
0xf7: {  	[tilespmem:s3], [sflag:$0x1] =	stream.linear.gather [hbm4b:s25+s3], $0x80, $0x38;
	[tilespmem:$0x1E9A0] =	vst v63  }
0xf8: {  	s26 =	sadd.s32 $0x10, s25  }
0xf9: {  	[tilespmem:s12], [sflag:$0x1] =	stream.linear.gather [hbm4b:s26+s3], $0x80, $0x38;
	[tilespmem:$0x1E9A0] =	vst v63  }
0xfa: {  	s28 =	simm.s32 $0x100;
	s10 =	sadd.s32 $0x20, s25  }
0xfb: {  	[tilespmem:s28], [sflag:$0x1] =	stream.linear.gather [hbm4b:s10+s3], $0x80, $0x38;
	[tilespmem:$0x1E9A0] =	vst v63  }
0xfc: {  	s29 =	simm.s32 $0x180;
	s11 =	sadd.s32 $0x30, s25  }
0xfd: {  	[tilespmem:s29], [sflag:$0x1] =	stream.linear.gather [hbm4b:s11+s3], $0x80, $0x38;
	[tilespmem:$0x1E9A0] =	vst v63  }
0xfe: {  	s30 =	simm.s32 $0x200;
	s13 =	sadd.s32 $0x40, s25  }
0xff: {  	[tilespmem:s30], [sflag:$0x1] =	stream.linear.gather [hbm4b:s13+s3], $0x80, $0x38;
	[tilespmem:$0x1E9A0] =	vst v63  }
0x100: {  	s31 =	simm.s32 $0x280;
	s14 =	sadd.s32 $0x50, s25  }
0x101: {  	[tilespmem:s31], [sflag:$0x1] =	stream.linear.gather [hbm4b:s14+s3], $0x80, $0x38;
	[tilespmem:$0x1E9A0] =	vst v63  }
0x102: {  	s0 =	simm.s32 $0x300;
	s15 =	sadd.s32 $0x60, s25  }
0x103: {  	[tilespmem:s0], [sflag:$0x1] =	stream.linear.gather [hbm4b:s15+s3], $0x80, $0x38;
	[tilespmem:$0x1E9A0] =	vst v63  }
0x104: {  	s1 =	simm.s32 $0x380;
	s16 =	sadd.s32 $0x70, s25  }
0x105: {  	[tilespmem:s1], [sflag:$0x1] =	stream.linear.gather [hbm4b:s16+s3], $0x80, $0x38;
	[tilespmem:$0x1E9A0] =	vst v63  }
0x106: {  	s5 =	simm.s32 $0x400;
	s17 =	sadd.s32 $0x80, s25  }
0x107: {  	[tilespmem:s5], [sflag:$0x1] =	stream.linear.gather [hbm4b:s17+s3], $0x80, $0x38;
	[tilespmem:$0x1E9A0] =	vst v63  }
0x108: {  	s7 =	simm.s32 $0x480;
	s24 =	sadd.s32 $0x90, s25  }
0x109: {  	[tilespmem:s7], [sflag:$0x1] =	stream.linear.gather [hbm4b:s24+s3], $0x80, $0x38;
	[tilespmem:$0x1E9A0] =	vst v63  }
0x10a: {  	s2 =	simm.s32 $0x500;
	s25 =	sadd.s32 $0xA0, s25  }
0x10b: {  	[tilespmem:s2], [sflag:$0x1] =	stream.linear.gather [hbm4b:s25+s3], $0x80, $0x38;
	[tilespmem:$0x1E9A0] =	vst v63  }
0x10c: {  	_ =	swait.ge [sflag:s22], $0x80  }
0x10d: {  	[sflag:s22] =	ssyncset.done $0x0  }
0x10e: {  	[sflag:s22] =	ssyncadd.s32 $0xFFFFFF80  }
0x10f: {  	_ =	swait.ge [sflag:s22], $0x80  }
0x110: {  	[sflag:s22] =	ssyncset.done $0x0  }
0x111: {  	[sflag:s22] =	ssyncadd.s32 $0xFFFFFF80  }
0x112: {  	_ =	swait.ge [sflag:s22], $0x80  }
0x113: {  	[sflag:s22] =	ssyncset.done $0x0  }
0x114: {  	[sflag:s22] =	ssyncadd.s32 $0xFFFFFF80  }
0x115: {  	_ =	swait.ge [sflag:s22], $0x80  }
0x116: {  	[sflag:s22] =	ssyncset.done $0x0  }
0x117: {  	[sflag:s22] =	ssyncadd.s32 $0xFFFFFF80  }
0x118: {  	_ =	swait.ge [sflag:s22], $0x80  }
0x119: {  	[sflag:s22] =	ssyncset.done $0x0  }
0x11a: {  	[sflag:s22] =	ssyncadd.s32 $0xFFFFFF80  }
0x11b: {  	_ =	swait.ge [sflag:s22], $0x80  }
0x11c: {  	[sflag:s22] =	ssyncset.done $0x0  }
0x11d: {  	[sflag:s22] =	ssyncadd.s32 $0xFFFFFF80  }
0x11e: {  	_ =	swait.ge [sflag:s22], $0x80  }
0x11f: {  	[sflag:s22] =	ssyncset.done $0x0  }
0x120: {  	[sflag:s22] =	ssyncadd.s32 $0xFFFFFF80  }
0x121: {  	_ =	swait.ge [sflag:s22], $0x80  }
0x122: {  	[sflag:s22] =	ssyncset.done $0x0  }
0x123: {  	[sflag:s22] =	ssyncadd.s32 $0xFFFFFF80  }
0x124: {  	_ =	swait.ge [sflag:s22], $0x80  }
0x125: {  	[sflag:s22] =	ssyncset.done $0x0  }
0x126: {  	[sflag:s22] =	ssyncadd.s32 $0xFFFFFF80  }
0x127: {  	_ =	swait.ge [sflag:s22], $0x80  }
0x128: {  	[sflag:s22] =	ssyncset.done $0x0  }
0x129: {  	[sflag:s22] =	ssyncadd.s32 $0xFFFFFF80  }
0x12a: {  	_ =	swait.ge [sflag:s22], $0x80  }
0x12b: {  	[sflag:s22] =	ssyncset.done $0x0  }
0x12c: {  	s8 =	simm.s32 $0xB00;
	[sflag:s22] =	ssyncadd.s32 $0xFFFFFF80  }
0x12d: {  	[tilespmem:s8], [sflag:$0x2] =	stream.indirect.gather [hbm4b:s4+s12], $0x10, s3, s12, $0xb8;
	[tilespmem:$0x1E9A0] =	vst v63  }
0x12e: {  	s9 =	simm.s32 $0x1300  }
0x12f: {  	[tilespmem:s9], [sflag:$0x2] =	stream.indirect.gather [hbm4b:s4+s12], $0x10, s12, s12, $0xb8;
	[tilespmem:$0x1E9A0] =	vst v63  }
0x130: {  	s24 =	simm.s32 $0x1B00  }
0x131: {  	[tilespmem:s24], [sflag:$0x2] =	stream.indirect.gather [hbm4b:s4+s12], $0x10, s28, s12, $0xb8;
	[tilespmem:$0x1E9A0] =	vst v63  }
0x132: {  	s28 =	simm.s32 $0x2300  }
0x133: {  	[tilespmem:s28], [sflag:$0x2] =	stream.indirect.gather [hbm4b:s4+s12], $0x10, s29, s12, $0xb8;
	[tilespmem:$0x1E9A0] =	vst v63  }
0x134: {  	s29 =	simm.s32 $0x2B00  }
0x135: {  	[tilespmem:s29], [sflag:$0x2] =	stream.indirect.gather [hbm4b:s4+s12], $0x10, s30, s12, $0xb8;
	[tilespmem:$0x1E9A0] =	vst v63  }
0x136: {  	s30 =	simm.s32 $0x3300  }
0x137: {  	[tilespmem:s30], [sflag:$0x2] =	stream.indirect.gather [hbm4b:s4+s12], $0x10, s31, s12, $0xb8;
	[tilespmem:$0x1E9A0] =	vst v63  }
0x138: {  	s31 =	simm.s32 $0x3B00  }
0x139: {  	[tilespmem:s31], [sflag:$0x2] =	stream.indirect.gather [hbm4b:s4+s12], $0x10, s0, s12, $0xb8;
	[tilespmem:$0x1E9A0] =	vst v63  }
0x13a: {  	s0 =	simm.s32 $0x4300  }
0x13b: {  	[tilespmem:s0], [sflag:$0x2] =	stream.indirect.gather [hbm4b:s4+s12], $0x10, s1, s12, $0xb8;
	[tilespmem:$0x1E9A0] =	vst v63  }
0x13c: {  	s1 =	simm.s32 $0x4B00  }
0x13d: {  	[tilespmem:s1], [sflag:$0x2] =	stream.indirect.gather [hbm4b:s4+s12], $0x10, s5, s12, $0xb8;
	[tilespmem:$0x1E9A0] =	vst v63  }
0x13e: {  	s5 =	simm.s32 $0x5300  }
0x13f: {  	[tilespmem:s5], [sflag:$0x2] =	stream.indirect.gather [hbm4b:s4+s12], $0x10, s7, s12, $0xb8;
	[tilespmem:$0x1E9A0] =	vst v63  }
0x140: {  	s6 =	rddreg [dreg:$0x3];
	s7 =	simm.s32 $0x5B00  }
0x141: {  	[tilespmem:s7], [sflag:$0x2] =	stream.indirect.gather [hbm4b:s4+s12], $0x10, s2, s12, $0xb8;
	[tilespmem:$0x1E9A0] =	vst v63  }
0x142: {  	s26 =	simm.s32 $0x580;
	s25 =	sadd.s32 s20, s6  }
0x143: {  	[tilespmem:s26], [sflag:$0x1] =	stream.linear.gather [hbm4b:s25+s3], $0x80, $0x38;
	[tilespmem:$0x1E9A0] =	vst v63  }
0x144: {  	s6 =	simm.s32 $0x600;
	s10 =	sadd.s32 $0x10, s25  }
0x145: {  	[tilespmem:s6], [sflag:$0x1] =	stream.linear.gather [hbm4b:s10+s3], $0x80, $0x38;
	[tilespmem:$0x1E9A0] =	vst v63  }
0x146: {  	s11 =	sadd.s32 $0x20, s25;
	s10 =	simm.s32 $0x680  }
0x147: {  	[tilespmem:s10], [sflag:$0x1] =	stream.linear.gather [hbm4b:s11+s3], $0x80, $0x38;
	[tilespmem:$0x1E9A0] =	vst v63  }
0x148: {  	s13 =	sadd.s32 $0x30, s25;
	s11 =	simm.s32 $0x700  }
0x149: {  	[tilespmem:s11], [sflag:$0x1] =	stream.linear.gather [hbm4b:s13+s3], $0x80, $0x38;
	[tilespmem:$0x1E9A0] =	vst v63  }
0x14a: {  	s14 =	sadd.s32 $0x40, s25;
	s13 =	simm.s32 $0x780  }
0x14b: {  	[tilespmem:s13], [sflag:$0x1] =	stream.linear.gather [hbm4b:s14+s3], $0x80, $0x38;
	[tilespmem:$0x1E9A0] =	vst v63  }
0x14c: {  	s15 =	sadd.s32 $0x50, s25;
	s14 =	simm.s32 $0x800  }
0x14d: {  	[tilespmem:s14], [sflag:$0x1] =	stream.linear.gather [hbm4b:s15+s3], $0x80, $0x38;
	[tilespmem:$0x1E9A0] =	vst v63  }
0x14e: {  	s16 =	sadd.s32 $0x60, s25;
	s15 =	simm.s32 $0x880  }
0x14f: {  	[tilespmem:s15], [sflag:$0x1] =	stream.linear.gather [hbm4b:s16+s3], $0x80, $0x38;
	[tilespmem:$0x1E9A0] =	vst v63  }
0x150: {  	s17 =	sadd.s32 $0x70, s25;
	s16 =	simm.s32 $0x900  }
0x151: {  	[tilespmem:s16], [sflag:$0x1] =	stream.linear.gather [hbm4b:s17+s3], $0x80, $0x38;
	[tilespmem:$0x1E9A0] =	vst v63  }
0x152: {  	s23 =	smov.u32 s21;
	s2 =	sadd.s32 $0x80, s25;
	s17 =	simm.s32 $0x980  }
0x153: {  	[tilespmem:s17], [sflag:$0x1] =	stream.linear.gather [hbm4b:s2+s3], $0x80, $0x38;
	[tilespmem:$0x1E9A0] =	vst v63  }
0x154: {  	s20 =	smov.u32 s23;
	s23 =	sadd.s32 $0x90, s25;
	s2 =	simm.s32 $0xA00  }
0x155: {  	[tilespmem:s2], [sflag:$0x1] =	stream.linear.gather [hbm4b:s23+s3], $0x80, $0x38;
	[tilespmem:$0x1E9A0] =	vst v63  }
0x156: {  	s23 =	sadd.s32 $0xA0, s25;
	s25 =	simm.s32 $0xA80  }
0x157: {  	[tilespmem:s25], [sflag:$0x1] =	stream.linear.gather [hbm4b:s23+s3], $0x80, $0x38;
	[tilespmem:$0x1E9A0] =	vst v63  }
0x158: {  	_ =	swait.ge [sflag:s22], $0x80  }
0x159: {  	[sflag:s22] =	ssyncset.done $0x0  }
0x15a: {  	[sflag:s22] =	ssyncadd.s32 $0xFFFFFF80  }
0x15b: {  	_ =	swait.ge [sflag:s22], $0x80  }
0x15c: {  	[sflag:s22] =	ssyncset.done $0x0  }
0x15d: {  	[sflag:s22] =	ssyncadd.s32 $0xFFFFFF80  }
0x15e: {  	_ =	swait.ge [sflag:s22], $0x80  }
0x15f: {  	[sflag:s22] =	ssyncset.done $0x0  }
0x160: {  	[sflag:s22] =	ssyncadd.s32 $0xFFFFFF80  }
0x161: {  	_ =	swait.ge [sflag:s22], $0x80  }
0x162: {  	[sflag:s22] =	ssyncset.done $0x0  }
0x163: {  	[sflag:s22] =	ssyncadd.s32 $0xFFFFFF80  }
0x164: {  	_ =	swait.ge [sflag:s22], $0x80  }
0x165: {  	[sflag:s22] =	ssyncset.done $0x0  }
0x166: {  	[sflag:s22] =	ssyncadd.s32 $0xFFFFFF80  }
0x167: {  	_ =	swait.ge [sflag:s22], $0x80  }
0x168: {  	[sflag:s22] =	ssyncset.done $0x0  }
0x169: {  	[sflag:s22] =	ssyncadd.s32 $0xFFFFFF80  }
0x16a: {  	_ =	swait.ge [sflag:s22], $0x80  }
0x16b: {  	[sflag:s22] =	ssyncset.done $0x0  }
0x16c: {  	[sflag:s22] =	ssyncadd.s32 $0xFFFFFF80  }
0x16d: {  	_ =	swait.ge [sflag:s22], $0x80  }
0x16e: {  	[sflag:s22] =	ssyncset.done $0x0  }
0x16f: {  	[sflag:s22] =	ssyncadd.s32 $0xFFFFFF80  }
0x170: {  	_ =	swait.ge [sflag:s22], $0x80  }
0x171: {  	[sflag:s22] =	ssyncset.done $0x0  }
0x172: {  	[sflag:s22] =	ssyncadd.s32 $0xFFFFFF80  }
0x173: {  	_ =	swait.ge [sflag:s22], $0x80  }
0x174: {  	[sflag:s22] =	ssyncset.done $0x0  }
0x175: {  	[sflag:s22] =	ssyncadd.s32 $0xFFFFFF80  }
0x176: {  	_ =	swait.ge [sflag:s22], $0x80  }
0x177: {  	[sflag:s22] =	ssyncset.done $0x0  }
0x178: {  	[sflag:s22] =	ssyncadd.s32 $0xFFFFFF80  }
0x179: {  	_ =	swait.ge [sflag:s18], $0x800  }
0x17a: {  	[sflag:s18] =	ssyncset.done $0x0  }
0x17b: {  	[sflag:s18] =	ssyncadd.s32 $0xFFFFF800  }
0x17c: {  	_ =	swait.ge [sflag:s18], $0x800  }
0x17d: {  	[sflag:s18] =	ssyncset.done $0x0  }
0x17e: {  	[sflag:s18] =	ssyncadd.s32 $0xFFFFF800  }
0x17f: {  	_ =	swait.ge [sflag:s18], $0x800  }
0x180: {  	[sflag:s18] =	ssyncset.done $0x0  }
0x181: {  	[sflag:s18] =	ssyncadd.s32 $0xFFFFF800  }
0x182: {  	_ =	swait.ge [sflag:s18], $0x800  }
0x183: {  	[sflag:s18] =	ssyncset.done $0x0  }
0x184: {  	[sflag:s18] =	ssyncadd.s32 $0xFFFFF800  }
0x185: {  	_ =	swait.ge [sflag:s18], $0x800  }
0x186: {  	[sflag:s18] =	ssyncset.done $0x0  }
0x187: {  	[sflag:s18] =	ssyncadd.s32 $0xFFFFF800  }
0x188: {  	_ =	swait.ge [sflag:s18], $0x800  }
0x189: {  	[sflag:s18] =	ssyncset.done $0x0  }
0x18a: {  	[sflag:s18] =	ssyncadd.s32 $0xFFFFF800  }
0x18b: {  	_ =	swait.ge [sflag:s18], $0x800  }
0x18c: {  	[sflag:s18] =	ssyncset.done $0x0  }
0x18d: {  	[sflag:s18] =	ssyncadd.s32 $0xFFFFF800  }
0x18e: {  	_ =	swait.ge [sflag:s18], $0x800  }
0x18f: {  	[sflag:s18] =	ssyncset.done $0x0  }
0x190: {  	[sflag:s18] =	ssyncadd.s32 $0xFFFFF800  }
0x191: {  	_ =	swait.ge [sflag:s18], $0x800  }
0x192: {  	[sflag:s18] =	ssyncset.done $0x0  }
0x193: {  	[sflag:s18] =	ssyncadd.s32 $0xFFFFF800  }
0x194: {  	_ =	swait.ge [sflag:s18], $0x800  }
0x195: {  	[sflag:s18] =	ssyncset.done $0x0  }
0x196: {  	[sflag:s18] =	ssyncadd.s32 $0xFFFFF800  }
0x197: {  	_ =	swait.ge [sflag:s18], $0x800  }
0x198: {  	[sflag:s18] =	ssyncset.done $0x0  }
0x199: {  	[sflag:s18] =	ssyncadd.s32 $0xFFFFF800  }
0x19a: {  	s23 =	rddreg [dreg:$0x1]  }
0x19b: {  	[spmem:s23] =	stream.indirect.scatter.add.f32 [tilespmem:s8], [sflag:$0x3], $0x10, s26, s12, $0xb8;
	[tilespmem:$0x1E9A0] =	vst v63  }
0x19c: {  	_ = 	snop  }
0x19d: {  	[spmem:s23] =	stream.indirect.scatter.add.f32 [tilespmem:s9], [sflag:$0x3], $0x10, s6, s12, $0xb8;
	[tilespmem:$0x1E9A0] =	vst v63  }
0x19e: {  	_ = 	snop  }
0x19f: {  	[spmem:s23] =	stream.indirect.scatter.add.f32 [tilespmem:s24], [sflag:$0x3], $0x10, s10, s12, $0xb8;
	[tilespmem:$0x1E9A0] =	vst v63  }
0x1a0: {  	_ = 	snop  }
0x1a1: {  	[spmem:s23] =	stream.indirect.scatter.add.f32 [tilespmem:s28], [sflag:$0x3], $0x10, s11, s12, $0xb8;
	[tilespmem:$0x1E9A0] =	vst v63  }
0x1a2: {  	_ = 	snop  }
0x1a3: {  	[spmem:s23] =	stream.indirect.scatter.add.f32 [tilespmem:s29], [sflag:$0x3], $0x10, s13, s12, $0xb8;
	[tilespmem:$0x1E9A0] =	vst v63  }
0x1a4: {  	_ = 	snop  }
0x1a5: {  	[spmem:s23] =	stream.indirect.scatter.add.f32 [tilespmem:s30], [sflag:$0x3], $0x10, s14, s12, $0xb8;
	[tilespmem:$0x1E9A0] =	vst v63  }
0x1a6: {  	_ = 	snop  }
0x1a7: {  	[spmem:s23] =	stream.indirect.scatter.add.f32 [tilespmem:s31], [sflag:$0x3], $0x10, s15, s12, $0xb8;
	[tilespmem:$0x1E9A0] =	vst v63  }
0x1a8: {  	_ = 	snop  }
0x1a9: {  	[spmem:s23] =	stream.indirect.scatter.add.f32 [tilespmem:s0], [sflag:$0x3], $0x10, s16, s12, $0xb8;
	[tilespmem:$0x1E9A0] =	vst v63  }
0x1aa: {  	_ = 	snop  }
0x1ab: {  	[spmem:s23] =	stream.indirect.scatter.add.f32 [tilespmem:s1], [sflag:$0x3], $0x10, s17, s12, $0xb8;
	[tilespmem:$0x1E9A0] =	vst v63  }
0x1ac: {  	_ = 	snop  }
0x1ad: {  	[spmem:s23] =	stream.indirect.scatter.add.f32 [tilespmem:s5], [sflag:$0x3], $0x10, s2, s12, $0xb8;
	[tilespmem:$0x1E9A0] =	vst v63  }
0x1ae: {  	_ = 	snop  }
0x1af: {  	[spmem:s23] =	stream.indirect.scatter.add.f32 [tilespmem:s7], [sflag:$0x3], $0x10, s25, s12, $0xb8;
	[tilespmem:$0x1E9A0] =	vst v63  }
0x1b0: {  	_ =	swait.ge [sflag:s19], $0x800  }
0x1b1: {  	[sflag:s19] =	ssyncset.done $0x0  }
0x1b2: {  	[sflag:s19] =	ssyncadd.s32 $0xFFFFF800  }
0x1b3: {  	_ =	swait.ge [sflag:s19], $0x800  }
0x1b4: {  	[sflag:s19] =	ssyncset.done $0x0  }
0x1b5: {  	[sflag:s19] =	ssyncadd.s32 $0xFFFFF800  }
0x1b6: {  	_ =	swait.ge [sflag:s19], $0x800  }
0x1b7: {  	[sflag:s19] =	ssyncset.done $0x0  }
0x1b8: {  	[sflag:s19] =	ssyncadd.s32 $0xFFFFF800  }
0x1b9: {  	_ =	swait.ge [sflag:s19], $0x800  }
0x1ba: {  	[sflag:s19] =	ssyncset.done $0x0  }
0x1bb: {  	[sflag:s19] =	ssyncadd.s32 $0xFFFFF800  }
0x1bc: {  	_ =	swait.ge [sflag:s19], $0x800  }
0x1bd: {  	[sflag:s19] =	ssyncset.done $0x0  }
0x1be: {  	[sflag:s19] =	ssyncadd.s32 $0xFFFFF800  }
0x1bf: {  	_ =	swait.ge [sflag:s19], $0x800  }
0x1c0: {  	[sflag:s19] =	ssyncset.done $0x0  }
0x1c1: {  	[sflag:s19] =	ssyncadd.s32 $0xFFFFF800  }
0x1c2: {  	_ =	swait.ge [sflag:s19], $0x800  }
0x1c3: {  	[sflag:s19] =	ssyncset.done $0x0  }
0x1c4: {  	[sflag:s19] =	ssyncadd.s32 $0xFFFFF800  }
0x1c5: {  	_ =	swait.ge [sflag:s19], $0x800  }
0x1c6: {  	[sflag:s19] =	ssyncset.done $0x0  }
0x1c7: {  	[sflag:s19] =	ssyncadd.s32 $0xFFFFF800  }
0x1c8: {  	_ =	swait.ge [sflag:s19], $0x800  }
0x1c9: {  	[sflag:s19] =	ssyncset.done $0x0  }
0x1ca: {  	p1 =	sne.s32 s21, $0x3020;
	[sflag:s19] =	ssyncadd.s32 $0xFFFFF800  }
.Ltmp0:
0x1cb: {  	_ =	swait.ge [sflag:s19], $0x800;
	(pc) =	sbr.rel @p1 .LBB2_2-.Ltmp0, $4  }
0x1cc: {  	[sflag:s19] =	ssyncset.done $0x0  }
0x1cd: {  	[sflag:s19] =	ssyncadd.s32 $0xFFFFF800  }
0x1ce: {  	_ =	swait.ge [sflag:s19], $0x800  }
0x1cf: {  	s21 =	sadd.s32 $0xB0, s21;
	s25 =	rddreg [dreg:$0x4];
	[sflag:s19] =	ssyncset.done $0x0  }
0x1d0: {  	[sflag:s19] =	ssyncadd.s32 $0xFFFFF800;
	s21 =	sadd.s32 s20, s25  }
0x1d1: {  	[tilespmem:s3], [sflag:$0x1] =	stream.linear.gather [hbm4b:s21+s3], $0x80, $0x38;
	[tilespmem:$0x1E9A0] =	vst v63  }
0x1d2: {  	s23 =	sadd.s32 $0x10, s21  }
0x1d3: {  	[tilespmem:s12], [sflag:$0x1] =	stream.linear.gather [hbm4b:s23+s3], $0x80, $0x38;
	[tilespmem:$0x1E9A0] =	vst v63  }
0x1d4: {  	s31 =	simm.s32 $0x100;
	s30 =	sadd.s32 $0x20, s21  }
0x1d5: {  	[tilespmem:s31], [sflag:$0x1] =	stream.linear.gather [hbm4b:s30+s3], $0x80, $0x38;
	[tilespmem:$0x1E9A0] =	vst v63  }
0x1d6: {  	s26 =	simm.s32 $0x180;
	s2 =	sadd.s32 $0x30, s21  }
0x1d7: {  	[tilespmem:s26], [sflag:$0x1] =	stream.linear.gather [hbm4b:s2+s3], $0x80, $0x38;
	[tilespmem:$0x1E9A0] =	vst v63  }
0x1d8: {  	s28 =	simm.s32 $0x200;
	s5 =	sadd.s32 $0x40, s21  }
0x1d9: {  	[tilespmem:s28], [sflag:$0x1] =	stream.linear.gather [hbm4b:s5+s3], $0x80, $0x38;
	[tilespmem:$0x1E9A0] =	vst v63  }
0x1da: {  	s29 =	simm.s32 $0x280;
	s6 =	sadd.s32 $0x50, s21  }
0x1db: {  	[tilespmem:s29], [sflag:$0x1] =	stream.linear.gather [hbm4b:s6+s3], $0x80, $0x38;
	[tilespmem:$0x1E9A0] =	vst v63  }
0x1dc: {  	s0 =	simm.s32 $0x300;
	s7 =	sadd.s32 $0x60, s21  }
0x1dd: {  	[tilespmem:s0], [sflag:$0x1] =	stream.linear.gather [hbm4b:s7+s3], $0x80, $0x38;
	[tilespmem:$0x1E9A0] =	vst v63  }
0x1de: {  	s1 =	simm.s32 $0x380;
	s8 =	sadd.s32 $0x70, s21  }
0x1df: {  	[tilespmem:s1], [sflag:$0x1] =	stream.linear.gather [hbm4b:s8+s3], $0x80, $0x38;
	[tilespmem:$0x1E9A0] =	vst v63  }
0x1e0: {  	s9 =	sadd.s32 $0x80, s21;
	s5 =	simm.s32 $0x400  }
0x1e1: {  	[tilespmem:s5], [sflag:$0x1] =	stream.linear.gather [hbm4b:s9+s3], $0x80, $0x38;
	[tilespmem:$0x1E9A0] =	vst v63  }
0x1e2: {  	s10 =	sadd.s32 $0x90, s21;
	s7 =	simm.s32 $0x480  }
0x1e3: {  	[tilespmem:s7], [sflag:$0x1] =	stream.linear.gather [hbm4b:s10+s3], $0x80, $0x38;
	[tilespmem:$0x1E9A0] =	vst v63  }
0x1e4: {  	s11 =	simm.s32 $0x500;
	s21 =	sadd.s32 $0xA0, s21  }
0x1e5: {  	[tilespmem:s11], [sflag:$0x1] =	stream.linear.gather [hbm4b:s21+s3], $0x80, $0x38;
	[tilespmem:$0x1E9A0] =	vst v63  }
0x1e6: {  	_ =	swait.ge [sflag:s22], $0x80  }
0x1e7: {  	[sflag:s22] =	ssyncset.done $0x0  }
0x1e8: {  	[sflag:s22] =	ssyncadd.s32 $0xFFFFFF80  }
0x1e9: {  	_ =	swait.ge [sflag:s22], $0x80  }
0x1ea: {  	[sflag:s22] =	ssyncset.done $0x0  }
0x1eb: {  	[sflag:s22] =	ssyncadd.s32 $0xFFFFFF80  }
0x1ec: {  	_ =	swait.ge [sflag:s22], $0x80  }
0x1ed: {  	[sflag:s22] =	ssyncset.done $0x0  }
0x1ee: {  	[sflag:s22] =	ssyncadd.s32 $0xFFFFFF80  }
0x1ef: {  	_ =	swait.ge [sflag:s22], $0x80  }
0x1f0: {  	[sflag:s22] =	ssyncset.done $0x0  }
0x1f1: {  	[sflag:s22] =	ssyncadd.s32 $0xFFFFFF80  }
0x1f2: {  	_ =	swait.ge [sflag:s22], $0x80  }
0x1f3: {  	[sflag:s22] =	ssyncset.done $0x0  }
0x1f4: {  	[sflag:s22] =	ssyncadd.s32 $0xFFFFFF80  }
0x1f5: {  	_ =	swait.ge [sflag:s22], $0x80  }
0x1f6: {  	[sflag:s22] =	ssyncset.done $0x0  }
0x1f7: {  	[sflag:s22] =	ssyncadd.s32 $0xFFFFFF80  }
0x1f8: {  	_ =	swait.ge [sflag:s22], $0x80  }
0x1f9: {  	[sflag:s22] =	ssyncset.done $0x0  }
0x1fa: {  	[sflag:s22] =	ssyncadd.s32 $0xFFFFFF80  }
0x1fb: {  	_ =	swait.ge [sflag:s22], $0x80  }
0x1fc: {  	[sflag:s22] =	ssyncset.done $0x0  }
0x1fd: {  	[sflag:s22] =	ssyncadd.s32 $0xFFFFFF80  }
0x1fe: {  	_ =	swait.ge [sflag:s22], $0x80  }
0x1ff: {  	[sflag:s22] =	ssyncset.done $0x0  }
0x200: {  	[sflag:s22] =	ssyncadd.s32 $0xFFFFFF80  }
0x201: {  	_ =	swait.ge [sflag:s22], $0x80  }
0x202: {  	[sflag:s22] =	ssyncset.done $0x0  }
0x203: {  	[sflag:s22] =	ssyncadd.s32 $0xFFFFFF80  }
0x204: {  	_ =	swait.ge [sflag:s22], $0x80  }
0x205: {  	[sflag:s22] =	ssyncset.done $0x0  }
0x206: {  	s8 =	simm.s32 $0xB00;
	[sflag:s22] =	ssyncadd.s32 $0xFFFFFF80  }
0x207: {  	[tilespmem:s8], [sflag:$0x2] =	stream.indirect.gather [hbm4b:s4+s12], $0x10, s3, s12, $0xb8;
	[tilespmem:$0x1E9A0] =	vst v63  }
0x208: {  	s9 =	simm.s32 $0x1300  }
0x209: {  	[tilespmem:s9], [sflag:$0x2] =	stream.indirect.gather [hbm4b:s4+s12], $0x10, s12, s12, $0xb8;
	[tilespmem:$0x1E9A0] =	vst v63  }
0x20a: {  	s24 =	simm.s32 $0x1B00  }
0x20b: {  	[tilespmem:s24], [sflag:$0x2] =	stream.indirect.gather [hbm4b:s4+s12], $0x10, s31, s12, $0xb8;
	[tilespmem:$0x1E9A0] =	vst v63  }
0x20c: {  	s25 =	simm.s32 $0x2300  }
0x20d: {  	[tilespmem:s25], [sflag:$0x2] =	stream.indirect.gather [hbm4b:s4+s12], $0x10, s26, s12, $0xb8;
	[tilespmem:$0x1E9A0] =	vst v63  }
0x20e: {  	s26 =	simm.s32 $0x2B00  }
0x20f: {  	[tilespmem:s26], [sflag:$0x2] =	stream.indirect.gather [hbm4b:s4+s12], $0x10, s28, s12, $0xb8;
	[tilespmem:$0x1E9A0] =	vst v63  }
0x210: {  	s28 =	simm.s32 $0x3300  }
0x211: {  	[tilespmem:s28], [sflag:$0x2] =	stream.indirect.gather [hbm4b:s4+s12], $0x10, s29, s12, $0xb8;
	[tilespmem:$0x1E9A0] =	vst v63  }
0x212: {  	s29 =	simm.s32 $0x3B00  }
0x213: {  	[tilespmem:s29], [sflag:$0x2] =	stream.indirect.gather [hbm4b:s4+s12], $0x10, s0, s12, $0xb8;
	[tilespmem:$0x1E9A0] =	vst v63  }
0x214: {  	s0 =	simm.s32 $0x4300  }
0x215: {  	[tilespmem:s0], [sflag:$0x2] =	stream.indirect.gather [hbm4b:s4+s12], $0x10, s1, s12, $0xb8;
	[tilespmem:$0x1E9A0] =	vst v63  }
0x216: {  	s1 =	simm.s32 $0x4B00  }
0x217: {  	[tilespmem:s1], [sflag:$0x2] =	stream.indirect.gather [hbm4b:s4+s12], $0x10, s5, s12, $0xb8;
	[tilespmem:$0x1E9A0] =	vst v63  }
0x218: {  	s5 =	simm.s32 $0x5300  }
0x219: {  	[tilespmem:s5], [sflag:$0x2] =	stream.indirect.gather [hbm4b:s4+s12], $0x10, s7, s12, $0xb8;
	[tilespmem:$0x1E9A0] =	vst v63  }
0x21a: {  	s13 =	rddreg [dreg:$0x3];
	s7 =	simm.s32 $0x5B00  }
0x21b: {  	[tilespmem:s7], [sflag:$0x2] =	stream.indirect.gather [hbm4b:s4+s12], $0x10, s11, s12, $0xb8;
	[tilespmem:$0x1E9A0] =	vst v63  }
0x21c: {  	s23 =	simm.s32 $0x580;
	s20 =	sadd.s32 s20, s13  }
0x21d: {  	[tilespmem:s23], [sflag:$0x1] =	stream.linear.gather [hbm4b:s20+s3], $0x80, $0x38;
	[tilespmem:$0x1E9A0] =	vst v63  }
0x21e: {  	s6 =	simm.s32 $0x600;
	s21 =	sadd.s32 $0x10, s20  }
0x21f: {  	[tilespmem:s6], [sflag:$0x1] =	stream.linear.gather [hbm4b:s21+s3], $0x80, $0x38;
	[tilespmem:$0x1E9A0] =	vst v63  }
0x220: {  	s10 =	simm.s32 $0x680;
	s14 =	sadd.s32 $0x20, s20  }
0x221: {  	[tilespmem:s10], [sflag:$0x1] =	stream.linear.gather [hbm4b:s14+s3], $0x80, $0x38;
	[tilespmem:$0x1E9A0] =	vst v63  }
0x222: {  	s15 =	sadd.s32 $0x30, s20;
	s11 =	simm.s32 $0x700  }
0x223: {  	[tilespmem:s11], [sflag:$0x1] =	stream.linear.gather [hbm4b:s15+s3], $0x80, $0x38;
	[tilespmem:$0x1E9A0] =	vst v63  }
0x224: {  	s13 =	simm.s32 $0x780;
	s16 =	sadd.s32 $0x40, s20  }
0x225: {  	[tilespmem:s13], [sflag:$0x1] =	stream.linear.gather [hbm4b:s16+s3], $0x80, $0x38;
	[tilespmem:$0x1E9A0] =	vst v63  }
0x226: {  	s17 =	sadd.s32 $0x50, s20;
	s14 =	simm.s32 $0x800  }
0x227: {  	[tilespmem:s14], [sflag:$0x1] =	stream.linear.gather [hbm4b:s17+s3], $0x80, $0x38;
	[tilespmem:$0x1E9A0] =	vst v63  }
0x228: {  	s30 =	sadd.s32 $0x60, s20;
	s15 =	simm.s32 $0x880  }
0x229: {  	[tilespmem:s15], [sflag:$0x1] =	stream.linear.gather [hbm4b:s30+s3], $0x80, $0x38;
	[tilespmem:$0x1E9A0] =	vst v63  }
0x22a: {  	s31 =	sadd.s32 $0x70, s20;
	s16 =	simm.s32 $0x900  }
0x22b: {  	[tilespmem:s16], [sflag:$0x1] =	stream.linear.gather [hbm4b:s31+s3], $0x80, $0x38;
	[tilespmem:$0x1E9A0] =	vst v63  }
0x22c: {  	s2 =	sadd.s32 $0x80, s20;
	s17 =	simm.s32 $0x980  }
0x22d: {  	[tilespmem:s17], [sflag:$0x1] =	stream.linear.gather [hbm4b:s2+s3], $0x80, $0x38;
	[tilespmem:$0x1E9A0] =	vst v63  }
0x22e: {  	s30 =	sadd.s32 $0x90, s20;
	s2 =	simm.s32 $0xA00  }
0x22f: {  	[tilespmem:s2], [sflag:$0x1] =	stream.linear.gather [hbm4b:s30+s3], $0x80, $0x38;
	[tilespmem:$0x1E9A0] =	vst v63  }
0x230: {  	s20 =	sadd.s32 $0xA0, s20;
	s31 =	simm.s32 $0xA80  }
0x231: {  	[tilespmem:s31], [sflag:$0x1] =	stream.linear.gather [hbm4b:s20+s3], $0x80, $0x38;
	[tilespmem:$0x1E9A0] =	vst v63  }
0x232: {  	_ =	swait.ge [sflag:s22], $0x80  }
0x233: {  	[sflag:s22] =	ssyncset.done $0x0  }
0x234: {  	[sflag:s22] =	ssyncadd.s32 $0xFFFFFF80  }
0x235: {  	_ =	swait.ge [sflag:s22], $0x80  }
0x236: {  	[sflag:s22] =	ssyncset.done $0x0  }
0x237: {  	[sflag:s22] =	ssyncadd.s32 $0xFFFFFF80  }
0x238: {  	_ =	swait.ge [sflag:s22], $0x80  }
0x239: {  	[sflag:s22] =	ssyncset.done $0x0  }
0x23a: {  	[sflag:s22] =	ssyncadd.s32 $0xFFFFFF80  }
0x23b: {  	_ =	swait.ge [sflag:s22], $0x80  }
0x23c: {  	[sflag:s22] =	ssyncset.done $0x0  }
0x23d: {  	[sflag:s22] =	ssyncadd.s32 $0xFFFFFF80  }
0x23e: {  	_ =	swait.ge [sflag:s22], $0x80  }
0x23f: {  	[sflag:s22] =	ssyncset.done $0x0  }
0x240: {  	[sflag:s22] =	ssyncadd.s32 $0xFFFFFF80  }
0x241: {  	_ =	swait.ge [sflag:s22], $0x80  }
0x242: {  	[sflag:s22] =	ssyncset.done $0x0  }
0x243: {  	[sflag:s22] =	ssyncadd.s32 $0xFFFFFF80  }
0x244: {  	_ =	swait.ge [sflag:s22], $0x80  }
0x245: {  	[sflag:s22] =	ssyncset.done $0x0  }
0x246: {  	[sflag:s22] =	ssyncadd.s32 $0xFFFFFF80  }
0x247: {  	_ =	swait.ge [sflag:s22], $0x80  }
0x248: {  	[sflag:s22] =	ssyncset.done $0x0  }
0x249: {  	[sflag:s22] =	ssyncadd.s32 $0xFFFFFF80  }
0x24a: {  	_ =	swait.ge [sflag:s22], $0x80  }
0x24b: {  	[sflag:s22] =	ssyncset.done $0x0  }
0x24c: {  	[sflag:s22] =	ssyncadd.s32 $0xFFFFFF80  }
0x24d: {  	_ =	swait.ge [sflag:s22], $0x80  }
0x24e: {  	[sflag:s22] =	ssyncset.done $0x0  }
0x24f: {  	[sflag:s22] =	ssyncadd.s32 $0xFFFFFF80  }
0x250: {  	_ =	swait.ge [sflag:s22], $0x80  }
0x251: {  	[sflag:s22] =	ssyncset.done $0x0  }
0x252: {  	[sflag:s22] =	ssyncadd.s32 $0xFFFFFF80  }
0x253: {  	_ =	swait.ge [sflag:s18], $0x800  }
0x254: {  	[sflag:s18] =	ssyncset.done $0x0  }
0x255: {  	[sflag:s18] =	ssyncadd.s32 $0xFFFFF800  }
0x256: {  	_ =	swait.ge [sflag:s18], $0x800  }
0x257: {  	[sflag:s18] =	ssyncset.done $0x0  }
0x258: {  	[sflag:s18] =	ssyncadd.s32 $0xFFFFF800  }
0x259: {  	_ =	swait.ge [sflag:s18], $0x800  }
0x25a: {  	[sflag:s18] =	ssyncset.done $0x0  }
0x25b: {  	[sflag:s18] =	ssyncadd.s32 $0xFFFFF800  }
0x25c: {  	_ =	swait.ge [sflag:s18], $0x800  }
0x25d: {  	[sflag:s18] =	ssyncset.done $0x0  }
0x25e: {  	[sflag:s18] =	ssyncadd.s32 $0xFFFFF800  }
0x25f: {  	_ =	swait.ge [sflag:s18], $0x800  }
0x260: {  	[sflag:s18] =	ssyncset.done $0x0  }
0x261: {  	[sflag:s18] =	ssyncadd.s32 $0xFFFFF800  }
0x262: {  	_ =	swait.ge [sflag:s18], $0x800  }
0x263: {  	[sflag:s18] =	ssyncset.done $0x0  }
0x264: {  	[sflag:s18] =	ssyncadd.s32 $0xFFFFF800  }
0x265: {  	_ =	swait.ge [sflag:s18], $0x800  }
0x266: {  	[sflag:s18] =	ssyncset.done $0x0  }
0x267: {  	[sflag:s18] =	ssyncadd.s32 $0xFFFFF800  }
0x268: {  	_ =	swait.ge [sflag:s18], $0x800  }
0x269: {  	[sflag:s18] =	ssyncset.done $0x0  }
0x26a: {  	[sflag:s18] =	ssyncadd.s32 $0xFFFFF800  }
0x26b: {  	_ =	swait.ge [sflag:s18], $0x800  }
0x26c: {  	[sflag:s18] =	ssyncset.done $0x0  }
0x26d: {  	[sflag:s18] =	ssyncadd.s32 $0xFFFFF800  }
0x26e: {  	_ =	swait.ge [sflag:s18], $0x800  }
0x26f: {  	[sflag:s18] =	ssyncset.done $0x0  }
0x270: {  	[sflag:s18] =	ssyncadd.s32 $0xFFFFF800  }
0x271: {  	_ =	swait.ge [sflag:s18], $0x800  }
0x272: {  	[sflag:s18] =	ssyncset.done $0x0  }
0x273: {  	[sflag:s18] =	ssyncadd.s32 $0xFFFFF800  }
0x274: {  	s30 =	rddreg [dreg:$0x1]  }
0x275: {  	[spmem:s30] =	stream.indirect.scatter.add.f32 [tilespmem:s8], [sflag:$0x3], $0x10, s23, s12, $0xb8;
	[tilespmem:$0x1E9A0] =	vst v63  }
0x276: {  	_ = 	snop  }
0x277: {  	[spmem:s30] =	stream.indirect.scatter.add.f32 [tilespmem:s9], [sflag:$0x3], $0x10, s6, s12, $0xb8;
	[tilespmem:$0x1E9A0] =	vst v63  }
0x278: {  	_ = 	snop  }
0x279: {  	[spmem:s30] =	stream.indirect.scatter.add.f32 [tilespmem:s24], [sflag:$0x3], $0x10, s10, s12, $0xb8;
	[tilespmem:$0x1E9A0] =	vst v63  }
0x27a: {  	_ = 	snop  }
0x27b: {  	[spmem:s30] =	stream.indirect.scatter.add.f32 [tilespmem:s25], [sflag:$0x3], $0x10, s11, s12, $0xb8;
	[tilespmem:$0x1E9A0] =	vst v63  }
0x27c: {  	_ = 	snop  }
0x27d: {  	[spmem:s30] =	stream.indirect.scatter.add.f32 [tilespmem:s26], [sflag:$0x3], $0x10, s13, s12, $0xb8;
	[tilespmem:$0x1E9A0] =	vst v63  }
0x27e: {  	_ = 	snop  }
0x27f: {  	[spmem:s30] =	stream.indirect.scatter.add.f32 [tilespmem:s28], [sflag:$0x3], $0x10, s14, s12, $0xb8;
	[tilespmem:$0x1E9A0] =	vst v63  }
0x280: {  	_ = 	snop  }
0x281: {  	[spmem:s30] =	stream.indirect.scatter.add.f32 [tilespmem:s29], [sflag:$0x3], $0x10, s15, s12, $0xb8;
	[tilespmem:$0x1E9A0] =	vst v63  }
0x282: {  	_ = 	snop  }
0x283: {  	[spmem:s30] =	stream.indirect.scatter.add.f32 [tilespmem:s0], [sflag:$0x3], $0x10, s16, s12, $0xb8;
	[tilespmem:$0x1E9A0] =	vst v63  }
0x284: {  	_ = 	snop  }
0x285: {  	[spmem:s30] =	stream.indirect.scatter.add.f32 [tilespmem:s1], [sflag:$0x3], $0x10, s17, s12, $0xb8;
	[tilespmem:$0x1E9A0] =	vst v63  }
0x286: {  	_ = 	snop  }
0x287: {  	[spmem:s30] =	stream.indirect.scatter.add.f32 [tilespmem:s5], [sflag:$0x3], $0x10, s2, s12, $0xb8;
	[tilespmem:$0x1E9A0] =	vst v63  }
0x288: {  	_ = 	snop  }
0x289: {  	[spmem:s30] =	stream.indirect.scatter.add.f32 [tilespmem:s7], [sflag:$0x3], $0x10, s31, s12, $0xb8;
	[tilespmem:$0x1E9A0] =	vst v63  }
0x28a: {  	_ =	swait.ge [sflag:s19], $0x800  }
0x28b: {  	[sflag:s19] =	ssyncset.done $0x0  }
0x28c: {  	[sflag:s19] =	ssyncadd.s32 $0xFFFFF800  }
0x28d: {  	_ =	swait.ge [sflag:s19], $0x800  }
0x28e: {  	[sflag:s19] =	ssyncset.done $0x0  }
0x28f: {  	[sflag:s19] =	ssyncadd.s32 $0xFFFFF800  }
0x290: {  	_ =	swait.ge [sflag:s19], $0x800  }
0x291: {  	[sflag:s19] =	ssyncset.done $0x0  }
0x292: {  	[sflag:s19] =	ssyncadd.s32 $0xFFFFF800  }
0x293: {  	_ =	swait.ge [sflag:s19], $0x800  }
0x294: {  	[sflag:s19] =	ssyncset.done $0x0  }
0x295: {  	[sflag:s19] =	ssyncadd.s32 $0xFFFFF800  }
0x296: {  	_ =	swait.ge [sflag:s19], $0x800  }
0x297: {  	[sflag:s19] =	ssyncset.done $0x0  }
0x298: {  	[sflag:s19] =	ssyncadd.s32 $0xFFFFF800  }
0x299: {  	_ =	swait.ge [sflag:s19], $0x800  }
0x29a: {  	[sflag:s19] =	ssyncset.done $0x0  }
0x29b: {  	[sflag:s19] =	ssyncadd.s32 $0xFFFFF800  }
0x29c: {  	_ =	swait.ge [sflag:s19], $0x800  }
0x29d: {  	[sflag:s19] =	ssyncset.done $0x0  }
0x29e: {  	[sflag:s19] =	ssyncadd.s32 $0xFFFFF800  }
0x29f: {  	_ =	swait.ge [sflag:s19], $0x800  }
0x2a0: {  	[sflag:s19] =	ssyncset.done $0x0  }
0x2a1: {  	[sflag:s19] =	ssyncadd.s32 $0xFFFFF800  }
0x2a2: {  	_ =	swait.ge [sflag:s19], $0x800  }
0x2a3: {  	[sflag:s19] =	ssyncset.done $0x0  }
0x2a4: {  	[sflag:s19] =	ssyncadd.s32 $0xFFFFF800  }
0x2a5: {  	_ =	swait.ge [sflag:s19], $0x800  }
0x2a6: {  	[sflag:s19] =	ssyncset.done $0x0  }
0x2a7: {  	[sflag:s19] =	ssyncadd.s32 $0xFFFFF800  }
0x2a8: {  	_ =	swait.ge [sflag:s19], $0x800  }
0x2a9: {  	[sflag:s19] =	ssyncset.done $0x0  }
0x2aa: {  	s20 =	simm.s32 @!p0 $0x0;
	s21 =	rddreg [dreg:$0x7];
	[sflag:s19] =	ssyncadd.s32 $0xFFFFF800  }
0x2ab: {  	[tilespmem:s20], [sflag:$0x1] =	stream.linear.gather @!p0 [hbm4b:s21+s20], $0x80, $0x38;
	[tilespmem:$0x1E9A0] =	vst v63  }
0x2ac: {  	s21 =	simm.s32 @!p0 $0x1  }
0x2ad: {  	_ =	swait.ge @!p0 [sflag:s21], $0x80  }
0x2ae: {  	[sflag:s21] =	ssyncset.done @!p0 $0x0  }
0x2af: {  	s25 =	simm.s32 @!p0 $0xB00;
	s0 =	simm.s32 @!p0 $0x80;
	[sflag:s21] =	ssyncadd.s32 @!p0 $0xFFFFFF80  }
0x2b0: {  	[tilespmem:s25], [sflag:$0x2] =	stream.indirect.gather @!p0 [hbm4b:s4+s0], $0x10, s20, s0, $0xb8;
	[tilespmem:$0x1E9A0] =	vst v63  }
0x2b1: {  	s26 =	simm.s32 @!p0 $0x580;
	s23 =	rddreg [dreg:$0x8]  }
0x2b2: {  	[tilespmem:s26], [sflag:$0x1] =	stream.linear.gather @!p0 [hbm4b:s23+s20], $0x80, $0x38;
	[tilespmem:$0x1E9A0] =	vst v63  }
0x2b3: {  	_ =	swait.ge @!p0 [sflag:s21], $0x80  }
0x2b4: {  	[sflag:s21] =	ssyncset.done @!p0 $0x0  }
0x2b5: {  	s20 =	simm.s32 @!p0 $0x2;
	[sflag:s21] =	ssyncadd.s32 @!p0 $0xFFFFFF80  }
0x2b6: {  	_ =	swait.ge @!p0 [sflag:s20], $0x800  }
0x2b7: {  	[sflag:s20] =	ssyncset.done @!p0 $0x0  }
0x2b8: {  	[sflag:s20] =	ssyncadd.s32 @!p0 $0xFFFFF800;
	s20 =	simm.s32 @!p0 $0x3  }
0x2b9: {  	[spmem:s30] =	stream.indirect.scatter.add.f32 @!p0 [tilespmem:s25], [sflag:$0x3], $0x10, s26, s0, $0xb8;
	[tilespmem:$0x1E9A0] =	vst v63  }
0x2ba: {  	_ =	swait.ge @!p0 [sflag:s20], $0x800  }
0x2bb: {  	[sflag:s20] =	ssyncset.done @!p0 $0x0  }
0x2bc: {  	[sflag:s20] =	ssyncadd.s32 @!p0 $0xFFFFF800  }
0x2bd: {  	[bflag:$0x0] =	sbarrier.arrive $0xFFFF  }
0x2be: {  	s21 =	rddreg [dreg:$0x6]  }
0x2bf: {  	s23 =	rddreg [dreg:$0xa]  }
0x2c0: {  	s25 =	simm.s32 $0x4;
	s29 =	rddreg [dreg:$0xb]  }
0x2c1: {  	[hbm:s29], [sflag:s21] =	dma.local [spmem:s23], $0x30D4  }
0x2c2: {  	_ =	swait.ge [sflag:s25], $0x30D4  }
0x2c3: {  	s30 =	rddreg [dreg:$0xc]  }
0x2c4: {  	s31 =	rddreg [dreg:$0x9];
	s0 =	sadd.s32 $0x1, s30  }
0x2c5: {  	p1 =	sne.s32 s0, s31  }
.Ltmp1:
0x2c6: {  	_ = 	snop;
	(pc) =	sbr.rel @p1 .LBB2_1-.Ltmp1, $3  }
0x2c7: {  	_ =	sdelay $0x1  }
0x2c8: {  	[sflag:s25] =	ssyncset.done $0x0  }
0x2c9: {  	[sflag:s25] =	ssyncadd.s32 $0xFFFFCF2C  }
0x2ca: {  	_ =	sfence.sel $0x180000  }
0x2cb: {  	[bflag:$0x0] =	sbarrier.arrive $0xFFFF  }
0x2cc: {  	_ =	strace $0x9000004A  }
0x2cd: {  	s0 =	stileid.u32;
	[bflag:$0x2] =	sbarrier.arrive $0xFFFF  }
0x2ce: {  	p0 =	sne.s32 s0, $0x0;
	s0 =	rddreg [dreg:$0x2]  }
0x2cf: {  	s0 =	sadd.s32 @!p0 $0x100000, s0  }
0x2d0: {  	[sflag:s0] =	ssyncadd.tile.s32 @!p0 $0x1;
	_ =	shalt  }
.Lfunc_end2:
_tile_overlayer_lowered:
.L_overlay_start_2:
0x2d1: {  	(tag) =	ssettag $0x2  }
0x2d2: {  	s0 =	rddreg [dreg:$0x0];
	s2 =	stileid.u32  }
0x2d3: {  	s1 =	rddreg [dreg:$0x1];
	p0 =	sne.s32 s2, $0x0  }
0x2d4: {  	s3 =	rddreg [dreg:$0x2];
	[bflag:$0x3] =	sbarrier.arrive $0xFFFF;
	s2 =	simm.s32 @!p0 $0x1C04  }
0x2d5: {  	[timem:s3], [sflag:s2] =	dma.local @!p0 [hbm:s0], s1  }
0x2d6: {  	s0 =	simm.s32 @!p0 $0x4  }
0x2d7: {  	_ =	swait.ge @!p0 [sflag:s0], s1  }
0x2d8: {  	s1 =	ssub.s32 @!p0 $0x0, s1;
	[sflag:s0] =	ssyncset.done @!p0 $0x0  }
0x2d9: {  	[sflag:s0] =	ssyncadd.s32 @!p0 s1  }
0x2da: {  	[bflag:$0x3] =	sbarrier.arrive $0xFFFF  }
0x2db: {  	_ =	shalt  }

</sc_bundles>
